<compile_context>
chip_gen: v7x
topology: tpu7x:2x2x1
jax: 0.10.2.dev20260603
libtpu: 0.0.44.dev20260713+nightly
codegen_flags: <defaults>
</compile_context>

<pallas_src>
import functools

import jax
import jax.numpy as jnp
from jax import lax
from jax.experimental import pallas as pl
from jax.experimental.pallas import tpu as pltpu
from jax.experimental.pallas import tpu_sc as plsc

NC = 2
NS = 16
L = 16
NW = NC * NS

D = 16
CHUNK = 128
L2_ALPHA = 0.01


@functools.cache
def _build(batch, num_users, num_items):
    p1 = batch // NW
    p1k = p1 // CHUNK
    p2 = batch // NS
    p2k = p2 // CHUNK
    mesh = plsc.VectorSubcoreMesh(core_axis_name="c", subcore_axis_name="s")

    @functools.partial(
        pl.kernel,
        out_type=[
            jax.ShapeDtypeStruct((NW, L), jnp.float32),
            jax.ShapeDtypeStruct((num_users,), jnp.int32),
            jax.ShapeDtypeStruct((num_items,), jnp.int32),
        ],
        mesh=mesh,
        compiler_params=pltpu.CompilerParams(needs_layout_passes=False,
                                             use_tc_tiling_on_sc=False),
        scratch_types=[
            pltpu.VMEM((p1k, CHUNK), jnp.int32),
            pltpu.VMEM((p1k, CHUNK), jnp.int32),
            pltpu.VMEM((p1, D), jnp.float32),
            pltpu.VMEM((p1, D), jnp.float32),
            pltpu.VMEM((p1,), jnp.float32),
            pltpu.VMEM((p2k, CHUNK), jnp.int32),
            pltpu.VMEM((p2k, CHUNK), jnp.int32),
            pltpu.VMEM((p2 // CHUNK, CHUNK), jnp.int32),
            pltpu.VMEM((p2, D), jnp.float32),
            pltpu.VMEM((L,), jnp.float32),
            pltpu.SemaphoreType.DMA,
        ],
    )
    def k(users, items, scores, bpos, ut, it, out, slot_u, slot_i,
          uidx, iidx, urows, irows, svals, didx, dpos, wbuf, drows, pbuf,
          sem):
        c = lax.axis_index("c")
        s = lax.axis_index("s")
        wid = s * NC + c

        base = wid * p1
        for kk in range(p1k):
            pltpu.sync_copy(users.at[pl.ds(base + kk * CHUNK, CHUNK)],
                            uidx.at[kk])
            pltpu.sync_copy(items.at[pl.ds(base + kk * CHUNK, CHUNK)],
                            iidx.at[kk])
        pltpu.sync_copy(scores.at[pl.ds(base, p1)], svals)
        cps = []
        for kk in range(p1k):
            cps.append(pltpu.async_copy(
                ut.at[uidx.at[kk]],
                urows.at[pl.ds(kk * CHUNK, CHUNK), :], sem))
            cps.append(pltpu.async_copy(
                it.at[iidx.at[kk]],
                irows.at[pl.ds(kk * CHUNK, CHUNK), :], sem))
        for cp in cps:
            cp.wait()

        def body1(jb, sse):
            sv = svals[pl.ds(jb * L, L)]
            for q in range(L):
                u = urows[jb * L + q]
                v = irows[jb * L + q]
                pred = jnp.sum(u * v)
                dd = pred - sv[q]
                sse = sse + dd * dd
            return sse

        sse = lax.fori_loop(0, p1 // L, body1, jnp.float32(0.0))

        base2 = s * p2

        def scatter_phase(idx_hbm, slots):
            for kk in range(p2k):
                pltpu.sync_copy(idx_hbm.at[pl.ds(base2 + kk * CHUNK, CHUNK)],
                                didx.at[kk])
                pltpu.sync_copy(bpos.at[pl.ds(base2 + kk * CHUNK, CHUNK)],
                                dpos.at[kk])
            scps = [pltpu.async_copy(dpos.at[kk], slots.at[didx.at[kk]],
                                     sem)
                    for kk in range(p2k)]
            for cp in scps:
                cp.wait()

        @pl.when(c == 0)
        def _():
            scatter_phase(users, slot_u)

        @pl.when(c == 1)
        def _():
            scatter_phase(items, slot_i)

        plsc.subcore_barrier()

        def gather_phase(table, slots):
            gcps = []
            for kk in range(p2k):
                gcps.append(pltpu.async_copy(slots.at[didx.at[kk]],
                                             wbuf.at[kk], sem))
                gcps.append(pltpu.async_copy(
                    table.at[didx.at[kk]],
                    drows.at[pl.ds(kk * CHUNK, CHUNK), :], sem))
            for cp in gcps:
                cp.wait()

            def body2(gb, acc):
                kk = gb // (CHUNK // L)
                gl = gb % (CHUNK // L)
                wv = wbuf[kk, pl.ds(gl * L, L)]
                pv = dpos[kk, pl.ds(gl * L, L)]
                mvec = jnp.where(wv == pv, jnp.float32(1.0),
                                 jnp.float32(0.0))
                for q in range(L):
                    r = drows[gb * L + q]
                    acc = acc + (r * r) * mvec[q]
                return acc

            nacc = lax.fori_loop(0, p2 // L, body2,
                                 jnp.zeros((L,), jnp.float32))
            l2 = jnp.sum(nacc)
            partial = sse + jnp.float32(0.5 * L2_ALPHA) * l2
            lane = lax.iota(jnp.int32, L)
            pbuf[...] = jnp.where(lane == 0, partial, jnp.float32(0.0))
            pltpu.sync_copy(pbuf, out.at[wid])

        @pl.when(c == 0)
        def _():
            gather_phase(ut, slot_u)

        @pl.when(c == 1)
        def _():
            gather_phase(it, slot_i)

    return k


def kernel(users, items, scores, user_table, item_table, user_bias,
           item_bias):
    del user_bias, item_bias
    batch = users.shape[0]
    bpos = jnp.arange(batch, dtype=jnp.int32)
    eye = jnp.eye(16, dtype=jnp.float32)
    ut = jnp.dot(user_table, eye)
    it = jnp.dot(item_table, eye)
    k = _build(batch, user_table.shape[0], item_table.shape[0])
    out, _, _ = k(users.astype(jnp.int32), items.astype(jnp.int32),
                  scores, bpos, ut, it)
    return jnp.sum(out)

# --- scband reference (transcript-rebuilt; emitter-appended) ---
"""Pipeline reference for scband-bpr-47991964565506 (READ-ONLY COPY).

The authoritative reference and input builder live on the scoring server;
editing this copy changes nothing except your own understanding.
"""

import jax, jax.numpy as jnp
import numpy as np

NUM_USERS = 1000000
NUM_ITEMS = 1000000
DIM = 16
BATCH = 16384
L2_ALPHA = 0.01


def setup_inputs(seed: int = 0) -> dict:
    key = jax.random.key(seed)
    k1, k2, k3, k4, k5, k6, k7 = jax.random.split(key, 7)
    users = jax.random.randint(k1, (BATCH,), 0, NUM_USERS, dtype=jnp.int64 if jax.config.read('jax_enable_x64') else jnp.int32)
    items = jax.random.randint(k2, (BATCH,), 0, NUM_ITEMS, dtype=jnp.int64 if jax.config.read('jax_enable_x64') else jnp.int32)
    scores = jax.random.uniform(k3, (BATCH,), dtype=jnp.float32)
    user_table = jax.random.normal(k4, (NUM_USERS, DIM), dtype=jnp.float32) * 0.02
    item_table = jax.random.normal(k5, (NUM_ITEMS, DIM), dtype=jnp.float32) * 0.02
    user_bias = jax.random.normal(k6, (NUM_USERS, 1), dtype=jnp.float32) * 0.02
    item_bias = jax.random.normal(k7, (NUM_ITEMS, 1), dtype=jnp.float32) * 0.02
    return {
        'users': users,
        'items': items,
        'scores': scores,
        'user_table': user_table,
        'item_table': item_table,
        'user_bias': user_bias,
        'item_bias': item_bias,
    }


def reference(users, items, scores, user_table, item_table, user_bias, item_bias):
    # Embedding lookups (gathers)
    users_emb = jnp.take(user_table, users, axis=0)
    items_emb = jnp.take(item_table, items, axis=0)
    users_b = jnp.take(user_bias, users, axis=0).reshape(-1)
    items_b = jnp.take(item_bias, items, axis=0).reshape(-1)

    # First preds (with biases) feeds a loss that the original code immediately
    # overwrites; the surviving computation is the bias-free preds below.
    preds_with_bias = (users_emb * items_emb).sum(axis=-1) + users_b + items_b
    _ = jnp.abs((preds_with_bias - scores) ** 2).mean()  # dead in torch source too

    preds = (users_emb * items_emb).sum(axis=-1)

    # l2_norm over unique users/items (matches torch.unique semantics; not jitted)
    uu, uu_counts = jnp.unique(users, size=BATCH, fill_value=0, return_counts=True)
    ii, ii_counts = jnp.unique(items, size=BATCH, fill_value=0, return_counts=True)
    uu_mask = (uu_counts > 0)[:, None]
    ii_mask = (ii_counts > 0)[:, None]
    l2_loss = (jnp.sum(jnp.where(uu_mask, jnp.take(user_table, uu, axis=0) ** 2, 0.0))
               + jnp.sum(jnp.where(ii_mask, jnp.take(item_table, ii, axis=0) ** 2, 0.0))) / 2.0

    loss = ((preds - scores) ** 2).sum() + l2_loss * L2_ALPHA
    return loss

if __name__ == "__main__":
    import jax
    _d = setup_inputs()
    print(jax.jit(kernel)(*tuple(_d.values())))

</pallas_src>

<mosaic_0001>
#map = affine_map<(d0, d1) -> (0)>
#map1 = affine_map<(d0, d1) -> (0, 0)>
module attributes {stable_mosaic.version = 14 : i64} {
  func.func @k(%arg0: i32, %arg1: i32, %arg2: memref<16384xi32, #tpu.memory_space<hbm>>, %arg3: memref<16384xi32, #tpu.memory_space<hbm>>, %arg4: memref<16384xf32, #tpu.memory_space<hbm>>, %arg5: memref<16384xi32, #tpu.memory_space<hbm>>, %arg6: memref<1000000x16xf32, #tpu.memory_space<hbm>>, %arg7: memref<1000000x16xf32, #tpu.memory_space<hbm>>, %arg8: memref<32x16xf32, #tpu.memory_space<hbm>>, %arg9: memref<1000000xi32, #tpu.memory_space<hbm>>, %arg10: memref<1000000xi32, #tpu.memory_space<hbm>>, %arg11: memref<4x128xi32, #tpu.memory_space<vmem>>, %arg12: memref<4x128xi32, #tpu.memory_space<vmem>>, %arg13: memref<512x16xf32, #tpu.memory_space<vmem>>, %arg14: memref<512x16xf32, #tpu.memory_space<vmem>>, %arg15: memref<512xf32, #tpu.memory_space<vmem>>, %arg16: memref<8x128xi32, #tpu.memory_space<vmem>>, %arg17: memref<8x128xi32, #tpu.memory_space<vmem>>, %arg18: memref<8x128xi32, #tpu.memory_space<vmem>>, %arg19: memref<1024x16xf32, #tpu.memory_space<vmem>>, %arg20: memref<16xf32, #tpu.memory_space<vmem>>, %arg21: memref<!tpu.dma_semaphore, #tpu.memory_space<semaphore_mem>>) attributes {dimension_semantics = [#tpu.dimension_semantics<core_parallel>, #tpu.dimension_semantics<subcore_parallel>], iteration_bounds = array<i64: 2, 16>, scalar_prefetch = 0 : i64, scratch_operands = 11 : i64, tpu.core_type = #tpu.core_type<sc_vector_subcore>, window_params = [{transform_indices = #map}, {transform_indices = #map}, {transform_indices = #map}, {transform_indices = #map}, {transform_indices = #map1}, {transform_indices = #map1}, {transform_indices = #map1}, {transform_indices = #map}, {transform_indices = #map}]} {
    %mul3A = arith.constant 2 : i32
    %mul3A_0 = arith.muli %arg1, %mul3A : i32
    %add3A = arith.addi %mul3A_0, %arg0 : i32
    %mul3A_1 = arith.constant 512 : i32
    %mul3A_2 = arith.muli %add3A, %mul3A_1 : i32
    %add3A_3 = arith.constant 0 : i32
    %add3A_4 = arith.addi %mul3A_2, %add3A_3 : i32
    %run_scoped3A = arith.constant 0 : i32
    "tpu.region"() ({
      %run_scoped3A_209 = tpu.sem_alloc : memref<!tpu.dma_semaphore, #tpu.memory_space<semaphore_mem>>
      %dma_start3A_210 = arith.constant 0 : i32
      %dma_start3A_211 = tpu.memref_slice %arg11[%run_scoped3A, %dma_start3A_210] : memref<4x128xi32, #tpu.memory_space<vmem>> -> memref<1x128xi32, #tpu.memory_space<vmem>>
      %dma_start3A_212 = tpu.memref_squeeze %dma_start3A_211 : memref<1x128xi32, #tpu.memory_space<vmem>> -> memref<128xi32, #tpu.memory_space<vmem>>
      %dma_start3A_213 = tpu.memref_slice %arg2[%add3A_4] : memref<16384xi32, #tpu.memory_space<hbm>> -> memref<128xi32, #tpu.memory_space<hbm>>
      %dma_start3A_214 = arith.constant 0 : i32
      %dma_start3A_215 = tpu.memref_slice %arg11[%run_scoped3A, %dma_start3A_214] : memref<4x128xi32, #tpu.memory_space<vmem>> -> memref<1x128xi32, #tpu.memory_space<vmem>>
      %dma_start3A_216 = tpu.memref_squeeze %dma_start3A_215 : memref<1x128xi32, #tpu.memory_space<vmem>> -> memref<128xi32, #tpu.memory_space<vmem>>
      %dma_start3A_217 = tpu.memref_slice %arg2[%add3A_4] : memref<16384xi32, #tpu.memory_space<hbm>> -> memref<128xi32, #tpu.memory_space<hbm>>
      tpu.enqueue_dma source(%dma_start3A_217 : memref<128xi32, #tpu.memory_space<hbm>>) target(%dma_start3A_216 : memref<128xi32, #tpu.memory_space<vmem>>) target_semaphore(%run_scoped3A_209 : memref<!tpu.dma_semaphore, #tpu.memory_space<semaphore_mem>>)
      %dma_wait3A_218 = arith.constant 0 : i32
      %dma_wait3A_219 = tpu.memref_slice %arg11[%run_scoped3A, %dma_wait3A_218] : memref<4x128xi32, #tpu.memory_space<vmem>> -> memref<1x128xi32, #tpu.memory_space<vmem>>
      %dma_wait3A_220 = tpu.memref_squeeze %dma_wait3A_219 : memref<1x128xi32, #tpu.memory_space<vmem>> -> memref<128xi32, #tpu.memory_space<vmem>>
      %dma_wait3A_221 = tpu.memref_slice %arg2[%add3A_4] : memref<16384xi32, #tpu.memory_space<hbm>> -> memref<128xi32, #tpu.memory_space<hbm>>
      %dma_wait3A_222 = arith.constant 0 : i32
      %dma_wait3A_223 = tpu.memref_slice %arg11[%run_scoped3A, %dma_wait3A_222] : memref<4x128xi32, #tpu.memory_space<vmem>> -> memref<1x128xi32, #tpu.memory_space<vmem>>
      %dma_wait3A_224 = tpu.memref_squeeze %dma_wait3A_223 : memref<1x128xi32, #tpu.memory_space<vmem>> -> memref<128xi32, #tpu.memory_space<vmem>>
      %dma_wait3A_225 = tpu.memref_slice %arg2[%add3A_4] : memref<16384xi32, #tpu.memory_space<hbm>> -> memref<128xi32, #tpu.memory_space<hbm>>
      tpu.wait_dma2 semaphore(%run_scoped3A_209 : memref<!tpu.dma_semaphore, #tpu.memory_space<semaphore_mem>>) src(%dma_wait3A_225 : memref<128xi32, #tpu.memory_space<hbm>>) dst(%dma_wait3A_224 : memref<128xi32, #tpu.memory_space<vmem>>)
      tpu.yield
    }) : () -> ()
    %add3A_5 = arith.constant 0 : i32
    %add3A_6 = arith.addi %mul3A_2, %add3A_5 : i32
    %run_scoped3A_7 = arith.constant 0 : i32
    "tpu.region"() ({
      %run_scoped3A_209 = tpu.sem_alloc : memref<!tpu.dma_semaphore, #tpu.memory_space<semaphore_mem>>
      %dma_start3A_210 = arith.constant 0 : i32
      %dma_start3A_211 = tpu.memref_slice %arg12[%run_scoped3A_7, %dma_start3A_210] : memref<4x128xi32, #tpu.memory_space<vmem>> -> memref<1x128xi32, #tpu.memory_space<vmem>>
      %dma_start3A_212 = tpu.memref_squeeze %dma_start3A_211 : memref<1x128xi32, #tpu.memory_space<vmem>> -> memref<128xi32, #tpu.memory_space<vmem>>
      %dma_start3A_213 = tpu.memref_slice %arg3[%add3A_6] : memref<16384xi32, #tpu.memory_space<hbm>> -> memref<128xi32, #tpu.memory_space<hbm>>
      %dma_start3A_214 = arith.constant 0 : i32
      %dma_start3A_215 = tpu.memref_slice %arg12[%run_scoped3A_7, %dma_start3A_214] : memref<4x128xi32, #tpu.memory_space<vmem>> -> memref<1x128xi32, #tpu.memory_space<vmem>>
      %dma_start3A_216 = tpu.memref_squeeze %dma_start3A_215 : memref<1x128xi32, #tpu.memory_space<vmem>> -> memref<128xi32, #tpu.memory_space<vmem>>
      %dma_start3A_217 = tpu.memref_slice %arg3[%add3A_6] : memref<16384xi32, #tpu.memory_space<hbm>> -> memref<128xi32, #tpu.memory_space<hbm>>
      tpu.enqueue_dma source(%dma_start3A_217 : memref<128xi32, #tpu.memory_space<hbm>>) target(%dma_start3A_216 : memref<128xi32, #tpu.memory_space<vmem>>) target_semaphore(%run_scoped3A_209 : memref<!tpu.dma_semaphore, #tpu.memory_space<semaphore_mem>>)
      %dma_wait3A_218 = arith.constant 0 : i32
      %dma_wait3A_219 = tpu.memref_slice %arg12[%run_scoped3A_7, %dma_wait3A_218] : memref<4x128xi32, #tpu.memory_space<vmem>> -> memref<1x128xi32, #tpu.memory_space<vmem>>
      %dma_wait3A_220 = tpu.memref_squeeze %dma_wait3A_219 : memref<1x128xi32, #tpu.memory_space<vmem>> -> memref<128xi32, #tpu.memory_space<vmem>>
      %dma_wait3A_221 = tpu.memref_slice %arg3[%add3A_6] : memref<16384xi32, #tpu.memory_space<hbm>> -> memref<128xi32, #tpu.memory_space<hbm>>
      %dma_wait3A_222 = arith.constant 0 : i32
      %dma_wait3A_223 = tpu.memref_slice %arg12[%run_scoped3A_7, %dma_wait3A_222] : memref<4x128xi32, #tpu.memory_space<vmem>> -> memref<1x128xi32, #tpu.memory_space<vmem>>
      %dma_wait3A_224 = tpu.memref_squeeze %dma_wait3A_223 : memref<1x128xi32, #tpu.memory_space<vmem>> -> memref<128xi32, #tpu.memory_space<vmem>>
      %dma_wait3A_225 = tpu.memref_slice %arg3[%add3A_6] : memref<16384xi32, #tpu.memory_space<hbm>> -> memref<128xi32, #tpu.memory_space<hbm>>
      tpu.wait_dma2 semaphore(%run_scoped3A_209 : memref<!tpu.dma_semaphore, #tpu.memory_space<semaphore_mem>>) src(%dma_wait3A_225 : memref<128xi32, #tpu.memory_space<hbm>>) dst(%dma_wait3A_224 : memref<128xi32, #tpu.memory_space<vmem>>)
      tpu.yield
    }) : () -> ()
    %add3A_8 = arith.constant 128 : i32
    %add3A_9 = arith.addi %mul3A_2, %add3A_8 : i32
    %run_scoped3A_10 = arith.constant 1 : i32
    "tpu.region"() ({
      %run_scoped3A_209 = tpu.sem_alloc : memref<!tpu.dma_semaphore, #tpu.memory_space<semaphore_mem>>
      %dma_start3A_210 = arith.constant 0 : i32
      %dma_start3A_211 = tpu.memref_slice %arg11[%run_scoped3A_10, %dma_start3A_210] : memref<4x128xi32, #tpu.memory_space<vmem>> -> memref<1x128xi32, #tpu.memory_space<vmem>>
      %dma_start3A_212 = tpu.memref_squeeze %dma_start3A_211 : memref<1x128xi32, #tpu.memory_space<vmem>> -> memref<128xi32, #tpu.memory_space<vmem>>
      %dma_start3A_213 = tpu.memref_slice %arg2[%add3A_9] : memref<16384xi32, #tpu.memory_space<hbm>> -> memref<128xi32, #tpu.memory_space<hbm>>
      %dma_start3A_214 = arith.constant 0 : i32
      %dma_start3A_215 = tpu.memref_slice %arg11[%run_scoped3A_10, %dma_start3A_214] : memref<4x128xi32, #tpu.memory_space<vmem>> -> memref<1x128xi32, #tpu.memory_space<vmem>>
      %dma_start3A_216 = tpu.memref_squeeze %dma_start3A_215 : memref<1x128xi32, #tpu.memory_space<vmem>> -> memref<128xi32, #tpu.memory_space<vmem>>
      %dma_start3A_217 = tpu.memref_slice %arg2[%add3A_9] : memref<16384xi32, #tpu.memory_space<hbm>> -> memref<128xi32, #tpu.memory_space<hbm>>
      tpu.enqueue_dma source(%dma_start3A_217 : memref<128xi32, #tpu.memory_space<hbm>>) target(%dma_start3A_216 : memref<128xi32, #tpu.memory_space<vmem>>) target_semaphore(%run_scoped3A_209 : memref<!tpu.dma_semaphore, #tpu.memory_space<semaphore_mem>>)
      %dma_wait3A_218 = arith.constant 0 : i32
      %dma_wait3A_219 = tpu.memref_slice %arg11[%run_scoped3A_10, %dma_wait3A_218] : memref<4x128xi32, #tpu.memory_space<vmem>> -> memref<1x128xi32, #tpu.memory_space<vmem>>
      %dma_wait3A_220 = tpu.memref_squeeze %dma_wait3A_219 : memref<1x128xi32, #tpu.memory_space<vmem>> -> memref<128xi32, #tpu.memory_space<vmem>>
      %dma_wait3A_221 = tpu.memref_slice %arg2[%add3A_9] : memref<16384xi32, #tpu.memory_space<hbm>> -> memref<128xi32, #tpu.memory_space<hbm>>
      %dma_wait3A_222 = arith.constant 0 : i32
      %dma_wait3A_223 = tpu.memref_slice %arg11[%run_scoped3A_10, %dma_wait3A_222] : memref<4x128xi32, #tpu.memory_space<vmem>> -> memref<1x128xi32, #tpu.memory_space<vmem>>
      %dma_wait3A_224 = tpu.memref_squeeze %dma_wait3A_223 : memref<1x128xi32, #tpu.memory_space<vmem>> -> memref<128xi32, #tpu.memory_space<vmem>>
      %dma_wait3A_225 = tpu.memref_slice %arg2[%add3A_9] : memref<16384xi32, #tpu.memory_space<hbm>> -> memref<128xi32, #tpu.memory_space<hbm>>
      tpu.wait_dma2 semaphore(%run_scoped3A_209 : memref<!tpu.dma_semaphore, #tpu.memory_space<semaphore_mem>>) src(%dma_wait3A_225 : memref<128xi32, #tpu.memory_space<hbm>>) dst(%dma_wait3A_224 : memref<128xi32, #tpu.memory_space<vmem>>)
      tpu.yield
    }) : () -> ()
    %add3A_11 = arith.constant 128 : i32
    %add3A_12 = arith.addi %mul3A_2, %add3A_11 : i32
    %run_scoped3A_13 = arith.constant 1 : i32
    "tpu.region"() ({
      %run_scoped3A_209 = tpu.sem_alloc : memref<!tpu.dma_semaphore, #tpu.memory_space<semaphore_mem>>
      %dma_start3A_210 = arith.constant 0 : i32
      %dma_start3A_211 = tpu.memref_slice %arg12[%run_scoped3A_13, %dma_start3A_210] : memref<4x128xi32, #tpu.memory_space<vmem>> -> memref<1x128xi32, #tpu.memory_space<vmem>>
      %dma_start3A_212 = tpu.memref_squeeze %dma_start3A_211 : memref<1x128xi32, #tpu.memory_space<vmem>> -> memref<128xi32, #tpu.memory_space<vmem>>
      %dma_start3A_213 = tpu.memref_slice %arg3[%add3A_12] : memref<16384xi32, #tpu.memory_space<hbm>> -> memref<128xi32, #tpu.memory_space<hbm>>
      %dma_start3A_214 = arith.constant 0 : i32
      %dma_start3A_215 = tpu.memref_slice %arg12[%run_scoped3A_13, %dma_start3A_214] : memref<4x128xi32, #tpu.memory_space<vmem>> -> memref<1x128xi32, #tpu.memory_space<vmem>>
      %dma_start3A_216 = tpu.memref_squeeze %dma_start3A_215 : memref<1x128xi32, #tpu.memory_space<vmem>> -> memref<128xi32, #tpu.memory_space<vmem>>
      %dma_start3A_217 = tpu.memref_slice %arg3[%add3A_12] : memref<16384xi32, #tpu.memory_space<hbm>> -> memref<128xi32, #tpu.memory_space<hbm>>
      tpu.enqueue_dma source(%dma_start3A_217 : memref<128xi32, #tpu.memory_space<hbm>>) target(%dma_start3A_216 : memref<128xi32, #tpu.memory_space<vmem>>) target_semaphore(%run_scoped3A_209 : memref<!tpu.dma_semaphore, #tpu.memory_space<semaphore_mem>>)
      %dma_wait3A_218 = arith.constant 0 : i32
      %dma_wait3A_219 = tpu.memref_slice %arg12[%run_scoped3A_13, %dma_wait3A_218] : memref<4x128xi32, #tpu.memory_space<vmem>> -> memref<1x128xi32, #tpu.memory_space<vmem>>
      %dma_wait3A_220 = tpu.memref_squeeze %dma_wait3A_219 : memref<1x128xi32, #tpu.memory_space<vmem>> -> memref<128xi32, #tpu.memory_space<vmem>>
      %dma_wait3A_221 = tpu.memref_slice %arg3[%add3A_12] : memref<16384xi32, #tpu.memory_space<hbm>> -> memref<128xi32, #tpu.memory_space<hbm>>
      %dma_wait3A_222 = arith.constant 0 : i32
      %dma_wait3A_223 = tpu.memref_slice %arg12[%run_scoped3A_13, %dma_wait3A_222] : memref<4x128xi32, #tpu.memory_space<vmem>> -> memref<1x128xi32, #tpu.memory_space<vmem>>
      %dma_wait3A_224 = tpu.memref_squeeze %dma_wait3A_223 : memref<1x128xi32, #tpu.memory_space<vmem>> -> memref<128xi32, #tpu.memory_space<vmem>>
      %dma_wait3A_225 = tpu.memref_slice %arg3[%add3A_12] : memref<16384xi32, #tpu.memory_space<hbm>> -> memref<128xi32, #tpu.memory_space<hbm>>
      tpu.wait_dma2 semaphore(%run_scoped3A_209 : memref<!tpu.dma_semaphore, #tpu.memory_space<semaphore_mem>>) src(%dma_wait3A_225 : memref<128xi32, #tpu.memory_space<hbm>>) dst(%dma_wait3A_224 : memref<128xi32, #tpu.memory_space<vmem>>)
      tpu.yield
    }) : () -> ()
    %add3A_14 = arith.constant 256 : i32
    %add3A_15 = arith.addi %mul3A_2, %add3A_14 : i32
    %run_scoped3A_16 = arith.constant 2 : i32
    "tpu.region"() ({
      %run_scoped3A_209 = tpu.sem_alloc : memref<!tpu.dma_semaphore, #tpu.memory_space<semaphore_mem>>
      %dma_start3A_210 = arith.constant 0 : i32
      %dma_start3A_211 = tpu.memref_slice %arg11[%run_scoped3A_16, %dma_start3A_210] : memref<4x128xi32, #tpu.memory_space<vmem>> -> memref<1x128xi32, #tpu.memory_space<vmem>>
      %dma_start3A_212 = tpu.memref_squeeze %dma_start3A_211 : memref<1x128xi32, #tpu.memory_space<vmem>> -> memref<128xi32, #tpu.memory_space<vmem>>
      %dma_start3A_213 = tpu.memref_slice %arg2[%add3A_15] : memref<16384xi32, #tpu.memory_space<hbm>> -> memref<128xi32, #tpu.memory_space<hbm>>
      %dma_start3A_214 = arith.constant 0 : i32
      %dma_start3A_215 = tpu.memref_slice %arg11[%run_scoped3A_16, %dma_start3A_214] : memref<4x128xi32, #tpu.memory_space<vmem>> -> memref<1x128xi32, #tpu.memory_space<vmem>>
      %dma_start3A_216 = tpu.memref_squeeze %dma_start3A_215 : memref<1x128xi32, #tpu.memory_space<vmem>> -> memref<128xi32, #tpu.memory_space<vmem>>
      %dma_start3A_217 = tpu.memref_slice %arg2[%add3A_15] : memref<16384xi32, #tpu.memory_space<hbm>> -> memref<128xi32, #tpu.memory_space<hbm>>
      tpu.enqueue_dma source(%dma_start3A_217 : memref<128xi32, #tpu.memory_space<hbm>>) target(%dma_start3A_216 : memref<128xi32, #tpu.memory_space<vmem>>) target_semaphore(%run_scoped3A_209 : memref<!tpu.dma_semaphore, #tpu.memory_space<semaphore_mem>>)
      %dma_wait3A_218 = arith.constant 0 : i32
      %dma_wait3A_219 = tpu.memref_slice %arg11[%run_scoped3A_16, %dma_wait3A_218] : memref<4x128xi32, #tpu.memory_space<vmem>> -> memref<1x128xi32, #tpu.memory_space<vmem>>
      %dma_wait3A_220 = tpu.memref_squeeze %dma_wait3A_219 : memref<1x128xi32, #tpu.memory_space<vmem>> -> memref<128xi32, #tpu.memory_space<vmem>>
      %dma_wait3A_221 = tpu.memref_slice %arg2[%add3A_15] : memref<16384xi32, #tpu.memory_space<hbm>> -> memref<128xi32, #tpu.memory_space<hbm>>
      %dma_wait3A_222 = arith.constant 0 : i32
      %dma_wait3A_223 = tpu.memref_slice %arg11[%run_scoped3A_16, %dma_wait3A_222] : memref<4x128xi32, #tpu.memory_space<vmem>> -> memref<1x128xi32, #tpu.memory_space<vmem>>
      %dma_wait3A_224 = tpu.memref_squeeze %dma_wait3A_223 : memref<1x128xi32, #tpu.memory_space<vmem>> -> memref<128xi32, #tpu.memory_space<vmem>>
      %dma_wait3A_225 = tpu.memref_slice %arg2[%add3A_15] : memref<16384xi32, #tpu.memory_space<hbm>> -> memref<128xi32, #tpu.memory_space<hbm>>
      tpu.wait_dma2 semaphore(%run_scoped3A_209 : memref<!tpu.dma_semaphore, #tpu.memory_space<semaphore_mem>>) src(%dma_wait3A_225 : memref<128xi32, #tpu.memory_space<hbm>>) dst(%dma_wait3A_224 : memref<128xi32, #tpu.memory_space<vmem>>)
      tpu.yield
    }) : () -> ()
    %add3A_17 = arith.constant 256 : i32
    %add3A_18 = arith.addi %mul3A_2, %add3A_17 : i32
    %run_scoped3A_19 = arith.constant 2 : i32
    "tpu.region"() ({
      %run_scoped3A_209 = tpu.sem_alloc : memref<!tpu.dma_semaphore, #tpu.memory_space<semaphore_mem>>
      %dma_start3A_210 = arith.constant 0 : i32
      %dma_start3A_211 = tpu.memref_slice %arg12[%run_scoped3A_19, %dma_start3A_210] : memref<4x128xi32, #tpu.memory_space<vmem>> -> memref<1x128xi32, #tpu.memory_space<vmem>>
      %dma_start3A_212 = tpu.memref_squeeze %dma_start3A_211 : memref<1x128xi32, #tpu.memory_space<vmem>> -> memref<128xi32, #tpu.memory_space<vmem>>
      %dma_start3A_213 = tpu.memref_slice %arg3[%add3A_18] : memref<16384xi32, #tpu.memory_space<hbm>> -> memref<128xi32, #tpu.memory_space<hbm>>
      %dma_start3A_214 = arith.constant 0 : i32
      %dma_start3A_215 = tpu.memref_slice %arg12[%run_scoped3A_19, %dma_start3A_214] : memref<4x128xi32, #tpu.memory_space<vmem>> -> memref<1x128xi32, #tpu.memory_space<vmem>>
      %dma_start3A_216 = tpu.memref_squeeze %dma_start3A_215 : memref<1x128xi32, #tpu.memory_space<vmem>> -> memref<128xi32, #tpu.memory_space<vmem>>
      %dma_start3A_217 = tpu.memref_slice %arg3[%add3A_18] : memref<16384xi32, #tpu.memory_space<hbm>> -> memref<128xi32, #tpu.memory_space<hbm>>
      tpu.enqueue_dma source(%dma_start3A_217 : memref<128xi32, #tpu.memory_space<hbm>>) target(%dma_start3A_216 : memref<128xi32, #tpu.memory_space<vmem>>) target_semaphore(%run_scoped3A_209 : memref<!tpu.dma_semaphore, #tpu.memory_space<semaphore_mem>>)
      %dma_wait3A_218 = arith.constant 0 : i32
      %dma_wait3A_219 = tpu.memref_slice %arg12[%run_scoped3A_19, %dma_wait3A_218] : memref<4x128xi32, #tpu.memory_space<vmem>> -> memref<1x128xi32, #tpu.memory_space<vmem>>
      %dma_wait3A_220 = tpu.memref_squeeze %dma_wait3A_219 : memref<1x128xi32, #tpu.memory_space<vmem>> -> memref<128xi32, #tpu.memory_space<vmem>>
      %dma_wait3A_221 = tpu.memref_slice %arg3[%add3A_18] : memref<16384xi32, #tpu.memory_space<hbm>> -> memref<128xi32, #tpu.memory_space<hbm>>
      %dma_wait3A_222 = arith.constant 0 : i32
      %dma_wait3A_223 = tpu.memref_slice %arg12[%run_scoped3A_19, %dma_wait3A_222] : memref<4x128xi32, #tpu.memory_space<vmem>> -> memref<1x128xi32, #tpu.memory_space<vmem>>
      %dma_wait3A_224 = tpu.memref_squeeze %dma_wait3A_223 : memref<1x128xi32, #tpu.memory_space<vmem>> -> memref<128xi32, #tpu.memory_space<vmem>>
      %dma_wait3A_225 = tpu.memref_slice %arg3[%add3A_18] : memref<16384xi32, #tpu.memory_space<hbm>> -> memref<128xi32, #tpu.memory_space<hbm>>
      tpu.wait_dma2 semaphore(%run_scoped3A_209 : memref<!tpu.dma_semaphore, #tpu.memory_space<semaphore_mem>>) src(%dma_wait3A_225 : memref<128xi32, #tpu.memory_space<hbm>>) dst(%dma_wait3A_224 : memref<128xi32, #tpu.memory_space<vmem>>)
      tpu.yield
    }) : () -> ()
    %add3A_20 = arith.constant 384 : i32
    %add3A_21 = arith.addi %mul3A_2, %add3A_20 : i32
    %run_scoped3A_22 = arith.constant 3 : i32
    "tpu.region"() ({
      %run_scoped3A_209 = tpu.sem_alloc : memref<!tpu.dma_semaphore, #tpu.memory_space<semaphore_mem>>
      %dma_start3A_210 = arith.constant 0 : i32
      %dma_start3A_211 = tpu.memref_slice %arg11[%run_scoped3A_22, %dma_start3A_210] : memref<4x128xi32, #tpu.memory_space<vmem>> -> memref<1x128xi32, #tpu.memory_space<vmem>>
      %dma_start3A_212 = tpu.memref_squeeze %dma_start3A_211 : memref<1x128xi32, #tpu.memory_space<vmem>> -> memref<128xi32, #tpu.memory_space<vmem>>
      %dma_start3A_213 = tpu.memref_slice %arg2[%add3A_21] : memref<16384xi32, #tpu.memory_space<hbm>> -> memref<128xi32, #tpu.memory_space<hbm>>
      %dma_start3A_214 = arith.constant 0 : i32
      %dma_start3A_215 = tpu.memref_slice %arg11[%run_scoped3A_22, %dma_start3A_214] : memref<4x128xi32, #tpu.memory_space<vmem>> -> memref<1x128xi32, #tpu.memory_space<vmem>>
      %dma_start3A_216 = tpu.memref_squeeze %dma_start3A_215 : memref<1x128xi32, #tpu.memory_space<vmem>> -> memref<128xi32, #tpu.memory_space<vmem>>
      %dma_start3A_217 = tpu.memref_slice %arg2[%add3A_21] : memref<16384xi32, #tpu.memory_space<hbm>> -> memref<128xi32, #tpu.memory_space<hbm>>
      tpu.enqueue_dma source(%dma_start3A_217 : memref<128xi32, #tpu.memory_space<hbm>>) target(%dma_start3A_216 : memref<128xi32, #tpu.memory_space<vmem>>) target_semaphore(%run_scoped3A_209 : memref<!tpu.dma_semaphore, #tpu.memory_space<semaphore_mem>>)
      %dma_wait3A_218 = arith.constant 0 : i32
      %dma_wait3A_219 = tpu.memref_slice %arg11[%run_scoped3A_22, %dma_wait3A_218] : memref<4x128xi32, #tpu.memory_space<vmem>> -> memref<1x128xi32, #tpu.memory_space<vmem>>
      %dma_wait3A_220 = tpu.memref_squeeze %dma_wait3A_219 : memref<1x128xi32, #tpu.memory_space<vmem>> -> memref<128xi32, #tpu.memory_space<vmem>>
      %dma_wait3A_221 = tpu.memref_slice %arg2[%add3A_21] : memref<16384xi32, #tpu.memory_space<hbm>> -> memref<128xi32, #tpu.memory_space<hbm>>
      %dma_wait3A_222 = arith.constant 0 : i32
      %dma_wait3A_223 = tpu.memref_slice %arg11[%run_scoped3A_22, %dma_wait3A_222] : memref<4x128xi32, #tpu.memory_space<vmem>> -> memref<1x128xi32, #tpu.memory_space<vmem>>
      %dma_wait3A_224 = tpu.memref_squeeze %dma_wait3A_223 : memref<1x128xi32, #tpu.memory_space<vmem>> -> memref<128xi32, #tpu.memory_space<vmem>>
      %dma_wait3A_225 = tpu.memref_slice %arg2[%add3A_21] : memref<16384xi32, #tpu.memory_space<hbm>> -> memref<128xi32, #tpu.memory_space<hbm>>
      tpu.wait_dma2 semaphore(%run_scoped3A_209 : memref<!tpu.dma_semaphore, #tpu.memory_space<semaphore_mem>>) src(%dma_wait3A_225 : memref<128xi32, #tpu.memory_space<hbm>>) dst(%dma_wait3A_224 : memref<128xi32, #tpu.memory_space<vmem>>)
      tpu.yield
    }) : () -> ()
    %add3A_23 = arith.constant 384 : i32
    %add3A_24 = arith.addi %mul3A_2, %add3A_23 : i32
    %run_scoped3A_25 = arith.constant 3 : i32
    "tpu.region"() ({
      %run_scoped3A_209 = tpu.sem_alloc : memref<!tpu.dma_semaphore, #tpu.memory_space<semaphore_mem>>
      %dma_start3A_210 = arith.constant 0 : i32
      %dma_start3A_211 = tpu.memref_slice %arg12[%run_scoped3A_25, %dma_start3A_210] : memref<4x128xi32, #tpu.memory_space<vmem>> -> memref<1x128xi32, #tpu.memory_space<vmem>>
      %dma_start3A_212 = tpu.memref_squeeze %dma_start3A_211 : memref<1x128xi32, #tpu.memory_space<vmem>> -> memref<128xi32, #tpu.memory_space<vmem>>
      %dma_start3A_213 = tpu.memref_slice %arg3[%add3A_24] : memref<16384xi32, #tpu.memory_space<hbm>> -> memref<128xi32, #tpu.memory_space<hbm>>
      %dma_start3A_214 = arith.constant 0 : i32
      %dma_start3A_215 = tpu.memref_slice %arg12[%run_scoped3A_25, %dma_start3A_214] : memref<4x128xi32, #tpu.memory_space<vmem>> -> memref<1x128xi32, #tpu.memory_space<vmem>>
      %dma_start3A_216 = tpu.memref_squeeze %dma_start3A_215 : memref<1x128xi32, #tpu.memory_space<vmem>> -> memref<128xi32, #tpu.memory_space<vmem>>
      %dma_start3A_217 = tpu.memref_slice %arg3[%add3A_24] : memref<16384xi32, #tpu.memory_space<hbm>> -> memref<128xi32, #tpu.memory_space<hbm>>
      tpu.enqueue_dma source(%dma_start3A_217 : memref<128xi32, #tpu.memory_space<hbm>>) target(%dma_start3A_216 : memref<128xi32, #tpu.memory_space<vmem>>) target_semaphore(%run_scoped3A_209 : memref<!tpu.dma_semaphore, #tpu.memory_space<semaphore_mem>>)
      %dma_wait3A_218 = arith.constant 0 : i32
      %dma_wait3A_219 = tpu.memref_slice %arg12[%run_scoped3A_25, %dma_wait3A_218] : memref<4x128xi32, #tpu.memory_space<vmem>> -> memref<1x128xi32, #tpu.memory_space<vmem>>
      %dma_wait3A_220 = tpu.memref_squeeze %dma_wait3A_219 : memref<1x128xi32, #tpu.memory_space<vmem>> -> memref<128xi32, #tpu.memory_space<vmem>>
      %dma_wait3A_221 = tpu.memref_slice %arg3[%add3A_24] : memref<16384xi32, #tpu.memory_space<hbm>> -> memref<128xi32, #tpu.memory_space<hbm>>
      %dma_wait3A_222 = arith.constant 0 : i32
      %dma_wait3A_223 = tpu.memref_slice %arg12[%run_scoped3A_25, %dma_wait3A_222] : memref<4x128xi32, #tpu.memory_space<vmem>> -> memref<1x128xi32, #tpu.memory_space<vmem>>
      %dma_wait3A_224 = tpu.memref_squeeze %dma_wait3A_223 : memref<1x128xi32, #tpu.memory_space<vmem>> -> memref<128xi32, #tpu.memory_space<vmem>>
      %dma_wait3A_225 = tpu.memref_slice %arg3[%add3A_24] : memref<16384xi32, #tpu.memory_space<hbm>> -> memref<128xi32, #tpu.memory_space<hbm>>
      tpu.wait_dma2 semaphore(%run_scoped3A_209 : memref<!tpu.dma_semaphore, #tpu.memory_space<semaphore_mem>>) src(%dma_wait3A_225 : memref<128xi32, #tpu.memory_space<hbm>>) dst(%dma_wait3A_224 : memref<128xi32, #tpu.memory_space<vmem>>)
      tpu.yield
    }) : () -> ()
    "tpu.region"() ({
      %run_scoped3A_209 = tpu.sem_alloc : memref<!tpu.dma_semaphore, #tpu.memory_space<semaphore_mem>>
      %dma_start3A_210 = tpu.memref_slice %arg4[%mul3A_2] : memref<16384xf32, #tpu.memory_space<hbm>> -> memref<512xf32, #tpu.memory_space<hbm>>
      %dma_start3A_211 = tpu.memref_slice %arg4[%mul3A_2] : memref<16384xf32, #tpu.memory_space<hbm>> -> memref<512xf32, #tpu.memory_space<hbm>>
      tpu.enqueue_dma source(%dma_start3A_211 : memref<512xf32, #tpu.memory_space<hbm>>) target(%arg15 : memref<512xf32, #tpu.memory_space<vmem>>) target_semaphore(%run_scoped3A_209 : memref<!tpu.dma_semaphore, #tpu.memory_space<semaphore_mem>>)
      %dma_wait3A_212 = tpu.memref_slice %arg4[%mul3A_2] : memref<16384xf32, #tpu.memory_space<hbm>> -> memref<512xf32, #tpu.memory_space<hbm>>
      %dma_wait3A_213 = tpu.memref_slice %arg4[%mul3A_2] : memref<16384xf32, #tpu.memory_space<hbm>> -> memref<512xf32, #tpu.memory_space<hbm>>
      tpu.wait_dma2 semaphore(%run_scoped3A_209 : memref<!tpu.dma_semaphore, #tpu.memory_space<semaphore_mem>>) src(%dma_wait3A_213 : memref<512xf32, #tpu.memory_space<hbm>>) dst(%arg15 : memref<512xf32, #tpu.memory_space<vmem>>)
      tpu.yield
    }) : () -> ()
    %dma_start3A = arith.constant 0 : i32
    %dma_start3A_26 = arith.constant 0 : i32
    %dma_start3A_27 = arith.constant 0 : i32
    %dma_start3A_28 = tpu.memref_slice %arg13[%dma_start3A_26, %dma_start3A_27] : memref<512x16xf32, #tpu.memory_space<vmem>> -> memref<128x16xf32, #tpu.memory_space<vmem>>
    %dma_start3A_29 = arith.constant 0 : i32
    %dma_start3A_30 = tpu.memref_slice %arg11[%dma_start3A, %dma_start3A_29] : memref<4x128xi32, #tpu.memory_space<vmem>> -> memref<1x128xi32, #tpu.memory_space<vmem>>
    %dma_start3A_31 = tpu.memref_squeeze %dma_start3A_30 : memref<1x128xi32, #tpu.memory_space<vmem>> -> memref<128xi32, #tpu.memory_space<vmem>>
    %dma_start3A_32 = arith.constant 0 : i32
    %dma_start3A_33 = arith.constant 0 : i32
    %dma_start3A_34 = tpu.memref_slice %arg6[%dma_start3A_32, %dma_start3A_33] : memref<1000000x16xf32, #tpu.memory_space<hbm>> -> memref<1000000x16xf32, #tpu.memory_space<hbm>>
    tpu.enqueue_indirect_dma source(%dma_start3A_34 : memref<1000000x16xf32, #tpu.memory_space<hbm>>) target(%dma_start3A_28 : memref<128x16xf32, #tpu.memory_space<vmem>>) offsets(%dma_start3A_31 : memref<128xi32, #tpu.memory_space<vmem>>) semaphore(%arg21 : memref<!tpu.dma_semaphore, #tpu.memory_space<semaphore_mem>>)
    %dma_start3A_35 = arith.constant 0 : i32
    %dma_start3A_36 = arith.constant 0 : i32
    %dma_start3A_37 = arith.constant 0 : i32
    %dma_start3A_38 = tpu.memref_slice %arg14[%dma_start3A_36, %dma_start3A_37] : memref<512x16xf32, #tpu.memory_space<vmem>> -> memref<128x16xf32, #tpu.memory_space<vmem>>
    %dma_start3A_39 = arith.constant 0 : i32
    %dma_start3A_40 = tpu.memref_slice %arg12[%dma_start3A_35, %dma_start3A_39] : memref<4x128xi32, #tpu.memory_space<vmem>> -> memref<1x128xi32, #tpu.memory_space<vmem>>
    %dma_start3A_41 = tpu.memref_squeeze %dma_start3A_40 : memref<1x128xi32, #tpu.memory_space<vmem>> -> memref<128xi32, #tpu.memory_space<vmem>>
    %dma_start3A_42 = arith.constant 0 : i32
    %dma_start3A_43 = arith.constant 0 : i32
    %dma_start3A_44 = tpu.memref_slice %arg7[%dma_start3A_42, %dma_start3A_43] : memref<1000000x16xf32, #tpu.memory_space<hbm>> -> memref<1000000x16xf32, #tpu.memory_space<hbm>>
    tpu.enqueue_indirect_dma source(%dma_start3A_44 : memref<1000000x16xf32, #tpu.memory_space<hbm>>) target(%dma_start3A_38 : memref<128x16xf32, #tpu.memory_space<vmem>>) offsets(%dma_start3A_41 : memref<128xi32, #tpu.memory_space<vmem>>) semaphore(%arg21 : memref<!tpu.dma_semaphore, #tpu.memory_space<semaphore_mem>>)
    %dma_start3A_45 = arith.constant 1 : i32
    %dma_start3A_46 = arith.constant 128 : i32
    %dma_start3A_47 = arith.constant 0 : i32
    %dma_start3A_48 = tpu.memref_slice %arg13[%dma_start3A_46, %dma_start3A_47] : memref<512x16xf32, #tpu.memory_space<vmem>> -> memref<128x16xf32, #tpu.memory_space<vmem>>
    %dma_start3A_49 = arith.constant 0 : i32
    %dma_start3A_50 = tpu.memref_slice %arg11[%dma_start3A_45, %dma_start3A_49] : memref<4x128xi32, #tpu.memory_space<vmem>> -> memref<1x128xi32, #tpu.memory_space<vmem>>
    %dma_start3A_51 = tpu.memref_squeeze %dma_start3A_50 : memref<1x128xi32, #tpu.memory_space<vmem>> -> memref<128xi32, #tpu.memory_space<vmem>>
    %dma_start3A_52 = arith.constant 0 : i32
    %dma_start3A_53 = arith.constant 0 : i32
    %dma_start3A_54 = tpu.memref_slice %arg6[%dma_start3A_52, %dma_start3A_53] : memref<1000000x16xf32, #tpu.memory_space<hbm>> -> memref<1000000x16xf32, #tpu.memory_space<hbm>>
    tpu.enqueue_indirect_dma source(%dma_start3A_54 : memref<1000000x16xf32, #tpu.memory_space<hbm>>) target(%dma_start3A_48 : memref<128x16xf32, #tpu.memory_space<vmem>>) offsets(%dma_start3A_51 : memref<128xi32, #tpu.memory_space<vmem>>) semaphore(%arg21 : memref<!tpu.dma_semaphore, #tpu.memory_space<semaphore_mem>>)
    %dma_start3A_55 = arith.constant 1 : i32
    %dma_start3A_56 = arith.constant 128 : i32
    %dma_start3A_57 = arith.constant 0 : i32
    %dma_start3A_58 = tpu.memref_slice %arg14[%dma_start3A_56, %dma_start3A_57] : memref<512x16xf32, #tpu.memory_space<vmem>> -> memref<128x16xf32, #tpu.memory_space<vmem>>
    %dma_start3A_59 = arith.constant 0 : i32
    %dma_start3A_60 = tpu.memref_slice %arg12[%dma_start3A_55, %dma_start3A_59] : memref<4x128xi32, #tpu.memory_space<vmem>> -> memref<1x128xi32, #tpu.memory_space<vmem>>
    %dma_start3A_61 = tpu.memref_squeeze %dma_start3A_60 : memref<1x128xi32, #tpu.memory_space<vmem>> -> memref<128xi32, #tpu.memory_space<vmem>>
    %dma_start3A_62 = arith.constant 0 : i32
    %dma_start3A_63 = arith.constant 0 : i32
    %dma_start3A_64 = tpu.memref_slice %arg7[%dma_start3A_62, %dma_start3A_63] : memref<1000000x16xf32, #tpu.memory_space<hbm>> -> memref<1000000x16xf32, #tpu.memory_space<hbm>>
    tpu.enqueue_indirect_dma source(%dma_start3A_64 : memref<1000000x16xf32, #tpu.memory_space<hbm>>) target(%dma_start3A_58 : memref<128x16xf32, #tpu.memory_space<vmem>>) offsets(%dma_start3A_61 : memref<128xi32, #tpu.memory_space<vmem>>) semaphore(%arg21 : memref<!tpu.dma_semaphore, #tpu.memory_space<semaphore_mem>>)
    %dma_start3A_65 = arith.constant 2 : i32
    %dma_start3A_66 = arith.constant 256 : i32
    %dma_start3A_67 = arith.constant 0 : i32
    %dma_start3A_68 = tpu.memref_slice %arg13[%dma_start3A_66, %dma_start3A_67] : memref<512x16xf32, #tpu.memory_space<vmem>> -> memref<128x16xf32, #tpu.memory_space<vmem>>
    %dma_start3A_69 = arith.constant 0 : i32
    %dma_start3A_70 = tpu.memref_slice %arg11[%dma_start3A_65, %dma_start3A_69] : memref<4x128xi32, #tpu.memory_space<vmem>> -> memref<1x128xi32, #tpu.memory_space<vmem>>
    %dma_start3A_71 = tpu.memref_squeeze %dma_start3A_70 : memref<1x128xi32, #tpu.memory_space<vmem>> -> memref<128xi32, #tpu.memory_space<vmem>>
    %dma_start3A_72 = arith.constant 0 : i32
    %dma_start3A_73 = arith.constant 0 : i32
    %dma_start3A_74 = tpu.memref_slice %arg6[%dma_start3A_72, %dma_start3A_73] : memref<1000000x16xf32, #tpu.memory_space<hbm>> -> memref<1000000x16xf32, #tpu.memory_space<hbm>>
    tpu.enqueue_indirect_dma source(%dma_start3A_74 : memref<1000000x16xf32, #tpu.memory_space<hbm>>) target(%dma_start3A_68 : memref<128x16xf32, #tpu.memory_space<vmem>>) offsets(%dma_start3A_71 : memref<128xi32, #tpu.memory_space<vmem>>) semaphore(%arg21 : memref<!tpu.dma_semaphore, #tpu.memory_space<semaphore_mem>>)
    %dma_start3A_75 = arith.constant 2 : i32
    %dma_start3A_76 = arith.constant 256 : i32
    %dma_start3A_77 = arith.constant 0 : i32
    %dma_start3A_78 = tpu.memref_slice %arg14[%dma_start3A_76, %dma_start3A_77] : memref<512x16xf32, #tpu.memory_space<vmem>> -> memref<128x16xf32, #tpu.memory_space<vmem>>
    %dma_start3A_79 = arith.constant 0 : i32
    %dma_start3A_80 = tpu.memref_slice %arg12[%dma_start3A_75, %dma_start3A_79] : memref<4x128xi32, #tpu.memory_space<vmem>> -> memref<1x128xi32, #tpu.memory_space<vmem>>
    %dma_start3A_81 = tpu.memref_squeeze %dma_start3A_80 : memref<1x128xi32, #tpu.memory_space<vmem>> -> memref<128xi32, #tpu.memory_space<vmem>>
    %dma_start3A_82 = arith.constant 0 : i32
    %dma_start3A_83 = arith.constant 0 : i32
    %dma_start3A_84 = tpu.memref_slice %arg7[%dma_start3A_82, %dma_start3A_83] : memref<1000000x16xf32, #tpu.memory_space<hbm>> -> memref<1000000x16xf32, #tpu.memory_space<hbm>>
    tpu.enqueue_indirect_dma source(%dma_start3A_84 : memref<1000000x16xf32, #tpu.memory_space<hbm>>) target(%dma_start3A_78 : memref<128x16xf32, #tpu.memory_space<vmem>>) offsets(%dma_start3A_81 : memref<128xi32, #tpu.memory_space<vmem>>) semaphore(%arg21 : memref<!tpu.dma_semaphore, #tpu.memory_space<semaphore_mem>>)
    %dma_start3A_85 = arith.constant 3 : i32
    %dma_start3A_86 = arith.constant 384 : i32
    %dma_start3A_87 = arith.constant 0 : i32
    %dma_start3A_88 = tpu.memref_slice %arg13[%dma_start3A_86, %dma_start3A_87] : memref<512x16xf32, #tpu.memory_space<vmem>> -> memref<128x16xf32, #tpu.memory_space<vmem>>
    %dma_start3A_89 = arith.constant 0 : i32
    %dma_start3A_90 = tpu.memref_slice %arg11[%dma_start3A_85, %dma_start3A_89] : memref<4x128xi32, #tpu.memory_space<vmem>> -> memref<1x128xi32, #tpu.memory_space<vmem>>
    %dma_start3A_91 = tpu.memref_squeeze %dma_start3A_90 : memref<1x128xi32, #tpu.memory_space<vmem>> -> memref<128xi32, #tpu.memory_space<vmem>>
    %dma_start3A_92 = arith.constant 0 : i32
    %dma_start3A_93 = arith.constant 0 : i32
    %dma_start3A_94 = tpu.memref_slice %arg6[%dma_start3A_92, %dma_start3A_93] : memref<1000000x16xf32, #tpu.memory_space<hbm>> -> memref<1000000x16xf32, #tpu.memory_space<hbm>>
    tpu.enqueue_indirect_dma source(%dma_start3A_94 : memref<1000000x16xf32, #tpu.memory_space<hbm>>) target(%dma_start3A_88 : memref<128x16xf32, #tpu.memory_space<vmem>>) offsets(%dma_start3A_91 : memref<128xi32, #tpu.memory_space<vmem>>) semaphore(%arg21 : memref<!tpu.dma_semaphore, #tpu.memory_space<semaphore_mem>>)
    %dma_start3A_95 = arith.constant 3 : i32
    %dma_start3A_96 = arith.constant 384 : i32
    %dma_start3A_97 = arith.constant 0 : i32
    %dma_start3A_98 = tpu.memref_slice %arg14[%dma_start3A_96, %dma_start3A_97] : memref<512x16xf32, #tpu.memory_space<vmem>> -> memref<128x16xf32, #tpu.memory_space<vmem>>
    %dma_start3A_99 = arith.constant 0 : i32
    %dma_start3A_100 = tpu.memref_slice %arg12[%dma_start3A_95, %dma_start3A_99] : memref<4x128xi32, #tpu.memory_space<vmem>> -> memref<1x128xi32, #tpu.memory_space<vmem>>
    %dma_start3A_101 = tpu.memref_squeeze %dma_start3A_100 : memref<1x128xi32, #tpu.memory_space<vmem>> -> memref<128xi32, #tpu.memory_space<vmem>>
    %dma_start3A_102 = arith.constant 0 : i32
    %dma_start3A_103 = arith.constant 0 : i32
    %dma_start3A_104 = tpu.memref_slice %arg7[%dma_start3A_102, %dma_start3A_103] : memref<1000000x16xf32, #tpu.memory_space<hbm>> -> memref<1000000x16xf32, #tpu.memory_space<hbm>>
    tpu.enqueue_indirect_dma source(%dma_start3A_104 : memref<1000000x16xf32, #tpu.memory_space<hbm>>) target(%dma_start3A_98 : memref<128x16xf32, #tpu.memory_space<vmem>>) offsets(%dma_start3A_101 : memref<128xi32, #tpu.memory_space<vmem>>) semaphore(%arg21 : memref<!tpu.dma_semaphore, #tpu.memory_space<semaphore_mem>>)
    %dma_wait3A = arith.constant 0 : i32
    %dma_wait3A_105 = arith.constant 0 : i32
    %dma_wait3A_106 = arith.constant 0 : i32
    %dma_wait3A_107 = tpu.memref_slice %arg13[%dma_wait3A_105, %dma_wait3A_106] : memref<512x16xf32, #tpu.memory_space<vmem>> -> memref<128x16xf32, #tpu.memory_space<vmem>>
    %dma_wait3A_108 = arith.constant 0 : i32
    %dma_wait3A_109 = tpu.memref_slice %arg11[%dma_wait3A, %dma_wait3A_108] : memref<4x128xi32, #tpu.memory_space<vmem>> -> memref<1x128xi32, #tpu.memory_space<vmem>>
    %dma_wait3A_110 = tpu.memref_squeeze %dma_wait3A_109 : memref<1x128xi32, #tpu.memory_space<vmem>> -> memref<128xi32, #tpu.memory_space<vmem>>
    %dma_wait3A_111 = arith.constant 0 : i32
    %dma_wait3A_112 = arith.constant 0 : i32
    %dma_wait3A_113 = tpu.memref_slice %arg6[%dma_wait3A_111, %dma_wait3A_112] : memref<1000000x16xf32, #tpu.memory_space<hbm>> -> memref<1000000x16xf32, #tpu.memory_space<hbm>>
    tpu.wait_indirect_dma semaphore(%arg21 : memref<!tpu.dma_semaphore, #tpu.memory_space<semaphore_mem>>) src(%dma_wait3A_113 : memref<1000000x16xf32, #tpu.memory_space<hbm>>) dst(%dma_wait3A_107 : memref<128x16xf32, #tpu.memory_space<vmem>>)
    %dma_wait3A_114 = arith.constant 0 : i32
    %dma_wait3A_115 = arith.constant 0 : i32
    %dma_wait3A_116 = arith.constant 0 : i32
    %dma_wait3A_117 = tpu.memref_slice %arg14[%dma_wait3A_115, %dma_wait3A_116] : memref<512x16xf32, #tpu.memory_space<vmem>> -> memref<128x16xf32, #tpu.memory_space<vmem>>
    %dma_wait3A_118 = arith.constant 0 : i32
    %dma_wait3A_119 = tpu.memref_slice %arg12[%dma_wait3A_114, %dma_wait3A_118] : memref<4x128xi32, #tpu.memory_space<vmem>> -> memref<1x128xi32, #tpu.memory_space<vmem>>
    %dma_wait3A_120 = tpu.memref_squeeze %dma_wait3A_119 : memref<1x128xi32, #tpu.memory_space<vmem>> -> memref<128xi32, #tpu.memory_space<vmem>>
    %dma_wait3A_121 = arith.constant 0 : i32
    %dma_wait3A_122 = arith.constant 0 : i32
    %dma_wait3A_123 = tpu.memref_slice %arg7[%dma_wait3A_121, %dma_wait3A_122] : memref<1000000x16xf32, #tpu.memory_space<hbm>> -> memref<1000000x16xf32, #tpu.memory_space<hbm>>
    tpu.wait_indirect_dma semaphore(%arg21 : memref<!tpu.dma_semaphore, #tpu.memory_space<semaphore_mem>>) src(%dma_wait3A_123 : memref<1000000x16xf32, #tpu.memory_space<hbm>>) dst(%dma_wait3A_117 : memref<128x16xf32, #tpu.memory_space<vmem>>)
    %dma_wait3A_124 = arith.constant 1 : i32
    %dma_wait3A_125 = arith.constant 128 : i32
    %dma_wait3A_126 = arith.constant 0 : i32
    %dma_wait3A_127 = tpu.memref_slice %arg13[%dma_wait3A_125, %dma_wait3A_126] : memref<512x16xf32, #tpu.memory_space<vmem>> -> memref<128x16xf32, #tpu.memory_space<vmem>>
    %dma_wait3A_128 = arith.constant 0 : i32
    %dma_wait3A_129 = tpu.memref_slice %arg11[%dma_wait3A_124, %dma_wait3A_128] : memref<4x128xi32, #tpu.memory_space<vmem>> -> memref<1x128xi32, #tpu.memory_space<vmem>>
    %dma_wait3A_130 = tpu.memref_squeeze %dma_wait3A_129 : memref<1x128xi32, #tpu.memory_space<vmem>> -> memref<128xi32, #tpu.memory_space<vmem>>
    %dma_wait3A_131 = arith.constant 0 : i32
    %dma_wait3A_132 = arith.constant 0 : i32
    %dma_wait3A_133 = tpu.memref_slice %arg6[%dma_wait3A_131, %dma_wait3A_132] : memref<1000000x16xf32, #tpu.memory_space<hbm>> -> memref<1000000x16xf32, #tpu.memory_space<hbm>>
    tpu.wait_indirect_dma semaphore(%arg21 : memref<!tpu.dma_semaphore, #tpu.memory_space<semaphore_mem>>) src(%dma_wait3A_133 : memref<1000000x16xf32, #tpu.memory_space<hbm>>) dst(%dma_wait3A_127 : memref<128x16xf32, #tpu.memory_space<vmem>>)
    %dma_wait3A_134 = arith.constant 1 : i32
    %dma_wait3A_135 = arith.constant 128 : i32
    %dma_wait3A_136 = arith.constant 0 : i32
    %dma_wait3A_137 = tpu.memref_slice %arg14[%dma_wait3A_135, %dma_wait3A_136] : memref<512x16xf32, #tpu.memory_space<vmem>> -> memref<128x16xf32, #tpu.memory_space<vmem>>
    %dma_wait3A_138 = arith.constant 0 : i32
    %dma_wait3A_139 = tpu.memref_slice %arg12[%dma_wait3A_134, %dma_wait3A_138] : memref<4x128xi32, #tpu.memory_space<vmem>> -> memref<1x128xi32, #tpu.memory_space<vmem>>
    %dma_wait3A_140 = tpu.memref_squeeze %dma_wait3A_139 : memref<1x128xi32, #tpu.memory_space<vmem>> -> memref<128xi32, #tpu.memory_space<vmem>>
    %dma_wait3A_141 = arith.constant 0 : i32
    %dma_wait3A_142 = arith.constant 0 : i32
    %dma_wait3A_143 = tpu.memref_slice %arg7[%dma_wait3A_141, %dma_wait3A_142] : memref<1000000x16xf32, #tpu.memory_space<hbm>> -> memref<1000000x16xf32, #tpu.memory_space<hbm>>
    tpu.wait_indirect_dma semaphore(%arg21 : memref<!tpu.dma_semaphore, #tpu.memory_space<semaphore_mem>>) src(%dma_wait3A_143 : memref<1000000x16xf32, #tpu.memory_space<hbm>>) dst(%dma_wait3A_137 : memref<128x16xf32, #tpu.memory_space<vmem>>)
    %dma_wait3A_144 = arith.constant 2 : i32
    %dma_wait3A_145 = arith.constant 256 : i32
    %dma_wait3A_146 = arith.constant 0 : i32
    %dma_wait3A_147 = tpu.memref_slice %arg13[%dma_wait3A_145, %dma_wait3A_146] : memref<512x16xf32, #tpu.memory_space<vmem>> -> memref<128x16xf32, #tpu.memory_space<vmem>>
    %dma_wait3A_148 = arith.constant 0 : i32
    %dma_wait3A_149 = tpu.memref_slice %arg11[%dma_wait3A_144, %dma_wait3A_148] : memref<4x128xi32, #tpu.memory_space<vmem>> -> memref<1x128xi32, #tpu.memory_space<vmem>>
    %dma_wait3A_150 = tpu.memref_squeeze %dma_wait3A_149 : memref<1x128xi32, #tpu.memory_space<vmem>> -> memref<128xi32, #tpu.memory_space<vmem>>
    %dma_wait3A_151 = arith.constant 0 : i32
    %dma_wait3A_152 = arith.constant 0 : i32
    %dma_wait3A_153 = tpu.memref_slice %arg6[%dma_wait3A_151, %dma_wait3A_152] : memref<1000000x16xf32, #tpu.memory_space<hbm>> -> memref<1000000x16xf32, #tpu.memory_space<hbm>>
    tpu.wait_indirect_dma semaphore(%arg21 : memref<!tpu.dma_semaphore, #tpu.memory_space<semaphore_mem>>) src(%dma_wait3A_153 : memref<1000000x16xf32, #tpu.memory_space<hbm>>) dst(%dma_wait3A_147 : memref<128x16xf32, #tpu.memory_space<vmem>>)
    %dma_wait3A_154 = arith.constant 2 : i32
    %dma_wait3A_155 = arith.constant 256 : i32
    %dma_wait3A_156 = arith.constant 0 : i32
    %dma_wait3A_157 = tpu.memref_slice %arg14[%dma_wait3A_155, %dma_wait3A_156] : memref<512x16xf32, #tpu.memory_space<vmem>> -> memref<128x16xf32, #tpu.memory_space<vmem>>
    %dma_wait3A_158 = arith.constant 0 : i32
    %dma_wait3A_159 = tpu.memref_slice %arg12[%dma_wait3A_154, %dma_wait3A_158] : memref<4x128xi32, #tpu.memory_space<vmem>> -> memref<1x128xi32, #tpu.memory_space<vmem>>
    %dma_wait3A_160 = tpu.memref_squeeze %dma_wait3A_159 : memref<1x128xi32, #tpu.memory_space<vmem>> -> memref<128xi32, #tpu.memory_space<vmem>>
    %dma_wait3A_161 = arith.constant 0 : i32
    %dma_wait3A_162 = arith.constant 0 : i32
    %dma_wait3A_163 = tpu.memref_slice %arg7[%dma_wait3A_161, %dma_wait3A_162] : memref<1000000x16xf32, #tpu.memory_space<hbm>> -> memref<1000000x16xf32, #tpu.memory_space<hbm>>
    tpu.wait_indirect_dma semaphore(%arg21 : memref<!tpu.dma_semaphore, #tpu.memory_space<semaphore_mem>>) src(%dma_wait3A_163 : memref<1000000x16xf32, #tpu.memory_space<hbm>>) dst(%dma_wait3A_157 : memref<128x16xf32, #tpu.memory_space<vmem>>)
    %dma_wait3A_164 = arith.constant 3 : i32
    %dma_wait3A_165 = arith.constant 384 : i32
    %dma_wait3A_166 = arith.constant 0 : i32
    %dma_wait3A_167 = tpu.memref_slice %arg13[%dma_wait3A_165, %dma_wait3A_166] : memref<512x16xf32, #tpu.memory_space<vmem>> -> memref<128x16xf32, #tpu.memory_space<vmem>>
    %dma_wait3A_168 = arith.constant 0 : i32
    %dma_wait3A_169 = tpu.memref_slice %arg11[%dma_wait3A_164, %dma_wait3A_168] : memref<4x128xi32, #tpu.memory_space<vmem>> -> memref<1x128xi32, #tpu.memory_space<vmem>>
    %dma_wait3A_170 = tpu.memref_squeeze %dma_wait3A_169 : memref<1x128xi32, #tpu.memory_space<vmem>> -> memref<128xi32, #tpu.memory_space<vmem>>
    %dma_wait3A_171 = arith.constant 0 : i32
    %dma_wait3A_172 = arith.constant 0 : i32
    %dma_wait3A_173 = tpu.memref_slice %arg6[%dma_wait3A_171, %dma_wait3A_172] : memref<1000000x16xf32, #tpu.memory_space<hbm>> -> memref<1000000x16xf32, #tpu.memory_space<hbm>>
    tpu.wait_indirect_dma semaphore(%arg21 : memref<!tpu.dma_semaphore, #tpu.memory_space<semaphore_mem>>) src(%dma_wait3A_173 : memref<1000000x16xf32, #tpu.memory_space<hbm>>) dst(%dma_wait3A_167 : memref<128x16xf32, #tpu.memory_space<vmem>>)
    %dma_wait3A_174 = arith.constant 3 : i32
    %dma_wait3A_175 = arith.constant 384 : i32
    %dma_wait3A_176 = arith.constant 0 : i32
    %dma_wait3A_177 = tpu.memref_slice %arg14[%dma_wait3A_175, %dma_wait3A_176] : memref<512x16xf32, #tpu.memory_space<vmem>> -> memref<128x16xf32, #tpu.memory_space<vmem>>
    %dma_wait3A_178 = arith.constant 0 : i32
    %dma_wait3A_179 = tpu.memref_slice %arg12[%dma_wait3A_174, %dma_wait3A_178] : memref<4x128xi32, #tpu.memory_space<vmem>> -> memref<1x128xi32, #tpu.memory_space<vmem>>
    %dma_wait3A_180 = tpu.memref_squeeze %dma_wait3A_179 : memref<1x128xi32, #tpu.memory_space<vmem>> -> memref<128xi32, #tpu.memory_space<vmem>>
    %dma_wait3A_181 = arith.constant 0 : i32
    %dma_wait3A_182 = arith.constant 0 : i32
    %dma_wait3A_183 = tpu.memref_slice %arg7[%dma_wait3A_181, %dma_wait3A_182] : memref<1000000x16xf32, #tpu.memory_space<hbm>> -> memref<1000000x16xf32, #tpu.memory_space<hbm>>
    tpu.wait_indirect_dma semaphore(%arg21 : memref<!tpu.dma_semaphore, #tpu.memory_space<semaphore_mem>>) src(%dma_wait3A_183 : memref<1000000x16xf32, #tpu.memory_space<hbm>>) dst(%dma_wait3A_177 : memref<128x16xf32, #tpu.memory_space<vmem>>)
    %scan3A = arith.constant 0.000000e+00 : f32
    %scan3A_184 = arith.constant 0 : i32
    %scan3A_185 = arith.constant 32 : i32
    %scan3A_186 = arith.addi %scan3A_184, %scan3A_185 : i32
    %scan3A_187 = arith.constant 1 : i32
    %scan3A_188 = scf.for %scan3A_209 = %scan3A_184 to %scan3A_186 step %scan3A_187 iter_args(%scan3A_210 = %scan3A) -> (f32)  : i32 {
      %mul3A_211 = arith.constant 16 : i32
      %mul3A_212 = arith.muli %scan3A_209, %mul3A_211 : i32
      %get3A = arith.index_cast %mul3A_212 : i32 to index
      %get3A_213 = tpu.vector_load %arg15[%get3A] {strides = array<i32>} : memref<512xf32, #tpu.memory_space<vmem>>, vector<16xf32>,
      %mul3A_214 = arith.constant 16 : i32
      %mul3A_215 = arith.muli %scan3A_209, %mul3A_214 : i32
      %add3A_216 = arith.constant 0 : i32
      %add3A_217 = arith.addi %mul3A_215, %add3A_216 : i32
      %get3A_218 = arith.index_cast %add3A_217 : i32 to index
      %get3A_219 = arith.constant 0 : index
      %get3A_220 = tpu.vector_load %arg13[%get3A_218, %get3A_219] {strides = array<i32>} : memref<512x16xf32, #tpu.memory_space<vmem>>, vector<16xf32>,
      %mul3A_221 = arith.constant 16 : i32
      %mul3A_222 = arith.muli %scan3A_209, %mul3A_221 : i32
      %add3A_223 = arith.constant 0 : i32
      %add3A_224 = arith.addi %mul3A_222, %add3A_223 : i32
      %get3A_225 = arith.index_cast %add3A_224 : i32 to index
      %get3A_226 = arith.constant 0 : index
      %get3A_227 = tpu.vector_load %arg14[%get3A_225, %get3A_226] {strides = array<i32>} : memref<512x16xf32, #tpu.memory_space<vmem>>, vector<16xf32>,
      %mul3A_228 = arith.mulf %get3A_220, %get3A_227 : vector<16xf32>
      %reduce_sum3A = arith.constant true
      %reduce_sum3A_229 = vector.broadcast %reduce_sum3A : i1 to vector<16xi1>
      %reduce_sum3A_230 = tpu.scan <sum>, %mul3A_228 masked %reduce_sum3A_229 : vector<16xf32>, vector<16xi1> -> vector<16xf32>
      %reduce_sum3A_231 = vector.extract %reduce_sum3A_230[15] : f32 from vector<16xf32>
      %slice3A = vector.extract_strided_slice %get3A_213 {offsets = [0], sizes = [1], strides = [1]} : vector<16xf32> to vector<1xf32>
      %squeeze3A = vector.extract %slice3A[0] : f32 from vector<1xf32>
      %sub3A = arith.subf %reduce_sum3A_231, %squeeze3A : f32
      %mul3A_232 = arith.mulf %sub3A, %sub3A : f32
      %add3A_233 = arith.addf %scan3A_210, %mul3A_232 : f32
      %mul3A_234 = arith.constant 16 : i32
      %mul3A_235 = arith.muli %scan3A_209, %mul3A_234 : i32
      %add3A_236 = arith.constant 1 : i32
      %add3A_237 = arith.addi %mul3A_235, %add3A_236 : i32
      %get3A_238 = arith.index_cast %add3A_237 : i32 to index
      %get3A_239 = arith.constant 0 : index
      %get3A_240 = tpu.vector_load %arg13[%get3A_238, %get3A_239] {strides = array<i32>} : memref<512x16xf32, #tpu.memory_space<vmem>>, vector<16xf32>,
      %mul3A_241 = arith.constant 16 : i32
      %mul3A_242 = arith.muli %scan3A_209, %mul3A_241 : i32
      %add3A_243 = arith.constant 1 : i32
      %add3A_244 = arith.addi %mul3A_242, %add3A_243 : i32
      %get3A_245 = arith.index_cast %add3A_244 : i32 to index
      %get3A_246 = arith.constant 0 : index
      %get3A_247 = tpu.vector_load %arg14[%get3A_245, %get3A_246] {strides = array<i32>} : memref<512x16xf32, #tpu.memory_space<vmem>>, vector<16xf32>,
      %mul3A_248 = arith.mulf %get3A_240, %get3A_247 : vector<16xf32>
      %reduce_sum3A_249 = arith.constant true
      %reduce_sum3A_250 = vector.broadcast %reduce_sum3A_249 : i1 to vector<16xi1>
      %reduce_sum3A_251 = tpu.scan <sum>, %mul3A_248 masked %reduce_sum3A_250 : vector<16xf32>, vector<16xi1> -> vector<16xf32>
      %reduce_sum3A_252 = vector.extract %reduce_sum3A_251[15] : f32 from vector<16xf32>
      %slice3A_253 = vector.extract_strided_slice %get3A_213 {offsets = [1], sizes = [1], strides = [1]} : vector<16xf32> to vector<1xf32>
      %squeeze3A_254 = vector.extract %slice3A_253[0] : f32 from vector<1xf32>
      %sub3A_255 = arith.subf %reduce_sum3A_252, %squeeze3A_254 : f32
      %mul3A_256 = arith.mulf %sub3A_255, %sub3A_255 : f32
      %add3A_257 = arith.addf %add3A_233, %mul3A_256 : f32
      %mul3A_258 = arith.constant 16 : i32
      %mul3A_259 = arith.muli %scan3A_209, %mul3A_258 : i32
      %add3A_260 = arith.constant 2 : i32
      %add3A_261 = arith.addi %mul3A_259, %add3A_260 : i32
      %get3A_262 = arith.index_cast %add3A_261 : i32 to index
      %get3A_263 = arith.constant 0 : index
      %get3A_264 = tpu.vector_load %arg13[%get3A_262, %get3A_263] {strides = array<i32>} : memref<512x16xf32, #tpu.memory_space<vmem>>, vector<16xf32>,
      %mul3A_265 = arith.constant 16 : i32
      %mul3A_266 = arith.muli %scan3A_209, %mul3A_265 : i32
      %add3A_267 = arith.constant 2 : i32
      %add3A_268 = arith.addi %mul3A_266, %add3A_267 : i32
      %get3A_269 = arith.index_cast %add3A_268 : i32 to index
      %get3A_270 = arith.constant 0 : index
      %get3A_271 = tpu.vector_load %arg14[%get3A_269, %get3A_270] {strides = array<i32>} : memref<512x16xf32, #tpu.memory_space<vmem>>, vector<16xf32>,
      %mul3A_272 = arith.mulf %get3A_264, %get3A_271 : vector<16xf32>
      %reduce_sum3A_273 = arith.constant true
      %reduce_sum3A_274 = vector.broadcast %reduce_sum3A_273 : i1 to vector<16xi1>
      %reduce_sum3A_275 = tpu.scan <sum>, %mul3A_272 masked %reduce_sum3A_274 : vector<16xf32>, vector<16xi1> -> vector<16xf32>
      %reduce_sum3A_276 = vector.extract %reduce_sum3A_275[15] : f32 from vector<16xf32>
      %slice3A_277 = vector.extract_strided_slice %get3A_213 {offsets = [2], sizes = [1], strides = [1]} : vector<16xf32> to vector<1xf32>
      %squeeze3A_278 = vector.extract %slice3A_277[0] : f32 from vector<1xf32>
      %sub3A_279 = arith.subf %reduce_sum3A_276, %squeeze3A_278 : f32
      %mul3A_280 = arith.mulf %sub3A_279, %sub3A_279 : f32
      %add3A_281 = arith.addf %add3A_257, %mul3A_280 : f32
      %mul3A_282 = arith.constant 16 : i32
      %mul3A_283 = arith.muli %scan3A_209, %mul3A_282 : i32
      %add3A_284 = arith.constant 3 : i32
      %add3A_285 = arith.addi %mul3A_283, %add3A_284 : i32
      %get3A_286 = arith.index_cast %add3A_285 : i32 to index
      %get3A_287 = arith.constant 0 : index
      %get3A_288 = tpu.vector_load %arg13[%get3A_286, %get3A_287] {strides = array<i32>} : memref<512x16xf32, #tpu.memory_space<vmem>>, vector<16xf32>,
      %mul3A_289 = arith.constant 16 : i32
      %mul3A_290 = arith.muli %scan3A_209, %mul3A_289 : i32
      %add3A_291 = arith.constant 3 : i32
      %add3A_292 = arith.addi %mul3A_290, %add3A_291 : i32
      %get3A_293 = arith.index_cast %add3A_292 : i32 to index
      %get3A_294 = arith.constant 0 : index
      %get3A_295 = tpu.vector_load %arg14[%get3A_293, %get3A_294] {strides = array<i32>} : memref<512x16xf32, #tpu.memory_space<vmem>>, vector<16xf32>,
      %mul3A_296 = arith.mulf %get3A_288, %get3A_295 : vector<16xf32>
      %reduce_sum3A_297 = arith.constant true
      %reduce_sum3A_298 = vector.broadcast %reduce_sum3A_297 : i1 to vector<16xi1>
      %reduce_sum3A_299 = tpu.scan <sum>, %mul3A_296 masked %reduce_sum3A_298 : vector<16xf32>, vector<16xi1> -> vector<16xf32>
      %reduce_sum3A_300 = vector.extract %reduce_sum3A_299[15] : f32 from vector<16xf32>
      %slice3A_301 = vector.extract_strided_slice %get3A_213 {offsets = [3], sizes = [1], strides = [1]} : vector<16xf32> to vector<1xf32>
      %squeeze3A_302 = vector.extract %slice3A_301[0] : f32 from vector<1xf32>
      %sub3A_303 = arith.subf %reduce_sum3A_300, %squeeze3A_302 : f32
      %mul3A_304 = arith.mulf %sub3A_303, %sub3A_303 : f32
      %add3A_305 = arith.addf %add3A_281, %mul3A_304 : f32
      %mul3A_306 = arith.constant 16 : i32
      %mul3A_307 = arith.muli %scan3A_209, %mul3A_306 : i32
      %add3A_308 = arith.constant 4 : i32
      %add3A_309 = arith.addi %mul3A_307, %add3A_308 : i32
      %get3A_310 = arith.index_cast %add3A_309 : i32 to index
      %get3A_311 = arith.constant 0 : index
      %get3A_312 = tpu.vector_load %arg13[%get3A_310, %get3A_311] {strides = array<i32>} : memref<512x16xf32, #tpu.memory_space<vmem>>, vector<16xf32>,
      %mul3A_313 = arith.constant 16 : i32
      %mul3A_314 = arith.muli %scan3A_209, %mul3A_313 : i32
      %add3A_315 = arith.constant 4 : i32
      %add3A_316 = arith.addi %mul3A_314, %add3A_315 : i32
      %get3A_317 = arith.index_cast %add3A_316 : i32 to index
      %get3A_318 = arith.constant 0 : index
      %get3A_319 = tpu.vector_load %arg14[%get3A_317, %get3A_318] {strides = array<i32>} : memref<512x16xf32, #tpu.memory_space<vmem>>, vector<16xf32>,
      %mul3A_320 = arith.mulf %get3A_312, %get3A_319 : vector<16xf32>
      %reduce_sum3A_321 = arith.constant true
      %reduce_sum3A_322 = vector.broadcast %reduce_sum3A_321 : i1 to vector<16xi1>
      %reduce_sum3A_323 = tpu.scan <sum>, %mul3A_320 masked %reduce_sum3A_322 : vector<16xf32>, vector<16xi1> -> vector<16xf32>
      %reduce_sum3A_324 = vector.extract %reduce_sum3A_323[15] : f32 from vector<16xf32>
      %slice3A_325 = vector.extract_strided_slice %get3A_213 {offsets = [4], sizes = [1], strides = [1]} : vector<16xf32> to vector<1xf32>
      %squeeze3A_326 = vector.extract %slice3A_325[0] : f32 from vector<1xf32>
      %sub3A_327 = arith.subf %reduce_sum3A_324, %squeeze3A_326 : f32
      %mul3A_328 = arith.mulf %sub3A_327, %sub3A_327 : f32
      %add3A_329 = arith.addf %add3A_305, %mul3A_328 : f32
      %mul3A_330 = arith.constant 16 : i32
      %mul3A_331 = arith.muli %scan3A_209, %mul3A_330 : i32
      %add3A_332 = arith.constant 5 : i32
      %add3A_333 = arith.addi %mul3A_331, %add3A_332 : i32
      %get3A_334 = arith.index_cast %add3A_333 : i32 to index
      %get3A_335 = arith.constant 0 : index
      %get3A_336 = tpu.vector_load %arg13[%get3A_334, %get3A_335] {strides = array<i32>} : memref<512x16xf32, #tpu.memory_space<vmem>>, vector<16xf32>,
      %mul3A_337 = arith.constant 16 : i32
      %mul3A_338 = arith.muli %scan3A_209, %mul3A_337 : i32
      %add3A_339 = arith.constant 5 : i32
      %add3A_340 = arith.addi %mul3A_338, %add3A_339 : i32
      %get3A_341 = arith.index_cast %add3A_340 : i32 to index
      %get3A_342 = arith.constant 0 : index
      %get3A_343 = tpu.vector_load %arg14[%get3A_341, %get3A_342] {strides = array<i32>} : memref<512x16xf32, #tpu.memory_space<vmem>>, vector<16xf32>,
      %mul3A_344 = arith.mulf %get3A_336, %get3A_343 : vector<16xf32>
      %reduce_sum3A_345 = arith.constant true
      %reduce_sum3A_346 = vector.broadcast %reduce_sum3A_345 : i1 to vector<16xi1>
      %reduce_sum3A_347 = tpu.scan <sum>, %mul3A_344 masked %reduce_sum3A_346 : vector<16xf32>, vector<16xi1> -> vector<16xf32>
      %reduce_sum3A_348 = vector.extract %reduce_sum3A_347[15] : f32 from vector<16xf32>
      %slice3A_349 = vector.extract_strided_slice %get3A_213 {offsets = [5], sizes = [1], strides = [1]} : vector<16xf32> to vector<1xf32>
      %squeeze3A_350 = vector.extract %slice3A_349[0] : f32 from vector<1xf32>
      %sub3A_351 = arith.subf %reduce_sum3A_348, %squeeze3A_350 : f32
      %mul3A_352 = arith.mulf %sub3A_351, %sub3A_351 : f32
      %add3A_353 = arith.addf %add3A_329, %mul3A_352 : f32
      %mul3A_354 = arith.constant 16 : i32
      %mul3A_355 = arith.muli %scan3A_209, %mul3A_354 : i32
      %add3A_356 = arith.constant 6 : i32
      %add3A_357 = arith.addi %mul3A_355, %add3A_356 : i32
      %get3A_358 = arith.index_cast %add3A_357 : i32 to index
      %get3A_359 = arith.constant 0 : index
      %get3A_360 = tpu.vector_load %arg13[%get3A_358, %get3A_359] {strides = array<i32>} : memref<512x16xf32, #tpu.memory_space<vmem>>, vector<16xf32>,
      %mul3A_361 = arith.constant 16 : i32
      %mul3A_362 = arith.muli %scan3A_209, %mul3A_361 : i32
      %add3A_363 = arith.constant 6 : i32
      %add3A_364 = arith.addi %mul3A_362, %add3A_363 : i32
      %get3A_365 = arith.index_cast %add3A_364 : i32 to index
      %get3A_366 = arith.constant 0 : index
      %get3A_367 = tpu.vector_load %arg14[%get3A_365, %get3A_366] {strides = array<i32>} : memref<512x16xf32, #tpu.memory_space<vmem>>, vector<16xf32>,
      %mul3A_368 = arith.mulf %get3A_360, %get3A_367 : vector<16xf32>
      %reduce_sum3A_369 = arith.constant true
      %reduce_sum3A_370 = vector.broadcast %reduce_sum3A_369 : i1 to vector<16xi1>
      %reduce_sum3A_371 = tpu.scan <sum>, %mul3A_368 masked %reduce_sum3A_370 : vector<16xf32>, vector<16xi1> -> vector<16xf32>
      %reduce_sum3A_372 = vector.extract %reduce_sum3A_371[15] : f32 from vector<16xf32>
      %slice3A_373 = vector.extract_strided_slice %get3A_213 {offsets = [6], sizes = [1], strides = [1]} : vector<16xf32> to vector<1xf32>
      %squeeze3A_374 = vector.extract %slice3A_373[0] : f32 from vector<1xf32>
      %sub3A_375 = arith.subf %reduce_sum3A_372, %squeeze3A_374 : f32
      %mul3A_376 = arith.mulf %sub3A_375, %sub3A_375 : f32
      %add3A_377 = arith.addf %add3A_353, %mul3A_376 : f32
      %mul3A_378 = arith.constant 16 : i32
      %mul3A_379 = arith.muli %scan3A_209, %mul3A_378 : i32
      %add3A_380 = arith.constant 7 : i32
      %add3A_381 = arith.addi %mul3A_379, %add3A_380 : i32
      %get3A_382 = arith.index_cast %add3A_381 : i32 to index
      %get3A_383 = arith.constant 0 : index
      %get3A_384 = tpu.vector_load %arg13[%get3A_382, %get3A_383] {strides = array<i32>} : memref<512x16xf32, #tpu.memory_space<vmem>>, vector<16xf32>,
      %mul3A_385 = arith.constant 16 : i32
      %mul3A_386 = arith.muli %scan3A_209, %mul3A_385 : i32
      %add3A_387 = arith.constant 7 : i32
      %add3A_388 = arith.addi %mul3A_386, %add3A_387 : i32
      %get3A_389 = arith.index_cast %add3A_388 : i32 to index
      %get3A_390 = arith.constant 0 : index
      %get3A_391 = tpu.vector_load %arg14[%get3A_389, %get3A_390] {strides = array<i32>} : memref<512x16xf32, #tpu.memory_space<vmem>>, vector<16xf32>,
      %mul3A_392 = arith.mulf %get3A_384, %get3A_391 : vector<16xf32>
      %reduce_sum3A_393 = arith.constant true
      %reduce_sum3A_394 = vector.broadcast %reduce_sum3A_393 : i1 to vector<16xi1>
      %reduce_sum3A_395 = tpu.scan <sum>, %mul3A_392 masked %reduce_sum3A_394 : vector<16xf32>, vector<16xi1> -> vector<16xf32>
      %reduce_sum3A_396 = vector.extract %reduce_sum3A_395[15] : f32 from vector<16xf32>
      %slice3A_397 = vector.extract_strided_slice %get3A_213 {offsets = [7], sizes = [1], strides = [1]} : vector<16xf32> to vector<1xf32>
      %squeeze3A_398 = vector.extract %slice3A_397[0] : f32 from vector<1xf32>
      %sub3A_399 = arith.subf %reduce_sum3A_396, %squeeze3A_398 : f32
      %mul3A_400 = arith.mulf %sub3A_399, %sub3A_399 : f32
      %add3A_401 = arith.addf %add3A_377, %mul3A_400 : f32
      %mul3A_402 = arith.constant 16 : i32
      %mul3A_403 = arith.muli %scan3A_209, %mul3A_402 : i32
      %add3A_404 = arith.constant 8 : i32
      %add3A_405 = arith.addi %mul3A_403, %add3A_404 : i32
      %get3A_406 = arith.index_cast %add3A_405 : i32 to index
      %get3A_407 = arith.constant 0 : index
      %get3A_408 = tpu.vector_load %arg13[%get3A_406, %get3A_407] {strides = array<i32>} : memref<512x16xf32, #tpu.memory_space<vmem>>, vector<16xf32>,
      %mul3A_409 = arith.constant 16 : i32
      %mul3A_410 = arith.muli %scan3A_209, %mul3A_409 : i32
      %add3A_411 = arith.constant 8 : i32
      %add3A_412 = arith.addi %mul3A_410, %add3A_411 : i32
      %get3A_413 = arith.index_cast %add3A_412 : i32 to index
      %get3A_414 = arith.constant 0 : index
      %get3A_415 = tpu.vector_load %arg14[%get3A_413, %get3A_414] {strides = array<i32>} : memref<512x16xf32, #tpu.memory_space<vmem>>, vector<16xf32>,
      %mul3A_416 = arith.mulf %get3A_408, %get3A_415 : vector<16xf32>
      %reduce_sum3A_417 = arith.constant true
      %reduce_sum3A_418 = vector.broadcast %reduce_sum3A_417 : i1 to vector<16xi1>
      %reduce_sum3A_419 = tpu.scan <sum>, %mul3A_416 masked %reduce_sum3A_418 : vector<16xf32>, vector<16xi1> -> vector<16xf32>
      %reduce_sum3A_420 = vector.extract %reduce_sum3A_419[15] : f32 from vector<16xf32>
      %slice3A_421 = vector.extract_strided_slice %get3A_213 {offsets = [8], sizes = [1], strides = [1]} : vector<16xf32> to vector<1xf32>
      %squeeze3A_422 = vector.extract %slice3A_421[0] : f32 from vector<1xf32>
      %sub3A_423 = arith.subf %reduce_sum3A_420, %squeeze3A_422 : f32
      %mul3A_424 = arith.mulf %sub3A_423, %sub3A_423 : f32
      %add3A_425 = arith.addf %add3A_401, %mul3A_424 : f32
      %mul3A_426 = arith.constant 16 : i32
      %mul3A_427 = arith.muli %scan3A_209, %mul3A_426 : i32
      %add3A_428 = arith.constant 9 : i32
      %add3A_429 = arith.addi %mul3A_427, %add3A_428 : i32
      %get3A_430 = arith.index_cast %add3A_429 : i32 to index
      %get3A_431 = arith.constant 0 : index
      %get3A_432 = tpu.vector_load %arg13[%get3A_430, %get3A_431] {strides = array<i32>} : memref<512x16xf32, #tpu.memory_space<vmem>>, vector<16xf32>,
      %mul3A_433 = arith.constant 16 : i32
      %mul3A_434 = arith.muli %scan3A_209, %mul3A_433 : i32
      %add3A_435 = arith.constant 9 : i32
      %add3A_436 = arith.addi %mul3A_434, %add3A_435 : i32
      %get3A_437 = arith.index_cast %add3A_436 : i32 to index
      %get3A_438 = arith.constant 0 : index
      %get3A_439 = tpu.vector_load %arg14[%get3A_437, %get3A_438] {strides = array<i32>} : memref<512x16xf32, #tpu.memory_space<vmem>>, vector<16xf32>,
      %mul3A_440 = arith.mulf %get3A_432, %get3A_439 : vector<16xf32>
      %reduce_sum3A_441 = arith.constant true
      %reduce_sum3A_442 = vector.broadcast %reduce_sum3A_441 : i1 to vector<16xi1>
      %reduce_sum3A_443 = tpu.scan <sum>, %mul3A_440 masked %reduce_sum3A_442 : vector<16xf32>, vector<16xi1> -> vector<16xf32>
      %reduce_sum3A_444 = vector.extract %reduce_sum3A_443[15] : f32 from vector<16xf32>
      %slice3A_445 = vector.extract_strided_slice %get3A_213 {offsets = [9], sizes = [1], strides = [1]} : vector<16xf32> to vector<1xf32>
      %squeeze3A_446 = vector.extract %slice3A_445[0] : f32 from vector<1xf32>
      %sub3A_447 = arith.subf %reduce_sum3A_444, %squeeze3A_446 : f32
      %mul3A_448 = arith.mulf %sub3A_447, %sub3A_447 : f32
      %add3A_449 = arith.addf %add3A_425, %mul3A_448 : f32
      %mul3A_450 = arith.constant 16 : i32
      %mul3A_451 = arith.muli %scan3A_209, %mul3A_450 : i32
      %add3A_452 = arith.constant 10 : i32
      %add3A_453 = arith.addi %mul3A_451, %add3A_452 : i32
      %get3A_454 = arith.index_cast %add3A_453 : i32 to index
      %get3A_455 = arith.constant 0 : index
      %get3A_456 = tpu.vector_load %arg13[%get3A_454, %get3A_455] {strides = array<i32>} : memref<512x16xf32, #tpu.memory_space<vmem>>, vector<16xf32>,
      %mul3A_457 = arith.constant 16 : i32
      %mul3A_458 = arith.muli %scan3A_209, %mul3A_457 : i32
      %add3A_459 = arith.constant 10 : i32
      %add3A_460 = arith.addi %mul3A_458, %add3A_459 : i32
      %get3A_461 = arith.index_cast %add3A_460 : i32 to index
      %get3A_462 = arith.constant 0 : index
      %get3A_463 = tpu.vector_load %arg14[%get3A_461, %get3A_462] {strides = array<i32>} : memref<512x16xf32, #tpu.memory_space<vmem>>, vector<16xf32>,
      %mul3A_464 = arith.mulf %get3A_456, %get3A_463 : vector<16xf32>
      %reduce_sum3A_465 = arith.constant true
      %reduce_sum3A_466 = vector.broadcast %reduce_sum3A_465 : i1 to vector<16xi1>
      %reduce_sum3A_467 = tpu.scan <sum>, %mul3A_464 masked %reduce_sum3A_466 : vector<16xf32>, vector<16xi1> -> vector<16xf32>
      %reduce_sum3A_468 = vector.extract %reduce_sum3A_467[15] : f32 from vector<16xf32>
      %slice3A_469 = vector.extract_strided_slice %get3A_213 {offsets = [10], sizes = [1], strides = [1]} : vector<16xf32> to vector<1xf32>
      %squeeze3A_470 = vector.extract %slice3A_469[0] : f32 from vector<1xf32>
      %sub3A_471 = arith.subf %reduce_sum3A_468, %squeeze3A_470 : f32
      %mul3A_472 = arith.mulf %sub3A_471, %sub3A_471 : f32
      %add3A_473 = arith.addf %add3A_449, %mul3A_472 : f32
      %mul3A_474 = arith.constant 16 : i32
      %mul3A_475 = arith.muli %scan3A_209, %mul3A_474 : i32
      %add3A_476 = arith.constant 11 : i32
      %add3A_477 = arith.addi %mul3A_475, %add3A_476 : i32
      %get3A_478 = arith.index_cast %add3A_477 : i32 to index
      %get3A_479 = arith.constant 0 : index
      %get3A_480 = tpu.vector_load %arg13[%get3A_478, %get3A_479] {strides = array<i32>} : memref<512x16xf32, #tpu.memory_space<vmem>>, vector<16xf32>,
      %mul3A_481 = arith.constant 16 : i32
      %mul3A_482 = arith.muli %scan3A_209, %mul3A_481 : i32
      %add3A_483 = arith.constant 11 : i32
      %add3A_484 = arith.addi %mul3A_482, %add3A_483 : i32
      %get3A_485 = arith.index_cast %add3A_484 : i32 to index
      %get3A_486 = arith.constant 0 : index
      %get3A_487 = tpu.vector_load %arg14[%get3A_485, %get3A_486] {strides = array<i32>} : memref<512x16xf32, #tpu.memory_space<vmem>>, vector<16xf32>,
      %mul3A_488 = arith.mulf %get3A_480, %get3A_487 : vector<16xf32>
      %reduce_sum3A_489 = arith.constant true
      %reduce_sum3A_490 = vector.broadcast %reduce_sum3A_489 : i1 to vector<16xi1>
      %reduce_sum3A_491 = tpu.scan <sum>, %mul3A_488 masked %reduce_sum3A_490 : vector<16xf32>, vector<16xi1> -> vector<16xf32>
      %reduce_sum3A_492 = vector.extract %reduce_sum3A_491[15] : f32 from vector<16xf32>
      %slice3A_493 = vector.extract_strided_slice %get3A_213 {offsets = [11], sizes = [1], strides = [1]} : vector<16xf32> to vector<1xf32>
      %squeeze3A_494 = vector.extract %slice3A_493[0] : f32 from vector<1xf32>
      %sub3A_495 = arith.subf %reduce_sum3A_492, %squeeze3A_494 : f32
      %mul3A_496 = arith.mulf %sub3A_495, %sub3A_495 : f32
      %add3A_497 = arith.addf %add3A_473, %mul3A_496 : f32
      %mul3A_498 = arith.constant 16 : i32
      %mul3A_499 = arith.muli %scan3A_209, %mul3A_498 : i32
      %add3A_500 = arith.constant 12 : i32
      %add3A_501 = arith.addi %mul3A_499, %add3A_500 : i32
      %get3A_502 = arith.index_cast %add3A_501 : i32 to index
      %get3A_503 = arith.constant 0 : index
      %get3A_504 = tpu.vector_load %arg13[%get3A_502, %get3A_503] {strides = array<i32>} : memref<512x16xf32, #tpu.memory_space<vmem>>, vector<16xf32>,
      %mul3A_505 = arith.constant 16 : i32
      %mul3A_506 = arith.muli %scan3A_209, %mul3A_505 : i32
      %add3A_507 = arith.constant 12 : i32
      %add3A_508 = arith.addi %mul3A_506, %add3A_507 : i32
      %get3A_509 = arith.index_cast %add3A_508 : i32 to index
      %get3A_510 = arith.constant 0 : index
      %get3A_511 = tpu.vector_load %arg14[%get3A_509, %get3A_510] {strides = array<i32>} : memref<512x16xf32, #tpu.memory_space<vmem>>, vector<16xf32>,
      %mul3A_512 = arith.mulf %get3A_504, %get3A_511 : vector<16xf32>
      %reduce_sum3A_513 = arith.constant true
      %reduce_sum3A_514 = vector.broadcast %reduce_sum3A_513 : i1 to vector<16xi1>
      %reduce_sum3A_515 = tpu.scan <sum>, %mul3A_512 masked %reduce_sum3A_514 : vector<16xf32>, vector<16xi1> -> vector<16xf32>
      %reduce_sum3A_516 = vector.extract %reduce_sum3A_515[15] : f32 from vector<16xf32>
      %slice3A_517 = vector.extract_strided_slice %get3A_213 {offsets = [12], sizes = [1], strides = [1]} : vector<16xf32> to vector<1xf32>
      %squeeze3A_518 = vector.extract %slice3A_517[0] : f32 from vector<1xf32>
      %sub3A_519 = arith.subf %reduce_sum3A_516, %squeeze3A_518 : f32
      %mul3A_520 = arith.mulf %sub3A_519, %sub3A_519 : f32
      %add3A_521 = arith.addf %add3A_497, %mul3A_520 : f32
      %mul3A_522 = arith.constant 16 : i32
      %mul3A_523 = arith.muli %scan3A_209, %mul3A_522 : i32
      %add3A_524 = arith.constant 13 : i32
      %add3A_525 = arith.addi %mul3A_523, %add3A_524 : i32
      %get3A_526 = arith.index_cast %add3A_525 : i32 to index
      %get3A_527 = arith.constant 0 : index
      %get3A_528 = tpu.vector_load %arg13[%get3A_526, %get3A_527] {strides = array<i32>} : memref<512x16xf32, #tpu.memory_space<vmem>>, vector<16xf32>,
      %mul3A_529 = arith.constant 16 : i32
      %mul3A_530 = arith.muli %scan3A_209, %mul3A_529 : i32
      %add3A_531 = arith.constant 13 : i32
      %add3A_532 = arith.addi %mul3A_530, %add3A_531 : i32
      %get3A_533 = arith.index_cast %add3A_532 : i32 to index
      %get3A_534 = arith.constant 0 : index
      %get3A_535 = tpu.vector_load %arg14[%get3A_533, %get3A_534] {strides = array<i32>} : memref<512x16xf32, #tpu.memory_space<vmem>>, vector<16xf32>,
      %mul3A_536 = arith.mulf %get3A_528, %get3A_535 : vector<16xf32>
      %reduce_sum3A_537 = arith.constant true
      %reduce_sum3A_538 = vector.broadcast %reduce_sum3A_537 : i1 to vector<16xi1>
      %reduce_sum3A_539 = tpu.scan <sum>, %mul3A_536 masked %reduce_sum3A_538 : vector<16xf32>, vector<16xi1> -> vector<16xf32>
      %reduce_sum3A_540 = vector.extract %reduce_sum3A_539[15] : f32 from vector<16xf32>
      %slice3A_541 = vector.extract_strided_slice %get3A_213 {offsets = [13], sizes = [1], strides = [1]} : vector<16xf32> to vector<1xf32>
      %squeeze3A_542 = vector.extract %slice3A_541[0] : f32 from vector<1xf32>
      %sub3A_543 = arith.subf %reduce_sum3A_540, %squeeze3A_542 : f32
      %mul3A_544 = arith.mulf %sub3A_543, %sub3A_543 : f32
      %add3A_545 = arith.addf %add3A_521, %mul3A_544 : f32
      %mul3A_546 = arith.constant 16 : i32
      %mul3A_547 = arith.muli %scan3A_209, %mul3A_546 : i32
      %add3A_548 = arith.constant 14 : i32
      %add3A_549 = arith.addi %mul3A_547, %add3A_548 : i32
      %get3A_550 = arith.index_cast %add3A_549 : i32 to index
      %get3A_551 = arith.constant 0 : index
      %get3A_552 = tpu.vector_load %arg13[%get3A_550, %get3A_551] {strides = array<i32>} : memref<512x16xf32, #tpu.memory_space<vmem>>, vector<16xf32>,
      %mul3A_553 = arith.constant 16 : i32
      %mul3A_554 = arith.muli %scan3A_209, %mul3A_553 : i32
      %add3A_555 = arith.constant 14 : i32
      %add3A_556 = arith.addi %mul3A_554, %add3A_555 : i32
      %get3A_557 = arith.index_cast %add3A_556 : i32 to index
      %get3A_558 = arith.constant 0 : index
      %get3A_559 = tpu.vector_load %arg14[%get3A_557, %get3A_558] {strides = array<i32>} : memref<512x16xf32, #tpu.memory_space<vmem>>, vector<16xf32>,
      %mul3A_560 = arith.mulf %get3A_552, %get3A_559 : vector<16xf32>
      %reduce_sum3A_561 = arith.constant true
      %reduce_sum3A_562 = vector.broadcast %reduce_sum3A_561 : i1 to vector<16xi1>
      %reduce_sum3A_563 = tpu.scan <sum>, %mul3A_560 masked %reduce_sum3A_562 : vector<16xf32>, vector<16xi1> -> vector<16xf32>
      %reduce_sum3A_564 = vector.extract %reduce_sum3A_563[15] : f32 from vector<16xf32>
      %slice3A_565 = vector.extract_strided_slice %get3A_213 {offsets = [14], sizes = [1], strides = [1]} : vector<16xf32> to vector<1xf32>
      %squeeze3A_566 = vector.extract %slice3A_565[0] : f32 from vector<1xf32>
      %sub3A_567 = arith.subf %reduce_sum3A_564, %squeeze3A_566 : f32
      %mul3A_568 = arith.mulf %sub3A_567, %sub3A_567 : f32
      %add3A_569 = arith.addf %add3A_545, %mul3A_568 : f32
      %mul3A_570 = arith.constant 16 : i32
      %mul3A_571 = arith.muli %scan3A_209, %mul3A_570 : i32
      %add3A_572 = arith.constant 15 : i32
      %add3A_573 = arith.addi %mul3A_571, %add3A_572 : i32
      %get3A_574 = arith.index_cast %add3A_573 : i32 to index
      %get3A_575 = arith.constant 0 : index
      %get3A_576 = tpu.vector_load %arg13[%get3A_574, %get3A_575] {strides = array<i32>} : memref<512x16xf32, #tpu.memory_space<vmem>>, vector<16xf32>,
      %mul3A_577 = arith.constant 16 : i32
      %mul3A_578 = arith.muli %scan3A_209, %mul3A_577 : i32
      %add3A_579 = arith.constant 15 : i32
      %add3A_580 = arith.addi %mul3A_578, %add3A_579 : i32
      %get3A_581 = arith.index_cast %add3A_580 : i32 to index
      %get3A_582 = arith.constant 0 : index
      %get3A_583 = tpu.vector_load %arg14[%get3A_581, %get3A_582] {strides = array<i32>} : memref<512x16xf32, #tpu.memory_space<vmem>>, vector<16xf32>,
      %mul3A_584 = arith.mulf %get3A_576, %get3A_583 : vector<16xf32>
      %reduce_sum3A_585 = arith.constant true
      %reduce_sum3A_586 = vector.broadcast %reduce_sum3A_585 : i1 to vector<16xi1>
      %reduce_sum3A_587 = tpu.scan <sum>, %mul3A_584 masked %reduce_sum3A_586 : vector<16xf32>, vector<16xi1> -> vector<16xf32>
      %reduce_sum3A_588 = vector.extract %reduce_sum3A_587[15] : f32 from vector<16xf32>
      %slice3A_589 = vector.extract_strided_slice %get3A_213 {offsets = [15], sizes = [1], strides = [1]} : vector<16xf32> to vector<1xf32>
      %squeeze3A_590 = vector.extract %slice3A_589[0] : f32 from vector<1xf32>
      %sub3A_591 = arith.subf %reduce_sum3A_588, %squeeze3A_590 : f32
      %mul3A_592 = arith.mulf %sub3A_591, %sub3A_591 : f32
      %add3A_593 = arith.addf %add3A_569, %mul3A_592 : f32
      scf.yield %add3A_593 : f32
    }
    %scan3A_189 = arith.constant 32 : i32
    %mul3A_190 = arith.constant 1024 : i32
    %mul3A_191 = arith.muli %arg1, %mul3A_190 : i32
    %eq3A = arith.constant 0 : i32
    %eq3A_192 = arith.cmpi eq, %arg0, %eq3A : i32
    %convert_element_type3A = arith.extui %eq3A_192 : i1 to i32
    %cond3A = arith.constant 0 : i32
    %cond3A_193 = arith.cmpi ne, %convert_element_type3A, %cond3A : i32
    scf.if %cond3A_193 {
      %add3A_209 = arith.constant 0 : i32
      %add3A_210 = arith.addi %mul3A_191, %add3A_209 : i32
      %run_scoped3A_211 = arith.constant 0 : i32
      "tpu.region"() ({
        %run_scoped3A_417 = tpu.sem_alloc : memref<!tpu.dma_semaphore, #tpu.memory_space<semaphore_mem>>
        %dma_start3A_418 = arith.constant 0 : i32
        %dma_start3A_419 = tpu.memref_slice %arg16[%run_scoped3A_211, %dma_start3A_418] : memref<8x128xi32, #tpu.memory_space<vmem>> -> memref<1x128xi32, #tpu.memory_space<vmem>>
        %dma_start3A_420 = tpu.memref_squeeze %dma_start3A_419 : memref<1x128xi32, #tpu.memory_space<vmem>> -> memref<128xi32, #tpu.memory_space<vmem>>
        %dma_start3A_421 = tpu.memref_slice %arg2[%add3A_210] : memref<16384xi32, #tpu.memory_space<hbm>> -> memref<128xi32, #tpu.memory_space<hbm>>
        %dma_start3A_422 = arith.constant 0 : i32
        %dma_start3A_423 = tpu.memref_slice %arg16[%run_scoped3A_211, %dma_start3A_422] : memref<8x128xi32, #tpu.memory_space<vmem>> -> memref<1x128xi32, #tpu.memory_space<vmem>>
        %dma_start3A_424 = tpu.memref_squeeze %dma_start3A_423 : memref<1x128xi32, #tpu.memory_space<vmem>> -> memref<128xi32, #tpu.memory_space<vmem>>
        %dma_start3A_425 = tpu.memref_slice %arg2[%add3A_210] : memref<16384xi32, #tpu.memory_space<hbm>> -> memref<128xi32, #tpu.memory_space<hbm>>
        tpu.enqueue_dma source(%dma_start3A_425 : memref<128xi32, #tpu.memory_space<hbm>>) target(%dma_start3A_424 : memref<128xi32, #tpu.memory_space<vmem>>) target_semaphore(%run_scoped3A_417 : memref<!tpu.dma_semaphore, #tpu.memory_space<semaphore_mem>>)
        %dma_wait3A_426 = arith.constant 0 : i32
        %dma_wait3A_427 = tpu.memref_slice %arg16[%run_scoped3A_211, %dma_wait3A_426] : memref<8x128xi32, #tpu.memory_space<vmem>> -> memref<1x128xi32, #tpu.memory_space<vmem>>
        %dma_wait3A_428 = tpu.memref_squeeze %dma_wait3A_427 : memref<1x128xi32, #tpu.memory_space<vmem>> -> memref<128xi32, #tpu.memory_space<vmem>>
        %dma_wait3A_429 = tpu.memref_slice %arg2[%add3A_210] : memref<16384xi32, #tpu.memory_space<hbm>> -> memref<128xi32, #tpu.memory_space<hbm>>
        %dma_wait3A_430 = arith.constant 0 : i32
        %dma_wait3A_431 = tpu.memref_slice %arg16[%run_scoped3A_211, %dma_wait3A_430] : memref<8x128xi32, #tpu.memory_space<vmem>> -> memref<1x128xi32, #tpu.memory_space<vmem>>
        %dma_wait3A_432 = tpu.memref_squeeze %dma_wait3A_431 : memref<1x128xi32, #tpu.memory_space<vmem>> -> memref<128xi32, #tpu.memory_space<vmem>>
        %dma_wait3A_433 = tpu.memref_slice %arg2[%add3A_210] : memref<16384xi32, #tpu.memory_space<hbm>> -> memref<128xi32, #tpu.memory_space<hbm>>
        tpu.wait_dma2 semaphore(%run_scoped3A_417 : memref<!tpu.dma_semaphore, #tpu.memory_space<semaphore_mem>>) src(%dma_wait3A_433 : memref<128xi32, #tpu.memory_space<hbm>>) dst(%dma_wait3A_432 : memref<128xi32, #tpu.memory_space<vmem>>)
        tpu.yield
      }) : () -> ()
      %add3A_212 = arith.constant 0 : i32
      %add3A_213 = arith.addi %mul3A_191, %add3A_212 : i32
      %run_scoped3A_214 = arith.constant 0 : i32
      "tpu.region"() ({
        %run_scoped3A_417 = tpu.sem_alloc : memref<!tpu.dma_semaphore, #tpu.memory_space<semaphore_mem>>
        %dma_start3A_418 = arith.constant 0 : i32
        %dma_start3A_419 = tpu.memref_slice %arg17[%run_scoped3A_214, %dma_start3A_418] : memref<8x128xi32, #tpu.memory_space<vmem>> -> memref<1x128xi32, #tpu.memory_space<vmem>>
        %dma_start3A_420 = tpu.memref_squeeze %dma_start3A_419 : memref<1x128xi32, #tpu.memory_space<vmem>> -> memref<128xi32, #tpu.memory_space<vmem>>
        %dma_start3A_421 = tpu.memref_slice %arg5[%add3A_213] : memref<16384xi32, #tpu.memory_space<hbm>> -> memref<128xi32, #tpu.memory_space<hbm>>
        %dma_start3A_422 = arith.constant 0 : i32
        %dma_start3A_423 = tpu.memref_slice %arg17[%run_scoped3A_214, %dma_start3A_422] : memref<8x128xi32, #tpu.memory_space<vmem>> -> memref<1x128xi32, #tpu.memory_space<vmem>>
        %dma_start3A_424 = tpu.memref_squeeze %dma_start3A_423 : memref<1x128xi32, #tpu.memory_space<vmem>> -> memref<128xi32, #tpu.memory_space<vmem>>
        %dma_start3A_425 = tpu.memref_slice %arg5[%add3A_213] : memref<16384xi32, #tpu.memory_space<hbm>> -> memref<128xi32, #tpu.memory_space<hbm>>
        tpu.enqueue_dma source(%dma_start3A_425 : memref<128xi32, #tpu.memory_space<hbm>>) target(%dma_start3A_424 : memref<128xi32, #tpu.memory_space<vmem>>) target_semaphore(%run_scoped3A_417 : memref<!tpu.dma_semaphore, #tpu.memory_space<semaphore_mem>>)
        %dma_wait3A_426 = arith.constant 0 : i32
        %dma_wait3A_427 = tpu.memref_slice %arg17[%run_scoped3A_214, %dma_wait3A_426] : memref<8x128xi32, #tpu.memory_space<vmem>> -> memref<1x128xi32, #tpu.memory_space<vmem>>
        %dma_wait3A_428 = tpu.memref_squeeze %dma_wait3A_427 : memref<1x128xi32, #tpu.memory_space<vmem>> -> memref<128xi32, #tpu.memory_space<vmem>>
        %dma_wait3A_429 = tpu.memref_slice %arg5[%add3A_213] : memref<16384xi32, #tpu.memory_space<hbm>> -> memref<128xi32, #tpu.memory_space<hbm>>
        %dma_wait3A_430 = arith.constant 0 : i32
        %dma_wait3A_431 = tpu.memref_slice %arg17[%run_scoped3A_214, %dma_wait3A_430] : memref<8x128xi32, #tpu.memory_space<vmem>> -> memref<1x128xi32, #tpu.memory_space<vmem>>
        %dma_wait3A_432 = tpu.memref_squeeze %dma_wait3A_431 : memref<1x128xi32, #tpu.memory_space<vmem>> -> memref<128xi32, #tpu.memory_space<vmem>>
        %dma_wait3A_433 = tpu.memref_slice %arg5[%add3A_213] : memref<16384xi32, #tpu.memory_space<hbm>> -> memref<128xi32, #tpu.memory_space<hbm>>
        tpu.wait_dma2 semaphore(%run_scoped3A_417 : memref<!tpu.dma_semaphore, #tpu.memory_space<semaphore_mem>>) src(%dma_wait3A_433 : memref<128xi32, #tpu.memory_space<hbm>>) dst(%dma_wait3A_432 : memref<128xi32, #tpu.memory_space<vmem>>)
        tpu.yield
      }) : () -> ()
      %add3A_215 = arith.constant 128 : i32
      %add3A_216 = arith.addi %mul3A_191, %add3A_215 : i32
      %run_scoped3A_217 = arith.constant 1 : i32
      "tpu.region"() ({
        %run_scoped3A_417 = tpu.sem_alloc : memref<!tpu.dma_semaphore, #tpu.memory_space<semaphore_mem>>
        %dma_start3A_418 = arith.constant 0 : i32
        %dma_start3A_419 = tpu.memref_slice %arg16[%run_scoped3A_217, %dma_start3A_418] : memref<8x128xi32, #tpu.memory_space<vmem>> -> memref<1x128xi32, #tpu.memory_space<vmem>>
        %dma_start3A_420 = tpu.memref_squeeze %dma_start3A_419 : memref<1x128xi32, #tpu.memory_space<vmem>> -> memref<128xi32, #tpu.memory_space<vmem>>
        %dma_start3A_421 = tpu.memref_slice %arg2[%add3A_216] : memref<16384xi32, #tpu.memory_space<hbm>> -> memref<128xi32, #tpu.memory_space<hbm>>
        %dma_start3A_422 = arith.constant 0 : i32
        %dma_start3A_423 = tpu.memref_slice %arg16[%run_scoped3A_217, %dma_start3A_422] : memref<8x128xi32, #tpu.memory_space<vmem>> -> memref<1x128xi32, #tpu.memory_space<vmem>>
        %dma_start3A_424 = tpu.memref_squeeze %dma_start3A_423 : memref<1x128xi32, #tpu.memory_space<vmem>> -> memref<128xi32, #tpu.memory_space<vmem>>
        %dma_start3A_425 = tpu.memref_slice %arg2[%add3A_216] : memref<16384xi32, #tpu.memory_space<hbm>> -> memref<128xi32, #tpu.memory_space<hbm>>
        tpu.enqueue_dma source(%dma_start3A_425 : memref<128xi32, #tpu.memory_space<hbm>>) target(%dma_start3A_424 : memref<128xi32, #tpu.memory_space<vmem>>) target_semaphore(%run_scoped3A_417 : memref<!tpu.dma_semaphore, #tpu.memory_space<semaphore_mem>>)
        %dma_wait3A_426 = arith.constant 0 : i32
        %dma_wait3A_427 = tpu.memref_slice %arg16[%run_scoped3A_217, %dma_wait3A_426] : memref<8x128xi32, #tpu.memory_space<vmem>> -> memref<1x128xi32, #tpu.memory_space<vmem>>
        %dma_wait3A_428 = tpu.memref_squeeze %dma_wait3A_427 : memref<1x128xi32, #tpu.memory_space<vmem>> -> memref<128xi32, #tpu.memory_space<vmem>>
        %dma_wait3A_429 = tpu.memref_slice %arg2[%add3A_216] : memref<16384xi32, #tpu.memory_space<hbm>> -> memref<128xi32, #tpu.memory_space<hbm>>
        %dma_wait3A_430 = arith.constant 0 : i32
        %dma_wait3A_431 = tpu.memref_slice %arg16[%run_scoped3A_217, %dma_wait3A_430] : memref<8x128xi32, #tpu.memory_space<vmem>> -> memref<1x128xi32, #tpu.memory_space<vmem>>
        %dma_wait3A_432 = tpu.memref_squeeze %dma_wait3A_431 : memref<1x128xi32, #tpu.memory_space<vmem>> -> memref<128xi32, #tpu.memory_space<vmem>>
        %dma_wait3A_433 = tpu.memref_slice %arg2[%add3A_216] : memref<16384xi32, #tpu.memory_space<hbm>> -> memref<128xi32, #tpu.memory_space<hbm>>
        tpu.wait_dma2 semaphore(%run_scoped3A_417 : memref<!tpu.dma_semaphore, #tpu.memory_space<semaphore_mem>>) src(%dma_wait3A_433 : memref<128xi32, #tpu.memory_space<hbm>>) dst(%dma_wait3A_432 : memref<128xi32, #tpu.memory_space<vmem>>)
        tpu.yield
      }) : () -> ()
      %add3A_218 = arith.constant 128 : i32
      %add3A_219 = arith.addi %mul3A_191, %add3A_218 : i32
      %run_scoped3A_220 = arith.constant 1 : i32
      "tpu.region"() ({
        %run_scoped3A_417 = tpu.sem_alloc : memref<!tpu.dma_semaphore, #tpu.memory_space<semaphore_mem>>
        %dma_start3A_418 = arith.constant 0 : i32
        %dma_start3A_419 = tpu.memref_slice %arg17[%run_scoped3A_220, %dma_start3A_418] : memref<8x128xi32, #tpu.memory_space<vmem>> -> memref<1x128xi32, #tpu.memory_space<vmem>>
        %dma_start3A_420 = tpu.memref_squeeze %dma_start3A_419 : memref<1x128xi32, #tpu.memory_space<vmem>> -> memref<128xi32, #tpu.memory_space<vmem>>
        %dma_start3A_421 = tpu.memref_slice %arg5[%add3A_219] : memref<16384xi32, #tpu.memory_space<hbm>> -> memref<128xi32, #tpu.memory_space<hbm>>
        %dma_start3A_422 = arith.constant 0 : i32
        %dma_start3A_423 = tpu.memref_slice %arg17[%run_scoped3A_220, %dma_start3A_422] : memref<8x128xi32, #tpu.memory_space<vmem>> -> memref<1x128xi32, #tpu.memory_space<vmem>>
        %dma_start3A_424 = tpu.memref_squeeze %dma_start3A_423 : memref<1x128xi32, #tpu.memory_space<vmem>> -> memref<128xi32, #tpu.memory_space<vmem>>
        %dma_start3A_425 = tpu.memref_slice %arg5[%add3A_219] : memref<16384xi32, #tpu.memory_space<hbm>> -> memref<128xi32, #tpu.memory_space<hbm>>
        tpu.enqueue_dma source(%dma_start3A_425 : memref<128xi32, #tpu.memory_space<hbm>>) target(%dma_start3A_424 : memref<128xi32, #tpu.memory_space<vmem>>) target_semaphore(%run_scoped3A_417 : memref<!tpu.dma_semaphore, #tpu.memory_space<semaphore_mem>>)
        %dma_wait3A_426 = arith.constant 0 : i32
        %dma_wait3A_427 = tpu.memref_slice %arg17[%run_scoped3A_220, %dma_wait3A_426] : memref<8x128xi32, #tpu.memory_space<vmem>> -> memref<1x128xi32, #tpu.memory_space<vmem>>
        %dma_wait3A_428 = tpu.memref_squeeze %dma_wait3A_427 : memref<1x128xi32, #tpu.memory_space<vmem>> -> memref<128xi32, #tpu.memory_space<vmem>>
        %dma_wait3A_429 = tpu.memref_slice %arg5[%add3A_219] : memref<16384xi32, #tpu.memory_space<hbm>> -> memref<128xi32, #tpu.memory_space<hbm>>
        %dma_wait3A_430 = arith.constant 0 : i32
        %dma_wait3A_431 = tpu.memref_slice %arg17[%run_scoped3A_220, %dma_wait3A_430] : memref<8x128xi32, #tpu.memory_space<vmem>> -> memref<1x128xi32, #tpu.memory_space<vmem>>
        %dma_wait3A_432 = tpu.memref_squeeze %dma_wait3A_431 : memref<1x128xi32, #tpu.memory_space<vmem>> -> memref<128xi32, #tpu.memory_space<vmem>>
        %dma_wait3A_433 = tpu.memref_slice %arg5[%add3A_219] : memref<16384xi32, #tpu.memory_space<hbm>> -> memref<128xi32, #tpu.memory_space<hbm>>
        tpu.wait_dma2 semaphore(%run_scoped3A_417 : memref<!tpu.dma_semaphore, #tpu.memory_space<semaphore_mem>>) src(%dma_wait3A_433 : memref<128xi32, #tpu.memory_space<hbm>>) dst(%dma_wait3A_432 : memref<128xi32, #tpu.memory_space<vmem>>)
        tpu.yield
      }) : () -> ()
      %add3A_221 = arith.constant 256 : i32
      %add3A_222 = arith.addi %mul3A_191, %add3A_221 : i32
      %run_scoped3A_223 = arith.constant 2 : i32
      "tpu.region"() ({
        %run_scoped3A_417 = tpu.sem_alloc : memref<!tpu.dma_semaphore, #tpu.memory_space<semaphore_mem>>
        %dma_start3A_418 = arith.constant 0 : i32
        %dma_start3A_419 = tpu.memref_slice %arg16[%run_scoped3A_223, %dma_start3A_418] : memref<8x128xi32, #tpu.memory_space<vmem>> -> memref<1x128xi32, #tpu.memory_space<vmem>>
        %dma_start3A_420 = tpu.memref_squeeze %dma_start3A_419 : memref<1x128xi32, #tpu.memory_space<vmem>> -> memref<128xi32, #tpu.memory_space<vmem>>
        %dma_start3A_421 = tpu.memref_slice %arg2[%add3A_222] : memref<16384xi32, #tpu.memory_space<hbm>> -> memref<128xi32, #tpu.memory_space<hbm>>
        %dma_start3A_422 = arith.constant 0 : i32
        %dma_start3A_423 = tpu.memref_slice %arg16[%run_scoped3A_223, %dma_start3A_422] : memref<8x128xi32, #tpu.memory_space<vmem>> -> memref<1x128xi32, #tpu.memory_space<vmem>>
        %dma_start3A_424 = tpu.memref_squeeze %dma_start3A_423 : memref<1x128xi32, #tpu.memory_space<vmem>> -> memref<128xi32, #tpu.memory_space<vmem>>
        %dma_start3A_425 = tpu.memref_slice %arg2[%add3A_222] : memref<16384xi32, #tpu.memory_space<hbm>> -> memref<128xi32, #tpu.memory_space<hbm>>
        tpu.enqueue_dma source(%dma_start3A_425 : memref<128xi32, #tpu.memory_space<hbm>>) target(%dma_start3A_424 : memref<128xi32, #tpu.memory_space<vmem>>) target_semaphore(%run_scoped3A_417 : memref<!tpu.dma_semaphore, #tpu.memory_space<semaphore_mem>>)
        %dma_wait3A_426 = arith.constant 0 : i32
        %dma_wait3A_427 = tpu.memref_slice %arg16[%run_scoped3A_223, %dma_wait3A_426] : memref<8x128xi32, #tpu.memory_space<vmem>> -> memref<1x128xi32, #tpu.memory_space<vmem>>
        %dma_wait3A_428 = tpu.memref_squeeze %dma_wait3A_427 : memref<1x128xi32, #tpu.memory_space<vmem>> -> memref<128xi32, #tpu.memory_space<vmem>>
        %dma_wait3A_429 = tpu.memref_slice %arg2[%add3A_222] : memref<16384xi32, #tpu.memory_space<hbm>> -> memref<128xi32, #tpu.memory_space<hbm>>
        %dma_wait3A_430 = arith.constant 0 : i32
        %dma_wait3A_431 = tpu.memref_slice %arg16[%run_scoped3A_223, %dma_wait3A_430] : memref<8x128xi32, #tpu.memory_space<vmem>> -> memref<1x128xi32, #tpu.memory_space<vmem>>
        %dma_wait3A_432 = tpu.memref_squeeze %dma_wait3A_431 : memref<1x128xi32, #tpu.memory_space<vmem>> -> memref<128xi32, #tpu.memory_space<vmem>>
        %dma_wait3A_433 = tpu.memref_slice %arg2[%add3A_222] : memref<16384xi32, #tpu.memory_space<hbm>> -> memref<128xi32, #tpu.memory_space<hbm>>
        tpu.wait_dma2 semaphore(%run_scoped3A_417 : memref<!tpu.dma_semaphore, #tpu.memory_space<semaphore_mem>>) src(%dma_wait3A_433 : memref<128xi32, #tpu.memory_space<hbm>>) dst(%dma_wait3A_432 : memref<128xi32, #tpu.memory_space<vmem>>)
        tpu.yield
      }) : () -> ()
      %add3A_224 = arith.constant 256 : i32
      %add3A_225 = arith.addi %mul3A_191, %add3A_224 : i32
      %run_scoped3A_226 = arith.constant 2 : i32
      "tpu.region"() ({
        %run_scoped3A_417 = tpu.sem_alloc : memref<!tpu.dma_semaphore, #tpu.memory_space<semaphore_mem>>
        %dma_start3A_418 = arith.constant 0 : i32
        %dma_start3A_419 = tpu.memref_slice %arg17[%run_scoped3A_226, %dma_start3A_418] : memref<8x128xi32, #tpu.memory_space<vmem>> -> memref<1x128xi32, #tpu.memory_space<vmem>>
        %dma_start3A_420 = tpu.memref_squeeze %dma_start3A_419 : memref<1x128xi32, #tpu.memory_space<vmem>> -> memref<128xi32, #tpu.memory_space<vmem>>
        %dma_start3A_421 = tpu.memref_slice %arg5[%add3A_225] : memref<16384xi32, #tpu.memory_space<hbm>> -> memref<128xi32, #tpu.memory_space<hbm>>
        %dma_start3A_422 = arith.constant 0 : i32
        %dma_start3A_423 = tpu.memref_slice %arg17[%run_scoped3A_226, %dma_start3A_422] : memref<8x128xi32, #tpu.memory_space<vmem>> -> memref<1x128xi32, #tpu.memory_space<vmem>>
        %dma_start3A_424 = tpu.memref_squeeze %dma_start3A_423 : memref<1x128xi32, #tpu.memory_space<vmem>> -> memref<128xi32, #tpu.memory_space<vmem>>
        %dma_start3A_425 = tpu.memref_slice %arg5[%add3A_225] : memref<16384xi32, #tpu.memory_space<hbm>> -> memref<128xi32, #tpu.memory_space<hbm>>
        tpu.enqueue_dma source(%dma_start3A_425 : memref<128xi32, #tpu.memory_space<hbm>>) target(%dma_start3A_424 : memref<128xi32, #tpu.memory_space<vmem>>) target_semaphore(%run_scoped3A_417 : memref<!tpu.dma_semaphore, #tpu.memory_space<semaphore_mem>>)
        %dma_wait3A_426 = arith.constant 0 : i32
        %dma_wait3A_427 = tpu.memref_slice %arg17[%run_scoped3A_226, %dma_wait3A_426] : memref<8x128xi32, #tpu.memory_space<vmem>> -> memref<1x128xi32, #tpu.memory_space<vmem>>
        %dma_wait3A_428 = tpu.memref_squeeze %dma_wait3A_427 : memref<1x128xi32, #tpu.memory_space<vmem>> -> memref<128xi32, #tpu.memory_space<vmem>>
        %dma_wait3A_429 = tpu.memref_slice %arg5[%add3A_225] : memref<16384xi32, #tpu.memory_space<hbm>> -> memref<128xi32, #tpu.memory_space<hbm>>
        %dma_wait3A_430 = arith.constant 0 : i32
        %dma_wait3A_431 = tpu.memref_slice %arg17[%run_scoped3A_226, %dma_wait3A_430] : memref<8x128xi32, #tpu.memory_space<vmem>> -> memref<1x128xi32, #tpu.memory_space<vmem>>
        %dma_wait3A_432 = tpu.memref_squeeze %dma_wait3A_431 : memref<1x128xi32, #tpu.memory_space<vmem>> -> memref<128xi32, #tpu.memory_space<vmem>>
        %dma_wait3A_433 = tpu.memref_slice %arg5[%add3A_225] : memref<16384xi32, #tpu.memory_space<hbm>> -> memref<128xi32, #tpu.memory_space<hbm>>
        tpu.wait_dma2 semaphore(%run_scoped3A_417 : memref<!tpu.dma_semaphore, #tpu.memory_space<semaphore_mem>>) src(%dma_wait3A_433 : memref<128xi32, #tpu.memory_space<hbm>>) dst(%dma_wait3A_432 : memref<128xi32, #tpu.memory_space<vmem>>)
        tpu.yield
      }) : () -> ()
      %add3A_227 = arith.constant 384 : i32
      %add3A_228 = arith.addi %mul3A_191, %add3A_227 : i32
      %run_scoped3A_229 = arith.constant 3 : i32
      "tpu.region"() ({
        %run_scoped3A_417 = tpu.sem_alloc : memref<!tpu.dma_semaphore, #tpu.memory_space<semaphore_mem>>
        %dma_start3A_418 = arith.constant 0 : i32
        %dma_start3A_419 = tpu.memref_slice %arg16[%run_scoped3A_229, %dma_start3A_418] : memref<8x128xi32, #tpu.memory_space<vmem>> -> memref<1x128xi32, #tpu.memory_space<vmem>>
        %dma_start3A_420 = tpu.memref_squeeze %dma_start3A_419 : memref<1x128xi32, #tpu.memory_space<vmem>> -> memref<128xi32, #tpu.memory_space<vmem>>
        %dma_start3A_421 = tpu.memref_slice %arg2[%add3A_228] : memref<16384xi32, #tpu.memory_space<hbm>> -> memref<128xi32, #tpu.memory_space<hbm>>
        %dma_start3A_422 = arith.constant 0 : i32
        %dma_start3A_423 = tpu.memref_slice %arg16[%run_scoped3A_229, %dma_start3A_422] : memref<8x128xi32, #tpu.memory_space<vmem>> -> memref<1x128xi32, #tpu.memory_space<vmem>>
        %dma_start3A_424 = tpu.memref_squeeze %dma_start3A_423 : memref<1x128xi32, #tpu.memory_space<vmem>> -> memref<128xi32, #tpu.memory_space<vmem>>
        %dma_start3A_425 = tpu.memref_slice %arg2[%add3A_228] : memref<16384xi32, #tpu.memory_space<hbm>> -> memref<128xi32, #tpu.memory_space<hbm>>
        tpu.enqueue_dma source(%dma_start3A_425 : memref<128xi32, #tpu.memory_space<hbm>>) target(%dma_start3A_424 : memref<128xi32, #tpu.memory_space<vmem>>) target_semaphore(%run_scoped3A_417 : memref<!tpu.dma_semaphore, #tpu.memory_space<semaphore_mem>>)
        %dma_wait3A_426 = arith.constant 0 : i32
        %dma_wait3A_427 = tpu.memref_slice %arg16[%run_scoped3A_229, %dma_wait3A_426] : memref<8x128xi32, #tpu.memory_space<vmem>> -> memref<1x128xi32, #tpu.memory_space<vmem>>
        %dma_wait3A_428 = tpu.memref_squeeze %dma_wait3A_427 : memref<1x128xi32, #tpu.memory_space<vmem>> -> memref<128xi32, #tpu.memory_space<vmem>>
        %dma_wait3A_429 = tpu.memref_slice %arg2[%add3A_228] : memref<16384xi32, #tpu.memory_space<hbm>> -> memref<128xi32, #tpu.memory_space<hbm>>
        %dma_wait3A_430 = arith.constant 0 : i32
        %dma_wait3A_431 = tpu.memref_slice %arg16[%run_scoped3A_229, %dma_wait3A_430] : memref<8x128xi32, #tpu.memory_space<vmem>> -> memref<1x128xi32, #tpu.memory_space<vmem>>
        %dma_wait3A_432 = tpu.memref_squeeze %dma_wait3A_431 : memref<1x128xi32, #tpu.memory_space<vmem>> -> memref<128xi32, #tpu.memory_space<vmem>>
        %dma_wait3A_433 = tpu.memref_slice %arg2[%add3A_228] : memref<16384xi32, #tpu.memory_space<hbm>> -> memref<128xi32, #tpu.memory_space<hbm>>
        tpu.wait_dma2 semaphore(%run_scoped3A_417 : memref<!tpu.dma_semaphore, #tpu.memory_space<semaphore_mem>>) src(%dma_wait3A_433 : memref<128xi32, #tpu.memory_space<hbm>>) dst(%dma_wait3A_432 : memref<128xi32, #tpu.memory_space<vmem>>)
        tpu.yield
      }) : () -> ()
      %add3A_230 = arith.constant 384 : i32
      %add3A_231 = arith.addi %mul3A_191, %add3A_230 : i32
      %run_scoped3A_232 = arith.constant 3 : i32
      "tpu.region"() ({
        %run_scoped3A_417 = tpu.sem_alloc : memref<!tpu.dma_semaphore, #tpu.memory_space<semaphore_mem>>
        %dma_start3A_418 = arith.constant 0 : i32
        %dma_start3A_419 = tpu.memref_slice %arg17[%run_scoped3A_232, %dma_start3A_418] : memref<8x128xi32, #tpu.memory_space<vmem>> -> memref<1x128xi32, #tpu.memory_space<vmem>>
        %dma_start3A_420 = tpu.memref_squeeze %dma_start3A_419 : memref<1x128xi32, #tpu.memory_space<vmem>> -> memref<128xi32, #tpu.memory_space<vmem>>
        %dma_start3A_421 = tpu.memref_slice %arg5[%add3A_231] : memref<16384xi32, #tpu.memory_space<hbm>> -> memref<128xi32, #tpu.memory_space<hbm>>
        %dma_start3A_422 = arith.constant 0 : i32
        %dma_start3A_423 = tpu.memref_slice %arg17[%run_scoped3A_232, %dma_start3A_422] : memref<8x128xi32, #tpu.memory_space<vmem>> -> memref<1x128xi32, #tpu.memory_space<vmem>>
        %dma_start3A_424 = tpu.memref_squeeze %dma_start3A_423 : memref<1x128xi32, #tpu.memory_space<vmem>> -> memref<128xi32, #tpu.memory_space<vmem>>
        %dma_start3A_425 = tpu.memref_slice %arg5[%add3A_231] : memref<16384xi32, #tpu.memory_space<hbm>> -> memref<128xi32, #tpu.memory_space<hbm>>
        tpu.enqueue_dma source(%dma_start3A_425 : memref<128xi32, #tpu.memory_space<hbm>>) target(%dma_start3A_424 : memref<128xi32, #tpu.memory_space<vmem>>) target_semaphore(%run_scoped3A_417 : memref<!tpu.dma_semaphore, #tpu.memory_space<semaphore_mem>>)
        %dma_wait3A_426 = arith.constant 0 : i32
        %dma_wait3A_427 = tpu.memref_slice %arg17[%run_scoped3A_232, %dma_wait3A_426] : memref<8x128xi32, #tpu.memory_space<vmem>> -> memref<1x128xi32, #tpu.memory_space<vmem>>
        %dma_wait3A_428 = tpu.memref_squeeze %dma_wait3A_427 : memref<1x128xi32, #tpu.memory_space<vmem>> -> memref<128xi32, #tpu.memory_space<vmem>>
        %dma_wait3A_429 = tpu.memref_slice %arg5[%add3A_231] : memref<16384xi32, #tpu.memory_space<hbm>> -> memref<128xi32, #tpu.memory_space<hbm>>
        %dma_wait3A_430 = arith.constant 0 : i32
        %dma_wait3A_431 = tpu.memref_slice %arg17[%run_scoped3A_232, %dma_wait3A_430] : memref<8x128xi32, #tpu.memory_space<vmem>> -> memref<1x128xi32, #tpu.memory_space<vmem>>
        %dma_wait3A_432 = tpu.memref_squeeze %dma_wait3A_431 : memref<1x128xi32, #tpu.memory_space<vmem>> -> memref<128xi32, #tpu.memory_space<vmem>>
        %dma_wait3A_433 = tpu.memref_slice %arg5[%add3A_231] : memref<16384xi32, #tpu.memory_space<hbm>> -> memref<128xi32, #tpu.memory_space<hbm>>
        tpu.wait_dma2 semaphore(%run_scoped3A_417 : memref<!tpu.dma_semaphore, #tpu.memory_space<semaphore_mem>>) src(%dma_wait3A_433 : memref<128xi32, #tpu.memory_space<hbm>>) dst(%dma_wait3A_432 : memref<128xi32, #tpu.memory_space<vmem>>)
        tpu.yield
      }) : () -> ()
      %add3A_233 = arith.constant 512 : i32
      %add3A_234 = arith.addi %mul3A_191, %add3A_233 : i32
      %run_scoped3A_235 = arith.constant 4 : i32
      "tpu.region"() ({
        %run_scoped3A_417 = tpu.sem_alloc : memref<!tpu.dma_semaphore, #tpu.memory_space<semaphore_mem>>
        %dma_start3A_418 = arith.constant 0 : i32
        %dma_start3A_419 = tpu.memref_slice %arg16[%run_scoped3A_235, %dma_start3A_418] : memref<8x128xi32, #tpu.memory_space<vmem>> -> memref<1x128xi32, #tpu.memory_space<vmem>>
        %dma_start3A_420 = tpu.memref_squeeze %dma_start3A_419 : memref<1x128xi32, #tpu.memory_space<vmem>> -> memref<128xi32, #tpu.memory_space<vmem>>
        %dma_start3A_421 = tpu.memref_slice %arg2[%add3A_234] : memref<16384xi32, #tpu.memory_space<hbm>> -> memref<128xi32, #tpu.memory_space<hbm>>
        %dma_start3A_422 = arith.constant 0 : i32
        %dma_start3A_423 = tpu.memref_slice %arg16[%run_scoped3A_235, %dma_start3A_422] : memref<8x128xi32, #tpu.memory_space<vmem>> -> memref<1x128xi32, #tpu.memory_space<vmem>>
        %dma_start3A_424 = tpu.memref_squeeze %dma_start3A_423 : memref<1x128xi32, #tpu.memory_space<vmem>> -> memref<128xi32, #tpu.memory_space<vmem>>
        %dma_start3A_425 = tpu.memref_slice %arg2[%add3A_234] : memref<16384xi32, #tpu.memory_space<hbm>> -> memref<128xi32, #tpu.memory_space<hbm>>
        tpu.enqueue_dma source(%dma_start3A_425 : memref<128xi32, #tpu.memory_space<hbm>>) target(%dma_start3A_424 : memref<128xi32, #tpu.memory_space<vmem>>) target_semaphore(%run_scoped3A_417 : memref<!tpu.dma_semaphore, #tpu.memory_space<semaphore_mem>>)
        %dma_wait3A_426 = arith.constant 0 : i32
        %dma_wait3A_427 = tpu.memref_slice %arg16[%run_scoped3A_235, %dma_wait3A_426] : memref<8x128xi32, #tpu.memory_space<vmem>> -> memref<1x128xi32, #tpu.memory_space<vmem>>
        %dma_wait3A_428 = tpu.memref_squeeze %dma_wait3A_427 : memref<1x128xi32, #tpu.memory_space<vmem>> -> memref<128xi32, #tpu.memory_space<vmem>>
        %dma_wait3A_429 = tpu.memref_slice %arg2[%add3A_234] : memref<16384xi32, #tpu.memory_space<hbm>> -> memref<128xi32, #tpu.memory_space<hbm>>
        %dma_wait3A_430 = arith.constant 0 : i32
        %dma_wait3A_431 = tpu.memref_slice %arg16[%run_scoped3A_235, %dma_wait3A_430] : memref<8x128xi32, #tpu.memory_space<vmem>> -> memref<1x128xi32, #tpu.memory_space<vmem>>
        %dma_wait3A_432 = tpu.memref_squeeze %dma_wait3A_431 : memref<1x128xi32, #tpu.memory_space<vmem>> -> memref<128xi32, #tpu.memory_space<vmem>>
        %dma_wait3A_433 = tpu.memref_slice %arg2[%add3A_234] : memref<16384xi32, #tpu.memory_space<hbm>> -> memref<128xi32, #tpu.memory_space<hbm>>
        tpu.wait_dma2 semaphore(%run_scoped3A_417 : memref<!tpu.dma_semaphore, #tpu.memory_space<semaphore_mem>>) src(%dma_wait3A_433 : memref<128xi32, #tpu.memory_space<hbm>>) dst(%dma_wait3A_432 : memref<128xi32, #tpu.memory_space<vmem>>)
        tpu.yield
      }) : () -> ()
      %add3A_236 = arith.constant 512 : i32
      %add3A_237 = arith.addi %mul3A_191, %add3A_236 : i32
      %run_scoped3A_238 = arith.constant 4 : i32
      "tpu.region"() ({
        %run_scoped3A_417 = tpu.sem_alloc : memref<!tpu.dma_semaphore, #tpu.memory_space<semaphore_mem>>
        %dma_start3A_418 = arith.constant 0 : i32
        %dma_start3A_419 = tpu.memref_slice %arg17[%run_scoped3A_238, %dma_start3A_418] : memref<8x128xi32, #tpu.memory_space<vmem>> -> memref<1x128xi32, #tpu.memory_space<vmem>>
        %dma_start3A_420 = tpu.memref_squeeze %dma_start3A_419 : memref<1x128xi32, #tpu.memory_space<vmem>> -> memref<128xi32, #tpu.memory_space<vmem>>
        %dma_start3A_421 = tpu.memref_slice %arg5[%add3A_237] : memref<16384xi32, #tpu.memory_space<hbm>> -> memref<128xi32, #tpu.memory_space<hbm>>
        %dma_start3A_422 = arith.constant 0 : i32
        %dma_start3A_423 = tpu.memref_slice %arg17[%run_scoped3A_238, %dma_start3A_422] : memref<8x128xi32, #tpu.memory_space<vmem>> -> memref<1x128xi32, #tpu.memory_space<vmem>>
        %dma_start3A_424 = tpu.memref_squeeze %dma_start3A_423 : memref<1x128xi32, #tpu.memory_space<vmem>> -> memref<128xi32, #tpu.memory_space<vmem>>
        %dma_start3A_425 = tpu.memref_slice %arg5[%add3A_237] : memref<16384xi32, #tpu.memory_space<hbm>> -> memref<128xi32, #tpu.memory_space<hbm>>
        tpu.enqueue_dma source(%dma_start3A_425 : memref<128xi32, #tpu.memory_space<hbm>>) target(%dma_start3A_424 : memref<128xi32, #tpu.memory_space<vmem>>) target_semaphore(%run_scoped3A_417 : memref<!tpu.dma_semaphore, #tpu.memory_space<semaphore_mem>>)
        %dma_wait3A_426 = arith.constant 0 : i32
        %dma_wait3A_427 = tpu.memref_slice %arg17[%run_scoped3A_238, %dma_wait3A_426] : memref<8x128xi32, #tpu.memory_space<vmem>> -> memref<1x128xi32, #tpu.memory_space<vmem>>
        %dma_wait3A_428 = tpu.memref_squeeze %dma_wait3A_427 : memref<1x128xi32, #tpu.memory_space<vmem>> -> memref<128xi32, #tpu.memory_space<vmem>>
        %dma_wait3A_429 = tpu.memref_slice %arg5[%add3A_237] : memref<16384xi32, #tpu.memory_space<hbm>> -> memref<128xi32, #tpu.memory_space<hbm>>
        %dma_wait3A_430 = arith.constant 0 : i32
        %dma_wait3A_431 = tpu.memref_slice %arg17[%run_scoped3A_238, %dma_wait3A_430] : memref<8x128xi32, #tpu.memory_space<vmem>> -> memref<1x128xi32, #tpu.memory_space<vmem>>
        %dma_wait3A_432 = tpu.memref_squeeze %dma_wait3A_431 : memref<1x128xi32, #tpu.memory_space<vmem>> -> memref<128xi32, #tpu.memory_space<vmem>>
        %dma_wait3A_433 = tpu.memref_slice %arg5[%add3A_237] : memref<16384xi32, #tpu.memory_space<hbm>> -> memref<128xi32, #tpu.memory_space<hbm>>
        tpu.wait_dma2 semaphore(%run_scoped3A_417 : memref<!tpu.dma_semaphore, #tpu.memory_space<semaphore_mem>>) src(%dma_wait3A_433 : memref<128xi32, #tpu.memory_space<hbm>>) dst(%dma_wait3A_432 : memref<128xi32, #tpu.memory_space<vmem>>)
        tpu.yield
      }) : () -> ()
      %add3A_239 = arith.constant 640 : i32
      %add3A_240 = arith.addi %mul3A_191, %add3A_239 : i32
      %run_scoped3A_241 = arith.constant 5 : i32
      "tpu.region"() ({
        %run_scoped3A_417 = tpu.sem_alloc : memref<!tpu.dma_semaphore, #tpu.memory_space<semaphore_mem>>
        %dma_start3A_418 = arith.constant 0 : i32
        %dma_start3A_419 = tpu.memref_slice %arg16[%run_scoped3A_241, %dma_start3A_418] : memref<8x128xi32, #tpu.memory_space<vmem>> -> memref<1x128xi32, #tpu.memory_space<vmem>>
        %dma_start3A_420 = tpu.memref_squeeze %dma_start3A_419 : memref<1x128xi32, #tpu.memory_space<vmem>> -> memref<128xi32, #tpu.memory_space<vmem>>
        %dma_start3A_421 = tpu.memref_slice %arg2[%add3A_240] : memref<16384xi32, #tpu.memory_space<hbm>> -> memref<128xi32, #tpu.memory_space<hbm>>
        %dma_start3A_422 = arith.constant 0 : i32
        %dma_start3A_423 = tpu.memref_slice %arg16[%run_scoped3A_241, %dma_start3A_422] : memref<8x128xi32, #tpu.memory_space<vmem>> -> memref<1x128xi32, #tpu.memory_space<vmem>>
        %dma_start3A_424 = tpu.memref_squeeze %dma_start3A_423 : memref<1x128xi32, #tpu.memory_space<vmem>> -> memref<128xi32, #tpu.memory_space<vmem>>
        %dma_start3A_425 = tpu.memref_slice %arg2[%add3A_240] : memref<16384xi32, #tpu.memory_space<hbm>> -> memref<128xi32, #tpu.memory_space<hbm>>
        tpu.enqueue_dma source(%dma_start3A_425 : memref<128xi32, #tpu.memory_space<hbm>>) target(%dma_start3A_424 : memref<128xi32, #tpu.memory_space<vmem>>) target_semaphore(%run_scoped3A_417 : memref<!tpu.dma_semaphore, #tpu.memory_space<semaphore_mem>>)
        %dma_wait3A_426 = arith.constant 0 : i32
        %dma_wait3A_427 = tpu.memref_slice %arg16[%run_scoped3A_241, %dma_wait3A_426] : memref<8x128xi32, #tpu.memory_space<vmem>> -> memref<1x128xi32, #tpu.memory_space<vmem>>
        %dma_wait3A_428 = tpu.memref_squeeze %dma_wait3A_427 : memref<1x128xi32, #tpu.memory_space<vmem>> -> memref<128xi32, #tpu.memory_space<vmem>>
        %dma_wait3A_429 = tpu.memref_slice %arg2[%add3A_240] : memref<16384xi32, #tpu.memory_space<hbm>> -> memref<128xi32, #tpu.memory_space<hbm>>
        %dma_wait3A_430 = arith.constant 0 : i32
        %dma_wait3A_431 = tpu.memref_slice %arg16[%run_scoped3A_241, %dma_wait3A_430] : memref<8x128xi32, #tpu.memory_space<vmem>> -> memref<1x128xi32, #tpu.memory_space<vmem>>
        %dma_wait3A_432 = tpu.memref_squeeze %dma_wait3A_431 : memref<1x128xi32, #tpu.memory_space<vmem>> -> memref<128xi32, #tpu.memory_space<vmem>>
        %dma_wait3A_433 = tpu.memref_slice %arg2[%add3A_240] : memref<16384xi32, #tpu.memory_space<hbm>> -> memref<128xi32, #tpu.memory_space<hbm>>
        tpu.wait_dma2 semaphore(%run_scoped3A_417 : memref<!tpu.dma_semaphore, #tpu.memory_space<semaphore_mem>>) src(%dma_wait3A_433 : memref<128xi32, #tpu.memory_space<hbm>>) dst(%dma_wait3A_432 : memref<128xi32, #tpu.memory_space<vmem>>)
        tpu.yield
      }) : () -> ()
      %add3A_242 = arith.constant 640 : i32
      %add3A_243 = arith.addi %mul3A_191, %add3A_242 : i32
      %run_scoped3A_244 = arith.constant 5 : i32
      "tpu.region"() ({
        %run_scoped3A_417 = tpu.sem_alloc : memref<!tpu.dma_semaphore, #tpu.memory_space<semaphore_mem>>
        %dma_start3A_418 = arith.constant 0 : i32
        %dma_start3A_419 = tpu.memref_slice %arg17[%run_scoped3A_244, %dma_start3A_418] : memref<8x128xi32, #tpu.memory_space<vmem>> -> memref<1x128xi32, #tpu.memory_space<vmem>>
        %dma_start3A_420 = tpu.memref_squeeze %dma_start3A_419 : memref<1x128xi32, #tpu.memory_space<vmem>> -> memref<128xi32, #tpu.memory_space<vmem>>
        %dma_start3A_421 = tpu.memref_slice %arg5[%add3A_243] : memref<16384xi32, #tpu.memory_space<hbm>> -> memref<128xi32, #tpu.memory_space<hbm>>
        %dma_start3A_422 = arith.constant 0 : i32
        %dma_start3A_423 = tpu.memref_slice %arg17[%run_scoped3A_244, %dma_start3A_422] : memref<8x128xi32, #tpu.memory_space<vmem>> -> memref<1x128xi32, #tpu.memory_space<vmem>>
        %dma_start3A_424 = tpu.memref_squeeze %dma_start3A_423 : memref<1x128xi32, #tpu.memory_space<vmem>> -> memref<128xi32, #tpu.memory_space<vmem>>
        %dma_start3A_425 = tpu.memref_slice %arg5[%add3A_243] : memref<16384xi32, #tpu.memory_space<hbm>> -> memref<128xi32, #tpu.memory_space<hbm>>
        tpu.enqueue_dma source(%dma_start3A_425 : memref<128xi32, #tpu.memory_space<hbm>>) target(%dma_start3A_424 : memref<128xi32, #tpu.memory_space<vmem>>) target_semaphore(%run_scoped3A_417 : memref<!tpu.dma_semaphore, #tpu.memory_space<semaphore_mem>>)
        %dma_wait3A_426 = arith.constant 0 : i32
        %dma_wait3A_427 = tpu.memref_slice %arg17[%run_scoped3A_244, %dma_wait3A_426] : memref<8x128xi32, #tpu.memory_space<vmem>> -> memref<1x128xi32, #tpu.memory_space<vmem>>
        %dma_wait3A_428 = tpu.memref_squeeze %dma_wait3A_427 : memref<1x128xi32, #tpu.memory_space<vmem>> -> memref<128xi32, #tpu.memory_space<vmem>>
        %dma_wait3A_429 = tpu.memref_slice %arg5[%add3A_243] : memref<16384xi32, #tpu.memory_space<hbm>> -> memref<128xi32, #tpu.memory_space<hbm>>
        %dma_wait3A_430 = arith.constant 0 : i32
        %dma_wait3A_431 = tpu.memref_slice %arg17[%run_scoped3A_244, %dma_wait3A_430] : memref<8x128xi32, #tpu.memory_space<vmem>> -> memref<1x128xi32, #tpu.memory_space<vmem>>
        %dma_wait3A_432 = tpu.memref_squeeze %dma_wait3A_431 : memref<1x128xi32, #tpu.memory_space<vmem>> -> memref<128xi32, #tpu.memory_space<vmem>>
        %dma_wait3A_433 = tpu.memref_slice %arg5[%add3A_243] : memref<16384xi32, #tpu.memory_space<hbm>> -> memref<128xi32, #tpu.memory_space<hbm>>
        tpu.wait_dma2 semaphore(%run_scoped3A_417 : memref<!tpu.dma_semaphore, #tpu.memory_space<semaphore_mem>>) src(%dma_wait3A_433 : memref<128xi32, #tpu.memory_space<hbm>>) dst(%dma_wait3A_432 : memref<128xi32, #tpu.memory_space<vmem>>)
        tpu.yield
      }) : () -> ()
      %add3A_245 = arith.constant 768 : i32
      %add3A_246 = arith.addi %mul3A_191, %add3A_245 : i32
      %run_scoped3A_247 = arith.constant 6 : i32
      "tpu.region"() ({
        %run_scoped3A_417 = tpu.sem_alloc : memref<!tpu.dma_semaphore, #tpu.memory_space<semaphore_mem>>
        %dma_start3A_418 = arith.constant 0 : i32
        %dma_start3A_419 = tpu.memref_slice %arg16[%run_scoped3A_247, %dma_start3A_418] : memref<8x128xi32, #tpu.memory_space<vmem>> -> memref<1x128xi32, #tpu.memory_space<vmem>>
        %dma_start3A_420 = tpu.memref_squeeze %dma_start3A_419 : memref<1x128xi32, #tpu.memory_space<vmem>> -> memref<128xi32, #tpu.memory_space<vmem>>
        %dma_start3A_421 = tpu.memref_slice %arg2[%add3A_246] : memref<16384xi32, #tpu.memory_space<hbm>> -> memref<128xi32, #tpu.memory_space<hbm>>
        %dma_start3A_422 = arith.constant 0 : i32
        %dma_start3A_423 = tpu.memref_slice %arg16[%run_scoped3A_247, %dma_start3A_422] : memref<8x128xi32, #tpu.memory_space<vmem>> -> memref<1x128xi32, #tpu.memory_space<vmem>>
        %dma_start3A_424 = tpu.memref_squeeze %dma_start3A_423 : memref<1x128xi32, #tpu.memory_space<vmem>> -> memref<128xi32, #tpu.memory_space<vmem>>
        %dma_start3A_425 = tpu.memref_slice %arg2[%add3A_246] : memref<16384xi32, #tpu.memory_space<hbm>> -> memref<128xi32, #tpu.memory_space<hbm>>
        tpu.enqueue_dma source(%dma_start3A_425 : memref<128xi32, #tpu.memory_space<hbm>>) target(%dma_start3A_424 : memref<128xi32, #tpu.memory_space<vmem>>) target_semaphore(%run_scoped3A_417 : memref<!tpu.dma_semaphore, #tpu.memory_space<semaphore_mem>>)
        %dma_wait3A_426 = arith.constant 0 : i32
        %dma_wait3A_427 = tpu.memref_slice %arg16[%run_scoped3A_247, %dma_wait3A_426] : memref<8x128xi32, #tpu.memory_space<vmem>> -> memref<1x128xi32, #tpu.memory_space<vmem>>
        %dma_wait3A_428 = tpu.memref_squeeze %dma_wait3A_427 : memref<1x128xi32, #tpu.memory_space<vmem>> -> memref<128xi32, #tpu.memory_space<vmem>>
        %dma_wait3A_429 = tpu.memref_slice %arg2[%add3A_246] : memref<16384xi32, #tpu.memory_space<hbm>> -> memref<128xi32, #tpu.memory_space<hbm>>
        %dma_wait3A_430 = arith.constant 0 : i32
        %dma_wait3A_431 = tpu.memref_slice %arg16[%run_scoped3A_247, %dma_wait3A_430] : memref<8x128xi32, #tpu.memory_space<vmem>> -> memref<1x128xi32, #tpu.memory_space<vmem>>
        %dma_wait3A_432 = tpu.memref_squeeze %dma_wait3A_431 : memref<1x128xi32, #tpu.memory_space<vmem>> -> memref<128xi32, #tpu.memory_space<vmem>>
        %dma_wait3A_433 = tpu.memref_slice %arg2[%add3A_246] : memref<16384xi32, #tpu.memory_space<hbm>> -> memref<128xi32, #tpu.memory_space<hbm>>
        tpu.wait_dma2 semaphore(%run_scoped3A_417 : memref<!tpu.dma_semaphore, #tpu.memory_space<semaphore_mem>>) src(%dma_wait3A_433 : memref<128xi32, #tpu.memory_space<hbm>>) dst(%dma_wait3A_432 : memref<128xi32, #tpu.memory_space<vmem>>)
        tpu.yield
      }) : () -> ()
      %add3A_248 = arith.constant 768 : i32
      %add3A_249 = arith.addi %mul3A_191, %add3A_248 : i32
      %run_scoped3A_250 = arith.constant 6 : i32
      "tpu.region"() ({
        %run_scoped3A_417 = tpu.sem_alloc : memref<!tpu.dma_semaphore, #tpu.memory_space<semaphore_mem>>
        %dma_start3A_418 = arith.constant 0 : i32
        %dma_start3A_419 = tpu.memref_slice %arg17[%run_scoped3A_250, %dma_start3A_418] : memref<8x128xi32, #tpu.memory_space<vmem>> -> memref<1x128xi32, #tpu.memory_space<vmem>>
        %dma_start3A_420 = tpu.memref_squeeze %dma_start3A_419 : memref<1x128xi32, #tpu.memory_space<vmem>> -> memref<128xi32, #tpu.memory_space<vmem>>
        %dma_start3A_421 = tpu.memref_slice %arg5[%add3A_249] : memref<16384xi32, #tpu.memory_space<hbm>> -> memref<128xi32, #tpu.memory_space<hbm>>
        %dma_start3A_422 = arith.constant 0 : i32
        %dma_start3A_423 = tpu.memref_slice %arg17[%run_scoped3A_250, %dma_start3A_422] : memref<8x128xi32, #tpu.memory_space<vmem>> -> memref<1x128xi32, #tpu.memory_space<vmem>>
        %dma_start3A_424 = tpu.memref_squeeze %dma_start3A_423 : memref<1x128xi32, #tpu.memory_space<vmem>> -> memref<128xi32, #tpu.memory_space<vmem>>
        %dma_start3A_425 = tpu.memref_slice %arg5[%add3A_249] : memref<16384xi32, #tpu.memory_space<hbm>> -> memref<128xi32, #tpu.memory_space<hbm>>
        tpu.enqueue_dma source(%dma_start3A_425 : memref<128xi32, #tpu.memory_space<hbm>>) target(%dma_start3A_424 : memref<128xi32, #tpu.memory_space<vmem>>) target_semaphore(%run_scoped3A_417 : memref<!tpu.dma_semaphore, #tpu.memory_space<semaphore_mem>>)
        %dma_wait3A_426 = arith.constant 0 : i32
        %dma_wait3A_427 = tpu.memref_slice %arg17[%run_scoped3A_250, %dma_wait3A_426] : memref<8x128xi32, #tpu.memory_space<vmem>> -> memref<1x128xi32, #tpu.memory_space<vmem>>
        %dma_wait3A_428 = tpu.memref_squeeze %dma_wait3A_427 : memref<1x128xi32, #tpu.memory_space<vmem>> -> memref<128xi32, #tpu.memory_space<vmem>>
        %dma_wait3A_429 = tpu.memref_slice %arg5[%add3A_249] : memref<16384xi32, #tpu.memory_space<hbm>> -> memref<128xi32, #tpu.memory_space<hbm>>
        %dma_wait3A_430 = arith.constant 0 : i32
        %dma_wait3A_431 = tpu.memref_slice %arg17[%run_scoped3A_250, %dma_wait3A_430] : memref<8x128xi32, #tpu.memory_space<vmem>> -> memref<1x128xi32, #tpu.memory_space<vmem>>
        %dma_wait3A_432 = tpu.memref_squeeze %dma_wait3A_431 : memref<1x128xi32, #tpu.memory_space<vmem>> -> memref<128xi32, #tpu.memory_space<vmem>>
        %dma_wait3A_433 = tpu.memref_slice %arg5[%add3A_249] : memref<16384xi32, #tpu.memory_space<hbm>> -> memref<128xi32, #tpu.memory_space<hbm>>
        tpu.wait_dma2 semaphore(%run_scoped3A_417 : memref<!tpu.dma_semaphore, #tpu.memory_space<semaphore_mem>>) src(%dma_wait3A_433 : memref<128xi32, #tpu.memory_space<hbm>>) dst(%dma_wait3A_432 : memref<128xi32, #tpu.memory_space<vmem>>)
        tpu.yield
      }) : () -> ()
      %add3A_251 = arith.constant 896 : i32
      %add3A_252 = arith.addi %mul3A_191, %add3A_251 : i32
      %run_scoped3A_253 = arith.constant 7 : i32
      "tpu.region"() ({
        %run_scoped3A_417 = tpu.sem_alloc : memref<!tpu.dma_semaphore, #tpu.memory_space<semaphore_mem>>
        %dma_start3A_418 = arith.constant 0 : i32
        %dma_start3A_419 = tpu.memref_slice %arg16[%run_scoped3A_253, %dma_start3A_418] : memref<8x128xi32, #tpu.memory_space<vmem>> -> memref<1x128xi32, #tpu.memory_space<vmem>>
        %dma_start3A_420 = tpu.memref_squeeze %dma_start3A_419 : memref<1x128xi32, #tpu.memory_space<vmem>> -> memref<128xi32, #tpu.memory_space<vmem>>
        %dma_start3A_421 = tpu.memref_slice %arg2[%add3A_252] : memref<16384xi32, #tpu.memory_space<hbm>> -> memref<128xi32, #tpu.memory_space<hbm>>
        %dma_start3A_422 = arith.constant 0 : i32
        %dma_start3A_423 = tpu.memref_slice %arg16[%run_scoped3A_253, %dma_start3A_422] : memref<8x128xi32, #tpu.memory_space<vmem>> -> memref<1x128xi32, #tpu.memory_space<vmem>>
        %dma_start3A_424 = tpu.memref_squeeze %dma_start3A_423 : memref<1x128xi32, #tpu.memory_space<vmem>> -> memref<128xi32, #tpu.memory_space<vmem>>
        %dma_start3A_425 = tpu.memref_slice %arg2[%add3A_252] : memref<16384xi32, #tpu.memory_space<hbm>> -> memref<128xi32, #tpu.memory_space<hbm>>
        tpu.enqueue_dma source(%dma_start3A_425 : memref<128xi32, #tpu.memory_space<hbm>>) target(%dma_start3A_424 : memref<128xi32, #tpu.memory_space<vmem>>) target_semaphore(%run_scoped3A_417 : memref<!tpu.dma_semaphore, #tpu.memory_space<semaphore_mem>>)
        %dma_wait3A_426 = arith.constant 0 : i32
        %dma_wait3A_427 = tpu.memref_slice %arg16[%run_scoped3A_253, %dma_wait3A_426] : memref<8x128xi32, #tpu.memory_space<vmem>> -> memref<1x128xi32, #tpu.memory_space<vmem>>
        %dma_wait3A_428 = tpu.memref_squeeze %dma_wait3A_427 : memref<1x128xi32, #tpu.memory_space<vmem>> -> memref<128xi32, #tpu.memory_space<vmem>>
        %dma_wait3A_429 = tpu.memref_slice %arg2[%add3A_252] : memref<16384xi32, #tpu.memory_space<hbm>> -> memref<128xi32, #tpu.memory_space<hbm>>
        %dma_wait3A_430 = arith.constant 0 : i32
        %dma_wait3A_431 = tpu.memref_slice %arg16[%run_scoped3A_253, %dma_wait3A_430] : memref<8x128xi32, #tpu.memory_space<vmem>> -> memref<1x128xi32, #tpu.memory_space<vmem>>
        %dma_wait3A_432 = tpu.memref_squeeze %dma_wait3A_431 : memref<1x128xi32, #tpu.memory_space<vmem>> -> memref<128xi32, #tpu.memory_space<vmem>>
        %dma_wait3A_433 = tpu.memref_slice %arg2[%add3A_252] : memref<16384xi32, #tpu.memory_space<hbm>> -> memref<128xi32, #tpu.memory_space<hbm>>
        tpu.wait_dma2 semaphore(%run_scoped3A_417 : memref<!tpu.dma_semaphore, #tpu.memory_space<semaphore_mem>>) src(%dma_wait3A_433 : memref<128xi32, #tpu.memory_space<hbm>>) dst(%dma_wait3A_432 : memref<128xi32, #tpu.memory_space<vmem>>)
        tpu.yield
      }) : () -> ()
      %add3A_254 = arith.constant 896 : i32
      %add3A_255 = arith.addi %mul3A_191, %add3A_254 : i32
      %run_scoped3A_256 = arith.constant 7 : i32
      "tpu.region"() ({
        %run_scoped3A_417 = tpu.sem_alloc : memref<!tpu.dma_semaphore, #tpu.memory_space<semaphore_mem>>
        %dma_start3A_418 = arith.constant 0 : i32
        %dma_start3A_419 = tpu.memref_slice %arg17[%run_scoped3A_256, %dma_start3A_418] : memref<8x128xi32, #tpu.memory_space<vmem>> -> memref<1x128xi32, #tpu.memory_space<vmem>>
        %dma_start3A_420 = tpu.memref_squeeze %dma_start3A_419 : memref<1x128xi32, #tpu.memory_space<vmem>> -> memref<128xi32, #tpu.memory_space<vmem>>
        %dma_start3A_421 = tpu.memref_slice %arg5[%add3A_255] : memref<16384xi32, #tpu.memory_space<hbm>> -> memref<128xi32, #tpu.memory_space<hbm>>
        %dma_start3A_422 = arith.constant 0 : i32
        %dma_start3A_423 = tpu.memref_slice %arg17[%run_scoped3A_256, %dma_start3A_422] : memref<8x128xi32, #tpu.memory_space<vmem>> -> memref<1x128xi32, #tpu.memory_space<vmem>>
        %dma_start3A_424 = tpu.memref_squeeze %dma_start3A_423 : memref<1x128xi32, #tpu.memory_space<vmem>> -> memref<128xi32, #tpu.memory_space<vmem>>
        %dma_start3A_425 = tpu.memref_slice %arg5[%add3A_255] : memref<16384xi32, #tpu.memory_space<hbm>> -> memref<128xi32, #tpu.memory_space<hbm>>
        tpu.enqueue_dma source(%dma_start3A_425 : memref<128xi32, #tpu.memory_space<hbm>>) target(%dma_start3A_424 : memref<128xi32, #tpu.memory_space<vmem>>) target_semaphore(%run_scoped3A_417 : memref<!tpu.dma_semaphore, #tpu.memory_space<semaphore_mem>>)
        %dma_wait3A_426 = arith.constant 0 : i32
        %dma_wait3A_427 = tpu.memref_slice %arg17[%run_scoped3A_256, %dma_wait3A_426] : memref<8x128xi32, #tpu.memory_space<vmem>> -> memref<1x128xi32, #tpu.memory_space<vmem>>
        %dma_wait3A_428 = tpu.memref_squeeze %dma_wait3A_427 : memref<1x128xi32, #tpu.memory_space<vmem>> -> memref<128xi32, #tpu.memory_space<vmem>>
        %dma_wait3A_429 = tpu.memref_slice %arg5[%add3A_255] : memref<16384xi32, #tpu.memory_space<hbm>> -> memref<128xi32, #tpu.memory_space<hbm>>
        %dma_wait3A_430 = arith.constant 0 : i32
        %dma_wait3A_431 = tpu.memref_slice %arg17[%run_scoped3A_256, %dma_wait3A_430] : memref<8x128xi32, #tpu.memory_space<vmem>> -> memref<1x128xi32, #tpu.memory_space<vmem>>
        %dma_wait3A_432 = tpu.memref_squeeze %dma_wait3A_431 : memref<1x128xi32, #tpu.memory_space<vmem>> -> memref<128xi32, #tpu.memory_space<vmem>>
        %dma_wait3A_433 = tpu.memref_slice %arg5[%add3A_255] : memref<16384xi32, #tpu.memory_space<hbm>> -> memref<128xi32, #tpu.memory_space<hbm>>
        tpu.wait_dma2 semaphore(%run_scoped3A_417 : memref<!tpu.dma_semaphore, #tpu.memory_space<semaphore_mem>>) src(%dma_wait3A_433 : memref<128xi32, #tpu.memory_space<hbm>>) dst(%dma_wait3A_432 : memref<128xi32, #tpu.memory_space<vmem>>)
        tpu.yield
      }) : () -> ()
      %dma_start3A_257 = arith.constant 0 : i32
      %dma_start3A_258 = arith.constant 0 : i32
      %dma_start3A_259 = arith.constant 0 : i32
      %dma_start3A_260 = tpu.memref_slice %arg17[%dma_start3A_257, %dma_start3A_259] : memref<8x128xi32, #tpu.memory_space<vmem>> -> memref<1x128xi32, #tpu.memory_space<vmem>>
      %dma_start3A_261 = tpu.memref_squeeze %dma_start3A_260 : memref<1x128xi32, #tpu.memory_space<vmem>> -> memref<128xi32, #tpu.memory_space<vmem>>
      %dma_start3A_262 = arith.constant 0 : i32
      %dma_start3A_263 = tpu.memref_slice %arg16[%dma_start3A_258, %dma_start3A_262] : memref<8x128xi32, #tpu.memory_space<vmem>> -> memref<1x128xi32, #tpu.memory_space<vmem>>
      %dma_start3A_264 = tpu.memref_squeeze %dma_start3A_263 : memref<1x128xi32, #tpu.memory_space<vmem>> -> memref<128xi32, #tpu.memory_space<vmem>>
      %dma_start3A_265 = arith.constant 0 : i32
      %dma_start3A_266 = tpu.memref_slice %arg9[%dma_start3A_265] : memref<1000000xi32, #tpu.memory_space<hbm>> -> memref<1000000xi32, #tpu.memory_space<hbm>>
      tpu.enqueue_indirect_dma source(%dma_start3A_261 : memref<128xi32, #tpu.memory_space<vmem>>) target(%dma_start3A_266 : memref<1000000xi32, #tpu.memory_space<hbm>>) offsets(%dma_start3A_264 : memref<128xi32, #tpu.memory_space<vmem>>) semaphore(%arg21 : memref<!tpu.dma_semaphore, #tpu.memory_space<semaphore_mem>>)
      %dma_start3A_267 = arith.constant 1 : i32
      %dma_start3A_268 = arith.constant 1 : i32
      %dma_start3A_269 = arith.constant 0 : i32
      %dma_start3A_270 = tpu.memref_slice %arg17[%dma_start3A_267, %dma_start3A_269] : memref<8x128xi32, #tpu.memory_space<vmem>> -> memref<1x128xi32, #tpu.memory_space<vmem>>
      %dma_start3A_271 = tpu.memref_squeeze %dma_start3A_270 : memref<1x128xi32, #tpu.memory_space<vmem>> -> memref<128xi32, #tpu.memory_space<vmem>>
      %dma_start3A_272 = arith.constant 0 : i32
      %dma_start3A_273 = tpu.memref_slice %arg16[%dma_start3A_268, %dma_start3A_272] : memref<8x128xi32, #tpu.memory_space<vmem>> -> memref<1x128xi32, #tpu.memory_space<vmem>>
      %dma_start3A_274 = tpu.memref_squeeze %dma_start3A_273 : memref<1x128xi32, #tpu.memory_space<vmem>> -> memref<128xi32, #tpu.memory_space<vmem>>
      %dma_start3A_275 = arith.constant 0 : i32
      %dma_start3A_276 = tpu.memref_slice %arg9[%dma_start3A_275] : memref<1000000xi32, #tpu.memory_space<hbm>> -> memref<1000000xi32, #tpu.memory_space<hbm>>
      tpu.enqueue_indirect_dma source(%dma_start3A_271 : memref<128xi32, #tpu.memory_space<vmem>>) target(%dma_start3A_276 : memref<1000000xi32, #tpu.memory_space<hbm>>) offsets(%dma_start3A_274 : memref<128xi32, #tpu.memory_space<vmem>>) semaphore(%arg21 : memref<!tpu.dma_semaphore, #tpu.memory_space<semaphore_mem>>)
      %dma_start3A_277 = arith.constant 2 : i32
      %dma_start3A_278 = arith.constant 2 : i32
      %dma_start3A_279 = arith.constant 0 : i32
      %dma_start3A_280 = tpu.memref_slice %arg17[%dma_start3A_277, %dma_start3A_279] : memref<8x128xi32, #tpu.memory_space<vmem>> -> memref<1x128xi32, #tpu.memory_space<vmem>>
      %dma_start3A_281 = tpu.memref_squeeze %dma_start3A_280 : memref<1x128xi32, #tpu.memory_space<vmem>> -> memref<128xi32, #tpu.memory_space<vmem>>
      %dma_start3A_282 = arith.constant 0 : i32
      %dma_start3A_283 = tpu.memref_slice %arg16[%dma_start3A_278, %dma_start3A_282] : memref<8x128xi32, #tpu.memory_space<vmem>> -> memref<1x128xi32, #tpu.memory_space<vmem>>
      %dma_start3A_284 = tpu.memref_squeeze %dma_start3A_283 : memref<1x128xi32, #tpu.memory_space<vmem>> -> memref<128xi32, #tpu.memory_space<vmem>>
      %dma_start3A_285 = arith.constant 0 : i32
      %dma_start3A_286 = tpu.memref_slice %arg9[%dma_start3A_285] : memref<1000000xi32, #tpu.memory_space<hbm>> -> memref<1000000xi32, #tpu.memory_space<hbm>>
      tpu.enqueue_indirect_dma source(%dma_start3A_281 : memref<128xi32, #tpu.memory_space<vmem>>) target(%dma_start3A_286 : memref<1000000xi32, #tpu.memory_space<hbm>>) offsets(%dma_start3A_284 : memref<128xi32, #tpu.memory_space<vmem>>) semaphore(%arg21 : memref<!tpu.dma_semaphore, #tpu.memory_space<semaphore_mem>>)
      %dma_start3A_287 = arith.constant 3 : i32
      %dma_start3A_288 = arith.constant 3 : i32
      %dma_start3A_289 = arith.constant 0 : i32
      %dma_start3A_290 = tpu.memref_slice %arg17[%dma_start3A_287, %dma_start3A_289] : memref<8x128xi32, #tpu.memory_space<vmem>> -> memref<1x128xi32, #tpu.memory_space<vmem>>
      %dma_start3A_291 = tpu.memref_squeeze %dma_start3A_290 : memref<1x128xi32, #tpu.memory_space<vmem>> -> memref<128xi32, #tpu.memory_space<vmem>>
      %dma_start3A_292 = arith.constant 0 : i32
      %dma_start3A_293 = tpu.memref_slice %arg16[%dma_start3A_288, %dma_start3A_292] : memref<8x128xi32, #tpu.memory_space<vmem>> -> memref<1x128xi32, #tpu.memory_space<vmem>>
      %dma_start3A_294 = tpu.memref_squeeze %dma_start3A_293 : memref<1x128xi32, #tpu.memory_space<vmem>> -> memref<128xi32, #tpu.memory_space<vmem>>
      %dma_start3A_295 = arith.constant 0 : i32
      %dma_start3A_296 = tpu.memref_slice %arg9[%dma_start3A_295] : memref<1000000xi32, #tpu.memory_space<hbm>> -> memref<1000000xi32, #tpu.memory_space<hbm>>
      tpu.enqueue_indirect_dma source(%dma_start3A_291 : memref<128xi32, #tpu.memory_space<vmem>>) target(%dma_start3A_296 : memref<1000000xi32, #tpu.memory_space<hbm>>) offsets(%dma_start3A_294 : memref<128xi32, #tpu.memory_space<vmem>>) semaphore(%arg21 : memref<!tpu.dma_semaphore, #tpu.memory_space<semaphore_mem>>)
      %dma_start3A_297 = arith.constant 4 : i32
      %dma_start3A_298 = arith.constant 4 : i32
      %dma_start3A_299 = arith.constant 0 : i32
      %dma_start3A_300 = tpu.memref_slice %arg17[%dma_start3A_297, %dma_start3A_299] : memref<8x128xi32, #tpu.memory_space<vmem>> -> memref<1x128xi32, #tpu.memory_space<vmem>>
      %dma_start3A_301 = tpu.memref_squeeze %dma_start3A_300 : memref<1x128xi32, #tpu.memory_space<vmem>> -> memref<128xi32, #tpu.memory_space<vmem>>
      %dma_start3A_302 = arith.constant 0 : i32
      %dma_start3A_303 = tpu.memref_slice %arg16[%dma_start3A_298, %dma_start3A_302] : memref<8x128xi32, #tpu.memory_space<vmem>> -> memref<1x128xi32, #tpu.memory_space<vmem>>
      %dma_start3A_304 = tpu.memref_squeeze %dma_start3A_303 : memref<1x128xi32, #tpu.memory_space<vmem>> -> memref<128xi32, #tpu.memory_space<vmem>>
      %dma_start3A_305 = arith.constant 0 : i32
      %dma_start3A_306 = tpu.memref_slice %arg9[%dma_start3A_305] : memref<1000000xi32, #tpu.memory_space<hbm>> -> memref<1000000xi32, #tpu.memory_space<hbm>>
      tpu.enqueue_indirect_dma source(%dma_start3A_301 : memref<128xi32, #tpu.memory_space<vmem>>) target(%dma_start3A_306 : memref<1000000xi32, #tpu.memory_space<hbm>>) offsets(%dma_start3A_304 : memref<128xi32, #tpu.memory_space<vmem>>) semaphore(%arg21 : memref<!tpu.dma_semaphore, #tpu.memory_space<semaphore_mem>>)
      %dma_start3A_307 = arith.constant 5 : i32
      %dma_start3A_308 = arith.constant 5 : i32
      %dma_start3A_309 = arith.constant 0 : i32
      %dma_start3A_310 = tpu.memref_slice %arg17[%dma_start3A_307, %dma_start3A_309] : memref<8x128xi32, #tpu.memory_space<vmem>> -> memref<1x128xi32, #tpu.memory_space<vmem>>
      %dma_start3A_311 = tpu.memref_squeeze %dma_start3A_310 : memref<1x128xi32, #tpu.memory_space<vmem>> -> memref<128xi32, #tpu.memory_space<vmem>>
      %dma_start3A_312 = arith.constant 0 : i32
      %dma_start3A_313 = tpu.memref_slice %arg16[%dma_start3A_308, %dma_start3A_312] : memref<8x128xi32, #tpu.memory_space<vmem>> -> memref<1x128xi32, #tpu.memory_space<vmem>>
      %dma_start3A_314 = tpu.memref_squeeze %dma_start3A_313 : memref<1x128xi32, #tpu.memory_space<vmem>> -> memref<128xi32, #tpu.memory_space<vmem>>
      %dma_start3A_315 = arith.constant 0 : i32
      %dma_start3A_316 = tpu.memref_slice %arg9[%dma_start3A_315] : memref<1000000xi32, #tpu.memory_space<hbm>> -> memref<1000000xi32, #tpu.memory_space<hbm>>
      tpu.enqueue_indirect_dma source(%dma_start3A_311 : memref<128xi32, #tpu.memory_space<vmem>>) target(%dma_start3A_316 : memref<1000000xi32, #tpu.memory_space<hbm>>) offsets(%dma_start3A_314 : memref<128xi32, #tpu.memory_space<vmem>>) semaphore(%arg21 : memref<!tpu.dma_semaphore, #tpu.memory_space<semaphore_mem>>)
      %dma_start3A_317 = arith.constant 6 : i32
      %dma_start3A_318 = arith.constant 6 : i32
      %dma_start3A_319 = arith.constant 0 : i32
      %dma_start3A_320 = tpu.memref_slice %arg17[%dma_start3A_317, %dma_start3A_319] : memref<8x128xi32, #tpu.memory_space<vmem>> -> memref<1x128xi32, #tpu.memory_space<vmem>>
      %dma_start3A_321 = tpu.memref_squeeze %dma_start3A_320 : memref<1x128xi32, #tpu.memory_space<vmem>> -> memref<128xi32, #tpu.memory_space<vmem>>
      %dma_start3A_322 = arith.constant 0 : i32
      %dma_start3A_323 = tpu.memref_slice %arg16[%dma_start3A_318, %dma_start3A_322] : memref<8x128xi32, #tpu.memory_space<vmem>> -> memref<1x128xi32, #tpu.memory_space<vmem>>
      %dma_start3A_324 = tpu.memref_squeeze %dma_start3A_323 : memref<1x128xi32, #tpu.memory_space<vmem>> -> memref<128xi32, #tpu.memory_space<vmem>>
      %dma_start3A_325 = arith.constant 0 : i32
      %dma_start3A_326 = tpu.memref_slice %arg9[%dma_start3A_325] : memref<1000000xi32, #tpu.memory_space<hbm>> -> memref<1000000xi32, #tpu.memory_space<hbm>>
      tpu.enqueue_indirect_dma source(%dma_start3A_321 : memref<128xi32, #tpu.memory_space<vmem>>) target(%dma_start3A_326 : memref<1000000xi32, #tpu.memory_space<hbm>>) offsets(%dma_start3A_324 : memref<128xi32, #tpu.memory_space<vmem>>) semaphore(%arg21 : memref<!tpu.dma_semaphore, #tpu.memory_space<semaphore_mem>>)
      %dma_start3A_327 = arith.constant 7 : i32
      %dma_start3A_328 = arith.constant 7 : i32
      %dma_start3A_329 = arith.constant 0 : i32
      %dma_start3A_330 = tpu.memref_slice %arg17[%dma_start3A_327, %dma_start3A_329] : memref<8x128xi32, #tpu.memory_space<vmem>> -> memref<1x128xi32, #tpu.memory_space<vmem>>
      %dma_start3A_331 = tpu.memref_squeeze %dma_start3A_330 : memref<1x128xi32, #tpu.memory_space<vmem>> -> memref<128xi32, #tpu.memory_space<vmem>>
      %dma_start3A_332 = arith.constant 0 : i32
      %dma_start3A_333 = tpu.memref_slice %arg16[%dma_start3A_328, %dma_start3A_332] : memref<8x128xi32, #tpu.memory_space<vmem>> -> memref<1x128xi32, #tpu.memory_space<vmem>>
      %dma_start3A_334 = tpu.memref_squeeze %dma_start3A_333 : memref<1x128xi32, #tpu.memory_space<vmem>> -> memref<128xi32, #tpu.memory_space<vmem>>
      %dma_start3A_335 = arith.constant 0 : i32
      %dma_start3A_336 = tpu.memref_slice %arg9[%dma_start3A_335] : memref<1000000xi32, #tpu.memory_space<hbm>> -> memref<1000000xi32, #tpu.memory_space<hbm>>
      tpu.enqueue_indirect_dma source(%dma_start3A_331 : memref<128xi32, #tpu.memory_space<vmem>>) target(%dma_start3A_336 : memref<1000000xi32, #tpu.memory_space<hbm>>) offsets(%dma_start3A_334 : memref<128xi32, #tpu.memory_space<vmem>>) semaphore(%arg21 : memref<!tpu.dma_semaphore, #tpu.memory_space<semaphore_mem>>)
      %dma_wait3A_337 = arith.constant 0 : i32
      %dma_wait3A_338 = arith.constant 0 : i32
      %dma_wait3A_339 = arith.constant 0 : i32
      %dma_wait3A_340 = tpu.memref_slice %arg17[%dma_wait3A_337, %dma_wait3A_339] : memref<8x128xi32, #tpu.memory_space<vmem>> -> memref<1x128xi32, #tpu.memory_space<vmem>>
      %dma_wait3A_341 = tpu.memref_squeeze %dma_wait3A_340 : memref<1x128xi32, #tpu.memory_space<vmem>> -> memref<128xi32, #tpu.memory_space<vmem>>
      %dma_wait3A_342 = arith.constant 0 : i32
      %dma_wait3A_343 = tpu.memref_slice %arg16[%dma_wait3A_338, %dma_wait3A_342] : memref<8x128xi32, #tpu.memory_space<vmem>> -> memref<1x128xi32, #tpu.memory_space<vmem>>
      %dma_wait3A_344 = tpu.memref_squeeze %dma_wait3A_343 : memref<1x128xi32, #tpu.memory_space<vmem>> -> memref<128xi32, #tpu.memory_space<vmem>>
      %dma_wait3A_345 = arith.constant 0 : i32
      %dma_wait3A_346 = tpu.memref_slice %arg9[%dma_wait3A_345] : memref<1000000xi32, #tpu.memory_space<hbm>> -> memref<1000000xi32, #tpu.memory_space<hbm>>
      tpu.wait_indirect_dma semaphore(%arg21 : memref<!tpu.dma_semaphore, #tpu.memory_space<semaphore_mem>>) src(%dma_wait3A_341 : memref<128xi32, #tpu.memory_space<vmem>>) dst(%dma_wait3A_346 : memref<1000000xi32, #tpu.memory_space<hbm>>)
      %dma_wait3A_347 = arith.constant 1 : i32
      %dma_wait3A_348 = arith.constant 1 : i32
      %dma_wait3A_349 = arith.constant 0 : i32
      %dma_wait3A_350 = tpu.memref_slice %arg17[%dma_wait3A_347, %dma_wait3A_349] : memref<8x128xi32, #tpu.memory_space<vmem>> -> memref<1x128xi32, #tpu.memory_space<vmem>>
      %dma_wait3A_351 = tpu.memref_squeeze %dma_wait3A_350 : memref<1x128xi32, #tpu.memory_space<vmem>> -> memref<128xi32, #tpu.memory_space<vmem>>
      %dma_wait3A_352 = arith.constant 0 : i32
      %dma_wait3A_353 = tpu.memref_slice %arg16[%dma_wait3A_348, %dma_wait3A_352] : memref<8x128xi32, #tpu.memory_space<vmem>> -> memref<1x128xi32, #tpu.memory_space<vmem>>
      %dma_wait3A_354 = tpu.memref_squeeze %dma_wait3A_353 : memref<1x128xi32, #tpu.memory_space<vmem>> -> memref<128xi32, #tpu.memory_space<vmem>>
      %dma_wait3A_355 = arith.constant 0 : i32
      %dma_wait3A_356 = tpu.memref_slice %arg9[%dma_wait3A_355] : memref<1000000xi32, #tpu.memory_space<hbm>> -> memref<1000000xi32, #tpu.memory_space<hbm>>
      tpu.wait_indirect_dma semaphore(%arg21 : memref<!tpu.dma_semaphore, #tpu.memory_space<semaphore_mem>>) src(%dma_wait3A_351 : memref<128xi32, #tpu.memory_space<vmem>>) dst(%dma_wait3A_356 : memref<1000000xi32, #tpu.memory_space<hbm>>)
      %dma_wait3A_357 = arith.constant 2 : i32
      %dma_wait3A_358 = arith.constant 2 : i32
      %dma_wait3A_359 = arith.constant 0 : i32
      %dma_wait3A_360 = tpu.memref_slice %arg17[%dma_wait3A_357, %dma_wait3A_359] : memref<8x128xi32, #tpu.memory_space<vmem>> -> memref<1x128xi32, #tpu.memory_space<vmem>>
      %dma_wait3A_361 = tpu.memref_squeeze %dma_wait3A_360 : memref<1x128xi32, #tpu.memory_space<vmem>> -> memref<128xi32, #tpu.memory_space<vmem>>
      %dma_wait3A_362 = arith.constant 0 : i32
      %dma_wait3A_363 = tpu.memref_slice %arg16[%dma_wait3A_358, %dma_wait3A_362] : memref<8x128xi32, #tpu.memory_space<vmem>> -> memref<1x128xi32, #tpu.memory_space<vmem>>
      %dma_wait3A_364 = tpu.memref_squeeze %dma_wait3A_363 : memref<1x128xi32, #tpu.memory_space<vmem>> -> memref<128xi32, #tpu.memory_space<vmem>>
      %dma_wait3A_365 = arith.constant 0 : i32
      %dma_wait3A_366 = tpu.memref_slice %arg9[%dma_wait3A_365] : memref<1000000xi32, #tpu.memory_space<hbm>> -> memref<1000000xi32, #tpu.memory_space<hbm>>
      tpu.wait_indirect_dma semaphore(%arg21 : memref<!tpu.dma_semaphore, #tpu.memory_space<semaphore_mem>>) src(%dma_wait3A_361 : memref<128xi32, #tpu.memory_space<vmem>>) dst(%dma_wait3A_366 : memref<1000000xi32, #tpu.memory_space<hbm>>)
      %dma_wait3A_367 = arith.constant 3 : i32
      %dma_wait3A_368 = arith.constant 3 : i32
      %dma_wait3A_369 = arith.constant 0 : i32
      %dma_wait3A_370 = tpu.memref_slice %arg17[%dma_wait3A_367, %dma_wait3A_369] : memref<8x128xi32, #tpu.memory_space<vmem>> -> memref<1x128xi32, #tpu.memory_space<vmem>>
      %dma_wait3A_371 = tpu.memref_squeeze %dma_wait3A_370 : memref<1x128xi32, #tpu.memory_space<vmem>> -> memref<128xi32, #tpu.memory_space<vmem>>
      %dma_wait3A_372 = arith.constant 0 : i32
      %dma_wait3A_373 = tpu.memref_slice %arg16[%dma_wait3A_368, %dma_wait3A_372] : memref<8x128xi32, #tpu.memory_space<vmem>> -> memref<1x128xi32, #tpu.memory_space<vmem>>
      %dma_wait3A_374 = tpu.memref_squeeze %dma_wait3A_373 : memref<1x128xi32, #tpu.memory_space<vmem>> -> memref<128xi32, #tpu.memory_space<vmem>>
      %dma_wait3A_375 = arith.constant 0 : i32
      %dma_wait3A_376 = tpu.memref_slice %arg9[%dma_wait3A_375] : memref<1000000xi32, #tpu.memory_space<hbm>> -> memref<1000000xi32, #tpu.memory_space<hbm>>
      tpu.wait_indirect_dma semaphore(%arg21 : memref<!tpu.dma_semaphore, #tpu.memory_space<semaphore_mem>>) src(%dma_wait3A_371 : memref<128xi32, #tpu.memory_space<vmem>>) dst(%dma_wait3A_376 : memref<1000000xi32, #tpu.memory_space<hbm>>)
      %dma_wait3A_377 = arith.constant 4 : i32
      %dma_wait3A_378 = arith.constant 4 : i32
      %dma_wait3A_379 = arith.constant 0 : i32
      %dma_wait3A_380 = tpu.memref_slice %arg17[%dma_wait3A_377, %dma_wait3A_379] : memref<8x128xi32, #tpu.memory_space<vmem>> -> memref<1x128xi32, #tpu.memory_space<vmem>>
      %dma_wait3A_381 = tpu.memref_squeeze %dma_wait3A_380 : memref<1x128xi32, #tpu.memory_space<vmem>> -> memref<128xi32, #tpu.memory_space<vmem>>
      %dma_wait3A_382 = arith.constant 0 : i32
      %dma_wait3A_383 = tpu.memref_slice %arg16[%dma_wait3A_378, %dma_wait3A_382] : memref<8x128xi32, #tpu.memory_space<vmem>> -> memref<1x128xi32, #tpu.memory_space<vmem>>
      %dma_wait3A_384 = tpu.memref_squeeze %dma_wait3A_383 : memref<1x128xi32, #tpu.memory_space<vmem>> -> memref<128xi32, #tpu.memory_space<vmem>>
      %dma_wait3A_385 = arith.constant 0 : i32
      %dma_wait3A_386 = tpu.memref_slice %arg9[%dma_wait3A_385] : memref<1000000xi32, #tpu.memory_space<hbm>> -> memref<1000000xi32, #tpu.memory_space<hbm>>
      tpu.wait_indirect_dma semaphore(%arg21 : memref<!tpu.dma_semaphore, #tpu.memory_space<semaphore_mem>>) src(%dma_wait3A_381 : memref<128xi32, #tpu.memory_space<vmem>>) dst(%dma_wait3A_386 : memref<1000000xi32, #tpu.memory_space<hbm>>)
      %dma_wait3A_387 = arith.constant 5 : i32
      %dma_wait3A_388 = arith.constant 5 : i32
      %dma_wait3A_389 = arith.constant 0 : i32
      %dma_wait3A_390 = tpu.memref_slice %arg17[%dma_wait3A_387, %dma_wait3A_389] : memref<8x128xi32, #tpu.memory_space<vmem>> -> memref<1x128xi32, #tpu.memory_space<vmem>>
      %dma_wait3A_391 = tpu.memref_squeeze %dma_wait3A_390 : memref<1x128xi32, #tpu.memory_space<vmem>> -> memref<128xi32, #tpu.memory_space<vmem>>
      %dma_wait3A_392 = arith.constant 0 : i32
      %dma_wait3A_393 = tpu.memref_slice %arg16[%dma_wait3A_388, %dma_wait3A_392] : memref<8x128xi32, #tpu.memory_space<vmem>> -> memref<1x128xi32, #tpu.memory_space<vmem>>
      %dma_wait3A_394 = tpu.memref_squeeze %dma_wait3A_393 : memref<1x128xi32, #tpu.memory_space<vmem>> -> memref<128xi32, #tpu.memory_space<vmem>>
      %dma_wait3A_395 = arith.constant 0 : i32
      %dma_wait3A_396 = tpu.memref_slice %arg9[%dma_wait3A_395] : memref<1000000xi32, #tpu.memory_space<hbm>> -> memref<1000000xi32, #tpu.memory_space<hbm>>
      tpu.wait_indirect_dma semaphore(%arg21 : memref<!tpu.dma_semaphore, #tpu.memory_space<semaphore_mem>>) src(%dma_wait3A_391 : memref<128xi32, #tpu.memory_space<vmem>>) dst(%dma_wait3A_396 : memref<1000000xi32, #tpu.memory_space<hbm>>)
      %dma_wait3A_397 = arith.constant 6 : i32
      %dma_wait3A_398 = arith.constant 6 : i32
      %dma_wait3A_399 = arith.constant 0 : i32
      %dma_wait3A_400 = tpu.memref_slice %arg17[%dma_wait3A_397, %dma_wait3A_399] : memref<8x128xi32, #tpu.memory_space<vmem>> -> memref<1x128xi32, #tpu.memory_space<vmem>>
      %dma_wait3A_401 = tpu.memref_squeeze %dma_wait3A_400 : memref<1x128xi32, #tpu.memory_space<vmem>> -> memref<128xi32, #tpu.memory_space<vmem>>
      %dma_wait3A_402 = arith.constant 0 : i32
      %dma_wait3A_403 = tpu.memref_slice %arg16[%dma_wait3A_398, %dma_wait3A_402] : memref<8x128xi32, #tpu.memory_space<vmem>> -> memref<1x128xi32, #tpu.memory_space<vmem>>
      %dma_wait3A_404 = tpu.memref_squeeze %dma_wait3A_403 : memref<1x128xi32, #tpu.memory_space<vmem>> -> memref<128xi32, #tpu.memory_space<vmem>>
      %dma_wait3A_405 = arith.constant 0 : i32
      %dma_wait3A_406 = tpu.memref_slice %arg9[%dma_wait3A_405] : memref<1000000xi32, #tpu.memory_space<hbm>> -> memref<1000000xi32, #tpu.memory_space<hbm>>
      tpu.wait_indirect_dma semaphore(%arg21 : memref<!tpu.dma_semaphore, #tpu.memory_space<semaphore_mem>>) src(%dma_wait3A_401 : memref<128xi32, #tpu.memory_space<vmem>>) dst(%dma_wait3A_406 : memref<1000000xi32, #tpu.memory_space<hbm>>)
      %dma_wait3A_407 = arith.constant 7 : i32
      %dma_wait3A_408 = arith.constant 7 : i32
      %dma_wait3A_409 = arith.constant 0 : i32
      %dma_wait3A_410 = tpu.memref_slice %arg17[%dma_wait3A_407, %dma_wait3A_409] : memref<8x128xi32, #tpu.memory_space<vmem>> -> memref<1x128xi32, #tpu.memory_space<vmem>>
      %dma_wait3A_411 = tpu.memref_squeeze %dma_wait3A_410 : memref<1x128xi32, #tpu.memory_space<vmem>> -> memref<128xi32, #tpu.memory_space<vmem>>
      %dma_wait3A_412 = arith.constant 0 : i32
      %dma_wait3A_413 = tpu.memref_slice %arg16[%dma_wait3A_408, %dma_wait3A_412] : memref<8x128xi32, #tpu.memory_space<vmem>> -> memref<1x128xi32, #tpu.memory_space<vmem>>
      %dma_wait3A_414 = tpu.memref_squeeze %dma_wait3A_413 : memref<1x128xi32, #tpu.memory_space<vmem>> -> memref<128xi32, #tpu.memory_space<vmem>>
      %dma_wait3A_415 = arith.constant 0 : i32
      %dma_wait3A_416 = tpu.memref_slice %arg9[%dma_wait3A_415] : memref<1000000xi32, #tpu.memory_space<hbm>> -> memref<1000000xi32, #tpu.memory_space<hbm>>
      tpu.wait_indirect_dma semaphore(%arg21 : memref<!tpu.dma_semaphore, #tpu.memory_space<semaphore_mem>>) src(%dma_wait3A_411 : memref<128xi32, #tpu.memory_space<vmem>>) dst(%dma_wait3A_416 : memref<1000000xi32, #tpu.memory_space<hbm>>)
    } else {
    }
    %eq3A_194 = arith.constant 1 : i32
    %eq3A_195 = arith.cmpi eq, %arg0, %eq3A_194 : i32
    %convert_element_type3A_196 = arith.extui %eq3A_195 : i1 to i32
    %cond3A_197 = arith.constant 0 : i32
    %cond3A_198 = arith.cmpi ne, %convert_element_type3A_196, %cond3A_197 : i32
    scf.if %cond3A_198 {
      %add3A_209 = arith.constant 0 : i32
      %add3A_210 = arith.addi %mul3A_191, %add3A_209 : i32
      %run_scoped3A_211 = arith.constant 0 : i32
      "tpu.region"() ({
        %run_scoped3A_417 = tpu.sem_alloc : memref<!tpu.dma_semaphore, #tpu.memory_space<semaphore_mem>>
        %dma_start3A_418 = arith.constant 0 : i32
        %dma_start3A_419 = tpu.memref_slice %arg16[%run_scoped3A_211, %dma_start3A_418] : memref<8x128xi32, #tpu.memory_space<vmem>> -> memref<1x128xi32, #tpu.memory_space<vmem>>
        %dma_start3A_420 = tpu.memref_squeeze %dma_start3A_419 : memref<1x128xi32, #tpu.memory_space<vmem>> -> memref<128xi32, #tpu.memory_space<vmem>>
        %dma_start3A_421 = tpu.memref_slice %arg3[%add3A_210] : memref<16384xi32, #tpu.memory_space<hbm>> -> memref<128xi32, #tpu.memory_space<hbm>>
        %dma_start3A_422 = arith.constant 0 : i32
        %dma_start3A_423 = tpu.memref_slice %arg16[%run_scoped3A_211, %dma_start3A_422] : memref<8x128xi32, #tpu.memory_space<vmem>> -> memref<1x128xi32, #tpu.memory_space<vmem>>
        %dma_start3A_424 = tpu.memref_squeeze %dma_start3A_423 : memref<1x128xi32, #tpu.memory_space<vmem>> -> memref<128xi32, #tpu.memory_space<vmem>>
        %dma_start3A_425 = tpu.memref_slice %arg3[%add3A_210] : memref<16384xi32, #tpu.memory_space<hbm>> -> memref<128xi32, #tpu.memory_space<hbm>>
        tpu.enqueue_dma source(%dma_start3A_425 : memref<128xi32, #tpu.memory_space<hbm>>) target(%dma_start3A_424 : memref<128xi32, #tpu.memory_space<vmem>>) target_semaphore(%run_scoped3A_417 : memref<!tpu.dma_semaphore, #tpu.memory_space<semaphore_mem>>)
        %dma_wait3A_426 = arith.constant 0 : i32
        %dma_wait3A_427 = tpu.memref_slice %arg16[%run_scoped3A_211, %dma_wait3A_426] : memref<8x128xi32, #tpu.memory_space<vmem>> -> memref<1x128xi32, #tpu.memory_space<vmem>>
        %dma_wait3A_428 = tpu.memref_squeeze %dma_wait3A_427 : memref<1x128xi32, #tpu.memory_space<vmem>> -> memref<128xi32, #tpu.memory_space<vmem>>
        %dma_wait3A_429 = tpu.memref_slice %arg3[%add3A_210] : memref<16384xi32, #tpu.memory_space<hbm>> -> memref<128xi32, #tpu.memory_space<hbm>>
        %dma_wait3A_430 = arith.constant 0 : i32
        %dma_wait3A_431 = tpu.memref_slice %arg16[%run_scoped3A_211, %dma_wait3A_430] : memref<8x128xi32, #tpu.memory_space<vmem>> -> memref<1x128xi32, #tpu.memory_space<vmem>>
        %dma_wait3A_432 = tpu.memref_squeeze %dma_wait3A_431 : memref<1x128xi32, #tpu.memory_space<vmem>> -> memref<128xi32, #tpu.memory_space<vmem>>
        %dma_wait3A_433 = tpu.memref_slice %arg3[%add3A_210] : memref<16384xi32, #tpu.memory_space<hbm>> -> memref<128xi32, #tpu.memory_space<hbm>>
        tpu.wait_dma2 semaphore(%run_scoped3A_417 : memref<!tpu.dma_semaphore, #tpu.memory_space<semaphore_mem>>) src(%dma_wait3A_433 : memref<128xi32, #tpu.memory_space<hbm>>) dst(%dma_wait3A_432 : memref<128xi32, #tpu.memory_space<vmem>>)
        tpu.yield
      }) : () -> ()
      %add3A_212 = arith.constant 0 : i32
      %add3A_213 = arith.addi %mul3A_191, %add3A_212 : i32
      %run_scoped3A_214 = arith.constant 0 : i32
      "tpu.region"() ({
        %run_scoped3A_417 = tpu.sem_alloc : memref<!tpu.dma_semaphore, #tpu.memory_space<semaphore_mem>>
        %dma_start3A_418 = arith.constant 0 : i32
        %dma_start3A_419 = tpu.memref_slice %arg17[%run_scoped3A_214, %dma_start3A_418] : memref<8x128xi32, #tpu.memory_space<vmem>> -> memref<1x128xi32, #tpu.memory_space<vmem>>
        %dma_start3A_420 = tpu.memref_squeeze %dma_start3A_419 : memref<1x128xi32, #tpu.memory_space<vmem>> -> memref<128xi32, #tpu.memory_space<vmem>>
        %dma_start3A_421 = tpu.memref_slice %arg5[%add3A_213] : memref<16384xi32, #tpu.memory_space<hbm>> -> memref<128xi32, #tpu.memory_space<hbm>>
        %dma_start3A_422 = arith.constant 0 : i32
        %dma_start3A_423 = tpu.memref_slice %arg17[%run_scoped3A_214, %dma_start3A_422] : memref<8x128xi32, #tpu.memory_space<vmem>> -> memref<1x128xi32, #tpu.memory_space<vmem>>
        %dma_start3A_424 = tpu.memref_squeeze %dma_start3A_423 : memref<1x128xi32, #tpu.memory_space<vmem>> -> memref<128xi32, #tpu.memory_space<vmem>>
        %dma_start3A_425 = tpu.memref_slice %arg5[%add3A_213] : memref<16384xi32, #tpu.memory_space<hbm>> -> memref<128xi32, #tpu.memory_space<hbm>>
        tpu.enqueue_dma source(%dma_start3A_425 : memref<128xi32, #tpu.memory_space<hbm>>) target(%dma_start3A_424 : memref<128xi32, #tpu.memory_space<vmem>>) target_semaphore(%run_scoped3A_417 : memref<!tpu.dma_semaphore, #tpu.memory_space<semaphore_mem>>)
        %dma_wait3A_426 = arith.constant 0 : i32
        %dma_wait3A_427 = tpu.memref_slice %arg17[%run_scoped3A_214, %dma_wait3A_426] : memref<8x128xi32, #tpu.memory_space<vmem>> -> memref<1x128xi32, #tpu.memory_space<vmem>>
        %dma_wait3A_428 = tpu.memref_squeeze %dma_wait3A_427 : memref<1x128xi32, #tpu.memory_space<vmem>> -> memref<128xi32, #tpu.memory_space<vmem>>
        %dma_wait3A_429 = tpu.memref_slice %arg5[%add3A_213] : memref<16384xi32, #tpu.memory_space<hbm>> -> memref<128xi32, #tpu.memory_space<hbm>>
        %dma_wait3A_430 = arith.constant 0 : i32
        %dma_wait3A_431 = tpu.memref_slice %arg17[%run_scoped3A_214, %dma_wait3A_430] : memref<8x128xi32, #tpu.memory_space<vmem>> -> memref<1x128xi32, #tpu.memory_space<vmem>>
        %dma_wait3A_432 = tpu.memref_squeeze %dma_wait3A_431 : memref<1x128xi32, #tpu.memory_space<vmem>> -> memref<128xi32, #tpu.memory_space<vmem>>
        %dma_wait3A_433 = tpu.memref_slice %arg5[%add3A_213] : memref<16384xi32, #tpu.memory_space<hbm>> -> memref<128xi32, #tpu.memory_space<hbm>>
        tpu.wait_dma2 semaphore(%run_scoped3A_417 : memref<!tpu.dma_semaphore, #tpu.memory_space<semaphore_mem>>) src(%dma_wait3A_433 : memref<128xi32, #tpu.memory_space<hbm>>) dst(%dma_wait3A_432 : memref<128xi32, #tpu.memory_space<vmem>>)
        tpu.yield
      }) : () -> ()
      %add3A_215 = arith.constant 128 : i32
      %add3A_216 = arith.addi %mul3A_191, %add3A_215 : i32
      %run_scoped3A_217 = arith.constant 1 : i32
      "tpu.region"() ({
        %run_scoped3A_417 = tpu.sem_alloc : memref<!tpu.dma_semaphore, #tpu.memory_space<semaphore_mem>>
        %dma_start3A_418 = arith.constant 0 : i32
        %dma_start3A_419 = tpu.memref_slice %arg16[%run_scoped3A_217, %dma_start3A_418] : memref<8x128xi32, #tpu.memory_space<vmem>> -> memref<1x128xi32, #tpu.memory_space<vmem>>
        %dma_start3A_420 = tpu.memref_squeeze %dma_start3A_419 : memref<1x128xi32, #tpu.memory_space<vmem>> -> memref<128xi32, #tpu.memory_space<vmem>>
        %dma_start3A_421 = tpu.memref_slice %arg3[%add3A_216] : memref<16384xi32, #tpu.memory_space<hbm>> -> memref<128xi32, #tpu.memory_space<hbm>>
        %dma_start3A_422 = arith.constant 0 : i32
        %dma_start3A_423 = tpu.memref_slice %arg16[%run_scoped3A_217, %dma_start3A_422] : memref<8x128xi32, #tpu.memory_space<vmem>> -> memref<1x128xi32, #tpu.memory_space<vmem>>
        %dma_start3A_424 = tpu.memref_squeeze %dma_start3A_423 : memref<1x128xi32, #tpu.memory_space<vmem>> -> memref<128xi32, #tpu.memory_space<vmem>>
        %dma_start3A_425 = tpu.memref_slice %arg3[%add3A_216] : memref<16384xi32, #tpu.memory_space<hbm>> -> memref<128xi32, #tpu.memory_space<hbm>>
        tpu.enqueue_dma source(%dma_start3A_425 : memref<128xi32, #tpu.memory_space<hbm>>) target(%dma_start3A_424 : memref<128xi32, #tpu.memory_space<vmem>>) target_semaphore(%run_scoped3A_417 : memref<!tpu.dma_semaphore, #tpu.memory_space<semaphore_mem>>)
        %dma_wait3A_426 = arith.constant 0 : i32
        %dma_wait3A_427 = tpu.memref_slice %arg16[%run_scoped3A_217, %dma_wait3A_426] : memref<8x128xi32, #tpu.memory_space<vmem>> -> memref<1x128xi32, #tpu.memory_space<vmem>>
        %dma_wait3A_428 = tpu.memref_squeeze %dma_wait3A_427 : memref<1x128xi32, #tpu.memory_space<vmem>> -> memref<128xi32, #tpu.memory_space<vmem>>
        %dma_wait3A_429 = tpu.memref_slice %arg3[%add3A_216] : memref<16384xi32, #tpu.memory_space<hbm>> -> memref<128xi32, #tpu.memory_space<hbm>>
        %dma_wait3A_430 = arith.constant 0 : i32
        %dma_wait3A_431 = tpu.memref_slice %arg16[%run_scoped3A_217, %dma_wait3A_430] : memref<8x128xi32, #tpu.memory_space<vmem>> -> memref<1x128xi32, #tpu.memory_space<vmem>>
        %dma_wait3A_432 = tpu.memref_squeeze %dma_wait3A_431 : memref<1x128xi32, #tpu.memory_space<vmem>> -> memref<128xi32, #tpu.memory_space<vmem>>
        %dma_wait3A_433 = tpu.memref_slice %arg3[%add3A_216] : memref<16384xi32, #tpu.memory_space<hbm>> -> memref<128xi32, #tpu.memory_space<hbm>>
        tpu.wait_dma2 semaphore(%run_scoped3A_417 : memref<!tpu.dma_semaphore, #tpu.memory_space<semaphore_mem>>) src(%dma_wait3A_433 : memref<128xi32, #tpu.memory_space<hbm>>) dst(%dma_wait3A_432 : memref<128xi32, #tpu.memory_space<vmem>>)
        tpu.yield
      }) : () -> ()
      %add3A_218 = arith.constant 128 : i32
      %add3A_219 = arith.addi %mul3A_191, %add3A_218 : i32
      %run_scoped3A_220 = arith.constant 1 : i32
      "tpu.region"() ({
        %run_scoped3A_417 = tpu.sem_alloc : memref<!tpu.dma_semaphore, #tpu.memory_space<semaphore_mem>>
        %dma_start3A_418 = arith.constant 0 : i32
        %dma_start3A_419 = tpu.memref_slice %arg17[%run_scoped3A_220, %dma_start3A_418] : memref<8x128xi32, #tpu.memory_space<vmem>> -> memref<1x128xi32, #tpu.memory_space<vmem>>
        %dma_start3A_420 = tpu.memref_squeeze %dma_start3A_419 : memref<1x128xi32, #tpu.memory_space<vmem>> -> memref<128xi32, #tpu.memory_space<vmem>>
        %dma_start3A_421 = tpu.memref_slice %arg5[%add3A_219] : memref<16384xi32, #tpu.memory_space<hbm>> -> memref<128xi32, #tpu.memory_space<hbm>>
        %dma_start3A_422 = arith.constant 0 : i32
        %dma_start3A_423 = tpu.memref_slice %arg17[%run_scoped3A_220, %dma_start3A_422] : memref<8x128xi32, #tpu.memory_space<vmem>> -> memref<1x128xi32, #tpu.memory_space<vmem>>
        %dma_start3A_424 = tpu.memref_squeeze %dma_start3A_423 : memref<1x128xi32, #tpu.memory_space<vmem>> -> memref<128xi32, #tpu.memory_space<vmem>>
        %dma_start3A_425 = tpu.memref_slice %arg5[%add3A_219] : memref<16384xi32, #tpu.memory_space<hbm>> -> memref<128xi32, #tpu.memory_space<hbm>>
        tpu.enqueue_dma source(%dma_start3A_425 : memref<128xi32, #tpu.memory_space<hbm>>) target(%dma_start3A_424 : memref<128xi32, #tpu.memory_space<vmem>>) target_semaphore(%run_scoped3A_417 : memref<!tpu.dma_semaphore, #tpu.memory_space<semaphore_mem>>)
        %dma_wait3A_426 = arith.constant 0 : i32
        %dma_wait3A_427 = tpu.memref_slice %arg17[%run_scoped3A_220, %dma_wait3A_426] : memref<8x128xi32, #tpu.memory_space<vmem>> -> memref<1x128xi32, #tpu.memory_space<vmem>>
        %dma_wait3A_428 = tpu.memref_squeeze %dma_wait3A_427 : memref<1x128xi32, #tpu.memory_space<vmem>> -> memref<128xi32, #tpu.memory_space<vmem>>
        %dma_wait3A_429 = tpu.memref_slice %arg5[%add3A_219] : memref<16384xi32, #tpu.memory_space<hbm>> -> memref<128xi32, #tpu.memory_space<hbm>>
        %dma_wait3A_430 = arith.constant 0 : i32
        %dma_wait3A_431 = tpu.memref_slice %arg17[%run_scoped3A_220, %dma_wait3A_430] : memref<8x128xi32, #tpu.memory_space<vmem>> -> memref<1x128xi32, #tpu.memory_space<vmem>>
        %dma_wait3A_432 = tpu.memref_squeeze %dma_wait3A_431 : memref<1x128xi32, #tpu.memory_space<vmem>> -> memref<128xi32, #tpu.memory_space<vmem>>
        %dma_wait3A_433 = tpu.memref_slice %arg5[%add3A_219] : memref<16384xi32, #tpu.memory_space<hbm>> -> memref<128xi32, #tpu.memory_space<hbm>>
        tpu.wait_dma2 semaphore(%run_scoped3A_417 : memref<!tpu.dma_semaphore, #tpu.memory_space<semaphore_mem>>) src(%dma_wait3A_433 : memref<128xi32, #tpu.memory_space<hbm>>) dst(%dma_wait3A_432 : memref<128xi32, #tpu.memory_space<vmem>>)
        tpu.yield
      }) : () -> ()
      %add3A_221 = arith.constant 256 : i32
      %add3A_222 = arith.addi %mul3A_191, %add3A_221 : i32
      %run_scoped3A_223 = arith.constant 2 : i32
      "tpu.region"() ({
        %run_scoped3A_417 = tpu.sem_alloc : memref<!tpu.dma_semaphore, #tpu.memory_space<semaphore_mem>>
        %dma_start3A_418 = arith.constant 0 : i32
        %dma_start3A_419 = tpu.memref_slice %arg16[%run_scoped3A_223, %dma_start3A_418] : memref<8x128xi32, #tpu.memory_space<vmem>> -> memref<1x128xi32, #tpu.memory_space<vmem>>
        %dma_start3A_420 = tpu.memref_squeeze %dma_start3A_419 : memref<1x128xi32, #tpu.memory_space<vmem>> -> memref<128xi32, #tpu.memory_space<vmem>>
        %dma_start3A_421 = tpu.memref_slice %arg3[%add3A_222] : memref<16384xi32, #tpu.memory_space<hbm>> -> memref<128xi32, #tpu.memory_space<hbm>>
        %dma_start3A_422 = arith.constant 0 : i32
        %dma_start3A_423 = tpu.memref_slice %arg16[%run_scoped3A_223, %dma_start3A_422] : memref<8x128xi32, #tpu.memory_space<vmem>> -> memref<1x128xi32, #tpu.memory_space<vmem>>
        %dma_start3A_424 = tpu.memref_squeeze %dma_start3A_423 : memref<1x128xi32, #tpu.memory_space<vmem>> -> memref<128xi32, #tpu.memory_space<vmem>>
        %dma_start3A_425 = tpu.memref_slice %arg3[%add3A_222] : memref<16384xi32, #tpu.memory_space<hbm>> -> memref<128xi32, #tpu.memory_space<hbm>>
        tpu.enqueue_dma source(%dma_start3A_425 : memref<128xi32, #tpu.memory_space<hbm>>) target(%dma_start3A_424 : memref<128xi32, #tpu.memory_space<vmem>>) target_semaphore(%run_scoped3A_417 : memref<!tpu.dma_semaphore, #tpu.memory_space<semaphore_mem>>)
        %dma_wait3A_426 = arith.constant 0 : i32
        %dma_wait3A_427 = tpu.memref_slice %arg16[%run_scoped3A_223, %dma_wait3A_426] : memref<8x128xi32, #tpu.memory_space<vmem>> -> memref<1x128xi32, #tpu.memory_space<vmem>>
        %dma_wait3A_428 = tpu.memref_squeeze %dma_wait3A_427 : memref<1x128xi32, #tpu.memory_space<vmem>> -> memref<128xi32, #tpu.memory_space<vmem>>
        %dma_wait3A_429 = tpu.memref_slice %arg3[%add3A_222] : memref<16384xi32, #tpu.memory_space<hbm>> -> memref<128xi32, #tpu.memory_space<hbm>>
        %dma_wait3A_430 = arith.constant 0 : i32
        %dma_wait3A_431 = tpu.memref_slice %arg16[%run_scoped3A_223, %dma_wait3A_430] : memref<8x128xi32, #tpu.memory_space<vmem>> -> memref<1x128xi32, #tpu.memory_space<vmem>>
        %dma_wait3A_432 = tpu.memref_squeeze %dma_wait3A_431 : memref<1x128xi32, #tpu.memory_space<vmem>> -> memref<128xi32, #tpu.memory_space<vmem>>
        %dma_wait3A_433 = tpu.memref_slice %arg3[%add3A_222] : memref<16384xi32, #tpu.memory_space<hbm>> -> memref<128xi32, #tpu.memory_space<hbm>>
        tpu.wait_dma2 semaphore(%run_scoped3A_417 : memref<!tpu.dma_semaphore, #tpu.memory_space<semaphore_mem>>) src(%dma_wait3A_433 : memref<128xi32, #tpu.memory_space<hbm>>) dst(%dma_wait3A_432 : memref<128xi32, #tpu.memory_space<vmem>>)
        tpu.yield
      }) : () -> ()
      %add3A_224 = arith.constant 256 : i32
      %add3A_225 = arith.addi %mul3A_191, %add3A_224 : i32
      %run_scoped3A_226 = arith.constant 2 : i32
      "tpu.region"() ({
        %run_scoped3A_417 = tpu.sem_alloc : memref<!tpu.dma_semaphore, #tpu.memory_space<semaphore_mem>>
        %dma_start3A_418 = arith.constant 0 : i32
        %dma_start3A_419 = tpu.memref_slice %arg17[%run_scoped3A_226, %dma_start3A_418] : memref<8x128xi32, #tpu.memory_space<vmem>> -> memref<1x128xi32, #tpu.memory_space<vmem>>
        %dma_start3A_420 = tpu.memref_squeeze %dma_start3A_419 : memref<1x128xi32, #tpu.memory_space<vmem>> -> memref<128xi32, #tpu.memory_space<vmem>>
        %dma_start3A_421 = tpu.memref_slice %arg5[%add3A_225] : memref<16384xi32, #tpu.memory_space<hbm>> -> memref<128xi32, #tpu.memory_space<hbm>>
        %dma_start3A_422 = arith.constant 0 : i32
        %dma_start3A_423 = tpu.memref_slice %arg17[%run_scoped3A_226, %dma_start3A_422] : memref<8x128xi32, #tpu.memory_space<vmem>> -> memref<1x128xi32, #tpu.memory_space<vmem>>
        %dma_start3A_424 = tpu.memref_squeeze %dma_start3A_423 : memref<1x128xi32, #tpu.memory_space<vmem>> -> memref<128xi32, #tpu.memory_space<vmem>>
        %dma_start3A_425 = tpu.memref_slice %arg5[%add3A_225] : memref<16384xi32, #tpu.memory_space<hbm>> -> memref<128xi32, #tpu.memory_space<hbm>>
        tpu.enqueue_dma source(%dma_start3A_425 : memref<128xi32, #tpu.memory_space<hbm>>) target(%dma_start3A_424 : memref<128xi32, #tpu.memory_space<vmem>>) target_semaphore(%run_scoped3A_417 : memref<!tpu.dma_semaphore, #tpu.memory_space<semaphore_mem>>)
        %dma_wait3A_426 = arith.constant 0 : i32
        %dma_wait3A_427 = tpu.memref_slice %arg17[%run_scoped3A_226, %dma_wait3A_426] : memref<8x128xi32, #tpu.memory_space<vmem>> -> memref<1x128xi32, #tpu.memory_space<vmem>>
        %dma_wait3A_428 = tpu.memref_squeeze %dma_wait3A_427 : memref<1x128xi32, #tpu.memory_space<vmem>> -> memref<128xi32, #tpu.memory_space<vmem>>
        %dma_wait3A_429 = tpu.memref_slice %arg5[%add3A_225] : memref<16384xi32, #tpu.memory_space<hbm>> -> memref<128xi32, #tpu.memory_space<hbm>>
        %dma_wait3A_430 = arith.constant 0 : i32
        %dma_wait3A_431 = tpu.memref_slice %arg17[%run_scoped3A_226, %dma_wait3A_430] : memref<8x128xi32, #tpu.memory_space<vmem>> -> memref<1x128xi32, #tpu.memory_space<vmem>>
        %dma_wait3A_432 = tpu.memref_squeeze %dma_wait3A_431 : memref<1x128xi32, #tpu.memory_space<vmem>> -> memref<128xi32, #tpu.memory_space<vmem>>
        %dma_wait3A_433 = tpu.memref_slice %arg5[%add3A_225] : memref<16384xi32, #tpu.memory_space<hbm>> -> memref<128xi32, #tpu.memory_space<hbm>>
        tpu.wait_dma2 semaphore(%run_scoped3A_417 : memref<!tpu.dma_semaphore, #tpu.memory_space<semaphore_mem>>) src(%dma_wait3A_433 : memref<128xi32, #tpu.memory_space<hbm>>) dst(%dma_wait3A_432 : memref<128xi32, #tpu.memory_space<vmem>>)
        tpu.yield
      }) : () -> ()
      %add3A_227 = arith.constant 384 : i32
      %add3A_228 = arith.addi %mul3A_191, %add3A_227 : i32
      %run_scoped3A_229 = arith.constant 3 : i32
      "tpu.region"() ({
        %run_scoped3A_417 = tpu.sem_alloc : memref<!tpu.dma_semaphore, #tpu.memory_space<semaphore_mem>>
        %dma_start3A_418 = arith.constant 0 : i32
        %dma_start3A_419 = tpu.memref_slice %arg16[%run_scoped3A_229, %dma_start3A_418] : memref<8x128xi32, #tpu.memory_space<vmem>> -> memref<1x128xi32, #tpu.memory_space<vmem>>
        %dma_start3A_420 = tpu.memref_squeeze %dma_start3A_419 : memref<1x128xi32, #tpu.memory_space<vmem>> -> memref<128xi32, #tpu.memory_space<vmem>>
        %dma_start3A_421 = tpu.memref_slice %arg3[%add3A_228] : memref<16384xi32, #tpu.memory_space<hbm>> -> memref<128xi32, #tpu.memory_space<hbm>>
        %dma_start3A_422 = arith.constant 0 : i32
        %dma_start3A_423 = tpu.memref_slice %arg16[%run_scoped3A_229, %dma_start3A_422] : memref<8x128xi32, #tpu.memory_space<vmem>> -> memref<1x128xi32, #tpu.memory_space<vmem>>
        %dma_start3A_424 = tpu.memref_squeeze %dma_start3A_423 : memref<1x128xi32, #tpu.memory_space<vmem>> -> memref<128xi32, #tpu.memory_space<vmem>>
        %dma_start3A_425 = tpu.memref_slice %arg3[%add3A_228] : memref<16384xi32, #tpu.memory_space<hbm>> -> memref<128xi32, #tpu.memory_space<hbm>>
        tpu.enqueue_dma source(%dma_start3A_425 : memref<128xi32, #tpu.memory_space<hbm>>) target(%dma_start3A_424 : memref<128xi32, #tpu.memory_space<vmem>>) target_semaphore(%run_scoped3A_417 : memref<!tpu.dma_semaphore, #tpu.memory_space<semaphore_mem>>)
        %dma_wait3A_426 = arith.constant 0 : i32
        %dma_wait3A_427 = tpu.memref_slice %arg16[%run_scoped3A_229, %dma_wait3A_426] : memref<8x128xi32, #tpu.memory_space<vmem>> -> memref<1x128xi32, #tpu.memory_space<vmem>>
        %dma_wait3A_428 = tpu.memref_squeeze %dma_wait3A_427 : memref<1x128xi32, #tpu.memory_space<vmem>> -> memref<128xi32, #tpu.memory_space<vmem>>
        %dma_wait3A_429 = tpu.memref_slice %arg3[%add3A_228] : memref<16384xi32, #tpu.memory_space<hbm>> -> memref<128xi32, #tpu.memory_space<hbm>>
        %dma_wait3A_430 = arith.constant 0 : i32
        %dma_wait3A_431 = tpu.memref_slice %arg16[%run_scoped3A_229, %dma_wait3A_430] : memref<8x128xi32, #tpu.memory_space<vmem>> -> memref<1x128xi32, #tpu.memory_space<vmem>>
        %dma_wait3A_432 = tpu.memref_squeeze %dma_wait3A_431 : memref<1x128xi32, #tpu.memory_space<vmem>> -> memref<128xi32, #tpu.memory_space<vmem>>
        %dma_wait3A_433 = tpu.memref_slice %arg3[%add3A_228] : memref<16384xi32, #tpu.memory_space<hbm>> -> memref<128xi32, #tpu.memory_space<hbm>>
        tpu.wait_dma2 semaphore(%run_scoped3A_417 : memref<!tpu.dma_semaphore, #tpu.memory_space<semaphore_mem>>) src(%dma_wait3A_433 : memref<128xi32, #tpu.memory_space<hbm>>) dst(%dma_wait3A_432 : memref<128xi32, #tpu.memory_space<vmem>>)
        tpu.yield
      }) : () -> ()
      %add3A_230 = arith.constant 384 : i32
      %add3A_231 = arith.addi %mul3A_191, %add3A_230 : i32
      %run_scoped3A_232 = arith.constant 3 : i32
      "tpu.region"() ({
        %run_scoped3A_417 = tpu.sem_alloc : memref<!tpu.dma_semaphore, #tpu.memory_space<semaphore_mem>>
        %dma_start3A_418 = arith.constant 0 : i32
        %dma_start3A_419 = tpu.memref_slice %arg17[%run_scoped3A_232, %dma_start3A_418] : memref<8x128xi32, #tpu.memory_space<vmem>> -> memref<1x128xi32, #tpu.memory_space<vmem>>
        %dma_start3A_420 = tpu.memref_squeeze %dma_start3A_419 : memref<1x128xi32, #tpu.memory_space<vmem>> -> memref<128xi32, #tpu.memory_space<vmem>>
        %dma_start3A_421 = tpu.memref_slice %arg5[%add3A_231] : memref<16384xi32, #tpu.memory_space<hbm>> -> memref<128xi32, #tpu.memory_space<hbm>>
        %dma_start3A_422 = arith.constant 0 : i32
        %dma_start3A_423 = tpu.memref_slice %arg17[%run_scoped3A_232, %dma_start3A_422] : memref<8x128xi32, #tpu.memory_space<vmem>> -> memref<1x128xi32, #tpu.memory_space<vmem>>
        %dma_start3A_424 = tpu.memref_squeeze %dma_start3A_423 : memref<1x128xi32, #tpu.memory_space<vmem>> -> memref<128xi32, #tpu.memory_space<vmem>>
        %dma_start3A_425 = tpu.memref_slice %arg5[%add3A_231] : memref<16384xi32, #tpu.memory_space<hbm>> -> memref<128xi32, #tpu.memory_space<hbm>>
        tpu.enqueue_dma source(%dma_start3A_425 : memref<128xi32, #tpu.memory_space<hbm>>) target(%dma_start3A_424 : memref<128xi32, #tpu.memory_space<vmem>>) target_semaphore(%run_scoped3A_417 : memref<!tpu.dma_semaphore, #tpu.memory_space<semaphore_mem>>)
        %dma_wait3A_426 = arith.constant 0 : i32
        %dma_wait3A_427 = tpu.memref_slice %arg17[%run_scoped3A_232, %dma_wait3A_426] : memref<8x128xi32, #tpu.memory_space<vmem>> -> memref<1x128xi32, #tpu.memory_space<vmem>>
        %dma_wait3A_428 = tpu.memref_squeeze %dma_wait3A_427 : memref<1x128xi32, #tpu.memory_space<vmem>> -> memref<128xi32, #tpu.memory_space<vmem>>
        %dma_wait3A_429 = tpu.memref_slice %arg5[%add3A_231] : memref<16384xi32, #tpu.memory_space<hbm>> -> memref<128xi32, #tpu.memory_space<hbm>>
        %dma_wait3A_430 = arith.constant 0 : i32
        %dma_wait3A_431 = tpu.memref_slice %arg17[%run_scoped3A_232, %dma_wait3A_430] : memref<8x128xi32, #tpu.memory_space<vmem>> -> memref<1x128xi32, #tpu.memory_space<vmem>>
        %dma_wait3A_432 = tpu.memref_squeeze %dma_wait3A_431 : memref<1x128xi32, #tpu.memory_space<vmem>> -> memref<128xi32, #tpu.memory_space<vmem>>
        %dma_wait3A_433 = tpu.memref_slice %arg5[%add3A_231] : memref<16384xi32, #tpu.memory_space<hbm>> -> memref<128xi32, #tpu.memory_space<hbm>>
        tpu.wait_dma2 semaphore(%run_scoped3A_417 : memref<!tpu.dma_semaphore, #tpu.memory_space<semaphore_mem>>) src(%dma_wait3A_433 : memref<128xi32, #tpu.memory_space<hbm>>) dst(%dma_wait3A_432 : memref<128xi32, #tpu.memory_space<vmem>>)
        tpu.yield
      }) : () -> ()
      %add3A_233 = arith.constant 512 : i32
      %add3A_234 = arith.addi %mul3A_191, %add3A_233 : i32
      %run_scoped3A_235 = arith.constant 4 : i32
      "tpu.region"() ({
        %run_scoped3A_417 = tpu.sem_alloc : memref<!tpu.dma_semaphore, #tpu.memory_space<semaphore_mem>>
        %dma_start3A_418 = arith.constant 0 : i32
        %dma_start3A_419 = tpu.memref_slice %arg16[%run_scoped3A_235, %dma_start3A_418] : memref<8x128xi32, #tpu.memory_space<vmem>> -> memref<1x128xi32, #tpu.memory_space<vmem>>
        %dma_start3A_420 = tpu.memref_squeeze %dma_start3A_419 : memref<1x128xi32, #tpu.memory_space<vmem>> -> memref<128xi32, #tpu.memory_space<vmem>>
        %dma_start3A_421 = tpu.memref_slice %arg3[%add3A_234] : memref<16384xi32, #tpu.memory_space<hbm>> -> memref<128xi32, #tpu.memory_space<hbm>>
        %dma_start3A_422 = arith.constant 0 : i32
        %dma_start3A_423 = tpu.memref_slice %arg16[%run_scoped3A_235, %dma_start3A_422] : memref<8x128xi32, #tpu.memory_space<vmem>> -> memref<1x128xi32, #tpu.memory_space<vmem>>
        %dma_start3A_424 = tpu.memref_squeeze %dma_start3A_423 : memref<1x128xi32, #tpu.memory_space<vmem>> -> memref<128xi32, #tpu.memory_space<vmem>>
        %dma_start3A_425 = tpu.memref_slice %arg3[%add3A_234] : memref<16384xi32, #tpu.memory_space<hbm>> -> memref<128xi32, #tpu.memory_space<hbm>>
        tpu.enqueue_dma source(%dma_start3A_425 : memref<128xi32, #tpu.memory_space<hbm>>) target(%dma_start3A_424 : memref<128xi32, #tpu.memory_space<vmem>>) target_semaphore(%run_scoped3A_417 : memref<!tpu.dma_semaphore, #tpu.memory_space<semaphore_mem>>)
        %dma_wait3A_426 = arith.constant 0 : i32
        %dma_wait3A_427 = tpu.memref_slice %arg16[%run_scoped3A_235, %dma_wait3A_426] : memref<8x128xi32, #tpu.memory_space<vmem>> -> memref<1x128xi32, #tpu.memory_space<vmem>>
        %dma_wait3A_428 = tpu.memref_squeeze %dma_wait3A_427 : memref<1x128xi32, #tpu.memory_space<vmem>> -> memref<128xi32, #tpu.memory_space<vmem>>
        %dma_wait3A_429 = tpu.memref_slice %arg3[%add3A_234] : memref<16384xi32, #tpu.memory_space<hbm>> -> memref<128xi32, #tpu.memory_space<hbm>>
        %dma_wait3A_430 = arith.constant 0 : i32
        %dma_wait3A_431 = tpu.memref_slice %arg16[%run_scoped3A_235, %dma_wait3A_430] : memref<8x128xi32, #tpu.memory_space<vmem>> -> memref<1x128xi32, #tpu.memory_space<vmem>>
        %dma_wait3A_432 = tpu.memref_squeeze %dma_wait3A_431 : memref<1x128xi32, #tpu.memory_space<vmem>> -> memref<128xi32, #tpu.memory_space<vmem>>
        %dma_wait3A_433 = tpu.memref_slice %arg3[%add3A_234] : memref<16384xi32, #tpu.memory_space<hbm>> -> memref<128xi32, #tpu.memory_space<hbm>>
        tpu.wait_dma2 semaphore(%run_scoped3A_417 : memref<!tpu.dma_semaphore, #tpu.memory_space<semaphore_mem>>) src(%dma_wait3A_433 : memref<128xi32, #tpu.memory_space<hbm>>) dst(%dma_wait3A_432 : memref<128xi32, #tpu.memory_space<vmem>>)
        tpu.yield
      }) : () -> ()
      %add3A_236 = arith.constant 512 : i32
      %add3A_237 = arith.addi %mul3A_191, %add3A_236 : i32
      %run_scoped3A_238 = arith.constant 4 : i32
      "tpu.region"() ({
        %run_scoped3A_417 = tpu.sem_alloc : memref<!tpu.dma_semaphore, #tpu.memory_space<semaphore_mem>>
        %dma_start3A_418 = arith.constant 0 : i32
        %dma_start3A_419 = tpu.memref_slice %arg17[%run_scoped3A_238, %dma_start3A_418] : memref<8x128xi32, #tpu.memory_space<vmem>> -> memref<1x128xi32, #tpu.memory_space<vmem>>
        %dma_start3A_420 = tpu.memref_squeeze %dma_start3A_419 : memref<1x128xi32, #tpu.memory_space<vmem>> -> memref<128xi32, #tpu.memory_space<vmem>>
        %dma_start3A_421 = tpu.memref_slice %arg5[%add3A_237] : memref<16384xi32, #tpu.memory_space<hbm>> -> memref<128xi32, #tpu.memory_space<hbm>>
        %dma_start3A_422 = arith.constant 0 : i32
        %dma_start3A_423 = tpu.memref_slice %arg17[%run_scoped3A_238, %dma_start3A_422] : memref<8x128xi32, #tpu.memory_space<vmem>> -> memref<1x128xi32, #tpu.memory_space<vmem>>
        %dma_start3A_424 = tpu.memref_squeeze %dma_start3A_423 : memref<1x128xi32, #tpu.memory_space<vmem>> -> memref<128xi32, #tpu.memory_space<vmem>>
        %dma_start3A_425 = tpu.memref_slice %arg5[%add3A_237] : memref<16384xi32, #tpu.memory_space<hbm>> -> memref<128xi32, #tpu.memory_space<hbm>>
        tpu.enqueue_dma source(%dma_start3A_425 : memref<128xi32, #tpu.memory_space<hbm>>) target(%dma_start3A_424 : memref<128xi32, #tpu.memory_space<vmem>>) target_semaphore(%run_scoped3A_417 : memref<!tpu.dma_semaphore, #tpu.memory_space<semaphore_mem>>)
        %dma_wait3A_426 = arith.constant 0 : i32
        %dma_wait3A_427 = tpu.memref_slice %arg17[%run_scoped3A_238, %dma_wait3A_426] : memref<8x128xi32, #tpu.memory_space<vmem>> -> memref<1x128xi32, #tpu.memory_space<vmem>>
        %dma_wait3A_428 = tpu.memref_squeeze %dma_wait3A_427 : memref<1x128xi32, #tpu.memory_space<vmem>> -> memref<128xi32, #tpu.memory_space<vmem>>
        %dma_wait3A_429 = tpu.memref_slice %arg5[%add3A_237] : memref<16384xi32, #tpu.memory_space<hbm>> -> memref<128xi32, #tpu.memory_space<hbm>>
        %dma_wait3A_430 = arith.constant 0 : i32
        %dma_wait3A_431 = tpu.memref_slice %arg17[%run_scoped3A_238, %dma_wait3A_430] : memref<8x128xi32, #tpu.memory_space<vmem>> -> memref<1x128xi32, #tpu.memory_space<vmem>>
        %dma_wait3A_432 = tpu.memref_squeeze %dma_wait3A_431 : memref<1x128xi32, #tpu.memory_space<vmem>> -> memref<128xi32, #tpu.memory_space<vmem>>
        %dma_wait3A_433 = tpu.memref_slice %arg5[%add3A_237] : memref<16384xi32, #tpu.memory_space<hbm>> -> memref<128xi32, #tpu.memory_space<hbm>>
        tpu.wait_dma2 semaphore(%run_scoped3A_417 : memref<!tpu.dma_semaphore, #tpu.memory_space<semaphore_mem>>) src(%dma_wait3A_433 : memref<128xi32, #tpu.memory_space<hbm>>) dst(%dma_wait3A_432 : memref<128xi32, #tpu.memory_space<vmem>>)
        tpu.yield
      }) : () -> ()
      %add3A_239 = arith.constant 640 : i32
      %add3A_240 = arith.addi %mul3A_191, %add3A_239 : i32
      %run_scoped3A_241 = arith.constant 5 : i32
      "tpu.region"() ({
        %run_scoped3A_417 = tpu.sem_alloc : memref<!tpu.dma_semaphore, #tpu.memory_space<semaphore_mem>>
        %dma_start3A_418 = arith.constant 0 : i32
        %dma_start3A_419 = tpu.memref_slice %arg16[%run_scoped3A_241, %dma_start3A_418] : memref<8x128xi32, #tpu.memory_space<vmem>> -> memref<1x128xi32, #tpu.memory_space<vmem>>
        %dma_start3A_420 = tpu.memref_squeeze %dma_start3A_419 : memref<1x128xi32, #tpu.memory_space<vmem>> -> memref<128xi32, #tpu.memory_space<vmem>>
        %dma_start3A_421 = tpu.memref_slice %arg3[%add3A_240] : memref<16384xi32, #tpu.memory_space<hbm>> -> memref<128xi32, #tpu.memory_space<hbm>>
        %dma_start3A_422 = arith.constant 0 : i32
        %dma_start3A_423 = tpu.memref_slice %arg16[%run_scoped3A_241, %dma_start3A_422] : memref<8x128xi32, #tpu.memory_space<vmem>> -> memref<1x128xi32, #tpu.memory_space<vmem>>
        %dma_start3A_424 = tpu.memref_squeeze %dma_start3A_423 : memref<1x128xi32, #tpu.memory_space<vmem>> -> memref<128xi32, #tpu.memory_space<vmem>>
        %dma_start3A_425 = tpu.memref_slice %arg3[%add3A_240] : memref<16384xi32, #tpu.memory_space<hbm>> -> memref<128xi32, #tpu.memory_space<hbm>>
        tpu.enqueue_dma source(%dma_start3A_425 : memref<128xi32, #tpu.memory_space<hbm>>) target(%dma_start3A_424 : memref<128xi32, #tpu.memory_space<vmem>>) target_semaphore(%run_scoped3A_417 : memref<!tpu.dma_semaphore, #tpu.memory_space<semaphore_mem>>)
        %dma_wait3A_426 = arith.constant 0 : i32
        %dma_wait3A_427 = tpu.memref_slice %arg16[%run_scoped3A_241, %dma_wait3A_426] : memref<8x128xi32, #tpu.memory_space<vmem>> -> memref<1x128xi32, #tpu.memory_space<vmem>>
        %dma_wait3A_428 = tpu.memref_squeeze %dma_wait3A_427 : memref<1x128xi32, #tpu.memory_space<vmem>> -> memref<128xi32, #tpu.memory_space<vmem>>
        %dma_wait3A_429 = tpu.memref_slice %arg3[%add3A_240] : memref<16384xi32, #tpu.memory_space<hbm>> -> memref<128xi32, #tpu.memory_space<hbm>>
        %dma_wait3A_430 = arith.constant 0 : i32
        %dma_wait3A_431 = tpu.memref_slice %arg16[%run_scoped3A_241, %dma_wait3A_430] : memref<8x128xi32, #tpu.memory_space<vmem>> -> memref<1x128xi32, #tpu.memory_space<vmem>>
        %dma_wait3A_432 = tpu.memref_squeeze %dma_wait3A_431 : memref<1x128xi32, #tpu.memory_space<vmem>> -> memref<128xi32, #tpu.memory_space<vmem>>
        %dma_wait3A_433 = tpu.memref_slice %arg3[%add3A_240] : memref<16384xi32, #tpu.memory_space<hbm>> -> memref<128xi32, #tpu.memory_space<hbm>>
        tpu.wait_dma2 semaphore(%run_scoped3A_417 : memref<!tpu.dma_semaphore, #tpu.memory_space<semaphore_mem>>) src(%dma_wait3A_433 : memref<128xi32, #tpu.memory_space<hbm>>) dst(%dma_wait3A_432 : memref<128xi32, #tpu.memory_space<vmem>>)
        tpu.yield
      }) : () -> ()
      %add3A_242 = arith.constant 640 : i32
      %add3A_243 = arith.addi %mul3A_191, %add3A_242 : i32
      %run_scoped3A_244 = arith.constant 5 : i32
      "tpu.region"() ({
        %run_scoped3A_417 = tpu.sem_alloc : memref<!tpu.dma_semaphore, #tpu.memory_space<semaphore_mem>>
        %dma_start3A_418 = arith.constant 0 : i32
        %dma_start3A_419 = tpu.memref_slice %arg17[%run_scoped3A_244, %dma_start3A_418] : memref<8x128xi32, #tpu.memory_space<vmem>> -> memref<1x128xi32, #tpu.memory_space<vmem>>
        %dma_start3A_420 = tpu.memref_squeeze %dma_start3A_419 : memref<1x128xi32, #tpu.memory_space<vmem>> -> memref<128xi32, #tpu.memory_space<vmem>>
        %dma_start3A_421 = tpu.memref_slice %arg5[%add3A_243] : memref<16384xi32, #tpu.memory_space<hbm>> -> memref<128xi32, #tpu.memory_space<hbm>>
        %dma_start3A_422 = arith.constant 0 : i32
        %dma_start3A_423 = tpu.memref_slice %arg17[%run_scoped3A_244, %dma_start3A_422] : memref<8x128xi32, #tpu.memory_space<vmem>> -> memref<1x128xi32, #tpu.memory_space<vmem>>
        %dma_start3A_424 = tpu.memref_squeeze %dma_start3A_423 : memref<1x128xi32, #tpu.memory_space<vmem>> -> memref<128xi32, #tpu.memory_space<vmem>>
        %dma_start3A_425 = tpu.memref_slice %arg5[%add3A_243] : memref<16384xi32, #tpu.memory_space<hbm>> -> memref<128xi32, #tpu.memory_space<hbm>>
        tpu.enqueue_dma source(%dma_start3A_425 : memref<128xi32, #tpu.memory_space<hbm>>) target(%dma_start3A_424 : memref<128xi32, #tpu.memory_space<vmem>>) target_semaphore(%run_scoped3A_417 : memref<!tpu.dma_semaphore, #tpu.memory_space<semaphore_mem>>)
        %dma_wait3A_426 = arith.constant 0 : i32
        %dma_wait3A_427 = tpu.memref_slice %arg17[%run_scoped3A_244, %dma_wait3A_426] : memref<8x128xi32, #tpu.memory_space<vmem>> -> memref<1x128xi32, #tpu.memory_space<vmem>>
        %dma_wait3A_428 = tpu.memref_squeeze %dma_wait3A_427 : memref<1x128xi32, #tpu.memory_space<vmem>> -> memref<128xi32, #tpu.memory_space<vmem>>
        %dma_wait3A_429 = tpu.memref_slice %arg5[%add3A_243] : memref<16384xi32, #tpu.memory_space<hbm>> -> memref<128xi32, #tpu.memory_space<hbm>>
        %dma_wait3A_430 = arith.constant 0 : i32
        %dma_wait3A_431 = tpu.memref_slice %arg17[%run_scoped3A_244, %dma_wait3A_430] : memref<8x128xi32, #tpu.memory_space<vmem>> -> memref<1x128xi32, #tpu.memory_space<vmem>>
        %dma_wait3A_432 = tpu.memref_squeeze %dma_wait3A_431 : memref<1x128xi32, #tpu.memory_space<vmem>> -> memref<128xi32, #tpu.memory_space<vmem>>
        %dma_wait3A_433 = tpu.memref_slice %arg5[%add3A_243] : memref<16384xi32, #tpu.memory_space<hbm>> -> memref<128xi32, #tpu.memory_space<hbm>>
        tpu.wait_dma2 semaphore(%run_scoped3A_417 : memref<!tpu.dma_semaphore, #tpu.memory_space<semaphore_mem>>) src(%dma_wait3A_433 : memref<128xi32, #tpu.memory_space<hbm>>) dst(%dma_wait3A_432 : memref<128xi32, #tpu.memory_space<vmem>>)
        tpu.yield
      }) : () -> ()
      %add3A_245 = arith.constant 768 : i32
      %add3A_246 = arith.addi %mul3A_191, %add3A_245 : i32
      %run_scoped3A_247 = arith.constant 6 : i32
      "tpu.region"() ({
        %run_scoped3A_417 = tpu.sem_alloc : memref<!tpu.dma_semaphore, #tpu.memory_space<semaphore_mem>>
        %dma_start3A_418 = arith.constant 0 : i32
        %dma_start3A_419 = tpu.memref_slice %arg16[%run_scoped3A_247, %dma_start3A_418] : memref<8x128xi32, #tpu.memory_space<vmem>> -> memref<1x128xi32, #tpu.memory_space<vmem>>
        %dma_start3A_420 = tpu.memref_squeeze %dma_start3A_419 : memref<1x128xi32, #tpu.memory_space<vmem>> -> memref<128xi32, #tpu.memory_space<vmem>>
        %dma_start3A_421 = tpu.memref_slice %arg3[%add3A_246] : memref<16384xi32, #tpu.memory_space<hbm>> -> memref<128xi32, #tpu.memory_space<hbm>>
        %dma_start3A_422 = arith.constant 0 : i32
        %dma_start3A_423 = tpu.memref_slice %arg16[%run_scoped3A_247, %dma_start3A_422] : memref<8x128xi32, #tpu.memory_space<vmem>> -> memref<1x128xi32, #tpu.memory_space<vmem>>
        %dma_start3A_424 = tpu.memref_squeeze %dma_start3A_423 : memref<1x128xi32, #tpu.memory_space<vmem>> -> memref<128xi32, #tpu.memory_space<vmem>>
        %dma_start3A_425 = tpu.memref_slice %arg3[%add3A_246] : memref<16384xi32, #tpu.memory_space<hbm>> -> memref<128xi32, #tpu.memory_space<hbm>>
        tpu.enqueue_dma source(%dma_start3A_425 : memref<128xi32, #tpu.memory_space<hbm>>) target(%dma_start3A_424 : memref<128xi32, #tpu.memory_space<vmem>>) target_semaphore(%run_scoped3A_417 : memref<!tpu.dma_semaphore, #tpu.memory_space<semaphore_mem>>)
        %dma_wait3A_426 = arith.constant 0 : i32
        %dma_wait3A_427 = tpu.memref_slice %arg16[%run_scoped3A_247, %dma_wait3A_426] : memref<8x128xi32, #tpu.memory_space<vmem>> -> memref<1x128xi32, #tpu.memory_space<vmem>>
        %dma_wait3A_428 = tpu.memref_squeeze %dma_wait3A_427 : memref<1x128xi32, #tpu.memory_space<vmem>> -> memref<128xi32, #tpu.memory_space<vmem>>
        %dma_wait3A_429 = tpu.memref_slice %arg3[%add3A_246] : memref<16384xi32, #tpu.memory_space<hbm>> -> memref<128xi32, #tpu.memory_space<hbm>>
        %dma_wait3A_430 = arith.constant 0 : i32
        %dma_wait3A_431 = tpu.memref_slice %arg16[%run_scoped3A_247, %dma_wait3A_430] : memref<8x128xi32, #tpu.memory_space<vmem>> -> memref<1x128xi32, #tpu.memory_space<vmem>>
        %dma_wait3A_432 = tpu.memref_squeeze %dma_wait3A_431 : memref<1x128xi32, #tpu.memory_space<vmem>> -> memref<128xi32, #tpu.memory_space<vmem>>
        %dma_wait3A_433 = tpu.memref_slice %arg3[%add3A_246] : memref<16384xi32, #tpu.memory_space<hbm>> -> memref<128xi32, #tpu.memory_space<hbm>>
        tpu.wait_dma2 semaphore(%run_scoped3A_417 : memref<!tpu.dma_semaphore, #tpu.memory_space<semaphore_mem>>) src(%dma_wait3A_433 : memref<128xi32, #tpu.memory_space<hbm>>) dst(%dma_wait3A_432 : memref<128xi32, #tpu.memory_space<vmem>>)
        tpu.yield
      }) : () -> ()
      %add3A_248 = arith.constant 768 : i32
      %add3A_249 = arith.addi %mul3A_191, %add3A_248 : i32
      %run_scoped3A_250 = arith.constant 6 : i32
      "tpu.region"() ({
        %run_scoped3A_417 = tpu.sem_alloc : memref<!tpu.dma_semaphore, #tpu.memory_space<semaphore_mem>>
        %dma_start3A_418 = arith.constant 0 : i32
        %dma_start3A_419 = tpu.memref_slice %arg17[%run_scoped3A_250, %dma_start3A_418] : memref<8x128xi32, #tpu.memory_space<vmem>> -> memref<1x128xi32, #tpu.memory_space<vmem>>
        %dma_start3A_420 = tpu.memref_squeeze %dma_start3A_419 : memref<1x128xi32, #tpu.memory_space<vmem>> -> memref<128xi32, #tpu.memory_space<vmem>>
        %dma_start3A_421 = tpu.memref_slice %arg5[%add3A_249] : memref<16384xi32, #tpu.memory_space<hbm>> -> memref<128xi32, #tpu.memory_space<hbm>>
        %dma_start3A_422 = arith.constant 0 : i32
        %dma_start3A_423 = tpu.memref_slice %arg17[%run_scoped3A_250, %dma_start3A_422] : memref<8x128xi32, #tpu.memory_space<vmem>> -> memref<1x128xi32, #tpu.memory_space<vmem>>
        %dma_start3A_424 = tpu.memref_squeeze %dma_start3A_423 : memref<1x128xi32, #tpu.memory_space<vmem>> -> memref<128xi32, #tpu.memory_space<vmem>>
        %dma_start3A_425 = tpu.memref_slice %arg5[%add3A_249] : memref<16384xi32, #tpu.memory_space<hbm>> -> memref<128xi32, #tpu.memory_space<hbm>>
        tpu.enqueue_dma source(%dma_start3A_425 : memref<128xi32, #tpu.memory_space<hbm>>) target(%dma_start3A_424 : memref<128xi32, #tpu.memory_space<vmem>>) target_semaphore(%run_scoped3A_417 : memref<!tpu.dma_semaphore, #tpu.memory_space<semaphore_mem>>)
        %dma_wait3A_426 = arith.constant 0 : i32
        %dma_wait3A_427 = tpu.memref_slice %arg17[%run_scoped3A_250, %dma_wait3A_426] : memref<8x128xi32, #tpu.memory_space<vmem>> -> memref<1x128xi32, #tpu.memory_space<vmem>>
        %dma_wait3A_428 = tpu.memref_squeeze %dma_wait3A_427 : memref<1x128xi32, #tpu.memory_space<vmem>> -> memref<128xi32, #tpu.memory_space<vmem>>
        %dma_wait3A_429 = tpu.memref_slice %arg5[%add3A_249] : memref<16384xi32, #tpu.memory_space<hbm>> -> memref<128xi32, #tpu.memory_space<hbm>>
        %dma_wait3A_430 = arith.constant 0 : i32
        %dma_wait3A_431 = tpu.memref_slice %arg17[%run_scoped3A_250, %dma_wait3A_430] : memref<8x128xi32, #tpu.memory_space<vmem>> -> memref<1x128xi32, #tpu.memory_space<vmem>>
        %dma_wait3A_432 = tpu.memref_squeeze %dma_wait3A_431 : memref<1x128xi32, #tpu.memory_space<vmem>> -> memref<128xi32, #tpu.memory_space<vmem>>
        %dma_wait3A_433 = tpu.memref_slice %arg5[%add3A_249] : memref<16384xi32, #tpu.memory_space<hbm>> -> memref<128xi32, #tpu.memory_space<hbm>>
        tpu.wait_dma2 semaphore(%run_scoped3A_417 : memref<!tpu.dma_semaphore, #tpu.memory_space<semaphore_mem>>) src(%dma_wait3A_433 : memref<128xi32, #tpu.memory_space<hbm>>) dst(%dma_wait3A_432 : memref<128xi32, #tpu.memory_space<vmem>>)
        tpu.yield
      }) : () -> ()
      %add3A_251 = arith.constant 896 : i32
      %add3A_252 = arith.addi %mul3A_191, %add3A_251 : i32
      %run_scoped3A_253 = arith.constant 7 : i32
      "tpu.region"() ({
        %run_scoped3A_417 = tpu.sem_alloc : memref<!tpu.dma_semaphore, #tpu.memory_space<semaphore_mem>>
        %dma_start3A_418 = arith.constant 0 : i32
        %dma_start3A_419 = tpu.memref_slice %arg16[%run_scoped3A_253, %dma_start3A_418] : memref<8x128xi32, #tpu.memory_space<vmem>> -> memref<1x128xi32, #tpu.memory_space<vmem>>
        %dma_start3A_420 = tpu.memref_squeeze %dma_start3A_419 : memref<1x128xi32, #tpu.memory_space<vmem>> -> memref<128xi32, #tpu.memory_space<vmem>>
        %dma_start3A_421 = tpu.memref_slice %arg3[%add3A_252] : memref<16384xi32, #tpu.memory_space<hbm>> -> memref<128xi32, #tpu.memory_space<hbm>>
        %dma_start3A_422 = arith.constant 0 : i32
        %dma_start3A_423 = tpu.memref_slice %arg16[%run_scoped3A_253, %dma_start3A_422] : memref<8x128xi32, #tpu.memory_space<vmem>> -> memref<1x128xi32, #tpu.memory_space<vmem>>
        %dma_start3A_424 = tpu.memref_squeeze %dma_start3A_423 : memref<1x128xi32, #tpu.memory_space<vmem>> -> memref<128xi32, #tpu.memory_space<vmem>>
        %dma_start3A_425 = tpu.memref_slice %arg3[%add3A_252] : memref<16384xi32, #tpu.memory_space<hbm>> -> memref<128xi32, #tpu.memory_space<hbm>>
        tpu.enqueue_dma source(%dma_start3A_425 : memref<128xi32, #tpu.memory_space<hbm>>) target(%dma_start3A_424 : memref<128xi32, #tpu.memory_space<vmem>>) target_semaphore(%run_scoped3A_417 : memref<!tpu.dma_semaphore, #tpu.memory_space<semaphore_mem>>)
        %dma_wait3A_426 = arith.constant 0 : i32
        %dma_wait3A_427 = tpu.memref_slice %arg16[%run_scoped3A_253, %dma_wait3A_426] : memref<8x128xi32, #tpu.memory_space<vmem>> -> memref<1x128xi32, #tpu.memory_space<vmem>>
        %dma_wait3A_428 = tpu.memref_squeeze %dma_wait3A_427 : memref<1x128xi32, #tpu.memory_space<vmem>> -> memref<128xi32, #tpu.memory_space<vmem>>
        %dma_wait3A_429 = tpu.memref_slice %arg3[%add3A_252] : memref<16384xi32, #tpu.memory_space<hbm>> -> memref<128xi32, #tpu.memory_space<hbm>>
        %dma_wait3A_430 = arith.constant 0 : i32
        %dma_wait3A_431 = tpu.memref_slice %arg16[%run_scoped3A_253, %dma_wait3A_430] : memref<8x128xi32, #tpu.memory_space<vmem>> -> memref<1x128xi32, #tpu.memory_space<vmem>>
        %dma_wait3A_432 = tpu.memref_squeeze %dma_wait3A_431 : memref<1x128xi32, #tpu.memory_space<vmem>> -> memref<128xi32, #tpu.memory_space<vmem>>
        %dma_wait3A_433 = tpu.memref_slice %arg3[%add3A_252] : memref<16384xi32, #tpu.memory_space<hbm>> -> memref<128xi32, #tpu.memory_space<hbm>>
        tpu.wait_dma2 semaphore(%run_scoped3A_417 : memref<!tpu.dma_semaphore, #tpu.memory_space<semaphore_mem>>) src(%dma_wait3A_433 : memref<128xi32, #tpu.memory_space<hbm>>) dst(%dma_wait3A_432 : memref<128xi32, #tpu.memory_space<vmem>>)
        tpu.yield
      }) : () -> ()
      %add3A_254 = arith.constant 896 : i32
      %add3A_255 = arith.addi %mul3A_191, %add3A_254 : i32
      %run_scoped3A_256 = arith.constant 7 : i32
      "tpu.region"() ({
        %run_scoped3A_417 = tpu.sem_alloc : memref<!tpu.dma_semaphore, #tpu.memory_space<semaphore_mem>>
        %dma_start3A_418 = arith.constant 0 : i32
        %dma_start3A_419 = tpu.memref_slice %arg17[%run_scoped3A_256, %dma_start3A_418] : memref<8x128xi32, #tpu.memory_space<vmem>> -> memref<1x128xi32, #tpu.memory_space<vmem>>
        %dma_start3A_420 = tpu.memref_squeeze %dma_start3A_419 : memref<1x128xi32, #tpu.memory_space<vmem>> -> memref<128xi32, #tpu.memory_space<vmem>>
        %dma_start3A_421 = tpu.memref_slice %arg5[%add3A_255] : memref<16384xi32, #tpu.memory_space<hbm>> -> memref<128xi32, #tpu.memory_space<hbm>>
        %dma_start3A_422 = arith.constant 0 : i32
        %dma_start3A_423 = tpu.memref_slice %arg17[%run_scoped3A_256, %dma_start3A_422] : memref<8x128xi32, #tpu.memory_space<vmem>> -> memref<1x128xi32, #tpu.memory_space<vmem>>
        %dma_start3A_424 = tpu.memref_squeeze %dma_start3A_423 : memref<1x128xi32, #tpu.memory_space<vmem>> -> memref<128xi32, #tpu.memory_space<vmem>>
        %dma_start3A_425 = tpu.memref_slice %arg5[%add3A_255] : memref<16384xi32, #tpu.memory_space<hbm>> -> memref<128xi32, #tpu.memory_space<hbm>>
        tpu.enqueue_dma source(%dma_start3A_425 : memref<128xi32, #tpu.memory_space<hbm>>) target(%dma_start3A_424 : memref<128xi32, #tpu.memory_space<vmem>>) target_semaphore(%run_scoped3A_417 : memref<!tpu.dma_semaphore, #tpu.memory_space<semaphore_mem>>)
        %dma_wait3A_426 = arith.constant 0 : i32
        %dma_wait3A_427 = tpu.memref_slice %arg17[%run_scoped3A_256, %dma_wait3A_426] : memref<8x128xi32, #tpu.memory_space<vmem>> -> memref<1x128xi32, #tpu.memory_space<vmem>>
        %dma_wait3A_428 = tpu.memref_squeeze %dma_wait3A_427 : memref<1x128xi32, #tpu.memory_space<vmem>> -> memref<128xi32, #tpu.memory_space<vmem>>
        %dma_wait3A_429 = tpu.memref_slice %arg5[%add3A_255] : memref<16384xi32, #tpu.memory_space<hbm>> -> memref<128xi32, #tpu.memory_space<hbm>>
        %dma_wait3A_430 = arith.constant 0 : i32
        %dma_wait3A_431 = tpu.memref_slice %arg17[%run_scoped3A_256, %dma_wait3A_430] : memref<8x128xi32, #tpu.memory_space<vmem>> -> memref<1x128xi32, #tpu.memory_space<vmem>>
        %dma_wait3A_432 = tpu.memref_squeeze %dma_wait3A_431 : memref<1x128xi32, #tpu.memory_space<vmem>> -> memref<128xi32, #tpu.memory_space<vmem>>
        %dma_wait3A_433 = tpu.memref_slice %arg5[%add3A_255] : memref<16384xi32, #tpu.memory_space<hbm>> -> memref<128xi32, #tpu.memory_space<hbm>>
        tpu.wait_dma2 semaphore(%run_scoped3A_417 : memref<!tpu.dma_semaphore, #tpu.memory_space<semaphore_mem>>) src(%dma_wait3A_433 : memref<128xi32, #tpu.memory_space<hbm>>) dst(%dma_wait3A_432 : memref<128xi32, #tpu.memory_space<vmem>>)
        tpu.yield
      }) : () -> ()
      %dma_start3A_257 = arith.constant 0 : i32
      %dma_start3A_258 = arith.constant 0 : i32
      %dma_start3A_259 = arith.constant 0 : i32
      %dma_start3A_260 = tpu.memref_slice %arg17[%dma_start3A_257, %dma_start3A_259] : memref<8x128xi32, #tpu.memory_space<vmem>> -> memref<1x128xi32, #tpu.memory_space<vmem>>
      %dma_start3A_261 = tpu.memref_squeeze %dma_start3A_260 : memref<1x128xi32, #tpu.memory_space<vmem>> -> memref<128xi32, #tpu.memory_space<vmem>>
      %dma_start3A_262 = arith.constant 0 : i32
      %dma_start3A_263 = tpu.memref_slice %arg16[%dma_start3A_258, %dma_start3A_262] : memref<8x128xi32, #tpu.memory_space<vmem>> -> memref<1x128xi32, #tpu.memory_space<vmem>>
      %dma_start3A_264 = tpu.memref_squeeze %dma_start3A_263 : memref<1x128xi32, #tpu.memory_space<vmem>> -> memref<128xi32, #tpu.memory_space<vmem>>
      %dma_start3A_265 = arith.constant 0 : i32
      %dma_start3A_266 = tpu.memref_slice %arg10[%dma_start3A_265] : memref<1000000xi32, #tpu.memory_space<hbm>> -> memref<1000000xi32, #tpu.memory_space<hbm>>
      tpu.enqueue_indirect_dma source(%dma_start3A_261 : memref<128xi32, #tpu.memory_space<vmem>>) target(%dma_start3A_266 : memref<1000000xi32, #tpu.memory_space<hbm>>) offsets(%dma_start3A_264 : memref<128xi32, #tpu.memory_space<vmem>>) semaphore(%arg21 : memref<!tpu.dma_semaphore, #tpu.memory_space<semaphore_mem>>)
      %dma_start3A_267 = arith.constant 1 : i32
      %dma_start3A_268 = arith.constant 1 : i32
      %dma_start3A_269 = arith.constant 0 : i32
      %dma_start3A_270 = tpu.memref_slice %arg17[%dma_start3A_267, %dma_start3A_269] : memref<8x128xi32, #tpu.memory_space<vmem>> -> memref<1x128xi32, #tpu.memory_space<vmem>>
      %dma_start3A_271 = tpu.memref_squeeze %dma_start3A_270 : memref<1x128xi32, #tpu.memory_space<vmem>> -> memref<128xi32, #tpu.memory_space<vmem>>
      %dma_start3A_272 = arith.constant 0 : i32
      %dma_start3A_273 = tpu.memref_slice %arg16[%dma_start3A_268, %dma_start3A_272] : memref<8x128xi32, #tpu.memory_space<vmem>> -> memref<1x128xi32, #tpu.memory_space<vmem>>
      %dma_start3A_274 = tpu.memref_squeeze %dma_start3A_273 : memref<1x128xi32, #tpu.memory_space<vmem>> -> memref<128xi32, #tpu.memory_space<vmem>>
      %dma_start3A_275 = arith.constant 0 : i32
      %dma_start3A_276 = tpu.memref_slice %arg10[%dma_start3A_275] : memref<1000000xi32, #tpu.memory_space<hbm>> -> memref<1000000xi32, #tpu.memory_space<hbm>>
      tpu.enqueue_indirect_dma source(%dma_start3A_271 : memref<128xi32, #tpu.memory_space<vmem>>) target(%dma_start3A_276 : memref<1000000xi32, #tpu.memory_space<hbm>>) offsets(%dma_start3A_274 : memref<128xi32, #tpu.memory_space<vmem>>) semaphore(%arg21 : memref<!tpu.dma_semaphore, #tpu.memory_space<semaphore_mem>>)
      %dma_start3A_277 = arith.constant 2 : i32
      %dma_start3A_278 = arith.constant 2 : i32
      %dma_start3A_279 = arith.constant 0 : i32
      %dma_start3A_280 = tpu.memref_slice %arg17[%dma_start3A_277, %dma_start3A_279] : memref<8x128xi32, #tpu.memory_space<vmem>> -> memref<1x128xi32, #tpu.memory_space<vmem>>
      %dma_start3A_281 = tpu.memref_squeeze %dma_start3A_280 : memref<1x128xi32, #tpu.memory_space<vmem>> -> memref<128xi32, #tpu.memory_space<vmem>>
      %dma_start3A_282 = arith.constant 0 : i32
      %dma_start3A_283 = tpu.memref_slice %arg16[%dma_start3A_278, %dma_start3A_282] : memref<8x128xi32, #tpu.memory_space<vmem>> -> memref<1x128xi32, #tpu.memory_space<vmem>>
      %dma_start3A_284 = tpu.memref_squeeze %dma_start3A_283 : memref<1x128xi32, #tpu.memory_space<vmem>> -> memref<128xi32, #tpu.memory_space<vmem>>
      %dma_start3A_285 = arith.constant 0 : i32
      %dma_start3A_286 = tpu.memref_slice %arg10[%dma_start3A_285] : memref<1000000xi32, #tpu.memory_space<hbm>> -> memref<1000000xi32, #tpu.memory_space<hbm>>
      tpu.enqueue_indirect_dma source(%dma_start3A_281 : memref<128xi32, #tpu.memory_space<vmem>>) target(%dma_start3A_286 : memref<1000000xi32, #tpu.memory_space<hbm>>) offsets(%dma_start3A_284 : memref<128xi32, #tpu.memory_space<vmem>>) semaphore(%arg21 : memref<!tpu.dma_semaphore, #tpu.memory_space<semaphore_mem>>)
      %dma_start3A_287 = arith.constant 3 : i32
      %dma_start3A_288 = arith.constant 3 : i32
      %dma_start3A_289 = arith.constant 0 : i32
      %dma_start3A_290 = tpu.memref_slice %arg17[%dma_start3A_287, %dma_start3A_289] : memref<8x128xi32, #tpu.memory_space<vmem>> -> memref<1x128xi32, #tpu.memory_space<vmem>>
      %dma_start3A_291 = tpu.memref_squeeze %dma_start3A_290 : memref<1x128xi32, #tpu.memory_space<vmem>> -> memref<128xi32, #tpu.memory_space<vmem>>
      %dma_start3A_292 = arith.constant 0 : i32
      %dma_start3A_293 = tpu.memref_slice %arg16[%dma_start3A_288, %dma_start3A_292] : memref<8x128xi32, #tpu.memory_space<vmem>> -> memref<1x128xi32, #tpu.memory_space<vmem>>
      %dma_start3A_294 = tpu.memref_squeeze %dma_start3A_293 : memref<1x128xi32, #tpu.memory_space<vmem>> -> memref<128xi32, #tpu.memory_space<vmem>>
      %dma_start3A_295 = arith.constant 0 : i32
      %dma_start3A_296 = tpu.memref_slice %arg10[%dma_start3A_295] : memref<1000000xi32, #tpu.memory_space<hbm>> -> memref<1000000xi32, #tpu.memory_space<hbm>>
      tpu.enqueue_indirect_dma source(%dma_start3A_291 : memref<128xi32, #tpu.memory_space<vmem>>) target(%dma_start3A_296 : memref<1000000xi32, #tpu.memory_space<hbm>>) offsets(%dma_start3A_294 : memref<128xi32, #tpu.memory_space<vmem>>) semaphore(%arg21 : memref<!tpu.dma_semaphore, #tpu.memory_space<semaphore_mem>>)
      %dma_start3A_297 = arith.constant 4 : i32
      %dma_start3A_298 = arith.constant 4 : i32
      %dma_start3A_299 = arith.constant 0 : i32
      %dma_start3A_300 = tpu.memref_slice %arg17[%dma_start3A_297, %dma_start3A_299] : memref<8x128xi32, #tpu.memory_space<vmem>> -> memref<1x128xi32, #tpu.memory_space<vmem>>
      %dma_start3A_301 = tpu.memref_squeeze %dma_start3A_300 : memref<1x128xi32, #tpu.memory_space<vmem>> -> memref<128xi32, #tpu.memory_space<vmem>>
      %dma_start3A_302 = arith.constant 0 : i32
      %dma_start3A_303 = tpu.memref_slice %arg16[%dma_start3A_298, %dma_start3A_302] : memref<8x128xi32, #tpu.memory_space<vmem>> -> memref<1x128xi32, #tpu.memory_space<vmem>>
      %dma_start3A_304 = tpu.memref_squeeze %dma_start3A_303 : memref<1x128xi32, #tpu.memory_space<vmem>> -> memref<128xi32, #tpu.memory_space<vmem>>
      %dma_start3A_305 = arith.constant 0 : i32
      %dma_start3A_306 = tpu.memref_slice %arg10[%dma_start3A_305] : memref<1000000xi32, #tpu.memory_space<hbm>> -> memref<1000000xi32, #tpu.memory_space<hbm>>
      tpu.enqueue_indirect_dma source(%dma_start3A_301 : memref<128xi32, #tpu.memory_space<vmem>>) target(%dma_start3A_306 : memref<1000000xi32, #tpu.memory_space<hbm>>) offsets(%dma_start3A_304 : memref<128xi32, #tpu.memory_space<vmem>>) semaphore(%arg21 : memref<!tpu.dma_semaphore, #tpu.memory_space<semaphore_mem>>)
      %dma_start3A_307 = arith.constant 5 : i32
      %dma_start3A_308 = arith.constant 5 : i32
      %dma_start3A_309 = arith.constant 0 : i32
      %dma_start3A_310 = tpu.memref_slice %arg17[%dma_start3A_307, %dma_start3A_309] : memref<8x128xi32, #tpu.memory_space<vmem>> -> memref<1x128xi32, #tpu.memory_space<vmem>>
      %dma_start3A_311 = tpu.memref_squeeze %dma_start3A_310 : memref<1x128xi32, #tpu.memory_space<vmem>> -> memref<128xi32, #tpu.memory_space<vmem>>
      %dma_start3A_312 = arith.constant 0 : i32
      %dma_start3A_313 = tpu.memref_slice %arg16[%dma_start3A_308, %dma_start3A_312] : memref<8x128xi32, #tpu.memory_space<vmem>> -> memref<1x128xi32, #tpu.memory_space<vmem>>
      %dma_start3A_314 = tpu.memref_squeeze %dma_start3A_313 : memref<1x128xi32, #tpu.memory_space<vmem>> -> memref<128xi32, #tpu.memory_space<vmem>>
      %dma_start3A_315 = arith.constant 0 : i32
      %dma_start3A_316 = tpu.memref_slice %arg10[%dma_start3A_315] : memref<1000000xi32, #tpu.memory_space<hbm>> -> memref<1000000xi32, #tpu.memory_space<hbm>>
      tpu.enqueue_indirect_dma source(%dma_start3A_311 : memref<128xi32, #tpu.memory_space<vmem>>) target(%dma_start3A_316 : memref<1000000xi32, #tpu.memory_space<hbm>>) offsets(%dma_start3A_314 : memref<128xi32, #tpu.memory_space<vmem>>) semaphore(%arg21 : memref<!tpu.dma_semaphore, #tpu.memory_space<semaphore_mem>>)
      %dma_start3A_317 = arith.constant 6 : i32
      %dma_start3A_318 = arith.constant 6 : i32
      %dma_start3A_319 = arith.constant 0 : i32
      %dma_start3A_320 = tpu.memref_slice %arg17[%dma_start3A_317, %dma_start3A_319] : memref<8x128xi32, #tpu.memory_space<vmem>> -> memref<1x128xi32, #tpu.memory_space<vmem>>
      %dma_start3A_321 = tpu.memref_squeeze %dma_start3A_320 : memref<1x128xi32, #tpu.memory_space<vmem>> -> memref<128xi32, #tpu.memory_space<vmem>>
      %dma_start3A_322 = arith.constant 0 : i32
      %dma_start3A_323 = tpu.memref_slice %arg16[%dma_start3A_318, %dma_start3A_322] : memref<8x128xi32, #tpu.memory_space<vmem>> -> memref<1x128xi32, #tpu.memory_space<vmem>>
      %dma_start3A_324 = tpu.memref_squeeze %dma_start3A_323 : memref<1x128xi32, #tpu.memory_space<vmem>> -> memref<128xi32, #tpu.memory_space<vmem>>
      %dma_start3A_325 = arith.constant 0 : i32
      %dma_start3A_326 = tpu.memref_slice %arg10[%dma_start3A_325] : memref<1000000xi32, #tpu.memory_space<hbm>> -> memref<1000000xi32, #tpu.memory_space<hbm>>
      tpu.enqueue_indirect_dma source(%dma_start3A_321 : memref<128xi32, #tpu.memory_space<vmem>>) target(%dma_start3A_326 : memref<1000000xi32, #tpu.memory_space<hbm>>) offsets(%dma_start3A_324 : memref<128xi32, #tpu.memory_space<vmem>>) semaphore(%arg21 : memref<!tpu.dma_semaphore, #tpu.memory_space<semaphore_mem>>)
      %dma_start3A_327 = arith.constant 7 : i32
      %dma_start3A_328 = arith.constant 7 : i32
      %dma_start3A_329 = arith.constant 0 : i32
      %dma_start3A_330 = tpu.memref_slice %arg17[%dma_start3A_327, %dma_start3A_329] : memref<8x128xi32, #tpu.memory_space<vmem>> -> memref<1x128xi32, #tpu.memory_space<vmem>>
      %dma_start3A_331 = tpu.memref_squeeze %dma_start3A_330 : memref<1x128xi32, #tpu.memory_space<vmem>> -> memref<128xi32, #tpu.memory_space<vmem>>
      %dma_start3A_332 = arith.constant 0 : i32
      %dma_start3A_333 = tpu.memref_slice %arg16[%dma_start3A_328, %dma_start3A_332] : memref<8x128xi32, #tpu.memory_space<vmem>> -> memref<1x128xi32, #tpu.memory_space<vmem>>
      %dma_start3A_334 = tpu.memref_squeeze %dma_start3A_333 : memref<1x128xi32, #tpu.memory_space<vmem>> -> memref<128xi32, #tpu.memory_space<vmem>>
      %dma_start3A_335 = arith.constant 0 : i32
      %dma_start3A_336 = tpu.memref_slice %arg10[%dma_start3A_335] : memref<1000000xi32, #tpu.memory_space<hbm>> -> memref<1000000xi32, #tpu.memory_space<hbm>>
      tpu.enqueue_indirect_dma source(%dma_start3A_331 : memref<128xi32, #tpu.memory_space<vmem>>) target(%dma_start3A_336 : memref<1000000xi32, #tpu.memory_space<hbm>>) offsets(%dma_start3A_334 : memref<128xi32, #tpu.memory_space<vmem>>) semaphore(%arg21 : memref<!tpu.dma_semaphore, #tpu.memory_space<semaphore_mem>>)
      %dma_wait3A_337 = arith.constant 0 : i32
      %dma_wait3A_338 = arith.constant 0 : i32
      %dma_wait3A_339 = arith.constant 0 : i32
      %dma_wait3A_340 = tpu.memref_slice %arg17[%dma_wait3A_337, %dma_wait3A_339] : memref<8x128xi32, #tpu.memory_space<vmem>> -> memref<1x128xi32, #tpu.memory_space<vmem>>
      %dma_wait3A_341 = tpu.memref_squeeze %dma_wait3A_340 : memref<1x128xi32, #tpu.memory_space<vmem>> -> memref<128xi32, #tpu.memory_space<vmem>>
      %dma_wait3A_342 = arith.constant 0 : i32
      %dma_wait3A_343 = tpu.memref_slice %arg16[%dma_wait3A_338, %dma_wait3A_342] : memref<8x128xi32, #tpu.memory_space<vmem>> -> memref<1x128xi32, #tpu.memory_space<vmem>>
      %dma_wait3A_344 = tpu.memref_squeeze %dma_wait3A_343 : memref<1x128xi32, #tpu.memory_space<vmem>> -> memref<128xi32, #tpu.memory_space<vmem>>
      %dma_wait3A_345 = arith.constant 0 : i32
      %dma_wait3A_346 = tpu.memref_slice %arg10[%dma_wait3A_345] : memref<1000000xi32, #tpu.memory_space<hbm>> -> memref<1000000xi32, #tpu.memory_space<hbm>>
      tpu.wait_indirect_dma semaphore(%arg21 : memref<!tpu.dma_semaphore, #tpu.memory_space<semaphore_mem>>) src(%dma_wait3A_341 : memref<128xi32, #tpu.memory_space<vmem>>) dst(%dma_wait3A_346 : memref<1000000xi32, #tpu.memory_space<hbm>>)
      %dma_wait3A_347 = arith.constant 1 : i32
      %dma_wait3A_348 = arith.constant 1 : i32
      %dma_wait3A_349 = arith.constant 0 : i32
      %dma_wait3A_350 = tpu.memref_slice %arg17[%dma_wait3A_347, %dma_wait3A_349] : memref<8x128xi32, #tpu.memory_space<vmem>> -> memref<1x128xi32, #tpu.memory_space<vmem>>
      %dma_wait3A_351 = tpu.memref_squeeze %dma_wait3A_350 : memref<1x128xi32, #tpu.memory_space<vmem>> -> memref<128xi32, #tpu.memory_space<vmem>>
      %dma_wait3A_352 = arith.constant 0 : i32
      %dma_wait3A_353 = tpu.memref_slice %arg16[%dma_wait3A_348, %dma_wait3A_352] : memref<8x128xi32, #tpu.memory_space<vmem>> -> memref<1x128xi32, #tpu.memory_space<vmem>>
      %dma_wait3A_354 = tpu.memref_squeeze %dma_wait3A_353 : memref<1x128xi32, #tpu.memory_space<vmem>> -> memref<128xi32, #tpu.memory_space<vmem>>
      %dma_wait3A_355 = arith.constant 0 : i32
      %dma_wait3A_356 = tpu.memref_slice %arg10[%dma_wait3A_355] : memref<1000000xi32, #tpu.memory_space<hbm>> -> memref<1000000xi32, #tpu.memory_space<hbm>>
      tpu.wait_indirect_dma semaphore(%arg21 : memref<!tpu.dma_semaphore, #tpu.memory_space<semaphore_mem>>) src(%dma_wait3A_351 : memref<128xi32, #tpu.memory_space<vmem>>) dst(%dma_wait3A_356 : memref<1000000xi32, #tpu.memory_space<hbm>>)
      %dma_wait3A_357 = arith.constant 2 : i32
      %dma_wait3A_358 = arith.constant 2 : i32
      %dma_wait3A_359 = arith.constant 0 : i32
      %dma_wait3A_360 = tpu.memref_slice %arg17[%dma_wait3A_357, %dma_wait3A_359] : memref<8x128xi32, #tpu.memory_space<vmem>> -> memref<1x128xi32, #tpu.memory_space<vmem>>
      %dma_wait3A_361 = tpu.memref_squeeze %dma_wait3A_360 : memref<1x128xi32, #tpu.memory_space<vmem>> -> memref<128xi32, #tpu.memory_space<vmem>>
      %dma_wait3A_362 = arith.constant 0 : i32
      %dma_wait3A_363 = tpu.memref_slice %arg16[%dma_wait3A_358, %dma_wait3A_362] : memref<8x128xi32, #tpu.memory_space<vmem>> -> memref<1x128xi32, #tpu.memory_space<vmem>>
      %dma_wait3A_364 = tpu.memref_squeeze %dma_wait3A_363 : memref<1x128xi32, #tpu.memory_space<vmem>> -> memref<128xi32, #tpu.memory_space<vmem>>
      %dma_wait3A_365 = arith.constant 0 : i32
      %dma_wait3A_366 = tpu.memref_slice %arg10[%dma_wait3A_365] : memref<1000000xi32, #tpu.memory_space<hbm>> -> memref<1000000xi32, #tpu.memory_space<hbm>>
      tpu.wait_indirect_dma semaphore(%arg21 : memref<!tpu.dma_semaphore, #tpu.memory_space<semaphore_mem>>) src(%dma_wait3A_361 : memref<128xi32, #tpu.memory_space<vmem>>) dst(%dma_wait3A_366 : memref<1000000xi32, #tpu.memory_space<hbm>>)
      %dma_wait3A_367 = arith.constant 3 : i32
      %dma_wait3A_368 = arith.constant 3 : i32
      %dma_wait3A_369 = arith.constant 0 : i32
      %dma_wait3A_370 = tpu.memref_slice %arg17[%dma_wait3A_367, %dma_wait3A_369] : memref<8x128xi32, #tpu.memory_space<vmem>> -> memref<1x128xi32, #tpu.memory_space<vmem>>
      %dma_wait3A_371 = tpu.memref_squeeze %dma_wait3A_370 : memref<1x128xi32, #tpu.memory_space<vmem>> -> memref<128xi32, #tpu.memory_space<vmem>>
      %dma_wait3A_372 = arith.constant 0 : i32
      %dma_wait3A_373 = tpu.memref_slice %arg16[%dma_wait3A_368, %dma_wait3A_372] : memref<8x128xi32, #tpu.memory_space<vmem>> -> memref<1x128xi32, #tpu.memory_space<vmem>>
      %dma_wait3A_374 = tpu.memref_squeeze %dma_wait3A_373 : memref<1x128xi32, #tpu.memory_space<vmem>> -> memref<128xi32, #tpu.memory_space<vmem>>
      %dma_wait3A_375 = arith.constant 0 : i32
      %dma_wait3A_376 = tpu.memref_slice %arg10[%dma_wait3A_375] : memref<1000000xi32, #tpu.memory_space<hbm>> -> memref<1000000xi32, #tpu.memory_space<hbm>>
      tpu.wait_indirect_dma semaphore(%arg21 : memref<!tpu.dma_semaphore, #tpu.memory_space<semaphore_mem>>) src(%dma_wait3A_371 : memref<128xi32, #tpu.memory_space<vmem>>) dst(%dma_wait3A_376 : memref<1000000xi32, #tpu.memory_space<hbm>>)
      %dma_wait3A_377 = arith.constant 4 : i32
      %dma_wait3A_378 = arith.constant 4 : i32
      %dma_wait3A_379 = arith.constant 0 : i32
      %dma_wait3A_380 = tpu.memref_slice %arg17[%dma_wait3A_377, %dma_wait3A_379] : memref<8x128xi32, #tpu.memory_space<vmem>> -> memref<1x128xi32, #tpu.memory_space<vmem>>
      %dma_wait3A_381 = tpu.memref_squeeze %dma_wait3A_380 : memref<1x128xi32, #tpu.memory_space<vmem>> -> memref<128xi32, #tpu.memory_space<vmem>>
      %dma_wait3A_382 = arith.constant 0 : i32
      %dma_wait3A_383 = tpu.memref_slice %arg16[%dma_wait3A_378, %dma_wait3A_382] : memref<8x128xi32, #tpu.memory_space<vmem>> -> memref<1x128xi32, #tpu.memory_space<vmem>>
      %dma_wait3A_384 = tpu.memref_squeeze %dma_wait3A_383 : memref<1x128xi32, #tpu.memory_space<vmem>> -> memref<128xi32, #tpu.memory_space<vmem>>
      %dma_wait3A_385 = arith.constant 0 : i32
      %dma_wait3A_386 = tpu.memref_slice %arg10[%dma_wait3A_385] : memref<1000000xi32, #tpu.memory_space<hbm>> -> memref<1000000xi32, #tpu.memory_space<hbm>>
      tpu.wait_indirect_dma semaphore(%arg21 : memref<!tpu.dma_semaphore, #tpu.memory_space<semaphore_mem>>) src(%dma_wait3A_381 : memref<128xi32, #tpu.memory_space<vmem>>) dst(%dma_wait3A_386 : memref<1000000xi32, #tpu.memory_space<hbm>>)
      %dma_wait3A_387 = arith.constant 5 : i32
      %dma_wait3A_388 = arith.constant 5 : i32
      %dma_wait3A_389 = arith.constant 0 : i32
      %dma_wait3A_390 = tpu.memref_slice %arg17[%dma_wait3A_387, %dma_wait3A_389] : memref<8x128xi32, #tpu.memory_space<vmem>> -> memref<1x128xi32, #tpu.memory_space<vmem>>
      %dma_wait3A_391 = tpu.memref_squeeze %dma_wait3A_390 : memref<1x128xi32, #tpu.memory_space<vmem>> -> memref<128xi32, #tpu.memory_space<vmem>>
      %dma_wait3A_392 = arith.constant 0 : i32
      %dma_wait3A_393 = tpu.memref_slice %arg16[%dma_wait3A_388, %dma_wait3A_392] : memref<8x128xi32, #tpu.memory_space<vmem>> -> memref<1x128xi32, #tpu.memory_space<vmem>>
      %dma_wait3A_394 = tpu.memref_squeeze %dma_wait3A_393 : memref<1x128xi32, #tpu.memory_space<vmem>> -> memref<128xi32, #tpu.memory_space<vmem>>
      %dma_wait3A_395 = arith.constant 0 : i32
      %dma_wait3A_396 = tpu.memref_slice %arg10[%dma_wait3A_395] : memref<1000000xi32, #tpu.memory_space<hbm>> -> memref<1000000xi32, #tpu.memory_space<hbm>>
      tpu.wait_indirect_dma semaphore(%arg21 : memref<!tpu.dma_semaphore, #tpu.memory_space<semaphore_mem>>) src(%dma_wait3A_391 : memref<128xi32, #tpu.memory_space<vmem>>) dst(%dma_wait3A_396 : memref<1000000xi32, #tpu.memory_space<hbm>>)
      %dma_wait3A_397 = arith.constant 6 : i32
      %dma_wait3A_398 = arith.constant 6 : i32
      %dma_wait3A_399 = arith.constant 0 : i32
      %dma_wait3A_400 = tpu.memref_slice %arg17[%dma_wait3A_397, %dma_wait3A_399] : memref<8x128xi32, #tpu.memory_space<vmem>> -> memref<1x128xi32, #tpu.memory_space<vmem>>
      %dma_wait3A_401 = tpu.memref_squeeze %dma_wait3A_400 : memref<1x128xi32, #tpu.memory_space<vmem>> -> memref<128xi32, #tpu.memory_space<vmem>>
      %dma_wait3A_402 = arith.constant 0 : i32
      %dma_wait3A_403 = tpu.memref_slice %arg16[%dma_wait3A_398, %dma_wait3A_402] : memref<8x128xi32, #tpu.memory_space<vmem>> -> memref<1x128xi32, #tpu.memory_space<vmem>>
      %dma_wait3A_404 = tpu.memref_squeeze %dma_wait3A_403 : memref<1x128xi32, #tpu.memory_space<vmem>> -> memref<128xi32, #tpu.memory_space<vmem>>
      %dma_wait3A_405 = arith.constant 0 : i32
      %dma_wait3A_406 = tpu.memref_slice %arg10[%dma_wait3A_405] : memref<1000000xi32, #tpu.memory_space<hbm>> -> memref<1000000xi32, #tpu.memory_space<hbm>>
      tpu.wait_indirect_dma semaphore(%arg21 : memref<!tpu.dma_semaphore, #tpu.memory_space<semaphore_mem>>) src(%dma_wait3A_401 : memref<128xi32, #tpu.memory_space<vmem>>) dst(%dma_wait3A_406 : memref<1000000xi32, #tpu.memory_space<hbm>>)
      %dma_wait3A_407 = arith.constant 7 : i32
      %dma_wait3A_408 = arith.constant 7 : i32
      %dma_wait3A_409 = arith.constant 0 : i32
      %dma_wait3A_410 = tpu.memref_slice %arg17[%dma_wait3A_407, %dma_wait3A_409] : memref<8x128xi32, #tpu.memory_space<vmem>> -> memref<1x128xi32, #tpu.memory_space<vmem>>
      %dma_wait3A_411 = tpu.memref_squeeze %dma_wait3A_410 : memref<1x128xi32, #tpu.memory_space<vmem>> -> memref<128xi32, #tpu.memory_space<vmem>>
      %dma_wait3A_412 = arith.constant 0 : i32
      %dma_wait3A_413 = tpu.memref_slice %arg16[%dma_wait3A_408, %dma_wait3A_412] : memref<8x128xi32, #tpu.memory_space<vmem>> -> memref<1x128xi32, #tpu.memory_space<vmem>>
      %dma_wait3A_414 = tpu.memref_squeeze %dma_wait3A_413 : memref<1x128xi32, #tpu.memory_space<vmem>> -> memref<128xi32, #tpu.memory_space<vmem>>
      %dma_wait3A_415 = arith.constant 0 : i32
      %dma_wait3A_416 = tpu.memref_slice %arg10[%dma_wait3A_415] : memref<1000000xi32, #tpu.memory_space<hbm>> -> memref<1000000xi32, #tpu.memory_space<hbm>>
      tpu.wait_indirect_dma semaphore(%arg21 : memref<!tpu.dma_semaphore, #tpu.memory_space<semaphore_mem>>) src(%dma_wait3A_411 : memref<128xi32, #tpu.memory_space<vmem>>) dst(%dma_wait3A_416 : memref<1000000xi32, #tpu.memory_space<hbm>>)
    } else {
    }
    %barrier3A = arith.constant 0 : index
    tpu.barrier barrier_id(%barrier3A)
    %eq3A_199 = arith.constant 0 : i32
    %eq3A_200 = arith.cmpi eq, %arg0, %eq3A_199 : i32
    %convert_element_type3A_201 = arith.extui %eq3A_200 : i1 to i32
    %cond3A_202 = arith.constant 0 : i32
    %cond3A_203 = arith.cmpi ne, %convert_element_type3A_201, %cond3A_202 : i32
    scf.if %cond3A_203 {
      %dma_start3A_209 = arith.constant 0 : i32
      %dma_start3A_210 = arith.constant 0 : i32
      %dma_start3A_211 = arith.constant 0 : i32
      %dma_start3A_212 = tpu.memref_slice %arg18[%dma_start3A_210, %dma_start3A_211] : memref<8x128xi32, #tpu.memory_space<vmem>> -> memref<1x128xi32, #tpu.memory_space<vmem>>
      %dma_start3A_213 = tpu.memref_squeeze %dma_start3A_212 : memref<1x128xi32, #tpu.memory_space<vmem>> -> memref<128xi32, #tpu.memory_space<vmem>>
      %dma_start3A_214 = arith.constant 0 : i32
      %dma_start3A_215 = tpu.memref_slice %arg16[%dma_start3A_209, %dma_start3A_214] : memref<8x128xi32, #tpu.memory_space<vmem>> -> memref<1x128xi32, #tpu.memory_space<vmem>>
      %dma_start3A_216 = tpu.memref_squeeze %dma_start3A_215 : memref<1x128xi32, #tpu.memory_space<vmem>> -> memref<128xi32, #tpu.memory_space<vmem>>
      %dma_start3A_217 = arith.constant 0 : i32
      %dma_start3A_218 = tpu.memref_slice %arg9[%dma_start3A_217] : memref<1000000xi32, #tpu.memory_space<hbm>> -> memref<1000000xi32, #tpu.memory_space<hbm>>
      tpu.enqueue_indirect_dma source(%dma_start3A_218 : memref<1000000xi32, #tpu.memory_space<hbm>>) target(%dma_start3A_213 : memref<128xi32, #tpu.memory_space<vmem>>) offsets(%dma_start3A_216 : memref<128xi32, #tpu.memory_space<vmem>>) semaphore(%arg21 : memref<!tpu.dma_semaphore, #tpu.memory_space<semaphore_mem>>)
      %dma_start3A_219 = arith.constant 0 : i32
      %dma_start3A_220 = arith.constant 0 : i32
      %dma_start3A_221 = arith.constant 0 : i32
      %dma_start3A_222 = tpu.memref_slice %arg19[%dma_start3A_220, %dma_start3A_221] : memref<1024x16xf32, #tpu.memory_space<vmem>> -> memref<128x16xf32, #tpu.memory_space<vmem>>
      %dma_start3A_223 = arith.constant 0 : i32
      %dma_start3A_224 = tpu.memref_slice %arg16[%dma_start3A_219, %dma_start3A_223] : memref<8x128xi32, #tpu.memory_space<vmem>> -> memref<1x128xi32, #tpu.memory_space<vmem>>
      %dma_start3A_225 = tpu.memref_squeeze %dma_start3A_224 : memref<1x128xi32, #tpu.memory_space<vmem>> -> memref<128xi32, #tpu.memory_space<vmem>>
      %dma_start3A_226 = arith.constant 0 : i32
      %dma_start3A_227 = arith.constant 0 : i32
      %dma_start3A_228 = tpu.memref_slice %arg6[%dma_start3A_226, %dma_start3A_227] : memref<1000000x16xf32, #tpu.memory_space<hbm>> -> memref<1000000x16xf32, #tpu.memory_space<hbm>>
      tpu.enqueue_indirect_dma source(%dma_start3A_228 : memref<1000000x16xf32, #tpu.memory_space<hbm>>) target(%dma_start3A_222 : memref<128x16xf32, #tpu.memory_space<vmem>>) offsets(%dma_start3A_225 : memref<128xi32, #tpu.memory_space<vmem>>) semaphore(%arg21 : memref<!tpu.dma_semaphore, #tpu.memory_space<semaphore_mem>>)
      %dma_start3A_229 = arith.constant 1 : i32
      %dma_start3A_230 = arith.constant 1 : i32
      %dma_start3A_231 = arith.constant 0 : i32
      %dma_start3A_232 = tpu.memref_slice %arg18[%dma_start3A_230, %dma_start3A_231] : memref<8x128xi32, #tpu.memory_space<vmem>> -> memref<1x128xi32, #tpu.memory_space<vmem>>
      %dma_start3A_233 = tpu.memref_squeeze %dma_start3A_232 : memref<1x128xi32, #tpu.memory_space<vmem>> -> memref<128xi32, #tpu.memory_space<vmem>>
      %dma_start3A_234 = arith.constant 0 : i32
      %dma_start3A_235 = tpu.memref_slice %arg16[%dma_start3A_229, %dma_start3A_234] : memref<8x128xi32, #tpu.memory_space<vmem>> -> memref<1x128xi32, #tpu.memory_space<vmem>>
      %dma_start3A_236 = tpu.memref_squeeze %dma_start3A_235 : memref<1x128xi32, #tpu.memory_space<vmem>> -> memref<128xi32, #tpu.memory_space<vmem>>
      %dma_start3A_237 = arith.constant 0 : i32
      %dma_start3A_238 = tpu.memref_slice %arg9[%dma_start3A_237] : memref<1000000xi32, #tpu.memory_space<hbm>> -> memref<1000000xi32, #tpu.memory_space<hbm>>
      tpu.enqueue_indirect_dma source(%dma_start3A_238 : memref<1000000xi32, #tpu.memory_space<hbm>>) target(%dma_start3A_233 : memref<128xi32, #tpu.memory_space<vmem>>) offsets(%dma_start3A_236 : memref<128xi32, #tpu.memory_space<vmem>>) semaphore(%arg21 : memref<!tpu.dma_semaphore, #tpu.memory_space<semaphore_mem>>)
      %dma_start3A_239 = arith.constant 1 : i32
      %dma_start3A_240 = arith.constant 128 : i32
      %dma_start3A_241 = arith.constant 0 : i32
      %dma_start3A_242 = tpu.memref_slice %arg19[%dma_start3A_240, %dma_start3A_241] : memref<1024x16xf32, #tpu.memory_space<vmem>> -> memref<128x16xf32, #tpu.memory_space<vmem>>
      %dma_start3A_243 = arith.constant 0 : i32
      %dma_start3A_244 = tpu.memref_slice %arg16[%dma_start3A_239, %dma_start3A_243] : memref<8x128xi32, #tpu.memory_space<vmem>> -> memref<1x128xi32, #tpu.memory_space<vmem>>
      %dma_start3A_245 = tpu.memref_squeeze %dma_start3A_244 : memref<1x128xi32, #tpu.memory_space<vmem>> -> memref<128xi32, #tpu.memory_space<vmem>>
      %dma_start3A_246 = arith.constant 0 : i32
      %dma_start3A_247 = arith.constant 0 : i32
      %dma_start3A_248 = tpu.memref_slice %arg6[%dma_start3A_246, %dma_start3A_247] : memref<1000000x16xf32, #tpu.memory_space<hbm>> -> memref<1000000x16xf32, #tpu.memory_space<hbm>>
      tpu.enqueue_indirect_dma source(%dma_start3A_248 : memref<1000000x16xf32, #tpu.memory_space<hbm>>) target(%dma_start3A_242 : memref<128x16xf32, #tpu.memory_space<vmem>>) offsets(%dma_start3A_245 : memref<128xi32, #tpu.memory_space<vmem>>) semaphore(%arg21 : memref<!tpu.dma_semaphore, #tpu.memory_space<semaphore_mem>>)
      %dma_start3A_249 = arith.constant 2 : i32
      %dma_start3A_250 = arith.constant 2 : i32
      %dma_start3A_251 = arith.constant 0 : i32
      %dma_start3A_252 = tpu.memref_slice %arg18[%dma_start3A_250, %dma_start3A_251] : memref<8x128xi32, #tpu.memory_space<vmem>> -> memref<1x128xi32, #tpu.memory_space<vmem>>
      %dma_start3A_253 = tpu.memref_squeeze %dma_start3A_252 : memref<1x128xi32, #tpu.memory_space<vmem>> -> memref<128xi32, #tpu.memory_space<vmem>>
      %dma_start3A_254 = arith.constant 0 : i32
      %dma_start3A_255 = tpu.memref_slice %arg16[%dma_start3A_249, %dma_start3A_254] : memref<8x128xi32, #tpu.memory_space<vmem>> -> memref<1x128xi32, #tpu.memory_space<vmem>>
      %dma_start3A_256 = tpu.memref_squeeze %dma_start3A_255 : memref<1x128xi32, #tpu.memory_space<vmem>> -> memref<128xi32, #tpu.memory_space<vmem>>
      %dma_start3A_257 = arith.constant 0 : i32
      %dma_start3A_258 = tpu.memref_slice %arg9[%dma_start3A_257] : memref<1000000xi32, #tpu.memory_space<hbm>> -> memref<1000000xi32, #tpu.memory_space<hbm>>
      tpu.enqueue_indirect_dma source(%dma_start3A_258 : memref<1000000xi32, #tpu.memory_space<hbm>>) target(%dma_start3A_253 : memref<128xi32, #tpu.memory_space<vmem>>) offsets(%dma_start3A_256 : memref<128xi32, #tpu.memory_space<vmem>>) semaphore(%arg21 : memref<!tpu.dma_semaphore, #tpu.memory_space<semaphore_mem>>)
      %dma_start3A_259 = arith.constant 2 : i32
      %dma_start3A_260 = arith.constant 256 : i32
      %dma_start3A_261 = arith.constant 0 : i32
      %dma_start3A_262 = tpu.memref_slice %arg19[%dma_start3A_260, %dma_start3A_261] : memref<1024x16xf32, #tpu.memory_space<vmem>> -> memref<128x16xf32, #tpu.memory_space<vmem>>
      %dma_start3A_263 = arith.constant 0 : i32
      %dma_start3A_264 = tpu.memref_slice %arg16[%dma_start3A_259, %dma_start3A_263] : memref<8x128xi32, #tpu.memory_space<vmem>> -> memref<1x128xi32, #tpu.memory_space<vmem>>
      %dma_start3A_265 = tpu.memref_squeeze %dma_start3A_264 : memref<1x128xi32, #tpu.memory_space<vmem>> -> memref<128xi32, #tpu.memory_space<vmem>>
      %dma_start3A_266 = arith.constant 0 : i32
      %dma_start3A_267 = arith.constant 0 : i32
      %dma_start3A_268 = tpu.memref_slice %arg6[%dma_start3A_266, %dma_start3A_267] : memref<1000000x16xf32, #tpu.memory_space<hbm>> -> memref<1000000x16xf32, #tpu.memory_space<hbm>>
      tpu.enqueue_indirect_dma source(%dma_start3A_268 : memref<1000000x16xf32, #tpu.memory_space<hbm>>) target(%dma_start3A_262 : memref<128x16xf32, #tpu.memory_space<vmem>>) offsets(%dma_start3A_265 : memref<128xi32, #tpu.memory_space<vmem>>) semaphore(%arg21 : memref<!tpu.dma_semaphore, #tpu.memory_space<semaphore_mem>>)
      %dma_start3A_269 = arith.constant 3 : i32
      %dma_start3A_270 = arith.constant 3 : i32
      %dma_start3A_271 = arith.constant 0 : i32
      %dma_start3A_272 = tpu.memref_slice %arg18[%dma_start3A_270, %dma_start3A_271] : memref<8x128xi32, #tpu.memory_space<vmem>> -> memref<1x128xi32, #tpu.memory_space<vmem>>
      %dma_start3A_273 = tpu.memref_squeeze %dma_start3A_272 : memref<1x128xi32, #tpu.memory_space<vmem>> -> memref<128xi32, #tpu.memory_space<vmem>>
      %dma_start3A_274 = arith.constant 0 : i32
      %dma_start3A_275 = tpu.memref_slice %arg16[%dma_start3A_269, %dma_start3A_274] : memref<8x128xi32, #tpu.memory_space<vmem>> -> memref<1x128xi32, #tpu.memory_space<vmem>>
      %dma_start3A_276 = tpu.memref_squeeze %dma_start3A_275 : memref<1x128xi32, #tpu.memory_space<vmem>> -> memref<128xi32, #tpu.memory_space<vmem>>
      %dma_start3A_277 = arith.constant 0 : i32
      %dma_start3A_278 = tpu.memref_slice %arg9[%dma_start3A_277] : memref<1000000xi32, #tpu.memory_space<hbm>> -> memref<1000000xi32, #tpu.memory_space<hbm>>
      tpu.enqueue_indirect_dma source(%dma_start3A_278 : memref<1000000xi32, #tpu.memory_space<hbm>>) target(%dma_start3A_273 : memref<128xi32, #tpu.memory_space<vmem>>) offsets(%dma_start3A_276 : memref<128xi32, #tpu.memory_space<vmem>>) semaphore(%arg21 : memref<!tpu.dma_semaphore, #tpu.memory_space<semaphore_mem>>)
      %dma_start3A_279 = arith.constant 3 : i32
      %dma_start3A_280 = arith.constant 384 : i32
      %dma_start3A_281 = arith.constant 0 : i32
      %dma_start3A_282 = tpu.memref_slice %arg19[%dma_start3A_280, %dma_start3A_281] : memref<1024x16xf32, #tpu.memory_space<vmem>> -> memref<128x16xf32, #tpu.memory_space<vmem>>
      %dma_start3A_283 = arith.constant 0 : i32
      %dma_start3A_284 = tpu.memref_slice %arg16[%dma_start3A_279, %dma_start3A_283] : memref<8x128xi32, #tpu.memory_space<vmem>> -> memref<1x128xi32, #tpu.memory_space<vmem>>
      %dma_start3A_285 = tpu.memref_squeeze %dma_start3A_284 : memref<1x128xi32, #tpu.memory_space<vmem>> -> memref<128xi32, #tpu.memory_space<vmem>>
      %dma_start3A_286 = arith.constant 0 : i32
      %dma_start3A_287 = arith.constant 0 : i32
      %dma_start3A_288 = tpu.memref_slice %arg6[%dma_start3A_286, %dma_start3A_287] : memref<1000000x16xf32, #tpu.memory_space<hbm>> -> memref<1000000x16xf32, #tpu.memory_space<hbm>>
      tpu.enqueue_indirect_dma source(%dma_start3A_288 : memref<1000000x16xf32, #tpu.memory_space<hbm>>) target(%dma_start3A_282 : memref<128x16xf32, #tpu.memory_space<vmem>>) offsets(%dma_start3A_285 : memref<128xi32, #tpu.memory_space<vmem>>) semaphore(%arg21 : memref<!tpu.dma_semaphore, #tpu.memory_space<semaphore_mem>>)
      %dma_start3A_289 = arith.constant 4 : i32
      %dma_start3A_290 = arith.constant 4 : i32
      %dma_start3A_291 = arith.constant 0 : i32
      %dma_start3A_292 = tpu.memref_slice %arg18[%dma_start3A_290, %dma_start3A_291] : memref<8x128xi32, #tpu.memory_space<vmem>> -> memref<1x128xi32, #tpu.memory_space<vmem>>
      %dma_start3A_293 = tpu.memref_squeeze %dma_start3A_292 : memref<1x128xi32, #tpu.memory_space<vmem>> -> memref<128xi32, #tpu.memory_space<vmem>>
      %dma_start3A_294 = arith.constant 0 : i32
      %dma_start3A_295 = tpu.memref_slice %arg16[%dma_start3A_289, %dma_start3A_294] : memref<8x128xi32, #tpu.memory_space<vmem>> -> memref<1x128xi32, #tpu.memory_space<vmem>>
      %dma_start3A_296 = tpu.memref_squeeze %dma_start3A_295 : memref<1x128xi32, #tpu.memory_space<vmem>> -> memref<128xi32, #tpu.memory_space<vmem>>
      %dma_start3A_297 = arith.constant 0 : i32
      %dma_start3A_298 = tpu.memref_slice %arg9[%dma_start3A_297] : memref<1000000xi32, #tpu.memory_space<hbm>> -> memref<1000000xi32, #tpu.memory_space<hbm>>
      tpu.enqueue_indirect_dma source(%dma_start3A_298 : memref<1000000xi32, #tpu.memory_space<hbm>>) target(%dma_start3A_293 : memref<128xi32, #tpu.memory_space<vmem>>) offsets(%dma_start3A_296 : memref<128xi32, #tpu.memory_space<vmem>>) semaphore(%arg21 : memref<!tpu.dma_semaphore, #tpu.memory_space<semaphore_mem>>)
      %dma_start3A_299 = arith.constant 4 : i32
      %dma_start3A_300 = arith.constant 512 : i32
      %dma_start3A_301 = arith.constant 0 : i32
      %dma_start3A_302 = tpu.memref_slice %arg19[%dma_start3A_300, %dma_start3A_301] : memref<1024x16xf32, #tpu.memory_space<vmem>> -> memref<128x16xf32, #tpu.memory_space<vmem>>
      %dma_start3A_303 = arith.constant 0 : i32
      %dma_start3A_304 = tpu.memref_slice %arg16[%dma_start3A_299, %dma_start3A_303] : memref<8x128xi32, #tpu.memory_space<vmem>> -> memref<1x128xi32, #tpu.memory_space<vmem>>
      %dma_start3A_305 = tpu.memref_squeeze %dma_start3A_304 : memref<1x128xi32, #tpu.memory_space<vmem>> -> memref<128xi32, #tpu.memory_space<vmem>>
      %dma_start3A_306 = arith.constant 0 : i32
      %dma_start3A_307 = arith.constant 0 : i32
      %dma_start3A_308 = tpu.memref_slice %arg6[%dma_start3A_306, %dma_start3A_307] : memref<1000000x16xf32, #tpu.memory_space<hbm>> -> memref<1000000x16xf32, #tpu.memory_space<hbm>>
      tpu.enqueue_indirect_dma source(%dma_start3A_308 : memref<1000000x16xf32, #tpu.memory_space<hbm>>) target(%dma_start3A_302 : memref<128x16xf32, #tpu.memory_space<vmem>>) offsets(%dma_start3A_305 : memref<128xi32, #tpu.memory_space<vmem>>) semaphore(%arg21 : memref<!tpu.dma_semaphore, #tpu.memory_space<semaphore_mem>>)
      %dma_start3A_309 = arith.constant 5 : i32
      %dma_start3A_310 = arith.constant 5 : i32
      %dma_start3A_311 = arith.constant 0 : i32
      %dma_start3A_312 = tpu.memref_slice %arg18[%dma_start3A_310, %dma_start3A_311] : memref<8x128xi32, #tpu.memory_space<vmem>> -> memref<1x128xi32, #tpu.memory_space<vmem>>
      %dma_start3A_313 = tpu.memref_squeeze %dma_start3A_312 : memref<1x128xi32, #tpu.memory_space<vmem>> -> memref<128xi32, #tpu.memory_space<vmem>>
      %dma_start3A_314 = arith.constant 0 : i32
      %dma_start3A_315 = tpu.memref_slice %arg16[%dma_start3A_309, %dma_start3A_314] : memref<8x128xi32, #tpu.memory_space<vmem>> -> memref<1x128xi32, #tpu.memory_space<vmem>>
      %dma_start3A_316 = tpu.memref_squeeze %dma_start3A_315 : memref<1x128xi32, #tpu.memory_space<vmem>> -> memref<128xi32, #tpu.memory_space<vmem>>
      %dma_start3A_317 = arith.constant 0 : i32
      %dma_start3A_318 = tpu.memref_slice %arg9[%dma_start3A_317] : memref<1000000xi32, #tpu.memory_space<hbm>> -> memref<1000000xi32, #tpu.memory_space<hbm>>
      tpu.enqueue_indirect_dma source(%dma_start3A_318 : memref<1000000xi32, #tpu.memory_space<hbm>>) target(%dma_start3A_313 : memref<128xi32, #tpu.memory_space<vmem>>) offsets(%dma_start3A_316 : memref<128xi32, #tpu.memory_space<vmem>>) semaphore(%arg21 : memref<!tpu.dma_semaphore, #tpu.memory_space<semaphore_mem>>)
      %dma_start3A_319 = arith.constant 5 : i32
      %dma_start3A_320 = arith.constant 640 : i32
      %dma_start3A_321 = arith.constant 0 : i32
      %dma_start3A_322 = tpu.memref_slice %arg19[%dma_start3A_320, %dma_start3A_321] : memref<1024x16xf32, #tpu.memory_space<vmem>> -> memref<128x16xf32, #tpu.memory_space<vmem>>
      %dma_start3A_323 = arith.constant 0 : i32
      %dma_start3A_324 = tpu.memref_slice %arg16[%dma_start3A_319, %dma_start3A_323] : memref<8x128xi32, #tpu.memory_space<vmem>> -> memref<1x128xi32, #tpu.memory_space<vmem>>
      %dma_start3A_325 = tpu.memref_squeeze %dma_start3A_324 : memref<1x128xi32, #tpu.memory_space<vmem>> -> memref<128xi32, #tpu.memory_space<vmem>>
      %dma_start3A_326 = arith.constant 0 : i32
      %dma_start3A_327 = arith.constant 0 : i32
      %dma_start3A_328 = tpu.memref_slice %arg6[%dma_start3A_326, %dma_start3A_327] : memref<1000000x16xf32, #tpu.memory_space<hbm>> -> memref<1000000x16xf32, #tpu.memory_space<hbm>>
      tpu.enqueue_indirect_dma source(%dma_start3A_328 : memref<1000000x16xf32, #tpu.memory_space<hbm>>) target(%dma_start3A_322 : memref<128x16xf32, #tpu.memory_space<vmem>>) offsets(%dma_start3A_325 : memref<128xi32, #tpu.memory_space<vmem>>) semaphore(%arg21 : memref<!tpu.dma_semaphore, #tpu.memory_space<semaphore_mem>>)
      %dma_start3A_329 = arith.constant 6 : i32
      %dma_start3A_330 = arith.constant 6 : i32
      %dma_start3A_331 = arith.constant 0 : i32
      %dma_start3A_332 = tpu.memref_slice %arg18[%dma_start3A_330, %dma_start3A_331] : memref<8x128xi32, #tpu.memory_space<vmem>> -> memref<1x128xi32, #tpu.memory_space<vmem>>
      %dma_start3A_333 = tpu.memref_squeeze %dma_start3A_332 : memref<1x128xi32, #tpu.memory_space<vmem>> -> memref<128xi32, #tpu.memory_space<vmem>>
      %dma_start3A_334 = arith.constant 0 : i32
      %dma_start3A_335 = tpu.memref_slice %arg16[%dma_start3A_329, %dma_start3A_334] : memref<8x128xi32, #tpu.memory_space<vmem>> -> memref<1x128xi32, #tpu.memory_space<vmem>>
      %dma_start3A_336 = tpu.memref_squeeze %dma_start3A_335 : memref<1x128xi32, #tpu.memory_space<vmem>> -> memref<128xi32, #tpu.memory_space<vmem>>
      %dma_start3A_337 = arith.constant 0 : i32
      %dma_start3A_338 = tpu.memref_slice %arg9[%dma_start3A_337] : memref<1000000xi32, #tpu.memory_space<hbm>> -> memref<1000000xi32, #tpu.memory_space<hbm>>
      tpu.enqueue_indirect_dma source(%dma_start3A_338 : memref<1000000xi32, #tpu.memory_space<hbm>>) target(%dma_start3A_333 : memref<128xi32, #tpu.memory_space<vmem>>) offsets(%dma_start3A_336 : memref<128xi32, #tpu.memory_space<vmem>>) semaphore(%arg21 : memref<!tpu.dma_semaphore, #tpu.memory_space<semaphore_mem>>)
      %dma_start3A_339 = arith.constant 6 : i32
      %dma_start3A_340 = arith.constant 768 : i32
      %dma_start3A_341 = arith.constant 0 : i32
      %dma_start3A_342 = tpu.memref_slice %arg19[%dma_start3A_340, %dma_start3A_341] : memref<1024x16xf32, #tpu.memory_space<vmem>> -> memref<128x16xf32, #tpu.memory_space<vmem>>
      %dma_start3A_343 = arith.constant 0 : i32
      %dma_start3A_344 = tpu.memref_slice %arg16[%dma_start3A_339, %dma_start3A_343] : memref<8x128xi32, #tpu.memory_space<vmem>> -> memref<1x128xi32, #tpu.memory_space<vmem>>
      %dma_start3A_345 = tpu.memref_squeeze %dma_start3A_344 : memref<1x128xi32, #tpu.memory_space<vmem>> -> memref<128xi32, #tpu.memory_space<vmem>>
      %dma_start3A_346 = arith.constant 0 : i32
      %dma_start3A_347 = arith.constant 0 : i32
      %dma_start3A_348 = tpu.memref_slice %arg6[%dma_start3A_346, %dma_start3A_347] : memref<1000000x16xf32, #tpu.memory_space<hbm>> -> memref<1000000x16xf32, #tpu.memory_space<hbm>>
      tpu.enqueue_indirect_dma source(%dma_start3A_348 : memref<1000000x16xf32, #tpu.memory_space<hbm>>) target(%dma_start3A_342 : memref<128x16xf32, #tpu.memory_space<vmem>>) offsets(%dma_start3A_345 : memref<128xi32, #tpu.memory_space<vmem>>) semaphore(%arg21 : memref<!tpu.dma_semaphore, #tpu.memory_space<semaphore_mem>>)
      %dma_start3A_349 = arith.constant 7 : i32
      %dma_start3A_350 = arith.constant 7 : i32
      %dma_start3A_351 = arith.constant 0 : i32
      %dma_start3A_352 = tpu.memref_slice %arg18[%dma_start3A_350, %dma_start3A_351] : memref<8x128xi32, #tpu.memory_space<vmem>> -> memref<1x128xi32, #tpu.memory_space<vmem>>
      %dma_start3A_353 = tpu.memref_squeeze %dma_start3A_352 : memref<1x128xi32, #tpu.memory_space<vmem>> -> memref<128xi32, #tpu.memory_space<vmem>>
      %dma_start3A_354 = arith.constant 0 : i32
      %dma_start3A_355 = tpu.memref_slice %arg16[%dma_start3A_349, %dma_start3A_354] : memref<8x128xi32, #tpu.memory_space<vmem>> -> memref<1x128xi32, #tpu.memory_space<vmem>>
      %dma_start3A_356 = tpu.memref_squeeze %dma_start3A_355 : memref<1x128xi32, #tpu.memory_space<vmem>> -> memref<128xi32, #tpu.memory_space<vmem>>
      %dma_start3A_357 = arith.constant 0 : i32
      %dma_start3A_358 = tpu.memref_slice %arg9[%dma_start3A_357] : memref<1000000xi32, #tpu.memory_space<hbm>> -> memref<1000000xi32, #tpu.memory_space<hbm>>
      tpu.enqueue_indirect_dma source(%dma_start3A_358 : memref<1000000xi32, #tpu.memory_space<hbm>>) target(%dma_start3A_353 : memref<128xi32, #tpu.memory_space<vmem>>) offsets(%dma_start3A_356 : memref<128xi32, #tpu.memory_space<vmem>>) semaphore(%arg21 : memref<!tpu.dma_semaphore, #tpu.memory_space<semaphore_mem>>)
      %dma_start3A_359 = arith.constant 7 : i32
      %dma_start3A_360 = arith.constant 896 : i32
      %dma_start3A_361 = arith.constant 0 : i32
      %dma_start3A_362 = tpu.memref_slice %arg19[%dma_start3A_360, %dma_start3A_361] : memref<1024x16xf32, #tpu.memory_space<vmem>> -> memref<128x16xf32, #tpu.memory_space<vmem>>
      %dma_start3A_363 = arith.constant 0 : i32
      %dma_start3A_364 = tpu.memref_slice %arg16[%dma_start3A_359, %dma_start3A_363] : memref<8x128xi32, #tpu.memory_space<vmem>> -> memref<1x128xi32, #tpu.memory_space<vmem>>
      %dma_start3A_365 = tpu.memref_squeeze %dma_start3A_364 : memref<1x128xi32, #tpu.memory_space<vmem>> -> memref<128xi32, #tpu.memory_space<vmem>>
      %dma_start3A_366 = arith.constant 0 : i32
      %dma_start3A_367 = arith.constant 0 : i32
      %dma_start3A_368 = tpu.memref_slice %arg6[%dma_start3A_366, %dma_start3A_367] : memref<1000000x16xf32, #tpu.memory_space<hbm>> -> memref<1000000x16xf32, #tpu.memory_space<hbm>>
      tpu.enqueue_indirect_dma source(%dma_start3A_368 : memref<1000000x16xf32, #tpu.memory_space<hbm>>) target(%dma_start3A_362 : memref<128x16xf32, #tpu.memory_space<vmem>>) offsets(%dma_start3A_365 : memref<128xi32, #tpu.memory_space<vmem>>) semaphore(%arg21 : memref<!tpu.dma_semaphore, #tpu.memory_space<semaphore_mem>>)
      %dma_wait3A_369 = arith.constant 0 : i32
      %dma_wait3A_370 = arith.constant 0 : i32
      %dma_wait3A_371 = arith.constant 0 : i32
      %dma_wait3A_372 = tpu.memref_slice %arg18[%dma_wait3A_370, %dma_wait3A_371] : memref<8x128xi32, #tpu.memory_space<vmem>> -> memref<1x128xi32, #tpu.memory_space<vmem>>
      %dma_wait3A_373 = tpu.memref_squeeze %dma_wait3A_372 : memref<1x128xi32, #tpu.memory_space<vmem>> -> memref<128xi32, #tpu.memory_space<vmem>>
      %dma_wait3A_374 = arith.constant 0 : i32
      %dma_wait3A_375 = tpu.memref_slice %arg16[%dma_wait3A_369, %dma_wait3A_374] : memref<8x128xi32, #tpu.memory_space<vmem>> -> memref<1x128xi32, #tpu.memory_space<vmem>>
      %dma_wait3A_376 = tpu.memref_squeeze %dma_wait3A_375 : memref<1x128xi32, #tpu.memory_space<vmem>> -> memref<128xi32, #tpu.memory_space<vmem>>
      %dma_wait3A_377 = arith.constant 0 : i32
      %dma_wait3A_378 = tpu.memref_slice %arg9[%dma_wait3A_377] : memref<1000000xi32, #tpu.memory_space<hbm>> -> memref<1000000xi32, #tpu.memory_space<hbm>>
      tpu.wait_indirect_dma semaphore(%arg21 : memref<!tpu.dma_semaphore, #tpu.memory_space<semaphore_mem>>) src(%dma_wait3A_378 : memref<1000000xi32, #tpu.memory_space<hbm>>) dst(%dma_wait3A_373 : memref<128xi32, #tpu.memory_space<vmem>>)
      %dma_wait3A_379 = arith.constant 0 : i32
      %dma_wait3A_380 = arith.constant 0 : i32
      %dma_wait3A_381 = arith.constant 0 : i32
      %dma_wait3A_382 = tpu.memref_slice %arg19[%dma_wait3A_380, %dma_wait3A_381] : memref<1024x16xf32, #tpu.memory_space<vmem>> -> memref<128x16xf32, #tpu.memory_space<vmem>>
      %dma_wait3A_383 = arith.constant 0 : i32
      %dma_wait3A_384 = tpu.memref_slice %arg16[%dma_wait3A_379, %dma_wait3A_383] : memref<8x128xi32, #tpu.memory_space<vmem>> -> memref<1x128xi32, #tpu.memory_space<vmem>>
      %dma_wait3A_385 = tpu.memref_squeeze %dma_wait3A_384 : memref<1x128xi32, #tpu.memory_space<vmem>> -> memref<128xi32, #tpu.memory_space<vmem>>
      %dma_wait3A_386 = arith.constant 0 : i32
      %dma_wait3A_387 = arith.constant 0 : i32
      %dma_wait3A_388 = tpu.memref_slice %arg6[%dma_wait3A_386, %dma_wait3A_387] : memref<1000000x16xf32, #tpu.memory_space<hbm>> -> memref<1000000x16xf32, #tpu.memory_space<hbm>>
      tpu.wait_indirect_dma semaphore(%arg21 : memref<!tpu.dma_semaphore, #tpu.memory_space<semaphore_mem>>) src(%dma_wait3A_388 : memref<1000000x16xf32, #tpu.memory_space<hbm>>) dst(%dma_wait3A_382 : memref<128x16xf32, #tpu.memory_space<vmem>>)
      %dma_wait3A_389 = arith.constant 1 : i32
      %dma_wait3A_390 = arith.constant 1 : i32
      %dma_wait3A_391 = arith.constant 0 : i32
      %dma_wait3A_392 = tpu.memref_slice %arg18[%dma_wait3A_390, %dma_wait3A_391] : memref<8x128xi32, #tpu.memory_space<vmem>> -> memref<1x128xi32, #tpu.memory_space<vmem>>
      %dma_wait3A_393 = tpu.memref_squeeze %dma_wait3A_392 : memref<1x128xi32, #tpu.memory_space<vmem>> -> memref<128xi32, #tpu.memory_space<vmem>>
      %dma_wait3A_394 = arith.constant 0 : i32
      %dma_wait3A_395 = tpu.memref_slice %arg16[%dma_wait3A_389, %dma_wait3A_394] : memref<8x128xi32, #tpu.memory_space<vmem>> -> memref<1x128xi32, #tpu.memory_space<vmem>>
      %dma_wait3A_396 = tpu.memref_squeeze %dma_wait3A_395 : memref<1x128xi32, #tpu.memory_space<vmem>> -> memref<128xi32, #tpu.memory_space<vmem>>
      %dma_wait3A_397 = arith.constant 0 : i32
      %dma_wait3A_398 = tpu.memref_slice %arg9[%dma_wait3A_397] : memref<1000000xi32, #tpu.memory_space<hbm>> -> memref<1000000xi32, #tpu.memory_space<hbm>>
      tpu.wait_indirect_dma semaphore(%arg21 : memref<!tpu.dma_semaphore, #tpu.memory_space<semaphore_mem>>) src(%dma_wait3A_398 : memref<1000000xi32, #tpu.memory_space<hbm>>) dst(%dma_wait3A_393 : memref<128xi32, #tpu.memory_space<vmem>>)
      %dma_wait3A_399 = arith.constant 1 : i32
      %dma_wait3A_400 = arith.constant 128 : i32
      %dma_wait3A_401 = arith.constant 0 : i32
      %dma_wait3A_402 = tpu.memref_slice %arg19[%dma_wait3A_400, %dma_wait3A_401] : memref<1024x16xf32, #tpu.memory_space<vmem>> -> memref<128x16xf32, #tpu.memory_space<vmem>>
      %dma_wait3A_403 = arith.constant 0 : i32
      %dma_wait3A_404 = tpu.memref_slice %arg16[%dma_wait3A_399, %dma_wait3A_403] : memref<8x128xi32, #tpu.memory_space<vmem>> -> memref<1x128xi32, #tpu.memory_space<vmem>>
      %dma_wait3A_405 = tpu.memref_squeeze %dma_wait3A_404 : memref<1x128xi32, #tpu.memory_space<vmem>> -> memref<128xi32, #tpu.memory_space<vmem>>
      %dma_wait3A_406 = arith.constant 0 : i32
      %dma_wait3A_407 = arith.constant 0 : i32
      %dma_wait3A_408 = tpu.memref_slice %arg6[%dma_wait3A_406, %dma_wait3A_407] : memref<1000000x16xf32, #tpu.memory_space<hbm>> -> memref<1000000x16xf32, #tpu.memory_space<hbm>>
      tpu.wait_indirect_dma semaphore(%arg21 : memref<!tpu.dma_semaphore, #tpu.memory_space<semaphore_mem>>) src(%dma_wait3A_408 : memref<1000000x16xf32, #tpu.memory_space<hbm>>) dst(%dma_wait3A_402 : memref<128x16xf32, #tpu.memory_space<vmem>>)
      %dma_wait3A_409 = arith.constant 2 : i32
      %dma_wait3A_410 = arith.constant 2 : i32
      %dma_wait3A_411 = arith.constant 0 : i32
      %dma_wait3A_412 = tpu.memref_slice %arg18[%dma_wait3A_410, %dma_wait3A_411] : memref<8x128xi32, #tpu.memory_space<vmem>> -> memref<1x128xi32, #tpu.memory_space<vmem>>
      %dma_wait3A_413 = tpu.memref_squeeze %dma_wait3A_412 : memref<1x128xi32, #tpu.memory_space<vmem>> -> memref<128xi32, #tpu.memory_space<vmem>>
      %dma_wait3A_414 = arith.constant 0 : i32
      %dma_wait3A_415 = tpu.memref_slice %arg16[%dma_wait3A_409, %dma_wait3A_414] : memref<8x128xi32, #tpu.memory_space<vmem>> -> memref<1x128xi32, #tpu.memory_space<vmem>>
      %dma_wait3A_416 = tpu.memref_squeeze %dma_wait3A_415 : memref<1x128xi32, #tpu.memory_space<vmem>> -> memref<128xi32, #tpu.memory_space<vmem>>
      %dma_wait3A_417 = arith.constant 0 : i32
      %dma_wait3A_418 = tpu.memref_slice %arg9[%dma_wait3A_417] : memref<1000000xi32, #tpu.memory_space<hbm>> -> memref<1000000xi32, #tpu.memory_space<hbm>>
      tpu.wait_indirect_dma semaphore(%arg21 : memref<!tpu.dma_semaphore, #tpu.memory_space<semaphore_mem>>) src(%dma_wait3A_418 : memref<1000000xi32, #tpu.memory_space<hbm>>) dst(%dma_wait3A_413 : memref<128xi32, #tpu.memory_space<vmem>>)
      %dma_wait3A_419 = arith.constant 2 : i32
      %dma_wait3A_420 = arith.constant 256 : i32
      %dma_wait3A_421 = arith.constant 0 : i32
      %dma_wait3A_422 = tpu.memref_slice %arg19[%dma_wait3A_420, %dma_wait3A_421] : memref<1024x16xf32, #tpu.memory_space<vmem>> -> memref<128x16xf32, #tpu.memory_space<vmem>>
      %dma_wait3A_423 = arith.constant 0 : i32
      %dma_wait3A_424 = tpu.memref_slice %arg16[%dma_wait3A_419, %dma_wait3A_423] : memref<8x128xi32, #tpu.memory_space<vmem>> -> memref<1x128xi32, #tpu.memory_space<vmem>>
      %dma_wait3A_425 = tpu.memref_squeeze %dma_wait3A_424 : memref<1x128xi32, #tpu.memory_space<vmem>> -> memref<128xi32, #tpu.memory_space<vmem>>
      %dma_wait3A_426 = arith.constant 0 : i32
      %dma_wait3A_427 = arith.constant 0 : i32
      %dma_wait3A_428 = tpu.memref_slice %arg6[%dma_wait3A_426, %dma_wait3A_427] : memref<1000000x16xf32, #tpu.memory_space<hbm>> -> memref<1000000x16xf32, #tpu.memory_space<hbm>>
      tpu.wait_indirect_dma semaphore(%arg21 : memref<!tpu.dma_semaphore, #tpu.memory_space<semaphore_mem>>) src(%dma_wait3A_428 : memref<1000000x16xf32, #tpu.memory_space<hbm>>) dst(%dma_wait3A_422 : memref<128x16xf32, #tpu.memory_space<vmem>>)
      %dma_wait3A_429 = arith.constant 3 : i32
      %dma_wait3A_430 = arith.constant 3 : i32
      %dma_wait3A_431 = arith.constant 0 : i32
      %dma_wait3A_432 = tpu.memref_slice %arg18[%dma_wait3A_430, %dma_wait3A_431] : memref<8x128xi32, #tpu.memory_space<vmem>> -> memref<1x128xi32, #tpu.memory_space<vmem>>
      %dma_wait3A_433 = tpu.memref_squeeze %dma_wait3A_432 : memref<1x128xi32, #tpu.memory_space<vmem>> -> memref<128xi32, #tpu.memory_space<vmem>>
      %dma_wait3A_434 = arith.constant 0 : i32
      %dma_wait3A_435 = tpu.memref_slice %arg16[%dma_wait3A_429, %dma_wait3A_434] : memref<8x128xi32, #tpu.memory_space<vmem>> -> memref<1x128xi32, #tpu.memory_space<vmem>>
      %dma_wait3A_436 = tpu.memref_squeeze %dma_wait3A_435 : memref<1x128xi32, #tpu.memory_space<vmem>> -> memref<128xi32, #tpu.memory_space<vmem>>
      %dma_wait3A_437 = arith.constant 0 : i32
      %dma_wait3A_438 = tpu.memref_slice %arg9[%dma_wait3A_437] : memref<1000000xi32, #tpu.memory_space<hbm>> -> memref<1000000xi32, #tpu.memory_space<hbm>>
      tpu.wait_indirect_dma semaphore(%arg21 : memref<!tpu.dma_semaphore, #tpu.memory_space<semaphore_mem>>) src(%dma_wait3A_438 : memref<1000000xi32, #tpu.memory_space<hbm>>) dst(%dma_wait3A_433 : memref<128xi32, #tpu.memory_space<vmem>>)
      %dma_wait3A_439 = arith.constant 3 : i32
      %dma_wait3A_440 = arith.constant 384 : i32
      %dma_wait3A_441 = arith.constant 0 : i32
      %dma_wait3A_442 = tpu.memref_slice %arg19[%dma_wait3A_440, %dma_wait3A_441] : memref<1024x16xf32, #tpu.memory_space<vmem>> -> memref<128x16xf32, #tpu.memory_space<vmem>>
      %dma_wait3A_443 = arith.constant 0 : i32
      %dma_wait3A_444 = tpu.memref_slice %arg16[%dma_wait3A_439, %dma_wait3A_443] : memref<8x128xi32, #tpu.memory_space<vmem>> -> memref<1x128xi32, #tpu.memory_space<vmem>>
      %dma_wait3A_445 = tpu.memref_squeeze %dma_wait3A_444 : memref<1x128xi32, #tpu.memory_space<vmem>> -> memref<128xi32, #tpu.memory_space<vmem>>
      %dma_wait3A_446 = arith.constant 0 : i32
      %dma_wait3A_447 = arith.constant 0 : i32
      %dma_wait3A_448 = tpu.memref_slice %arg6[%dma_wait3A_446, %dma_wait3A_447] : memref<1000000x16xf32, #tpu.memory_space<hbm>> -> memref<1000000x16xf32, #tpu.memory_space<hbm>>
      tpu.wait_indirect_dma semaphore(%arg21 : memref<!tpu.dma_semaphore, #tpu.memory_space<semaphore_mem>>) src(%dma_wait3A_448 : memref<1000000x16xf32, #tpu.memory_space<hbm>>) dst(%dma_wait3A_442 : memref<128x16xf32, #tpu.memory_space<vmem>>)
      %dma_wait3A_449 = arith.constant 4 : i32
      %dma_wait3A_450 = arith.constant 4 : i32
      %dma_wait3A_451 = arith.constant 0 : i32
      %dma_wait3A_452 = tpu.memref_slice %arg18[%dma_wait3A_450, %dma_wait3A_451] : memref<8x128xi32, #tpu.memory_space<vmem>> -> memref<1x128xi32, #tpu.memory_space<vmem>>
      %dma_wait3A_453 = tpu.memref_squeeze %dma_wait3A_452 : memref<1x128xi32, #tpu.memory_space<vmem>> -> memref<128xi32, #tpu.memory_space<vmem>>
      %dma_wait3A_454 = arith.constant 0 : i32
      %dma_wait3A_455 = tpu.memref_slice %arg16[%dma_wait3A_449, %dma_wait3A_454] : memref<8x128xi32, #tpu.memory_space<vmem>> -> memref<1x128xi32, #tpu.memory_space<vmem>>
      %dma_wait3A_456 = tpu.memref_squeeze %dma_wait3A_455 : memref<1x128xi32, #tpu.memory_space<vmem>> -> memref<128xi32, #tpu.memory_space<vmem>>
      %dma_wait3A_457 = arith.constant 0 : i32
      %dma_wait3A_458 = tpu.memref_slice %arg9[%dma_wait3A_457] : memref<1000000xi32, #tpu.memory_space<hbm>> -> memref<1000000xi32, #tpu.memory_space<hbm>>
      tpu.wait_indirect_dma semaphore(%arg21 : memref<!tpu.dma_semaphore, #tpu.memory_space<semaphore_mem>>) src(%dma_wait3A_458 : memref<1000000xi32, #tpu.memory_space<hbm>>) dst(%dma_wait3A_453 : memref<128xi32, #tpu.memory_space<vmem>>)
      %dma_wait3A_459 = arith.constant 4 : i32
      %dma_wait3A_460 = arith.constant 512 : i32
      %dma_wait3A_461 = arith.constant 0 : i32
      %dma_wait3A_462 = tpu.memref_slice %arg19[%dma_wait3A_460, %dma_wait3A_461] : memref<1024x16xf32, #tpu.memory_space<vmem>> -> memref<128x16xf32, #tpu.memory_space<vmem>>
      %dma_wait3A_463 = arith.constant 0 : i32
      %dma_wait3A_464 = tpu.memref_slice %arg16[%dma_wait3A_459, %dma_wait3A_463] : memref<8x128xi32, #tpu.memory_space<vmem>> -> memref<1x128xi32, #tpu.memory_space<vmem>>
      %dma_wait3A_465 = tpu.memref_squeeze %dma_wait3A_464 : memref<1x128xi32, #tpu.memory_space<vmem>> -> memref<128xi32, #tpu.memory_space<vmem>>
      %dma_wait3A_466 = arith.constant 0 : i32
      %dma_wait3A_467 = arith.constant 0 : i32
      %dma_wait3A_468 = tpu.memref_slice %arg6[%dma_wait3A_466, %dma_wait3A_467] : memref<1000000x16xf32, #tpu.memory_space<hbm>> -> memref<1000000x16xf32, #tpu.memory_space<hbm>>
      tpu.wait_indirect_dma semaphore(%arg21 : memref<!tpu.dma_semaphore, #tpu.memory_space<semaphore_mem>>) src(%dma_wait3A_468 : memref<1000000x16xf32, #tpu.memory_space<hbm>>) dst(%dma_wait3A_462 : memref<128x16xf32, #tpu.memory_space<vmem>>)
      %dma_wait3A_469 = arith.constant 5 : i32
      %dma_wait3A_470 = arith.constant 5 : i32
      %dma_wait3A_471 = arith.constant 0 : i32
      %dma_wait3A_472 = tpu.memref_slice %arg18[%dma_wait3A_470, %dma_wait3A_471] : memref<8x128xi32, #tpu.memory_space<vmem>> -> memref<1x128xi32, #tpu.memory_space<vmem>>
      %dma_wait3A_473 = tpu.memref_squeeze %dma_wait3A_472 : memref<1x128xi32, #tpu.memory_space<vmem>> -> memref<128xi32, #tpu.memory_space<vmem>>
      %dma_wait3A_474 = arith.constant 0 : i32
      %dma_wait3A_475 = tpu.memref_slice %arg16[%dma_wait3A_469, %dma_wait3A_474] : memref<8x128xi32, #tpu.memory_space<vmem>> -> memref<1x128xi32, #tpu.memory_space<vmem>>
      %dma_wait3A_476 = tpu.memref_squeeze %dma_wait3A_475 : memref<1x128xi32, #tpu.memory_space<vmem>> -> memref<128xi32, #tpu.memory_space<vmem>>
      %dma_wait3A_477 = arith.constant 0 : i32
      %dma_wait3A_478 = tpu.memref_slice %arg9[%dma_wait3A_477] : memref<1000000xi32, #tpu.memory_space<hbm>> -> memref<1000000xi32, #tpu.memory_space<hbm>>
      tpu.wait_indirect_dma semaphore(%arg21 : memref<!tpu.dma_semaphore, #tpu.memory_space<semaphore_mem>>) src(%dma_wait3A_478 : memref<1000000xi32, #tpu.memory_space<hbm>>) dst(%dma_wait3A_473 : memref<128xi32, #tpu.memory_space<vmem>>)
      %dma_wait3A_479 = arith.constant 5 : i32
      %dma_wait3A_480 = arith.constant 640 : i32
      %dma_wait3A_481 = arith.constant 0 : i32
      %dma_wait3A_482 = tpu.memref_slice %arg19[%dma_wait3A_480, %dma_wait3A_481] : memref<1024x16xf32, #tpu.memory_space<vmem>> -> memref<128x16xf32, #tpu.memory_space<vmem>>
      %dma_wait3A_483 = arith.constant 0 : i32
      %dma_wait3A_484 = tpu.memref_slice %arg16[%dma_wait3A_479, %dma_wait3A_483] : memref<8x128xi32, #tpu.memory_space<vmem>> -> memref<1x128xi32, #tpu.memory_space<vmem>>
      %dma_wait3A_485 = tpu.memref_squeeze %dma_wait3A_484 : memref<1x128xi32, #tpu.memory_space<vmem>> -> memref<128xi32, #tpu.memory_space<vmem>>
      %dma_wait3A_486 = arith.constant 0 : i32
      %dma_wait3A_487 = arith.constant 0 : i32
      %dma_wait3A_488 = tpu.memref_slice %arg6[%dma_wait3A_486, %dma_wait3A_487] : memref<1000000x16xf32, #tpu.memory_space<hbm>> -> memref<1000000x16xf32, #tpu.memory_space<hbm>>
      tpu.wait_indirect_dma semaphore(%arg21 : memref<!tpu.dma_semaphore, #tpu.memory_space<semaphore_mem>>) src(%dma_wait3A_488 : memref<1000000x16xf32, #tpu.memory_space<hbm>>) dst(%dma_wait3A_482 : memref<128x16xf32, #tpu.memory_space<vmem>>)
      %dma_wait3A_489 = arith.constant 6 : i32
      %dma_wait3A_490 = arith.constant 6 : i32
      %dma_wait3A_491 = arith.constant 0 : i32
      %dma_wait3A_492 = tpu.memref_slice %arg18[%dma_wait3A_490, %dma_wait3A_491] : memref<8x128xi32, #tpu.memory_space<vmem>> -> memref<1x128xi32, #tpu.memory_space<vmem>>
      %dma_wait3A_493 = tpu.memref_squeeze %dma_wait3A_492 : memref<1x128xi32, #tpu.memory_space<vmem>> -> memref<128xi32, #tpu.memory_space<vmem>>
      %dma_wait3A_494 = arith.constant 0 : i32
      %dma_wait3A_495 = tpu.memref_slice %arg16[%dma_wait3A_489, %dma_wait3A_494] : memref<8x128xi32, #tpu.memory_space<vmem>> -> memref<1x128xi32, #tpu.memory_space<vmem>>
      %dma_wait3A_496 = tpu.memref_squeeze %dma_wait3A_495 : memref<1x128xi32, #tpu.memory_space<vmem>> -> memref<128xi32, #tpu.memory_space<vmem>>
      %dma_wait3A_497 = arith.constant 0 : i32
      %dma_wait3A_498 = tpu.memref_slice %arg9[%dma_wait3A_497] : memref<1000000xi32, #tpu.memory_space<hbm>> -> memref<1000000xi32, #tpu.memory_space<hbm>>
      tpu.wait_indirect_dma semaphore(%arg21 : memref<!tpu.dma_semaphore, #tpu.memory_space<semaphore_mem>>) src(%dma_wait3A_498 : memref<1000000xi32, #tpu.memory_space<hbm>>) dst(%dma_wait3A_493 : memref<128xi32, #tpu.memory_space<vmem>>)
      %dma_wait3A_499 = arith.constant 6 : i32
      %dma_wait3A_500 = arith.constant 768 : i32
      %dma_wait3A_501 = arith.constant 0 : i32
      %dma_wait3A_502 = tpu.memref_slice %arg19[%dma_wait3A_500, %dma_wait3A_501] : memref<1024x16xf32, #tpu.memory_space<vmem>> -> memref<128x16xf32, #tpu.memory_space<vmem>>
      %dma_wait3A_503 = arith.constant 0 : i32
      %dma_wait3A_504 = tpu.memref_slice %arg16[%dma_wait3A_499, %dma_wait3A_503] : memref<8x128xi32, #tpu.memory_space<vmem>> -> memref<1x128xi32, #tpu.memory_space<vmem>>
      %dma_wait3A_505 = tpu.memref_squeeze %dma_wait3A_504 : memref<1x128xi32, #tpu.memory_space<vmem>> -> memref<128xi32, #tpu.memory_space<vmem>>
      %dma_wait3A_506 = arith.constant 0 : i32
      %dma_wait3A_507 = arith.constant 0 : i32
      %dma_wait3A_508 = tpu.memref_slice %arg6[%dma_wait3A_506, %dma_wait3A_507] : memref<1000000x16xf32, #tpu.memory_space<hbm>> -> memref<1000000x16xf32, #tpu.memory_space<hbm>>
      tpu.wait_indirect_dma semaphore(%arg21 : memref<!tpu.dma_semaphore, #tpu.memory_space<semaphore_mem>>) src(%dma_wait3A_508 : memref<1000000x16xf32, #tpu.memory_space<hbm>>) dst(%dma_wait3A_502 : memref<128x16xf32, #tpu.memory_space<vmem>>)
      %dma_wait3A_509 = arith.constant 7 : i32
      %dma_wait3A_510 = arith.constant 7 : i32
      %dma_wait3A_511 = arith.constant 0 : i32
      %dma_wait3A_512 = tpu.memref_slice %arg18[%dma_wait3A_510, %dma_wait3A_511] : memref<8x128xi32, #tpu.memory_space<vmem>> -> memref<1x128xi32, #tpu.memory_space<vmem>>
      %dma_wait3A_513 = tpu.memref_squeeze %dma_wait3A_512 : memref<1x128xi32, #tpu.memory_space<vmem>> -> memref<128xi32, #tpu.memory_space<vmem>>
      %dma_wait3A_514 = arith.constant 0 : i32
      %dma_wait3A_515 = tpu.memref_slice %arg16[%dma_wait3A_509, %dma_wait3A_514] : memref<8x128xi32, #tpu.memory_space<vmem>> -> memref<1x128xi32, #tpu.memory_space<vmem>>
      %dma_wait3A_516 = tpu.memref_squeeze %dma_wait3A_515 : memref<1x128xi32, #tpu.memory_space<vmem>> -> memref<128xi32, #tpu.memory_space<vmem>>
      %dma_wait3A_517 = arith.constant 0 : i32
      %dma_wait3A_518 = tpu.memref_slice %arg9[%dma_wait3A_517] : memref<1000000xi32, #tpu.memory_space<hbm>> -> memref<1000000xi32, #tpu.memory_space<hbm>>
      tpu.wait_indirect_dma semaphore(%arg21 : memref<!tpu.dma_semaphore, #tpu.memory_space<semaphore_mem>>) src(%dma_wait3A_518 : memref<1000000xi32, #tpu.memory_space<hbm>>) dst(%dma_wait3A_513 : memref<128xi32, #tpu.memory_space<vmem>>)
      %dma_wait3A_519 = arith.constant 7 : i32
      %dma_wait3A_520 = arith.constant 896 : i32
      %dma_wait3A_521 = arith.constant 0 : i32
      %dma_wait3A_522 = tpu.memref_slice %arg19[%dma_wait3A_520, %dma_wait3A_521] : memref<1024x16xf32, #tpu.memory_space<vmem>> -> memref<128x16xf32, #tpu.memory_space<vmem>>
      %dma_wait3A_523 = arith.constant 0 : i32
      %dma_wait3A_524 = tpu.memref_slice %arg16[%dma_wait3A_519, %dma_wait3A_523] : memref<8x128xi32, #tpu.memory_space<vmem>> -> memref<1x128xi32, #tpu.memory_space<vmem>>
      %dma_wait3A_525 = tpu.memref_squeeze %dma_wait3A_524 : memref<1x128xi32, #tpu.memory_space<vmem>> -> memref<128xi32, #tpu.memory_space<vmem>>
      %dma_wait3A_526 = arith.constant 0 : i32
      %dma_wait3A_527 = arith.constant 0 : i32
      %dma_wait3A_528 = tpu.memref_slice %arg6[%dma_wait3A_526, %dma_wait3A_527] : memref<1000000x16xf32, #tpu.memory_space<hbm>> -> memref<1000000x16xf32, #tpu.memory_space<hbm>>
      tpu.wait_indirect_dma semaphore(%arg21 : memref<!tpu.dma_semaphore, #tpu.memory_space<semaphore_mem>>) src(%dma_wait3A_528 : memref<1000000x16xf32, #tpu.memory_space<hbm>>) dst(%dma_wait3A_522 : memref<128x16xf32, #tpu.memory_space<vmem>>)
      %broadcast_in_dim3A = arith.constant 0.000000e+00 : f32
      %broadcast_in_dim3A_529 = vector.broadcast %broadcast_in_dim3A : f32 to vector<16xf32>
      %scan3A_530 = arith.constant 0 : i32
      %scan3A_531 = arith.constant 64 : i32
      %scan3A_532 = arith.addi %scan3A_530, %scan3A_531 : i32
      %scan3A_533 = arith.constant 1 : i32
      %scan3A_534 = scf.for %scan3A_548 = %scan3A_530 to %scan3A_532 step %scan3A_533 iter_args(%scan3A_549 = %broadcast_in_dim3A_529) -> (vector<16xf32>)  : i32 {
        %jit3A_550 = arith.constant 8 : i32
        %div3A = arith.divsi %scan3A_548, %jit3A_550 : i32
        %sign3A = arith.constant 0 : i32
        %sign3A_551 = arith.cmpi sgt, %scan3A_548, %sign3A : i32
        %sign3A_552 = arith.extui %sign3A_551 : i1 to i32
        %sign3A_553 = arith.constant 0 : i32
        %sign3A_554 = arith.cmpi slt, %scan3A_548, %sign3A_553 : i32
        %sign3A_555 = arith.extui %sign3A_554 : i1 to i32
        %sign3A_556 = arith.subi %sign3A_552, %sign3A_555 : i32
        %sign3A_557 = arith.constant 0 : i32
        %sign3A_558 = arith.cmpi sgt, %jit3A_550, %sign3A_557 : i32
        %sign3A_559 = arith.extui %sign3A_558 : i1 to i32
        %sign3A_560 = arith.constant 0 : i32
        %sign3A_561 = arith.cmpi slt, %jit3A_550, %sign3A_560 : i32
        %sign3A_562 = arith.extui %sign3A_561 : i1 to i32
        %sign3A_563 = arith.subi %sign3A_559, %sign3A_562 : i32
        %ne3A = arith.cmpi ne, %sign3A_556, %sign3A_563 : i32
        %rem3A = arith.remsi %scan3A_548, %jit3A_550 : i32
        %ne3A_564 = arith.constant 0 : i32
        %ne3A_565 = arith.cmpi ne, %rem3A, %ne3A_564 : i32
        %and3A = arith.andi %ne3A, %ne3A_565 : i1
        %sub3A = arith.constant 1 : i32
        %sub3A_566 = arith.subi %div3A, %sub3A : i32
        %select_n3A_567 = arith.select %and3A, %sub3A_566, %div3A : i32
        %jit3A_568 = arith.constant 8 : i32
        %eq3A_569 = arith.constant 0 : i32
        %eq3A_570 = arith.cmpi eq, %jit3A_568, %eq3A_569 : i32
        %jit3A_571 = arith.constant 1 : i32
        %select_n3A_572 = arith.select %eq3A_570, %jit3A_571, %jit3A_568 : i32
        %rem3A_573 = arith.remsi %scan3A_548, %select_n3A_572 : i32
        %ne3A_574 = arith.constant 0 : i32
        %ne3A_575 = arith.cmpi ne, %rem3A_573, %ne3A_574 : i32
        %lt3A = arith.constant 0 : i32
        %lt3A_576 = arith.cmpi slt, %rem3A_573, %lt3A : i32
        %lt3A_577 = arith.constant 0 : i32
        %lt3A_578 = arith.cmpi slt, %select_n3A_572, %lt3A_577 : i32
        %ne3A_579 = arith.xori %lt3A_576, %lt3A_578 : i1
        %and3A_580 = arith.andi %ne3A_579, %ne3A_575 : i1
        %add3A_581 = arith.addi %rem3A_573, %select_n3A_572 : i32
        %select_n3A_582 = arith.select %and3A_580, %add3A_581, %rem3A_573 : i32
        %mul3A_583 = arith.constant 16 : i32
        %mul3A_584 = arith.muli %select_n3A_582, %mul3A_583 : i32
        %get3A = arith.index_cast %select_n3A_567 : i32 to index
        %get3A_585 = arith.index_cast %mul3A_584 : i32 to index
        %get3A_586 = tpu.vector_load %arg18[%get3A, %get3A_585] {strides = array<i32>} : memref<8x128xi32, #tpu.memory_space<vmem>>, vector<16xi32>,
        %mul3A_587 = arith.constant 16 : i32
        %mul3A_588 = arith.muli %select_n3A_582, %mul3A_587 : i32
        %get3A_589 = arith.index_cast %select_n3A_567 : i32 to index
        %get3A_590 = arith.index_cast %mul3A_588 : i32 to index
        %get3A_591 = tpu.vector_load %arg17[%get3A_589, %get3A_590] {strides = array<i32>} : memref<8x128xi32, #tpu.memory_space<vmem>>, vector<16xi32>,
        %eq3A_592 = arith.cmpi eq, %get3A_586, %get3A_591 : vector<16xi32>
        %jit3A_593 = arith.constant 1.000000e+00 : f32
        %jit3A_594 = arith.constant 0.000000e+00 : f32
        %broadcast_in_dim3A_595 = vector.broadcast %jit3A_593 : f32 to vector<16xf32>
        %broadcast_in_dim3A_596 = vector.broadcast %jit3A_594 : f32 to vector<16xf32>
        %select_n3A_597 = arith.select %eq3A_592, %broadcast_in_dim3A_595, %broadcast_in_dim3A_596 : vector<16xi1>, vector<16xf32>
        %mul3A_598 = arith.constant 16 : i32
        %mul3A_599 = arith.muli %scan3A_548, %mul3A_598 : i32
        %add3A_600 = arith.constant 0 : i32
        %add3A_601 = arith.addi %mul3A_599, %add3A_600 : i32
        %get3A_602 = arith.index_cast %add3A_601 : i32 to index
        %get3A_603 = arith.constant 0 : index
        %get3A_604 = tpu.vector_load %arg19[%get3A_602, %get3A_603] {strides = array<i32>} : memref<1024x16xf32, #tpu.memory_space<vmem>>, vector<16xf32>,
        %mul3A_605 = arith.mulf %get3A_604, %get3A_604 : vector<16xf32>
        %slice3A = vector.extract_strided_slice %select_n3A_597 {offsets = [0], sizes = [1], strides = [1]} : vector<16xf32> to vector<1xf32>
        %squeeze3A = vector.extract %slice3A[0] : f32 from vector<1xf32>
        %mul3A_606 = vector.broadcast %squeeze3A : f32 to vector<16xf32>
        %mul3A_607 = arith.mulf %mul3A_605, %mul3A_606 : vector<16xf32>
        %add3A_608 = arith.addf %scan3A_549, %mul3A_607 : vector<16xf32>
        %mul3A_609 = arith.constant 16 : i32
        %mul3A_610 = arith.muli %scan3A_548, %mul3A_609 : i32
        %add3A_611 = arith.constant 1 : i32
        %add3A_612 = arith.addi %mul3A_610, %add3A_611 : i32
        %get3A_613 = arith.index_cast %add3A_612 : i32 to index
        %get3A_614 = arith.constant 0 : index
        %get3A_615 = tpu.vector_load %arg19[%get3A_613, %get3A_614] {strides = array<i32>} : memref<1024x16xf32, #tpu.memory_space<vmem>>, vector<16xf32>,
        %mul3A_616 = arith.mulf %get3A_615, %get3A_615 : vector<16xf32>
        %slice3A_617 = vector.extract_strided_slice %select_n3A_597 {offsets = [1], sizes = [1], strides = [1]} : vector<16xf32> to vector<1xf32>
        %squeeze3A_618 = vector.extract %slice3A_617[0] : f32 from vector<1xf32>
        %mul3A_619 = vector.broadcast %squeeze3A_618 : f32 to vector<16xf32>
        %mul3A_620 = arith.mulf %mul3A_616, %mul3A_619 : vector<16xf32>
        %add3A_621 = arith.addf %add3A_608, %mul3A_620 : vector<16xf32>
        %mul3A_622 = arith.constant 16 : i32
        %mul3A_623 = arith.muli %scan3A_548, %mul3A_622 : i32
        %add3A_624 = arith.constant 2 : i32
        %add3A_625 = arith.addi %mul3A_623, %add3A_624 : i32
        %get3A_626 = arith.index_cast %add3A_625 : i32 to index
        %get3A_627 = arith.constant 0 : index
        %get3A_628 = tpu.vector_load %arg19[%get3A_626, %get3A_627] {strides = array<i32>} : memref<1024x16xf32, #tpu.memory_space<vmem>>, vector<16xf32>,
        %mul3A_629 = arith.mulf %get3A_628, %get3A_628 : vector<16xf32>
        %slice3A_630 = vector.extract_strided_slice %select_n3A_597 {offsets = [2], sizes = [1], strides = [1]} : vector<16xf32> to vector<1xf32>
        %squeeze3A_631 = vector.extract %slice3A_630[0] : f32 from vector<1xf32>
        %mul3A_632 = vector.broadcast %squeeze3A_631 : f32 to vector<16xf32>
        %mul3A_633 = arith.mulf %mul3A_629, %mul3A_632 : vector<16xf32>
        %add3A_634 = arith.addf %add3A_621, %mul3A_633 : vector<16xf32>
        %mul3A_635 = arith.constant 16 : i32
        %mul3A_636 = arith.muli %scan3A_548, %mul3A_635 : i32
        %add3A_637 = arith.constant 3 : i32
        %add3A_638 = arith.addi %mul3A_636, %add3A_637 : i32
        %get3A_639 = arith.index_cast %add3A_638 : i32 to index
        %get3A_640 = arith.constant 0 : index
        %get3A_641 = tpu.vector_load %arg19[%get3A_639, %get3A_640] {strides = array<i32>} : memref<1024x16xf32, #tpu.memory_space<vmem>>, vector<16xf32>,
        %mul3A_642 = arith.mulf %get3A_641, %get3A_641 : vector<16xf32>
        %slice3A_643 = vector.extract_strided_slice %select_n3A_597 {offsets = [3], sizes = [1], strides = [1]} : vector<16xf32> to vector<1xf32>
        %squeeze3A_644 = vector.extract %slice3A_643[0] : f32 from vector<1xf32>
        %mul3A_645 = vector.broadcast %squeeze3A_644 : f32 to vector<16xf32>
        %mul3A_646 = arith.mulf %mul3A_642, %mul3A_645 : vector<16xf32>
        %add3A_647 = arith.addf %add3A_634, %mul3A_646 : vector<16xf32>
        %mul3A_648 = arith.constant 16 : i32
        %mul3A_649 = arith.muli %scan3A_548, %mul3A_648 : i32
        %add3A_650 = arith.constant 4 : i32
        %add3A_651 = arith.addi %mul3A_649, %add3A_650 : i32
        %get3A_652 = arith.index_cast %add3A_651 : i32 to index
        %get3A_653 = arith.constant 0 : index
        %get3A_654 = tpu.vector_load %arg19[%get3A_652, %get3A_653] {strides = array<i32>} : memref<1024x16xf32, #tpu.memory_space<vmem>>, vector<16xf32>,
        %mul3A_655 = arith.mulf %get3A_654, %get3A_654 : vector<16xf32>
        %slice3A_656 = vector.extract_strided_slice %select_n3A_597 {offsets = [4], sizes = [1], strides = [1]} : vector<16xf32> to vector<1xf32>
        %squeeze3A_657 = vector.extract %slice3A_656[0] : f32 from vector<1xf32>
        %mul3A_658 = vector.broadcast %squeeze3A_657 : f32 to vector<16xf32>
        %mul3A_659 = arith.mulf %mul3A_655, %mul3A_658 : vector<16xf32>
        %add3A_660 = arith.addf %add3A_647, %mul3A_659 : vector<16xf32>
        %mul3A_661 = arith.constant 16 : i32
        %mul3A_662 = arith.muli %scan3A_548, %mul3A_661 : i32
        %add3A_663 = arith.constant 5 : i32
        %add3A_664 = arith.addi %mul3A_662, %add3A_663 : i32
        %get3A_665 = arith.index_cast %add3A_664 : i32 to index
        %get3A_666 = arith.constant 0 : index
        %get3A_667 = tpu.vector_load %arg19[%get3A_665, %get3A_666] {strides = array<i32>} : memref<1024x16xf32, #tpu.memory_space<vmem>>, vector<16xf32>,
        %mul3A_668 = arith.mulf %get3A_667, %get3A_667 : vector<16xf32>
        %slice3A_669 = vector.extract_strided_slice %select_n3A_597 {offsets = [5], sizes = [1], strides = [1]} : vector<16xf32> to vector<1xf32>
        %squeeze3A_670 = vector.extract %slice3A_669[0] : f32 from vector<1xf32>
        %mul3A_671 = vector.broadcast %squeeze3A_670 : f32 to vector<16xf32>
        %mul3A_672 = arith.mulf %mul3A_668, %mul3A_671 : vector<16xf32>
        %add3A_673 = arith.addf %add3A_660, %mul3A_672 : vector<16xf32>
        %mul3A_674 = arith.constant 16 : i32
        %mul3A_675 = arith.muli %scan3A_548, %mul3A_674 : i32
        %add3A_676 = arith.constant 6 : i32
        %add3A_677 = arith.addi %mul3A_675, %add3A_676 : i32
        %get3A_678 = arith.index_cast %add3A_677 : i32 to index
        %get3A_679 = arith.constant 0 : index
        %get3A_680 = tpu.vector_load %arg19[%get3A_678, %get3A_679] {strides = array<i32>} : memref<1024x16xf32, #tpu.memory_space<vmem>>, vector<16xf32>,
        %mul3A_681 = arith.mulf %get3A_680, %get3A_680 : vector<16xf32>
        %slice3A_682 = vector.extract_strided_slice %select_n3A_597 {offsets = [6], sizes = [1], strides = [1]} : vector<16xf32> to vector<1xf32>
        %squeeze3A_683 = vector.extract %slice3A_682[0] : f32 from vector<1xf32>
        %mul3A_684 = vector.broadcast %squeeze3A_683 : f32 to vector<16xf32>
        %mul3A_685 = arith.mulf %mul3A_681, %mul3A_684 : vector<16xf32>
        %add3A_686 = arith.addf %add3A_673, %mul3A_685 : vector<16xf32>
        %mul3A_687 = arith.constant 16 : i32
        %mul3A_688 = arith.muli %scan3A_548, %mul3A_687 : i32
        %add3A_689 = arith.constant 7 : i32
        %add3A_690 = arith.addi %mul3A_688, %add3A_689 : i32
        %get3A_691 = arith.index_cast %add3A_690 : i32 to index
        %get3A_692 = arith.constant 0 : index
        %get3A_693 = tpu.vector_load %arg19[%get3A_691, %get3A_692] {strides = array<i32>} : memref<1024x16xf32, #tpu.memory_space<vmem>>, vector<16xf32>,
        %mul3A_694 = arith.mulf %get3A_693, %get3A_693 : vector<16xf32>
        %slice3A_695 = vector.extract_strided_slice %select_n3A_597 {offsets = [7], sizes = [1], strides = [1]} : vector<16xf32> to vector<1xf32>
        %squeeze3A_696 = vector.extract %slice3A_695[0] : f32 from vector<1xf32>
        %mul3A_697 = vector.broadcast %squeeze3A_696 : f32 to vector<16xf32>
        %mul3A_698 = arith.mulf %mul3A_694, %mul3A_697 : vector<16xf32>
        %add3A_699 = arith.addf %add3A_686, %mul3A_698 : vector<16xf32>
        %mul3A_700 = arith.constant 16 : i32
        %mul3A_701 = arith.muli %scan3A_548, %mul3A_700 : i32
        %add3A_702 = arith.constant 8 : i32
        %add3A_703 = arith.addi %mul3A_701, %add3A_702 : i32
        %get3A_704 = arith.index_cast %add3A_703 : i32 to index
        %get3A_705 = arith.constant 0 : index
        %get3A_706 = tpu.vector_load %arg19[%get3A_704, %get3A_705] {strides = array<i32>} : memref<1024x16xf32, #tpu.memory_space<vmem>>, vector<16xf32>,
        %mul3A_707 = arith.mulf %get3A_706, %get3A_706 : vector<16xf32>
        %slice3A_708 = vector.extract_strided_slice %select_n3A_597 {offsets = [8], sizes = [1], strides = [1]} : vector<16xf32> to vector<1xf32>
        %squeeze3A_709 = vector.extract %slice3A_708[0] : f32 from vector<1xf32>
        %mul3A_710 = vector.broadcast %squeeze3A_709 : f32 to vector<16xf32>
        %mul3A_711 = arith.mulf %mul3A_707, %mul3A_710 : vector<16xf32>
        %add3A_712 = arith.addf %add3A_699, %mul3A_711 : vector<16xf32>
        %mul3A_713 = arith.constant 16 : i32
        %mul3A_714 = arith.muli %scan3A_548, %mul3A_713 : i32
        %add3A_715 = arith.constant 9 : i32
        %add3A_716 = arith.addi %mul3A_714, %add3A_715 : i32
        %get3A_717 = arith.index_cast %add3A_716 : i32 to index
        %get3A_718 = arith.constant 0 : index
        %get3A_719 = tpu.vector_load %arg19[%get3A_717, %get3A_718] {strides = array<i32>} : memref<1024x16xf32, #tpu.memory_space<vmem>>, vector<16xf32>,
        %mul3A_720 = arith.mulf %get3A_719, %get3A_719 : vector<16xf32>
        %slice3A_721 = vector.extract_strided_slice %select_n3A_597 {offsets = [9], sizes = [1], strides = [1]} : vector<16xf32> to vector<1xf32>
        %squeeze3A_722 = vector.extract %slice3A_721[0] : f32 from vector<1xf32>
        %mul3A_723 = vector.broadcast %squeeze3A_722 : f32 to vector<16xf32>
        %mul3A_724 = arith.mulf %mul3A_720, %mul3A_723 : vector<16xf32>
        %add3A_725 = arith.addf %add3A_712, %mul3A_724 : vector<16xf32>
        %mul3A_726 = arith.constant 16 : i32
        %mul3A_727 = arith.muli %scan3A_548, %mul3A_726 : i32
        %add3A_728 = arith.constant 10 : i32
        %add3A_729 = arith.addi %mul3A_727, %add3A_728 : i32
        %get3A_730 = arith.index_cast %add3A_729 : i32 to index
        %get3A_731 = arith.constant 0 : index
        %get3A_732 = tpu.vector_load %arg19[%get3A_730, %get3A_731] {strides = array<i32>} : memref<1024x16xf32, #tpu.memory_space<vmem>>, vector<16xf32>,
        %mul3A_733 = arith.mulf %get3A_732, %get3A_732 : vector<16xf32>
        %slice3A_734 = vector.extract_strided_slice %select_n3A_597 {offsets = [10], sizes = [1], strides = [1]} : vector<16xf32> to vector<1xf32>
        %squeeze3A_735 = vector.extract %slice3A_734[0] : f32 from vector<1xf32>
        %mul3A_736 = vector.broadcast %squeeze3A_735 : f32 to vector<16xf32>
        %mul3A_737 = arith.mulf %mul3A_733, %mul3A_736 : vector<16xf32>
        %add3A_738 = arith.addf %add3A_725, %mul3A_737 : vector<16xf32>
        %mul3A_739 = arith.constant 16 : i32
        %mul3A_740 = arith.muli %scan3A_548, %mul3A_739 : i32
        %add3A_741 = arith.constant 11 : i32
        %add3A_742 = arith.addi %mul3A_740, %add3A_741 : i32
        %get3A_743 = arith.index_cast %add3A_742 : i32 to index
        %get3A_744 = arith.constant 0 : index
        %get3A_745 = tpu.vector_load %arg19[%get3A_743, %get3A_744] {strides = array<i32>} : memref<1024x16xf32, #tpu.memory_space<vmem>>, vector<16xf32>,
        %mul3A_746 = arith.mulf %get3A_745, %get3A_745 : vector<16xf32>
        %slice3A_747 = vector.extract_strided_slice %select_n3A_597 {offsets = [11], sizes = [1], strides = [1]} : vector<16xf32> to vector<1xf32>
        %squeeze3A_748 = vector.extract %slice3A_747[0] : f32 from vector<1xf32>
        %mul3A_749 = vector.broadcast %squeeze3A_748 : f32 to vector<16xf32>
        %mul3A_750 = arith.mulf %mul3A_746, %mul3A_749 : vector<16xf32>
        %add3A_751 = arith.addf %add3A_738, %mul3A_750 : vector<16xf32>
        %mul3A_752 = arith.constant 16 : i32
        %mul3A_753 = arith.muli %scan3A_548, %mul3A_752 : i32
        %add3A_754 = arith.constant 12 : i32
        %add3A_755 = arith.addi %mul3A_753, %add3A_754 : i32
        %get3A_756 = arith.index_cast %add3A_755 : i32 to index
        %get3A_757 = arith.constant 0 : index
        %get3A_758 = tpu.vector_load %arg19[%get3A_756, %get3A_757] {strides = array<i32>} : memref<1024x16xf32, #tpu.memory_space<vmem>>, vector<16xf32>,
        %mul3A_759 = arith.mulf %get3A_758, %get3A_758 : vector<16xf32>
        %slice3A_760 = vector.extract_strided_slice %select_n3A_597 {offsets = [12], sizes = [1], strides = [1]} : vector<16xf32> to vector<1xf32>
        %squeeze3A_761 = vector.extract %slice3A_760[0] : f32 from vector<1xf32>
        %mul3A_762 = vector.broadcast %squeeze3A_761 : f32 to vector<16xf32>
        %mul3A_763 = arith.mulf %mul3A_759, %mul3A_762 : vector<16xf32>
        %add3A_764 = arith.addf %add3A_751, %mul3A_763 : vector<16xf32>
        %mul3A_765 = arith.constant 16 : i32
        %mul3A_766 = arith.muli %scan3A_548, %mul3A_765 : i32
        %add3A_767 = arith.constant 13 : i32
        %add3A_768 = arith.addi %mul3A_766, %add3A_767 : i32
        %get3A_769 = arith.index_cast %add3A_768 : i32 to index
        %get3A_770 = arith.constant 0 : index
        %get3A_771 = tpu.vector_load %arg19[%get3A_769, %get3A_770] {strides = array<i32>} : memref<1024x16xf32, #tpu.memory_space<vmem>>, vector<16xf32>,
        %mul3A_772 = arith.mulf %get3A_771, %get3A_771 : vector<16xf32>
        %slice3A_773 = vector.extract_strided_slice %select_n3A_597 {offsets = [13], sizes = [1], strides = [1]} : vector<16xf32> to vector<1xf32>
        %squeeze3A_774 = vector.extract %slice3A_773[0] : f32 from vector<1xf32>
        %mul3A_775 = vector.broadcast %squeeze3A_774 : f32 to vector<16xf32>
        %mul3A_776 = arith.mulf %mul3A_772, %mul3A_775 : vector<16xf32>
        %add3A_777 = arith.addf %add3A_764, %mul3A_776 : vector<16xf32>
        %mul3A_778 = arith.constant 16 : i32
        %mul3A_779 = arith.muli %scan3A_548, %mul3A_778 : i32
        %add3A_780 = arith.constant 14 : i32
        %add3A_781 = arith.addi %mul3A_779, %add3A_780 : i32
        %get3A_782 = arith.index_cast %add3A_781 : i32 to index
        %get3A_783 = arith.constant 0 : index
        %get3A_784 = tpu.vector_load %arg19[%get3A_782, %get3A_783] {strides = array<i32>} : memref<1024x16xf32, #tpu.memory_space<vmem>>, vector<16xf32>,
        %mul3A_785 = arith.mulf %get3A_784, %get3A_784 : vector<16xf32>
        %slice3A_786 = vector.extract_strided_slice %select_n3A_597 {offsets = [14], sizes = [1], strides = [1]} : vector<16xf32> to vector<1xf32>
        %squeeze3A_787 = vector.extract %slice3A_786[0] : f32 from vector<1xf32>
        %mul3A_788 = vector.broadcast %squeeze3A_787 : f32 to vector<16xf32>
        %mul3A_789 = arith.mulf %mul3A_785, %mul3A_788 : vector<16xf32>
        %add3A_790 = arith.addf %add3A_777, %mul3A_789 : vector<16xf32>
        %mul3A_791 = arith.constant 16 : i32
        %mul3A_792 = arith.muli %scan3A_548, %mul3A_791 : i32
        %add3A_793 = arith.constant 15 : i32
        %add3A_794 = arith.addi %mul3A_792, %add3A_793 : i32
        %get3A_795 = arith.index_cast %add3A_794 : i32 to index
        %get3A_796 = arith.constant 0 : index
        %get3A_797 = tpu.vector_load %arg19[%get3A_795, %get3A_796] {strides = array<i32>} : memref<1024x16xf32, #tpu.memory_space<vmem>>, vector<16xf32>,
        %mul3A_798 = arith.mulf %get3A_797, %get3A_797 : vector<16xf32>
        %slice3A_799 = vector.extract_strided_slice %select_n3A_597 {offsets = [15], sizes = [1], strides = [1]} : vector<16xf32> to vector<1xf32>
        %squeeze3A_800 = vector.extract %slice3A_799[0] : f32 from vector<1xf32>
        %mul3A_801 = vector.broadcast %squeeze3A_800 : f32 to vector<16xf32>
        %mul3A_802 = arith.mulf %mul3A_798, %mul3A_801 : vector<16xf32>
        %add3A_803 = arith.addf %add3A_790, %mul3A_802 : vector<16xf32>
        scf.yield %add3A_803 : vector<16xf32>
      }
      %scan3A_535 = arith.constant 64 : i32
      %reduce_sum3A = arith.constant true
      %reduce_sum3A_536 = vector.broadcast %reduce_sum3A : i1 to vector<16xi1>
      %reduce_sum3A_537 = tpu.scan <sum>, %scan3A_534 masked %reduce_sum3A_536 : vector<16xf32>, vector<16xi1> -> vector<16xf32>
      %reduce_sum3A_538 = vector.extract %reduce_sum3A_537[15] : f32 from vector<16xf32>
      %mul3A_539 = arith.constant 5.000000e-03 : f32
      %mul3A_540 = arith.mulf %mul3A_539, %reduce_sum3A_538 : f32
      %add3A_541 = arith.addf %scan3A_188, %mul3A_540 : f32
      %iota3A = tpu.iota {dimensions = array<i32: 0>} : vector<16xi32>
      %eq3A_542 = arith.constant 0 : i32
      %eq3A_543 = vector.broadcast %eq3A_542 : i32 to vector<16xi32>
      %eq3A_544 = arith.cmpi eq, %iota3A, %eq3A_543 : vector<16xi32>
      %jit3A = arith.constant 0.000000e+00 : f32
      %broadcast_in_dim3A_545 = vector.broadcast %add3A_541 : f32 to vector<16xf32>
      %broadcast_in_dim3A_546 = vector.broadcast %jit3A : f32 to vector<16xf32>
      %select_n3A = arith.select %eq3A_544, %broadcast_in_dim3A_545, %broadcast_in_dim3A_546 : vector<16xi1>, vector<16xf32>
      %swap3A = arith.constant 0 : index
      %swap3A_547 = tpu.vector_load %arg20[%swap3A] {strides = array<i32>} : memref<16xf32, #tpu.memory_space<vmem>>, vector<16xf32>,
      tpu.vector_store %arg20[%swap3A], %select_n3A {strides = array<i32>} : memref<16xf32, #tpu.memory_space<vmem>>, vector<16xf32>,
      "tpu.region"() ({
        %run_scoped3A_548 = tpu.sem_alloc : memref<!tpu.dma_semaphore, #tpu.memory_space<semaphore_mem>>
        %dma_start3A_549 = arith.constant 0 : i32
        %dma_start3A_550 = tpu.memref_slice %arg8[%add3A, %dma_start3A_549] : memref<32x16xf32, #tpu.memory_space<hbm>> -> memref<1x16xf32, #tpu.memory_space<hbm>>
        %dma_start3A_551 = tpu.memref_squeeze %dma_start3A_550 : memref<1x16xf32, #tpu.memory_space<hbm>> -> memref<16xf32, #tpu.memory_space<hbm>>
        %dma_start3A_552 = arith.constant 0 : i32
        %dma_start3A_553 = tpu.memref_slice %arg8[%add3A, %dma_start3A_552] : memref<32x16xf32, #tpu.memory_space<hbm>> -> memref<1x16xf32, #tpu.memory_space<hbm>>
        %dma_start3A_554 = tpu.memref_squeeze %dma_start3A_553 : memref<1x16xf32, #tpu.memory_space<hbm>> -> memref<16xf32, #tpu.memory_space<hbm>>
        tpu.enqueue_dma source(%arg20 : memref<16xf32, #tpu.memory_space<vmem>>) target(%dma_start3A_554 : memref<16xf32, #tpu.memory_space<hbm>>) target_semaphore(%run_scoped3A_548 : memref<!tpu.dma_semaphore, #tpu.memory_space<semaphore_mem>>)
        %dma_wait3A_555 = arith.constant 0 : i32
        %dma_wait3A_556 = tpu.memref_slice %arg8[%add3A, %dma_wait3A_555] : memref<32x16xf32, #tpu.memory_space<hbm>> -> memref<1x16xf32, #tpu.memory_space<hbm>>
        %dma_wait3A_557 = tpu.memref_squeeze %dma_wait3A_556 : memref<1x16xf32, #tpu.memory_space<hbm>> -> memref<16xf32, #tpu.memory_space<hbm>>
        %dma_wait3A_558 = arith.constant 0 : i32
        %dma_wait3A_559 = tpu.memref_slice %arg8[%add3A, %dma_wait3A_558] : memref<32x16xf32, #tpu.memory_space<hbm>> -> memref<1x16xf32, #tpu.memory_space<hbm>>
        %dma_wait3A_560 = tpu.memref_squeeze %dma_wait3A_559 : memref<1x16xf32, #tpu.memory_space<hbm>> -> memref<16xf32, #tpu.memory_space<hbm>>
        tpu.wait_dma2 semaphore(%run_scoped3A_548 : memref<!tpu.dma_semaphore, #tpu.memory_space<semaphore_mem>>) src(%arg20 : memref<16xf32, #tpu.memory_space<vmem>>) dst(%dma_wait3A_560 : memref<16xf32, #tpu.memory_space<hbm>>)
        tpu.yield
      }) : () -> ()
    } else {
    }
    %eq3A_204 = arith.constant 1 : i32
    %eq3A_205 = arith.cmpi eq, %arg0, %eq3A_204 : i32
    %convert_element_type3A_206 = arith.extui %eq3A_205 : i1 to i32
    %cond3A_207 = arith.constant 0 : i32
    %cond3A_208 = arith.cmpi ne, %convert_element_type3A_206, %cond3A_207 : i32
    scf.if %cond3A_208 {
      %dma_start3A_209 = arith.constant 0 : i32
      %dma_start3A_210 = arith.constant 0 : i32
      %dma_start3A_211 = arith.constant 0 : i32
      %dma_start3A_212 = tpu.memref_slice %arg18[%dma_start3A_210, %dma_start3A_211] : memref<8x128xi32, #tpu.memory_space<vmem>> -> memref<1x128xi32, #tpu.memory_space<vmem>>
      %dma_start3A_213 = tpu.memref_squeeze %dma_start3A_212 : memref<1x128xi32, #tpu.memory_space<vmem>> -> memref<128xi32, #tpu.memory_space<vmem>>
      %dma_start3A_214 = arith.constant 0 : i32
      %dma_start3A_215 = tpu.memref_slice %arg16[%dma_start3A_209, %dma_start3A_214] : memref<8x128xi32, #tpu.memory_space<vmem>> -> memref<1x128xi32, #tpu.memory_space<vmem>>
      %dma_start3A_216 = tpu.memref_squeeze %dma_start3A_215 : memref<1x128xi32, #tpu.memory_space<vmem>> -> memref<128xi32, #tpu.memory_space<vmem>>
      %dma_start3A_217 = arith.constant 0 : i32
      %dma_start3A_218 = tpu.memref_slice %arg10[%dma_start3A_217] : memref<1000000xi32, #tpu.memory_space<hbm>> -> memref<1000000xi32, #tpu.memory_space<hbm>>
      tpu.enqueue_indirect_dma source(%dma_start3A_218 : memref<1000000xi32, #tpu.memory_space<hbm>>) target(%dma_start3A_213 : memref<128xi32, #tpu.memory_space<vmem>>) offsets(%dma_start3A_216 : memref<128xi32, #tpu.memory_space<vmem>>) semaphore(%arg21 : memref<!tpu.dma_semaphore, #tpu.memory_space<semaphore_mem>>)
      %dma_start3A_219 = arith.constant 0 : i32
      %dma_start3A_220 = arith.constant 0 : i32
      %dma_start3A_221 = arith.constant 0 : i32
      %dma_start3A_222 = tpu.memref_slice %arg19[%dma_start3A_220, %dma_start3A_221] : memref<1024x16xf32, #tpu.memory_space<vmem>> -> memref<128x16xf32, #tpu.memory_space<vmem>>
      %dma_start3A_223 = arith.constant 0 : i32
      %dma_start3A_224 = tpu.memref_slice %arg16[%dma_start3A_219, %dma_start3A_223] : memref<8x128xi32, #tpu.memory_space<vmem>> -> memref<1x128xi32, #tpu.memory_space<vmem>>
      %dma_start3A_225 = tpu.memref_squeeze %dma_start3A_224 : memref<1x128xi32, #tpu.memory_space<vmem>> -> memref<128xi32, #tpu.memory_space<vmem>>
      %dma_start3A_226 = arith.constant 0 : i32
      %dma_start3A_227 = arith.constant 0 : i32
      %dma_start3A_228 = tpu.memref_slice %arg7[%dma_start3A_226, %dma_start3A_227] : memref<1000000x16xf32, #tpu.memory_space<hbm>> -> memref<1000000x16xf32, #tpu.memory_space<hbm>>
      tpu.enqueue_indirect_dma source(%dma_start3A_228 : memref<1000000x16xf32, #tpu.memory_space<hbm>>) target(%dma_start3A_222 : memref<128x16xf32, #tpu.memory_space<vmem>>) offsets(%dma_start3A_225 : memref<128xi32, #tpu.memory_space<vmem>>) semaphore(%arg21 : memref<!tpu.dma_semaphore, #tpu.memory_space<semaphore_mem>>)
      %dma_start3A_229 = arith.constant 1 : i32
      %dma_start3A_230 = arith.constant 1 : i32
      %dma_start3A_231 = arith.constant 0 : i32
      %dma_start3A_232 = tpu.memref_slice %arg18[%dma_start3A_230, %dma_start3A_231] : memref<8x128xi32, #tpu.memory_space<vmem>> -> memref<1x128xi32, #tpu.memory_space<vmem>>
      %dma_start3A_233 = tpu.memref_squeeze %dma_start3A_232 : memref<1x128xi32, #tpu.memory_space<vmem>> -> memref<128xi32, #tpu.memory_space<vmem>>
      %dma_start3A_234 = arith.constant 0 : i32
      %dma_start3A_235 = tpu.memref_slice %arg16[%dma_start3A_229, %dma_start3A_234] : memref<8x128xi32, #tpu.memory_space<vmem>> -> memref<1x128xi32, #tpu.memory_space<vmem>>
      %dma_start3A_236 = tpu.memref_squeeze %dma_start3A_235 : memref<1x128xi32, #tpu.memory_space<vmem>> -> memref<128xi32, #tpu.memory_space<vmem>>
      %dma_start3A_237 = arith.constant 0 : i32
      %dma_start3A_238 = tpu.memref_slice %arg10[%dma_start3A_237] : memref<1000000xi32, #tpu.memory_space<hbm>> -> memref<1000000xi32, #tpu.memory_space<hbm>>
      tpu.enqueue_indirect_dma source(%dma_start3A_238 : memref<1000000xi32, #tpu.memory_space<hbm>>) target(%dma_start3A_233 : memref<128xi32, #tpu.memory_space<vmem>>) offsets(%dma_start3A_236 : memref<128xi32, #tpu.memory_space<vmem>>) semaphore(%arg21 : memref<!tpu.dma_semaphore, #tpu.memory_space<semaphore_mem>>)
      %dma_start3A_239 = arith.constant 1 : i32
      %dma_start3A_240 = arith.constant 128 : i32
      %dma_start3A_241 = arith.constant 0 : i32
      %dma_start3A_242 = tpu.memref_slice %arg19[%dma_start3A_240, %dma_start3A_241] : memref<1024x16xf32, #tpu.memory_space<vmem>> -> memref<128x16xf32, #tpu.memory_space<vmem>>
      %dma_start3A_243 = arith.constant 0 : i32
      %dma_start3A_244 = tpu.memref_slice %arg16[%dma_start3A_239, %dma_start3A_243] : memref<8x128xi32, #tpu.memory_space<vmem>> -> memref<1x128xi32, #tpu.memory_space<vmem>>
      %dma_start3A_245 = tpu.memref_squeeze %dma_start3A_244 : memref<1x128xi32, #tpu.memory_space<vmem>> -> memref<128xi32, #tpu.memory_space<vmem>>
      %dma_start3A_246 = arith.constant 0 : i32
      %dma_start3A_247 = arith.constant 0 : i32
      %dma_start3A_248 = tpu.memref_slice %arg7[%dma_start3A_246, %dma_start3A_247] : memref<1000000x16xf32, #tpu.memory_space<hbm>> -> memref<1000000x16xf32, #tpu.memory_space<hbm>>
      tpu.enqueue_indirect_dma source(%dma_start3A_248 : memref<1000000x16xf32, #tpu.memory_space<hbm>>) target(%dma_start3A_242 : memref<128x16xf32, #tpu.memory_space<vmem>>) offsets(%dma_start3A_245 : memref<128xi32, #tpu.memory_space<vmem>>) semaphore(%arg21 : memref<!tpu.dma_semaphore, #tpu.memory_space<semaphore_mem>>)
      %dma_start3A_249 = arith.constant 2 : i32
      %dma_start3A_250 = arith.constant 2 : i32
      %dma_start3A_251 = arith.constant 0 : i32
      %dma_start3A_252 = tpu.memref_slice %arg18[%dma_start3A_250, %dma_start3A_251] : memref<8x128xi32, #tpu.memory_space<vmem>> -> memref<1x128xi32, #tpu.memory_space<vmem>>
      %dma_start3A_253 = tpu.memref_squeeze %dma_start3A_252 : memref<1x128xi32, #tpu.memory_space<vmem>> -> memref<128xi32, #tpu.memory_space<vmem>>
      %dma_start3A_254 = arith.constant 0 : i32
      %dma_start3A_255 = tpu.memref_slice %arg16[%dma_start3A_249, %dma_start3A_254] : memref<8x128xi32, #tpu.memory_space<vmem>> -> memref<1x128xi32, #tpu.memory_space<vmem>>
      %dma_start3A_256 = tpu.memref_squeeze %dma_start3A_255 : memref<1x128xi32, #tpu.memory_space<vmem>> -> memref<128xi32, #tpu.memory_space<vmem>>
      %dma_start3A_257 = arith.constant 0 : i32
      %dma_start3A_258 = tpu.memref_slice %arg10[%dma_start3A_257] : memref<1000000xi32, #tpu.memory_space<hbm>> -> memref<1000000xi32, #tpu.memory_space<hbm>>
      tpu.enqueue_indirect_dma source(%dma_start3A_258 : memref<1000000xi32, #tpu.memory_space<hbm>>) target(%dma_start3A_253 : memref<128xi32, #tpu.memory_space<vmem>>) offsets(%dma_start3A_256 : memref<128xi32, #tpu.memory_space<vmem>>) semaphore(%arg21 : memref<!tpu.dma_semaphore, #tpu.memory_space<semaphore_mem>>)
      %dma_start3A_259 = arith.constant 2 : i32
      %dma_start3A_260 = arith.constant 256 : i32
      %dma_start3A_261 = arith.constant 0 : i32
      %dma_start3A_262 = tpu.memref_slice %arg19[%dma_start3A_260, %dma_start3A_261] : memref<1024x16xf32, #tpu.memory_space<vmem>> -> memref<128x16xf32, #tpu.memory_space<vmem>>
      %dma_start3A_263 = arith.constant 0 : i32
      %dma_start3A_264 = tpu.memref_slice %arg16[%dma_start3A_259, %dma_start3A_263] : memref<8x128xi32, #tpu.memory_space<vmem>> -> memref<1x128xi32, #tpu.memory_space<vmem>>
      %dma_start3A_265 = tpu.memref_squeeze %dma_start3A_264 : memref<1x128xi32, #tpu.memory_space<vmem>> -> memref<128xi32, #tpu.memory_space<vmem>>
      %dma_start3A_266 = arith.constant 0 : i32
      %dma_start3A_267 = arith.constant 0 : i32
      %dma_start3A_268 = tpu.memref_slice %arg7[%dma_start3A_266, %dma_start3A_267] : memref<1000000x16xf32, #tpu.memory_space<hbm>> -> memref<1000000x16xf32, #tpu.memory_space<hbm>>
      tpu.enqueue_indirect_dma source(%dma_start3A_268 : memref<1000000x16xf32, #tpu.memory_space<hbm>>) target(%dma_start3A_262 : memref<128x16xf32, #tpu.memory_space<vmem>>) offsets(%dma_start3A_265 : memref<128xi32, #tpu.memory_space<vmem>>) semaphore(%arg21 : memref<!tpu.dma_semaphore, #tpu.memory_space<semaphore_mem>>)
      %dma_start3A_269 = arith.constant 3 : i32
      %dma_start3A_270 = arith.constant 3 : i32
      %dma_start3A_271 = arith.constant 0 : i32
      %dma_start3A_272 = tpu.memref_slice %arg18[%dma_start3A_270, %dma_start3A_271] : memref<8x128xi32, #tpu.memory_space<vmem>> -> memref<1x128xi32, #tpu.memory_space<vmem>>
      %dma_start3A_273 = tpu.memref_squeeze %dma_start3A_272 : memref<1x128xi32, #tpu.memory_space<vmem>> -> memref<128xi32, #tpu.memory_space<vmem>>
      %dma_start3A_274 = arith.constant 0 : i32
      %dma_start3A_275 = tpu.memref_slice %arg16[%dma_start3A_269, %dma_start3A_274] : memref<8x128xi32, #tpu.memory_space<vmem>> -> memref<1x128xi32, #tpu.memory_space<vmem>>
      %dma_start3A_276 = tpu.memref_squeeze %dma_start3A_275 : memref<1x128xi32, #tpu.memory_space<vmem>> -> memref<128xi32, #tpu.memory_space<vmem>>
      %dma_start3A_277 = arith.constant 0 : i32
      %dma_start3A_278 = tpu.memref_slice %arg10[%dma_start3A_277] : memref<1000000xi32, #tpu.memory_space<hbm>> -> memref<1000000xi32, #tpu.memory_space<hbm>>
      tpu.enqueue_indirect_dma source(%dma_start3A_278 : memref<1000000xi32, #tpu.memory_space<hbm>>) target(%dma_start3A_273 : memref<128xi32, #tpu.memory_space<vmem>>) offsets(%dma_start3A_276 : memref<128xi32, #tpu.memory_space<vmem>>) semaphore(%arg21 : memref<!tpu.dma_semaphore, #tpu.memory_space<semaphore_mem>>)
      %dma_start3A_279 = arith.constant 3 : i32
      %dma_start3A_280 = arith.constant 384 : i32
      %dma_start3A_281 = arith.constant 0 : i32
      %dma_start3A_282 = tpu.memref_slice %arg19[%dma_start3A_280, %dma_start3A_281] : memref<1024x16xf32, #tpu.memory_space<vmem>> -> memref<128x16xf32, #tpu.memory_space<vmem>>
      %dma_start3A_283 = arith.constant 0 : i32
      %dma_start3A_284 = tpu.memref_slice %arg16[%dma_start3A_279, %dma_start3A_283] : memref<8x128xi32, #tpu.memory_space<vmem>> -> memref<1x128xi32, #tpu.memory_space<vmem>>
      %dma_start3A_285 = tpu.memref_squeeze %dma_start3A_284 : memref<1x128xi32, #tpu.memory_space<vmem>> -> memref<128xi32, #tpu.memory_space<vmem>>
      %dma_start3A_286 = arith.constant 0 : i32
      %dma_start3A_287 = arith.constant 0 : i32
      %dma_start3A_288 = tpu.memref_slice %arg7[%dma_start3A_286, %dma_start3A_287] : memref<1000000x16xf32, #tpu.memory_space<hbm>> -> memref<1000000x16xf32, #tpu.memory_space<hbm>>
      tpu.enqueue_indirect_dma source(%dma_start3A_288 : memref<1000000x16xf32, #tpu.memory_space<hbm>>) target(%dma_start3A_282 : memref<128x16xf32, #tpu.memory_space<vmem>>) offsets(%dma_start3A_285 : memref<128xi32, #tpu.memory_space<vmem>>) semaphore(%arg21 : memref<!tpu.dma_semaphore, #tpu.memory_space<semaphore_mem>>)
      %dma_start3A_289 = arith.constant 4 : i32
      %dma_start3A_290 = arith.constant 4 : i32
      %dma_start3A_291 = arith.constant 0 : i32
      %dma_start3A_292 = tpu.memref_slice %arg18[%dma_start3A_290, %dma_start3A_291] : memref<8x128xi32, #tpu.memory_space<vmem>> -> memref<1x128xi32, #tpu.memory_space<vmem>>
      %dma_start3A_293 = tpu.memref_squeeze %dma_start3A_292 : memref<1x128xi32, #tpu.memory_space<vmem>> -> memref<128xi32, #tpu.memory_space<vmem>>
      %dma_start3A_294 = arith.constant 0 : i32
      %dma_start3A_295 = tpu.memref_slice %arg16[%dma_start3A_289, %dma_start3A_294] : memref<8x128xi32, #tpu.memory_space<vmem>> -> memref<1x128xi32, #tpu.memory_space<vmem>>
      %dma_start3A_296 = tpu.memref_squeeze %dma_start3A_295 : memref<1x128xi32, #tpu.memory_space<vmem>> -> memref<128xi32, #tpu.memory_space<vmem>>
      %dma_start3A_297 = arith.constant 0 : i32
      %dma_start3A_298 = tpu.memref_slice %arg10[%dma_start3A_297] : memref<1000000xi32, #tpu.memory_space<hbm>> -> memref<1000000xi32, #tpu.memory_space<hbm>>
      tpu.enqueue_indirect_dma source(%dma_start3A_298 : memref<1000000xi32, #tpu.memory_space<hbm>>) target(%dma_start3A_293 : memref<128xi32, #tpu.memory_space<vmem>>) offsets(%dma_start3A_296 : memref<128xi32, #tpu.memory_space<vmem>>) semaphore(%arg21 : memref<!tpu.dma_semaphore, #tpu.memory_space<semaphore_mem>>)
      %dma_start3A_299 = arith.constant 4 : i32
      %dma_start3A_300 = arith.constant 512 : i32
      %dma_start3A_301 = arith.constant 0 : i32
      %dma_start3A_302 = tpu.memref_slice %arg19[%dma_start3A_300, %dma_start3A_301] : memref<1024x16xf32, #tpu.memory_space<vmem>> -> memref<128x16xf32, #tpu.memory_space<vmem>>
      %dma_start3A_303 = arith.constant 0 : i32
      %dma_start3A_304 = tpu.memref_slice %arg16[%dma_start3A_299, %dma_start3A_303] : memref<8x128xi32, #tpu.memory_space<vmem>> -> memref<1x128xi32, #tpu.memory_space<vmem>>
      %dma_start3A_305 = tpu.memref_squeeze %dma_start3A_304 : memref<1x128xi32, #tpu.memory_space<vmem>> -> memref<128xi32, #tpu.memory_space<vmem>>
      %dma_start3A_306 = arith.constant 0 : i32
      %dma_start3A_307 = arith.constant 0 : i32
      %dma_start3A_308 = tpu.memref_slice %arg7[%dma_start3A_306, %dma_start3A_307] : memref<1000000x16xf32, #tpu.memory_space<hbm>> -> memref<1000000x16xf32, #tpu.memory_space<hbm>>
      tpu.enqueue_indirect_dma source(%dma_start3A_308 : memref<1000000x16xf32, #tpu.memory_space<hbm>>) target(%dma_start3A_302 : memref<128x16xf32, #tpu.memory_space<vmem>>) offsets(%dma_start3A_305 : memref<128xi32, #tpu.memory_space<vmem>>) semaphore(%arg21 : memref<!tpu.dma_semaphore, #tpu.memory_space<semaphore_mem>>)
      %dma_start3A_309 = arith.constant 5 : i32
      %dma_start3A_310 = arith.constant 5 : i32
      %dma_start3A_311 = arith.constant 0 : i32
      %dma_start3A_312 = tpu.memref_slice %arg18[%dma_start3A_310, %dma_start3A_311] : memref<8x128xi32, #tpu.memory_space<vmem>> -> memref<1x128xi32, #tpu.memory_space<vmem>>
      %dma_start3A_313 = tpu.memref_squeeze %dma_start3A_312 : memref<1x128xi32, #tpu.memory_space<vmem>> -> memref<128xi32, #tpu.memory_space<vmem>>
      %dma_start3A_314 = arith.constant 0 : i32
      %dma_start3A_315 = tpu.memref_slice %arg16[%dma_start3A_309, %dma_start3A_314] : memref<8x128xi32, #tpu.memory_space<vmem>> -> memref<1x128xi32, #tpu.memory_space<vmem>>
      %dma_start3A_316 = tpu.memref_squeeze %dma_start3A_315 : memref<1x128xi32, #tpu.memory_space<vmem>> -> memref<128xi32, #tpu.memory_space<vmem>>
      %dma_start3A_317 = arith.constant 0 : i32
      %dma_start3A_318 = tpu.memref_slice %arg10[%dma_start3A_317] : memref<1000000xi32, #tpu.memory_space<hbm>> -> memref<1000000xi32, #tpu.memory_space<hbm>>
      tpu.enqueue_indirect_dma source(%dma_start3A_318 : memref<1000000xi32, #tpu.memory_space<hbm>>) target(%dma_start3A_313 : memref<128xi32, #tpu.memory_space<vmem>>) offsets(%dma_start3A_316 : memref<128xi32, #tpu.memory_space<vmem>>) semaphore(%arg21 : memref<!tpu.dma_semaphore, #tpu.memory_space<semaphore_mem>>)
      %dma_start3A_319 = arith.constant 5 : i32
      %dma_start3A_320 = arith.constant 640 : i32
      %dma_start3A_321 = arith.constant 0 : i32
      %dma_start3A_322 = tpu.memref_slice %arg19[%dma_start3A_320, %dma_start3A_321] : memref<1024x16xf32, #tpu.memory_space<vmem>> -> memref<128x16xf32, #tpu.memory_space<vmem>>
      %dma_start3A_323 = arith.constant 0 : i32
      %dma_start3A_324 = tpu.memref_slice %arg16[%dma_start3A_319, %dma_start3A_323] : memref<8x128xi32, #tpu.memory_space<vmem>> -> memref<1x128xi32, #tpu.memory_space<vmem>>
      %dma_start3A_325 = tpu.memref_squeeze %dma_start3A_324 : memref<1x128xi32, #tpu.memory_space<vmem>> -> memref<128xi32, #tpu.memory_space<vmem>>
      %dma_start3A_326 = arith.constant 0 : i32
      %dma_start3A_327 = arith.constant 0 : i32
      %dma_start3A_328 = tpu.memref_slice %arg7[%dma_start3A_326, %dma_start3A_327] : memref<1000000x16xf32, #tpu.memory_space<hbm>> -> memref<1000000x16xf32, #tpu.memory_space<hbm>>
      tpu.enqueue_indirect_dma source(%dma_start3A_328 : memref<1000000x16xf32, #tpu.memory_space<hbm>>) target(%dma_start3A_322 : memref<128x16xf32, #tpu.memory_space<vmem>>) offsets(%dma_start3A_325 : memref<128xi32, #tpu.memory_space<vmem>>) semaphore(%arg21 : memref<!tpu.dma_semaphore, #tpu.memory_space<semaphore_mem>>)
      %dma_start3A_329 = arith.constant 6 : i32
      %dma_start3A_330 = arith.constant 6 : i32
      %dma_start3A_331 = arith.constant 0 : i32
      %dma_start3A_332 = tpu.memref_slice %arg18[%dma_start3A_330, %dma_start3A_331] : memref<8x128xi32, #tpu.memory_space<vmem>> -> memref<1x128xi32, #tpu.memory_space<vmem>>
      %dma_start3A_333 = tpu.memref_squeeze %dma_start3A_332 : memref<1x128xi32, #tpu.memory_space<vmem>> -> memref<128xi32, #tpu.memory_space<vmem>>
      %dma_start3A_334 = arith.constant 0 : i32
      %dma_start3A_335 = tpu.memref_slice %arg16[%dma_start3A_329, %dma_start3A_334] : memref<8x128xi32, #tpu.memory_space<vmem>> -> memref<1x128xi32, #tpu.memory_space<vmem>>
      %dma_start3A_336 = tpu.memref_squeeze %dma_start3A_335 : memref<1x128xi32, #tpu.memory_space<vmem>> -> memref<128xi32, #tpu.memory_space<vmem>>
      %dma_start3A_337 = arith.constant 0 : i32
      %dma_start3A_338 = tpu.memref_slice %arg10[%dma_start3A_337] : memref<1000000xi32, #tpu.memory_space<hbm>> -> memref<1000000xi32, #tpu.memory_space<hbm>>
      tpu.enqueue_indirect_dma source(%dma_start3A_338 : memref<1000000xi32, #tpu.memory_space<hbm>>) target(%dma_start3A_333 : memref<128xi32, #tpu.memory_space<vmem>>) offsets(%dma_start3A_336 : memref<128xi32, #tpu.memory_space<vmem>>) semaphore(%arg21 : memref<!tpu.dma_semaphore, #tpu.memory_space<semaphore_mem>>)
      %dma_start3A_339 = arith.constant 6 : i32
      %dma_start3A_340 = arith.constant 768 : i32
      %dma_start3A_341 = arith.constant 0 : i32
      %dma_start3A_342 = tpu.memref_slice %arg19[%dma_start3A_340, %dma_start3A_341] : memref<1024x16xf32, #tpu.memory_space<vmem>> -> memref<128x16xf32, #tpu.memory_space<vmem>>
      %dma_start3A_343 = arith.constant 0 : i32
      %dma_start3A_344 = tpu.memref_slice %arg16[%dma_start3A_339, %dma_start3A_343] : memref<8x128xi32, #tpu.memory_space<vmem>> -> memref<1x128xi32, #tpu.memory_space<vmem>>
      %dma_start3A_345 = tpu.memref_squeeze %dma_start3A_344 : memref<1x128xi32, #tpu.memory_space<vmem>> -> memref<128xi32, #tpu.memory_space<vmem>>
      %dma_start3A_346 = arith.constant 0 : i32
      %dma_start3A_347 = arith.constant 0 : i32
      %dma_start3A_348 = tpu.memref_slice %arg7[%dma_start3A_346, %dma_start3A_347] : memref<1000000x16xf32, #tpu.memory_space<hbm>> -> memref<1000000x16xf32, #tpu.memory_space<hbm>>
      tpu.enqueue_indirect_dma source(%dma_start3A_348 : memref<1000000x16xf32, #tpu.memory_space<hbm>>) target(%dma_start3A_342 : memref<128x16xf32, #tpu.memory_space<vmem>>) offsets(%dma_start3A_345 : memref<128xi32, #tpu.memory_space<vmem>>) semaphore(%arg21 : memref<!tpu.dma_semaphore, #tpu.memory_space<semaphore_mem>>)
      %dma_start3A_349 = arith.constant 7 : i32
      %dma_start3A_350 = arith.constant 7 : i32
      %dma_start3A_351 = arith.constant 0 : i32
      %dma_start3A_352 = tpu.memref_slice %arg18[%dma_start3A_350, %dma_start3A_351] : memref<8x128xi32, #tpu.memory_space<vmem>> -> memref<1x128xi32, #tpu.memory_space<vmem>>
      %dma_start3A_353 = tpu.memref_squeeze %dma_start3A_352 : memref<1x128xi32, #tpu.memory_space<vmem>> -> memref<128xi32, #tpu.memory_space<vmem>>
      %dma_start3A_354 = arith.constant 0 : i32
      %dma_start3A_355 = tpu.memref_slice %arg16[%dma_start3A_349, %dma_start3A_354] : memref<8x128xi32, #tpu.memory_space<vmem>> -> memref<1x128xi32, #tpu.memory_space<vmem>>
      %dma_start3A_356 = tpu.memref_squeeze %dma_start3A_355 : memref<1x128xi32, #tpu.memory_space<vmem>> -> memref<128xi32, #tpu.memory_space<vmem>>
      %dma_start3A_357 = arith.constant 0 : i32
      %dma_start3A_358 = tpu.memref_slice %arg10[%dma_start3A_357] : memref<1000000xi32, #tpu.memory_space<hbm>> -> memref<1000000xi32, #tpu.memory_space<hbm>>
      tpu.enqueue_indirect_dma source(%dma_start3A_358 : memref<1000000xi32, #tpu.memory_space<hbm>>) target(%dma_start3A_353 : memref<128xi32, #tpu.memory_space<vmem>>) offsets(%dma_start3A_356 : memref<128xi32, #tpu.memory_space<vmem>>) semaphore(%arg21 : memref<!tpu.dma_semaphore, #tpu.memory_space<semaphore_mem>>)
      %dma_start3A_359 = arith.constant 7 : i32
      %dma_start3A_360 = arith.constant 896 : i32
      %dma_start3A_361 = arith.constant 0 : i32
      %dma_start3A_362 = tpu.memref_slice %arg19[%dma_start3A_360, %dma_start3A_361] : memref<1024x16xf32, #tpu.memory_space<vmem>> -> memref<128x16xf32, #tpu.memory_space<vmem>>
      %dma_start3A_363 = arith.constant 0 : i32
      %dma_start3A_364 = tpu.memref_slice %arg16[%dma_start3A_359, %dma_start3A_363] : memref<8x128xi32, #tpu.memory_space<vmem>> -> memref<1x128xi32, #tpu.memory_space<vmem>>
      %dma_start3A_365 = tpu.memref_squeeze %dma_start3A_364 : memref<1x128xi32, #tpu.memory_space<vmem>> -> memref<128xi32, #tpu.memory_space<vmem>>
      %dma_start3A_366 = arith.constant 0 : i32
      %dma_start3A_367 = arith.constant 0 : i32
      %dma_start3A_368 = tpu.memref_slice %arg7[%dma_start3A_366, %dma_start3A_367] : memref<1000000x16xf32, #tpu.memory_space<hbm>> -> memref<1000000x16xf32, #tpu.memory_space<hbm>>
      tpu.enqueue_indirect_dma source(%dma_start3A_368 : memref<1000000x16xf32, #tpu.memory_space<hbm>>) target(%dma_start3A_362 : memref<128x16xf32, #tpu.memory_space<vmem>>) offsets(%dma_start3A_365 : memref<128xi32, #tpu.memory_space<vmem>>) semaphore(%arg21 : memref<!tpu.dma_semaphore, #tpu.memory_space<semaphore_mem>>)
      %dma_wait3A_369 = arith.constant 0 : i32
      %dma_wait3A_370 = arith.constant 0 : i32
      %dma_wait3A_371 = arith.constant 0 : i32
      %dma_wait3A_372 = tpu.memref_slice %arg18[%dma_wait3A_370, %dma_wait3A_371] : memref<8x128xi32, #tpu.memory_space<vmem>> -> memref<1x128xi32, #tpu.memory_space<vmem>>
      %dma_wait3A_373 = tpu.memref_squeeze %dma_wait3A_372 : memref<1x128xi32, #tpu.memory_space<vmem>> -> memref<128xi32, #tpu.memory_space<vmem>>
      %dma_wait3A_374 = arith.constant 0 : i32
      %dma_wait3A_375 = tpu.memref_slice %arg16[%dma_wait3A_369, %dma_wait3A_374] : memref<8x128xi32, #tpu.memory_space<vmem>> -> memref<1x128xi32, #tpu.memory_space<vmem>>
      %dma_wait3A_376 = tpu.memref_squeeze %dma_wait3A_375 : memref<1x128xi32, #tpu.memory_space<vmem>> -> memref<128xi32, #tpu.memory_space<vmem>>
      %dma_wait3A_377 = arith.constant 0 : i32
      %dma_wait3A_378 = tpu.memref_slice %arg10[%dma_wait3A_377] : memref<1000000xi32, #tpu.memory_space<hbm>> -> memref<1000000xi32, #tpu.memory_space<hbm>>
      tpu.wait_indirect_dma semaphore(%arg21 : memref<!tpu.dma_semaphore, #tpu.memory_space<semaphore_mem>>) src(%dma_wait3A_378 : memref<1000000xi32, #tpu.memory_space<hbm>>) dst(%dma_wait3A_373 : memref<128xi32, #tpu.memory_space<vmem>>)
      %dma_wait3A_379 = arith.constant 0 : i32
      %dma_wait3A_380 = arith.constant 0 : i32
      %dma_wait3A_381 = arith.constant 0 : i32
      %dma_wait3A_382 = tpu.memref_slice %arg19[%dma_wait3A_380, %dma_wait3A_381] : memref<1024x16xf32, #tpu.memory_space<vmem>> -> memref<128x16xf32, #tpu.memory_space<vmem>>
      %dma_wait3A_383 = arith.constant 0 : i32
      %dma_wait3A_384 = tpu.memref_slice %arg16[%dma_wait3A_379, %dma_wait3A_383] : memref<8x128xi32, #tpu.memory_space<vmem>> -> memref<1x128xi32, #tpu.memory_space<vmem>>
      %dma_wait3A_385 = tpu.memref_squeeze %dma_wait3A_384 : memref<1x128xi32, #tpu.memory_space<vmem>> -> memref<128xi32, #tpu.memory_space<vmem>>
      %dma_wait3A_386 = arith.constant 0 : i32
      %dma_wait3A_387 = arith.constant 0 : i32
      %dma_wait3A_388 = tpu.memref_slice %arg7[%dma_wait3A_386, %dma_wait3A_387] : memref<1000000x16xf32, #tpu.memory_space<hbm>> -> memref<1000000x16xf32, #tpu.memory_space<hbm>>
      tpu.wait_indirect_dma semaphore(%arg21 : memref<!tpu.dma_semaphore, #tpu.memory_space<semaphore_mem>>) src(%dma_wait3A_388 : memref<1000000x16xf32, #tpu.memory_space<hbm>>) dst(%dma_wait3A_382 : memref<128x16xf32, #tpu.memory_space<vmem>>)
      %dma_wait3A_389 = arith.constant 1 : i32
      %dma_wait3A_390 = arith.constant 1 : i32
      %dma_wait3A_391 = arith.constant 0 : i32
      %dma_wait3A_392 = tpu.memref_slice %arg18[%dma_wait3A_390, %dma_wait3A_391] : memref<8x128xi32, #tpu.memory_space<vmem>> -> memref<1x128xi32, #tpu.memory_space<vmem>>
      %dma_wait3A_393 = tpu.memref_squeeze %dma_wait3A_392 : memref<1x128xi32, #tpu.memory_space<vmem>> -> memref<128xi32, #tpu.memory_space<vmem>>
      %dma_wait3A_394 = arith.constant 0 : i32
      %dma_wait3A_395 = tpu.memref_slice %arg16[%dma_wait3A_389, %dma_wait3A_394] : memref<8x128xi32, #tpu.memory_space<vmem>> -> memref<1x128xi32, #tpu.memory_space<vmem>>
      %dma_wait3A_396 = tpu.memref_squeeze %dma_wait3A_395 : memref<1x128xi32, #tpu.memory_space<vmem>> -> memref<128xi32, #tpu.memory_space<vmem>>
      %dma_wait3A_397 = arith.constant 0 : i32
      %dma_wait3A_398 = tpu.memref_slice %arg10[%dma_wait3A_397] : memref<1000000xi32, #tpu.memory_space<hbm>> -> memref<1000000xi32, #tpu.memory_space<hbm>>
      tpu.wait_indirect_dma semaphore(%arg21 : memref<!tpu.dma_semaphore, #tpu.memory_space<semaphore_mem>>) src(%dma_wait3A_398 : memref<1000000xi32, #tpu.memory_space<hbm>>) dst(%dma_wait3A_393 : memref<128xi32, #tpu.memory_space<vmem>>)
      %dma_wait3A_399 = arith.constant 1 : i32
      %dma_wait3A_400 = arith.constant 128 : i32
      %dma_wait3A_401 = arith.constant 0 : i32
      %dma_wait3A_402 = tpu.memref_slice %arg19[%dma_wait3A_400, %dma_wait3A_401] : memref<1024x16xf32, #tpu.memory_space<vmem>> -> memref<128x16xf32, #tpu.memory_space<vmem>>
      %dma_wait3A_403 = arith.constant 0 : i32
      %dma_wait3A_404 = tpu.memref_slice %arg16[%dma_wait3A_399, %dma_wait3A_403] : memref<8x128xi32, #tpu.memory_space<vmem>> -> memref<1x128xi32, #tpu.memory_space<vmem>>
      %dma_wait3A_405 = tpu.memref_squeeze %dma_wait3A_404 : memref<1x128xi32, #tpu.memory_space<vmem>> -> memref<128xi32, #tpu.memory_space<vmem>>
      %dma_wait3A_406 = arith.constant 0 : i32
      %dma_wait3A_407 = arith.constant 0 : i32
      %dma_wait3A_408 = tpu.memref_slice %arg7[%dma_wait3A_406, %dma_wait3A_407] : memref<1000000x16xf32, #tpu.memory_space<hbm>> -> memref<1000000x16xf32, #tpu.memory_space<hbm>>
      tpu.wait_indirect_dma semaphore(%arg21 : memref<!tpu.dma_semaphore, #tpu.memory_space<semaphore_mem>>) src(%dma_wait3A_408 : memref<1000000x16xf32, #tpu.memory_space<hbm>>) dst(%dma_wait3A_402 : memref<128x16xf32, #tpu.memory_space<vmem>>)
      %dma_wait3A_409 = arith.constant 2 : i32
      %dma_wait3A_410 = arith.constant 2 : i32
      %dma_wait3A_411 = arith.constant 0 : i32
      %dma_wait3A_412 = tpu.memref_slice %arg18[%dma_wait3A_410, %dma_wait3A_411] : memref<8x128xi32, #tpu.memory_space<vmem>> -> memref<1x128xi32, #tpu.memory_space<vmem>>
      %dma_wait3A_413 = tpu.memref_squeeze %dma_wait3A_412 : memref<1x128xi32, #tpu.memory_space<vmem>> -> memref<128xi32, #tpu.memory_space<vmem>>
      %dma_wait3A_414 = arith.constant 0 : i32
      %dma_wait3A_415 = tpu.memref_slice %arg16[%dma_wait3A_409, %dma_wait3A_414] : memref<8x128xi32, #tpu.memory_space<vmem>> -> memref<1x128xi32, #tpu.memory_space<vmem>>
      %dma_wait3A_416 = tpu.memref_squeeze %dma_wait3A_415 : memref<1x128xi32, #tpu.memory_space<vmem>> -> memref<128xi32, #tpu.memory_space<vmem>>
      %dma_wait3A_417 = arith.constant 0 : i32
      %dma_wait3A_418 = tpu.memref_slice %arg10[%dma_wait3A_417] : memref<1000000xi32, #tpu.memory_space<hbm>> -> memref<1000000xi32, #tpu.memory_space<hbm>>
      tpu.wait_indirect_dma semaphore(%arg21 : memref<!tpu.dma_semaphore, #tpu.memory_space<semaphore_mem>>) src(%dma_wait3A_418 : memref<1000000xi32, #tpu.memory_space<hbm>>) dst(%dma_wait3A_413 : memref<128xi32, #tpu.memory_space<vmem>>)
      %dma_wait3A_419 = arith.constant 2 : i32
      %dma_wait3A_420 = arith.constant 256 : i32
      %dma_wait3A_421 = arith.constant 0 : i32
      %dma_wait3A_422 = tpu.memref_slice %arg19[%dma_wait3A_420, %dma_wait3A_421] : memref<1024x16xf32, #tpu.memory_space<vmem>> -> memref<128x16xf32, #tpu.memory_space<vmem>>
      %dma_wait3A_423 = arith.constant 0 : i32
      %dma_wait3A_424 = tpu.memref_slice %arg16[%dma_wait3A_419, %dma_wait3A_423] : memref<8x128xi32, #tpu.memory_space<vmem>> -> memref<1x128xi32, #tpu.memory_space<vmem>>
      %dma_wait3A_425 = tpu.memref_squeeze %dma_wait3A_424 : memref<1x128xi32, #tpu.memory_space<vmem>> -> memref<128xi32, #tpu.memory_space<vmem>>
      %dma_wait3A_426 = arith.constant 0 : i32
      %dma_wait3A_427 = arith.constant 0 : i32
      %dma_wait3A_428 = tpu.memref_slice %arg7[%dma_wait3A_426, %dma_wait3A_427] : memref<1000000x16xf32, #tpu.memory_space<hbm>> -> memref<1000000x16xf32, #tpu.memory_space<hbm>>
      tpu.wait_indirect_dma semaphore(%arg21 : memref<!tpu.dma_semaphore, #tpu.memory_space<semaphore_mem>>) src(%dma_wait3A_428 : memref<1000000x16xf32, #tpu.memory_space<hbm>>) dst(%dma_wait3A_422 : memref<128x16xf32, #tpu.memory_space<vmem>>)
      %dma_wait3A_429 = arith.constant 3 : i32
      %dma_wait3A_430 = arith.constant 3 : i32
      %dma_wait3A_431 = arith.constant 0 : i32
      %dma_wait3A_432 = tpu.memref_slice %arg18[%dma_wait3A_430, %dma_wait3A_431] : memref<8x128xi32, #tpu.memory_space<vmem>> -> memref<1x128xi32, #tpu.memory_space<vmem>>
      %dma_wait3A_433 = tpu.memref_squeeze %dma_wait3A_432 : memref<1x128xi32, #tpu.memory_space<vmem>> -> memref<128xi32, #tpu.memory_space<vmem>>
      %dma_wait3A_434 = arith.constant 0 : i32
      %dma_wait3A_435 = tpu.memref_slice %arg16[%dma_wait3A_429, %dma_wait3A_434] : memref<8x128xi32, #tpu.memory_space<vmem>> -> memref<1x128xi32, #tpu.memory_space<vmem>>
      %dma_wait3A_436 = tpu.memref_squeeze %dma_wait3A_435 : memref<1x128xi32, #tpu.memory_space<vmem>> -> memref<128xi32, #tpu.memory_space<vmem>>
      %dma_wait3A_437 = arith.constant 0 : i32
      %dma_wait3A_438 = tpu.memref_slice %arg10[%dma_wait3A_437] : memref<1000000xi32, #tpu.memory_space<hbm>> -> memref<1000000xi32, #tpu.memory_space<hbm>>
      tpu.wait_indirect_dma semaphore(%arg21 : memref<!tpu.dma_semaphore, #tpu.memory_space<semaphore_mem>>) src(%dma_wait3A_438 : memref<1000000xi32, #tpu.memory_space<hbm>>) dst(%dma_wait3A_433 : memref<128xi32, #tpu.memory_space<vmem>>)
      %dma_wait3A_439 = arith.constant 3 : i32
      %dma_wait3A_440 = arith.constant 384 : i32
      %dma_wait3A_441 = arith.constant 0 : i32
      %dma_wait3A_442 = tpu.memref_slice %arg19[%dma_wait3A_440, %dma_wait3A_441] : memref<1024x16xf32, #tpu.memory_space<vmem>> -> memref<128x16xf32, #tpu.memory_space<vmem>>
      %dma_wait3A_443 = arith.constant 0 : i32
      %dma_wait3A_444 = tpu.memref_slice %arg16[%dma_wait3A_439, %dma_wait3A_443] : memref<8x128xi32, #tpu.memory_space<vmem>> -> memref<1x128xi32, #tpu.memory_space<vmem>>
      %dma_wait3A_445 = tpu.memref_squeeze %dma_wait3A_444 : memref<1x128xi32, #tpu.memory_space<vmem>> -> memref<128xi32, #tpu.memory_space<vmem>>
      %dma_wait3A_446 = arith.constant 0 : i32
      %dma_wait3A_447 = arith.constant 0 : i32
      %dma_wait3A_448 = tpu.memref_slice %arg7[%dma_wait3A_446, %dma_wait3A_447] : memref<1000000x16xf32, #tpu.memory_space<hbm>> -> memref<1000000x16xf32, #tpu.memory_space<hbm>>
      tpu.wait_indirect_dma semaphore(%arg21 : memref<!tpu.dma_semaphore, #tpu.memory_space<semaphore_mem>>) src(%dma_wait3A_448 : memref<1000000x16xf32, #tpu.memory_space<hbm>>) dst(%dma_wait3A_442 : memref<128x16xf32, #tpu.memory_space<vmem>>)
      %dma_wait3A_449 = arith.constant 4 : i32
      %dma_wait3A_450 = arith.constant 4 : i32
      %dma_wait3A_451 = arith.constant 0 : i32
      %dma_wait3A_452 = tpu.memref_slice %arg18[%dma_wait3A_450, %dma_wait3A_451] : memref<8x128xi32, #tpu.memory_space<vmem>> -> memref<1x128xi32, #tpu.memory_space<vmem>>
      %dma_wait3A_453 = tpu.memref_squeeze %dma_wait3A_452 : memref<1x128xi32, #tpu.memory_space<vmem>> -> memref<128xi32, #tpu.memory_space<vmem>>
      %dma_wait3A_454 = arith.constant 0 : i32
      %dma_wait3A_455 = tpu.memref_slice %arg16[%dma_wait3A_449, %dma_wait3A_454] : memref<8x128xi32, #tpu.memory_space<vmem>> -> memref<1x128xi32, #tpu.memory_space<vmem>>
      %dma_wait3A_456 = tpu.memref_squeeze %dma_wait3A_455 : memref<1x128xi32, #tpu.memory_space<vmem>> -> memref<128xi32, #tpu.memory_space<vmem>>
      %dma_wait3A_457 = arith.constant 0 : i32
      %dma_wait3A_458 = tpu.memref_slice %arg10[%dma_wait3A_457] : memref<1000000xi32, #tpu.memory_space<hbm>> -> memref<1000000xi32, #tpu.memory_space<hbm>>
      tpu.wait_indirect_dma semaphore(%arg21 : memref<!tpu.dma_semaphore, #tpu.memory_space<semaphore_mem>>) src(%dma_wait3A_458 : memref<1000000xi32, #tpu.memory_space<hbm>>) dst(%dma_wait3A_453 : memref<128xi32, #tpu.memory_space<vmem>>)
      %dma_wait3A_459 = arith.constant 4 : i32
      %dma_wait3A_460 = arith.constant 512 : i32
      %dma_wait3A_461 = arith.constant 0 : i32
      %dma_wait3A_462 = tpu.memref_slice %arg19[%dma_wait3A_460, %dma_wait3A_461] : memref<1024x16xf32, #tpu.memory_space<vmem>> -> memref<128x16xf32, #tpu.memory_space<vmem>>
      %dma_wait3A_463 = arith.constant 0 : i32
      %dma_wait3A_464 = tpu.memref_slice %arg16[%dma_wait3A_459, %dma_wait3A_463] : memref<8x128xi32, #tpu.memory_space<vmem>> -> memref<1x128xi32, #tpu.memory_space<vmem>>
      %dma_wait3A_465 = tpu.memref_squeeze %dma_wait3A_464 : memref<1x128xi32, #tpu.memory_space<vmem>> -> memref<128xi32, #tpu.memory_space<vmem>>
      %dma_wait3A_466 = arith.constant 0 : i32
      %dma_wait3A_467 = arith.constant 0 : i32
      %dma_wait3A_468 = tpu.memref_slice %arg7[%dma_wait3A_466, %dma_wait3A_467] : memref<1000000x16xf32, #tpu.memory_space<hbm>> -> memref<1000000x16xf32, #tpu.memory_space<hbm>>
      tpu.wait_indirect_dma semaphore(%arg21 : memref<!tpu.dma_semaphore, #tpu.memory_space<semaphore_mem>>) src(%dma_wait3A_468 : memref<1000000x16xf32, #tpu.memory_space<hbm>>) dst(%dma_wait3A_462 : memref<128x16xf32, #tpu.memory_space<vmem>>)
      %dma_wait3A_469 = arith.constant 5 : i32
      %dma_wait3A_470 = arith.constant 5 : i32
      %dma_wait3A_471 = arith.constant 0 : i32
      %dma_wait3A_472 = tpu.memref_slice %arg18[%dma_wait3A_470, %dma_wait3A_471] : memref<8x128xi32, #tpu.memory_space<vmem>> -> memref<1x128xi32, #tpu.memory_space<vmem>>
      %dma_wait3A_473 = tpu.memref_squeeze %dma_wait3A_472 : memref<1x128xi32, #tpu.memory_space<vmem>> -> memref<128xi32, #tpu.memory_space<vmem>>
      %dma_wait3A_474 = arith.constant 0 : i32
      %dma_wait3A_475 = tpu.memref_slice %arg16[%dma_wait3A_469, %dma_wait3A_474] : memref<8x128xi32, #tpu.memory_space<vmem>> -> memref<1x128xi32, #tpu.memory_space<vmem>>
      %dma_wait3A_476 = tpu.memref_squeeze %dma_wait3A_475 : memref<1x128xi32, #tpu.memory_space<vmem>> -> memref<128xi32, #tpu.memory_space<vmem>>
      %dma_wait3A_477 = arith.constant 0 : i32
      %dma_wait3A_478 = tpu.memref_slice %arg10[%dma_wait3A_477] : memref<1000000xi32, #tpu.memory_space<hbm>> -> memref<1000000xi32, #tpu.memory_space<hbm>>
      tpu.wait_indirect_dma semaphore(%arg21 : memref<!tpu.dma_semaphore, #tpu.memory_space<semaphore_mem>>) src(%dma_wait3A_478 : memref<1000000xi32, #tpu.memory_space<hbm>>) dst(%dma_wait3A_473 : memref<128xi32, #tpu.memory_space<vmem>>)
      %dma_wait3A_479 = arith.constant 5 : i32
      %dma_wait3A_480 = arith.constant 640 : i32
      %dma_wait3A_481 = arith.constant 0 : i32
      %dma_wait3A_482 = tpu.memref_slice %arg19[%dma_wait3A_480, %dma_wait3A_481] : memref<1024x16xf32, #tpu.memory_space<vmem>> -> memref<128x16xf32, #tpu.memory_space<vmem>>
      %dma_wait3A_483 = arith.constant 0 : i32
      %dma_wait3A_484 = tpu.memref_slice %arg16[%dma_wait3A_479, %dma_wait3A_483] : memref<8x128xi32, #tpu.memory_space<vmem>> -> memref<1x128xi32, #tpu.memory_space<vmem>>
      %dma_wait3A_485 = tpu.memref_squeeze %dma_wait3A_484 : memref<1x128xi32, #tpu.memory_space<vmem>> -> memref<128xi32, #tpu.memory_space<vmem>>
      %dma_wait3A_486 = arith.constant 0 : i32
      %dma_wait3A_487 = arith.constant 0 : i32
      %dma_wait3A_488 = tpu.memref_slice %arg7[%dma_wait3A_486, %dma_wait3A_487] : memref<1000000x16xf32, #tpu.memory_space<hbm>> -> memref<1000000x16xf32, #tpu.memory_space<hbm>>
      tpu.wait_indirect_dma semaphore(%arg21 : memref<!tpu.dma_semaphore, #tpu.memory_space<semaphore_mem>>) src(%dma_wait3A_488 : memref<1000000x16xf32, #tpu.memory_space<hbm>>) dst(%dma_wait3A_482 : memref<128x16xf32, #tpu.memory_space<vmem>>)
      %dma_wait3A_489 = arith.constant 6 : i32
      %dma_wait3A_490 = arith.constant 6 : i32
      %dma_wait3A_491 = arith.constant 0 : i32
      %dma_wait3A_492 = tpu.memref_slice %arg18[%dma_wait3A_490, %dma_wait3A_491] : memref<8x128xi32, #tpu.memory_space<vmem>> -> memref<1x128xi32, #tpu.memory_space<vmem>>
      %dma_wait3A_493 = tpu.memref_squeeze %dma_wait3A_492 : memref<1x128xi32, #tpu.memory_space<vmem>> -> memref<128xi32, #tpu.memory_space<vmem>>
      %dma_wait3A_494 = arith.constant 0 : i32
      %dma_wait3A_495 = tpu.memref_slice %arg16[%dma_wait3A_489, %dma_wait3A_494] : memref<8x128xi32, #tpu.memory_space<vmem>> -> memref<1x128xi32, #tpu.memory_space<vmem>>
      %dma_wait3A_496 = tpu.memref_squeeze %dma_wait3A_495 : memref<1x128xi32, #tpu.memory_space<vmem>> -> memref<128xi32, #tpu.memory_space<vmem>>
      %dma_wait3A_497 = arith.constant 0 : i32
      %dma_wait3A_498 = tpu.memref_slice %arg10[%dma_wait3A_497] : memref<1000000xi32, #tpu.memory_space<hbm>> -> memref<1000000xi32, #tpu.memory_space<hbm>>
      tpu.wait_indirect_dma semaphore(%arg21 : memref<!tpu.dma_semaphore, #tpu.memory_space<semaphore_mem>>) src(%dma_wait3A_498 : memref<1000000xi32, #tpu.memory_space<hbm>>) dst(%dma_wait3A_493 : memref<128xi32, #tpu.memory_space<vmem>>)
      %dma_wait3A_499 = arith.constant 6 : i32
      %dma_wait3A_500 = arith.constant 768 : i32
      %dma_wait3A_501 = arith.constant 0 : i32
      %dma_wait3A_502 = tpu.memref_slice %arg19[%dma_wait3A_500, %dma_wait3A_501] : memref<1024x16xf32, #tpu.memory_space<vmem>> -> memref<128x16xf32, #tpu.memory_space<vmem>>
      %dma_wait3A_503 = arith.constant 0 : i32
      %dma_wait3A_504 = tpu.memref_slice %arg16[%dma_wait3A_499, %dma_wait3A_503] : memref<8x128xi32, #tpu.memory_space<vmem>> -> memref<1x128xi32, #tpu.memory_space<vmem>>
      %dma_wait3A_505 = tpu.memref_squeeze %dma_wait3A_504 : memref<1x128xi32, #tpu.memory_space<vmem>> -> memref<128xi32, #tpu.memory_space<vmem>>
      %dma_wait3A_506 = arith.constant 0 : i32
      %dma_wait3A_507 = arith.constant 0 : i32
      %dma_wait3A_508 = tpu.memref_slice %arg7[%dma_wait3A_506, %dma_wait3A_507] : memref<1000000x16xf32, #tpu.memory_space<hbm>> -> memref<1000000x16xf32, #tpu.memory_space<hbm>>
      tpu.wait_indirect_dma semaphore(%arg21 : memref<!tpu.dma_semaphore, #tpu.memory_space<semaphore_mem>>) src(%dma_wait3A_508 : memref<1000000x16xf32, #tpu.memory_space<hbm>>) dst(%dma_wait3A_502 : memref<128x16xf32, #tpu.memory_space<vmem>>)
      %dma_wait3A_509 = arith.constant 7 : i32
      %dma_wait3A_510 = arith.constant 7 : i32
      %dma_wait3A_511 = arith.constant 0 : i32
      %dma_wait3A_512 = tpu.memref_slice %arg18[%dma_wait3A_510, %dma_wait3A_511] : memref<8x128xi32, #tpu.memory_space<vmem>> -> memref<1x128xi32, #tpu.memory_space<vmem>>
      %dma_wait3A_513 = tpu.memref_squeeze %dma_wait3A_512 : memref<1x128xi32, #tpu.memory_space<vmem>> -> memref<128xi32, #tpu.memory_space<vmem>>
      %dma_wait3A_514 = arith.constant 0 : i32
      %dma_wait3A_515 = tpu.memref_slice %arg16[%dma_wait3A_509, %dma_wait3A_514] : memref<8x128xi32, #tpu.memory_space<vmem>> -> memref<1x128xi32, #tpu.memory_space<vmem>>
      %dma_wait3A_516 = tpu.memref_squeeze %dma_wait3A_515 : memref<1x128xi32, #tpu.memory_space<vmem>> -> memref<128xi32, #tpu.memory_space<vmem>>
      %dma_wait3A_517 = arith.constant 0 : i32
      %dma_wait3A_518 = tpu.memref_slice %arg10[%dma_wait3A_517] : memref<1000000xi32, #tpu.memory_space<hbm>> -> memref<1000000xi32, #tpu.memory_space<hbm>>
      tpu.wait_indirect_dma semaphore(%arg21 : memref<!tpu.dma_semaphore, #tpu.memory_space<semaphore_mem>>) src(%dma_wait3A_518 : memref<1000000xi32, #tpu.memory_space<hbm>>) dst(%dma_wait3A_513 : memref<128xi32, #tpu.memory_space<vmem>>)
      %dma_wait3A_519 = arith.constant 7 : i32
      %dma_wait3A_520 = arith.constant 896 : i32
      %dma_wait3A_521 = arith.constant 0 : i32
      %dma_wait3A_522 = tpu.memref_slice %arg19[%dma_wait3A_520, %dma_wait3A_521] : memref<1024x16xf32, #tpu.memory_space<vmem>> -> memref<128x16xf32, #tpu.memory_space<vmem>>
      %dma_wait3A_523 = arith.constant 0 : i32
      %dma_wait3A_524 = tpu.memref_slice %arg16[%dma_wait3A_519, %dma_wait3A_523] : memref<8x128xi32, #tpu.memory_space<vmem>> -> memref<1x128xi32, #tpu.memory_space<vmem>>
      %dma_wait3A_525 = tpu.memref_squeeze %dma_wait3A_524 : memref<1x128xi32, #tpu.memory_space<vmem>> -> memref<128xi32, #tpu.memory_space<vmem>>
      %dma_wait3A_526 = arith.constant 0 : i32
      %dma_wait3A_527 = arith.constant 0 : i32
      %dma_wait3A_528 = tpu.memref_slice %arg7[%dma_wait3A_526, %dma_wait3A_527] : memref<1000000x16xf32, #tpu.memory_space<hbm>> -> memref<1000000x16xf32, #tpu.memory_space<hbm>>
      tpu.wait_indirect_dma semaphore(%arg21 : memref<!tpu.dma_semaphore, #tpu.memory_space<semaphore_mem>>) src(%dma_wait3A_528 : memref<1000000x16xf32, #tpu.memory_space<hbm>>) dst(%dma_wait3A_522 : memref<128x16xf32, #tpu.memory_space<vmem>>)
      %broadcast_in_dim3A = arith.constant 0.000000e+00 : f32
      %broadcast_in_dim3A_529 = vector.broadcast %broadcast_in_dim3A : f32 to vector<16xf32>
      %scan3A_530 = arith.constant 0 : i32
      %scan3A_531 = arith.constant 64 : i32
      %scan3A_532 = arith.addi %scan3A_530, %scan3A_531 : i32
      %scan3A_533 = arith.constant 1 : i32
      %scan3A_534 = scf.for %scan3A_548 = %scan3A_530 to %scan3A_532 step %scan3A_533 iter_args(%scan3A_549 = %broadcast_in_dim3A_529) -> (vector<16xf32>)  : i32 {
        %jit3A_550 = arith.constant 8 : i32
        %div3A = arith.divsi %scan3A_548, %jit3A_550 : i32
        %sign3A = arith.constant 0 : i32
        %sign3A_551 = arith.cmpi sgt, %scan3A_548, %sign3A : i32
        %sign3A_552 = arith.extui %sign3A_551 : i1 to i32
        %sign3A_553 = arith.constant 0 : i32
        %sign3A_554 = arith.cmpi slt, %scan3A_548, %sign3A_553 : i32
        %sign3A_555 = arith.extui %sign3A_554 : i1 to i32
        %sign3A_556 = arith.subi %sign3A_552, %sign3A_555 : i32
        %sign3A_557 = arith.constant 0 : i32
        %sign3A_558 = arith.cmpi sgt, %jit3A_550, %sign3A_557 : i32
        %sign3A_559 = arith.extui %sign3A_558 : i1 to i32
        %sign3A_560 = arith.constant 0 : i32
        %sign3A_561 = arith.cmpi slt, %jit3A_550, %sign3A_560 : i32
        %sign3A_562 = arith.extui %sign3A_561 : i1 to i32
        %sign3A_563 = arith.subi %sign3A_559, %sign3A_562 : i32
        %ne3A = arith.cmpi ne, %sign3A_556, %sign3A_563 : i32
        %rem3A = arith.remsi %scan3A_548, %jit3A_550 : i32
        %ne3A_564 = arith.constant 0 : i32
        %ne3A_565 = arith.cmpi ne, %rem3A, %ne3A_564 : i32
        %and3A = arith.andi %ne3A, %ne3A_565 : i1
        %sub3A = arith.constant 1 : i32
        %sub3A_566 = arith.subi %div3A, %sub3A : i32
        %select_n3A_567 = arith.select %and3A, %sub3A_566, %div3A : i32
        %jit3A_568 = arith.constant 8 : i32
        %eq3A_569 = arith.constant 0 : i32
        %eq3A_570 = arith.cmpi eq, %jit3A_568, %eq3A_569 : i32
        %jit3A_571 = arith.constant 1 : i32
        %select_n3A_572 = arith.select %eq3A_570, %jit3A_571, %jit3A_568 : i32
        %rem3A_573 = arith.remsi %scan3A_548, %select_n3A_572 : i32
        %ne3A_574 = arith.constant 0 : i32
        %ne3A_575 = arith.cmpi ne, %rem3A_573, %ne3A_574 : i32
        %lt3A = arith.constant 0 : i32
        %lt3A_576 = arith.cmpi slt, %rem3A_573, %lt3A : i32
        %lt3A_577 = arith.constant 0 : i32
        %lt3A_578 = arith.cmpi slt, %select_n3A_572, %lt3A_577 : i32
        %ne3A_579 = arith.xori %lt3A_576, %lt3A_578 : i1
        %and3A_580 = arith.andi %ne3A_579, %ne3A_575 : i1
        %add3A_581 = arith.addi %rem3A_573, %select_n3A_572 : i32
        %select_n3A_582 = arith.select %and3A_580, %add3A_581, %rem3A_573 : i32
        %mul3A_583 = arith.constant 16 : i32
        %mul3A_584 = arith.muli %select_n3A_582, %mul3A_583 : i32
        %get3A = arith.index_cast %select_n3A_567 : i32 to index
        %get3A_585 = arith.index_cast %mul3A_584 : i32 to index
        %get3A_586 = tpu.vector_load %arg18[%get3A, %get3A_585] {strides = array<i32>} : memref<8x128xi32, #tpu.memory_space<vmem>>, vector<16xi32>,
        %mul3A_587 = arith.constant 16 : i32
        %mul3A_588 = arith.muli %select_n3A_582, %mul3A_587 : i32
        %get3A_589 = arith.index_cast %select_n3A_567 : i32 to index
        %get3A_590 = arith.index_cast %mul3A_588 : i32 to index
        %get3A_591 = tpu.vector_load %arg17[%get3A_589, %get3A_590] {strides = array<i32>} : memref<8x128xi32, #tpu.memory_space<vmem>>, vector<16xi32>,
        %eq3A_592 = arith.cmpi eq, %get3A_586, %get3A_591 : vector<16xi32>
        %jit3A_593 = arith.constant 1.000000e+00 : f32
        %jit3A_594 = arith.constant 0.000000e+00 : f32
        %broadcast_in_dim3A_595 = vector.broadcast %jit3A_593 : f32 to vector<16xf32>
        %broadcast_in_dim3A_596 = vector.broadcast %jit3A_594 : f32 to vector<16xf32>
        %select_n3A_597 = arith.select %eq3A_592, %broadcast_in_dim3A_595, %broadcast_in_dim3A_596 : vector<16xi1>, vector<16xf32>
        %mul3A_598 = arith.constant 16 : i32
        %mul3A_599 = arith.muli %scan3A_548, %mul3A_598 : i32
        %add3A_600 = arith.constant 0 : i32
        %add3A_601 = arith.addi %mul3A_599, %add3A_600 : i32
        %get3A_602 = arith.index_cast %add3A_601 : i32 to index
        %get3A_603 = arith.constant 0 : index
        %get3A_604 = tpu.vector_load %arg19[%get3A_602, %get3A_603] {strides = array<i32>} : memref<1024x16xf32, #tpu.memory_space<vmem>>, vector<16xf32>,
        %mul3A_605 = arith.mulf %get3A_604, %get3A_604 : vector<16xf32>
        %slice3A = vector.extract_strided_slice %select_n3A_597 {offsets = [0], sizes = [1], strides = [1]} : vector<16xf32> to vector<1xf32>
        %squeeze3A = vector.extract %slice3A[0] : f32 from vector<1xf32>
        %mul3A_606 = vector.broadcast %squeeze3A : f32 to vector<16xf32>
        %mul3A_607 = arith.mulf %mul3A_605, %mul3A_606 : vector<16xf32>
        %add3A_608 = arith.addf %scan3A_549, %mul3A_607 : vector<16xf32>
        %mul3A_609 = arith.constant 16 : i32
        %mul3A_610 = arith.muli %scan3A_548, %mul3A_609 : i32
        %add3A_611 = arith.constant 1 : i32
        %add3A_612 = arith.addi %mul3A_610, %add3A_611 : i32
        %get3A_613 = arith.index_cast %add3A_612 : i32 to index
        %get3A_614 = arith.constant 0 : index
        %get3A_615 = tpu.vector_load %arg19[%get3A_613, %get3A_614] {strides = array<i32>} : memref<1024x16xf32, #tpu.memory_space<vmem>>, vector<16xf32>,
        %mul3A_616 = arith.mulf %get3A_615, %get3A_615 : vector<16xf32>
        %slice3A_617 = vector.extract_strided_slice %select_n3A_597 {offsets = [1], sizes = [1], strides = [1]} : vector<16xf32> to vector<1xf32>
        %squeeze3A_618 = vector.extract %slice3A_617[0] : f32 from vector<1xf32>
        %mul3A_619 = vector.broadcast %squeeze3A_618 : f32 to vector<16xf32>
        %mul3A_620 = arith.mulf %mul3A_616, %mul3A_619 : vector<16xf32>
        %add3A_621 = arith.addf %add3A_608, %mul3A_620 : vector<16xf32>
        %mul3A_622 = arith.constant 16 : i32
        %mul3A_623 = arith.muli %scan3A_548, %mul3A_622 : i32
        %add3A_624 = arith.constant 2 : i32
        %add3A_625 = arith.addi %mul3A_623, %add3A_624 : i32
        %get3A_626 = arith.index_cast %add3A_625 : i32 to index
        %get3A_627 = arith.constant 0 : index
        %get3A_628 = tpu.vector_load %arg19[%get3A_626, %get3A_627] {strides = array<i32>} : memref<1024x16xf32, #tpu.memory_space<vmem>>, vector<16xf32>,
        %mul3A_629 = arith.mulf %get3A_628, %get3A_628 : vector<16xf32>
        %slice3A_630 = vector.extract_strided_slice %select_n3A_597 {offsets = [2], sizes = [1], strides = [1]} : vector<16xf32> to vector<1xf32>
        %squeeze3A_631 = vector.extract %slice3A_630[0] : f32 from vector<1xf32>
        %mul3A_632 = vector.broadcast %squeeze3A_631 : f32 to vector<16xf32>
        %mul3A_633 = arith.mulf %mul3A_629, %mul3A_632 : vector<16xf32>
        %add3A_634 = arith.addf %add3A_621, %mul3A_633 : vector<16xf32>
        %mul3A_635 = arith.constant 16 : i32
        %mul3A_636 = arith.muli %scan3A_548, %mul3A_635 : i32
        %add3A_637 = arith.constant 3 : i32
        %add3A_638 = arith.addi %mul3A_636, %add3A_637 : i32
        %get3A_639 = arith.index_cast %add3A_638 : i32 to index
        %get3A_640 = arith.constant 0 : index
        %get3A_641 = tpu.vector_load %arg19[%get3A_639, %get3A_640] {strides = array<i32>} : memref<1024x16xf32, #tpu.memory_space<vmem>>, vector<16xf32>,
        %mul3A_642 = arith.mulf %get3A_641, %get3A_641 : vector<16xf32>
        %slice3A_643 = vector.extract_strided_slice %select_n3A_597 {offsets = [3], sizes = [1], strides = [1]} : vector<16xf32> to vector<1xf32>
        %squeeze3A_644 = vector.extract %slice3A_643[0] : f32 from vector<1xf32>
        %mul3A_645 = vector.broadcast %squeeze3A_644 : f32 to vector<16xf32>
        %mul3A_646 = arith.mulf %mul3A_642, %mul3A_645 : vector<16xf32>
        %add3A_647 = arith.addf %add3A_634, %mul3A_646 : vector<16xf32>
        %mul3A_648 = arith.constant 16 : i32
        %mul3A_649 = arith.muli %scan3A_548, %mul3A_648 : i32
        %add3A_650 = arith.constant 4 : i32
        %add3A_651 = arith.addi %mul3A_649, %add3A_650 : i32
        %get3A_652 = arith.index_cast %add3A_651 : i32 to index
        %get3A_653 = arith.constant 0 : index
        %get3A_654 = tpu.vector_load %arg19[%get3A_652, %get3A_653] {strides = array<i32>} : memref<1024x16xf32, #tpu.memory_space<vmem>>, vector<16xf32>,
        %mul3A_655 = arith.mulf %get3A_654, %get3A_654 : vector<16xf32>
        %slice3A_656 = vector.extract_strided_slice %select_n3A_597 {offsets = [4], sizes = [1], strides = [1]} : vector<16xf32> to vector<1xf32>
        %squeeze3A_657 = vector.extract %slice3A_656[0] : f32 from vector<1xf32>
        %mul3A_658 = vector.broadcast %squeeze3A_657 : f32 to vector<16xf32>
        %mul3A_659 = arith.mulf %mul3A_655, %mul3A_658 : vector<16xf32>
        %add3A_660 = arith.addf %add3A_647, %mul3A_659 : vector<16xf32>
        %mul3A_661 = arith.constant 16 : i32
        %mul3A_662 = arith.muli %scan3A_548, %mul3A_661 : i32
        %add3A_663 = arith.constant 5 : i32
        %add3A_664 = arith.addi %mul3A_662, %add3A_663 : i32
        %get3A_665 = arith.index_cast %add3A_664 : i32 to index
        %get3A_666 = arith.constant 0 : index
        %get3A_667 = tpu.vector_load %arg19[%get3A_665, %get3A_666] {strides = array<i32>} : memref<1024x16xf32, #tpu.memory_space<vmem>>, vector<16xf32>,
        %mul3A_668 = arith.mulf %get3A_667, %get3A_667 : vector<16xf32>
        %slice3A_669 = vector.extract_strided_slice %select_n3A_597 {offsets = [5], sizes = [1], strides = [1]} : vector<16xf32> to vector<1xf32>
        %squeeze3A_670 = vector.extract %slice3A_669[0] : f32 from vector<1xf32>
        %mul3A_671 = vector.broadcast %squeeze3A_670 : f32 to vector<16xf32>
        %mul3A_672 = arith.mulf %mul3A_668, %mul3A_671 : vector<16xf32>
        %add3A_673 = arith.addf %add3A_660, %mul3A_672 : vector<16xf32>
        %mul3A_674 = arith.constant 16 : i32
        %mul3A_675 = arith.muli %scan3A_548, %mul3A_674 : i32
        %add3A_676 = arith.constant 6 : i32
        %add3A_677 = arith.addi %mul3A_675, %add3A_676 : i32
        %get3A_678 = arith.index_cast %add3A_677 : i32 to index
        %get3A_679 = arith.constant 0 : index
        %get3A_680 = tpu.vector_load %arg19[%get3A_678, %get3A_679] {strides = array<i32>} : memref<1024x16xf32, #tpu.memory_space<vmem>>, vector<16xf32>,
        %mul3A_681 = arith.mulf %get3A_680, %get3A_680 : vector<16xf32>
        %slice3A_682 = vector.extract_strided_slice %select_n3A_597 {offsets = [6], sizes = [1], strides = [1]} : vector<16xf32> to vector<1xf32>
        %squeeze3A_683 = vector.extract %slice3A_682[0] : f32 from vector<1xf32>
        %mul3A_684 = vector.broadcast %squeeze3A_683 : f32 to vector<16xf32>
        %mul3A_685 = arith.mulf %mul3A_681, %mul3A_684 : vector<16xf32>
        %add3A_686 = arith.addf %add3A_673, %mul3A_685 : vector<16xf32>
        %mul3A_687 = arith.constant 16 : i32
        %mul3A_688 = arith.muli %scan3A_548, %mul3A_687 : i32
        %add3A_689 = arith.constant 7 : i32
        %add3A_690 = arith.addi %mul3A_688, %add3A_689 : i32
        %get3A_691 = arith.index_cast %add3A_690 : i32 to index
        %get3A_692 = arith.constant 0 : index
        %get3A_693 = tpu.vector_load %arg19[%get3A_691, %get3A_692] {strides = array<i32>} : memref<1024x16xf32, #tpu.memory_space<vmem>>, vector<16xf32>,
        %mul3A_694 = arith.mulf %get3A_693, %get3A_693 : vector<16xf32>
        %slice3A_695 = vector.extract_strided_slice %select_n3A_597 {offsets = [7], sizes = [1], strides = [1]} : vector<16xf32> to vector<1xf32>
        %squeeze3A_696 = vector.extract %slice3A_695[0] : f32 from vector<1xf32>
        %mul3A_697 = vector.broadcast %squeeze3A_696 : f32 to vector<16xf32>
        %mul3A_698 = arith.mulf %mul3A_694, %mul3A_697 : vector<16xf32>
        %add3A_699 = arith.addf %add3A_686, %mul3A_698 : vector<16xf32>
        %mul3A_700 = arith.constant 16 : i32
        %mul3A_701 = arith.muli %scan3A_548, %mul3A_700 : i32
        %add3A_702 = arith.constant 8 : i32
        %add3A_703 = arith.addi %mul3A_701, %add3A_702 : i32
        %get3A_704 = arith.index_cast %add3A_703 : i32 to index
        %get3A_705 = arith.constant 0 : index
        %get3A_706 = tpu.vector_load %arg19[%get3A_704, %get3A_705] {strides = array<i32>} : memref<1024x16xf32, #tpu.memory_space<vmem>>, vector<16xf32>,
        %mul3A_707 = arith.mulf %get3A_706, %get3A_706 : vector<16xf32>
        %slice3A_708 = vector.extract_strided_slice %select_n3A_597 {offsets = [8], sizes = [1], strides = [1]} : vector<16xf32> to vector<1xf32>
        %squeeze3A_709 = vector.extract %slice3A_708[0] : f32 from vector<1xf32>
        %mul3A_710 = vector.broadcast %squeeze3A_709 : f32 to vector<16xf32>
        %mul3A_711 = arith.mulf %mul3A_707, %mul3A_710 : vector<16xf32>
        %add3A_712 = arith.addf %add3A_699, %mul3A_711 : vector<16xf32>
        %mul3A_713 = arith.constant 16 : i32
        %mul3A_714 = arith.muli %scan3A_548, %mul3A_713 : i32
        %add3A_715 = arith.constant 9 : i32
        %add3A_716 = arith.addi %mul3A_714, %add3A_715 : i32
        %get3A_717 = arith.index_cast %add3A_716 : i32 to index
        %get3A_718 = arith.constant 0 : index
        %get3A_719 = tpu.vector_load %arg19[%get3A_717, %get3A_718] {strides = array<i32>} : memref<1024x16xf32, #tpu.memory_space<vmem>>, vector<16xf32>,
        %mul3A_720 = arith.mulf %get3A_719, %get3A_719 : vector<16xf32>
        %slice3A_721 = vector.extract_strided_slice %select_n3A_597 {offsets = [9], sizes = [1], strides = [1]} : vector<16xf32> to vector<1xf32>
        %squeeze3A_722 = vector.extract %slice3A_721[0] : f32 from vector<1xf32>
        %mul3A_723 = vector.broadcast %squeeze3A_722 : f32 to vector<16xf32>
        %mul3A_724 = arith.mulf %mul3A_720, %mul3A_723 : vector<16xf32>
        %add3A_725 = arith.addf %add3A_712, %mul3A_724 : vector<16xf32>
        %mul3A_726 = arith.constant 16 : i32
        %mul3A_727 = arith.muli %scan3A_548, %mul3A_726 : i32
        %add3A_728 = arith.constant 10 : i32
        %add3A_729 = arith.addi %mul3A_727, %add3A_728 : i32
        %get3A_730 = arith.index_cast %add3A_729 : i32 to index
        %get3A_731 = arith.constant 0 : index
        %get3A_732 = tpu.vector_load %arg19[%get3A_730, %get3A_731] {strides = array<i32>} : memref<1024x16xf32, #tpu.memory_space<vmem>>, vector<16xf32>,
        %mul3A_733 = arith.mulf %get3A_732, %get3A_732 : vector<16xf32>
        %slice3A_734 = vector.extract_strided_slice %select_n3A_597 {offsets = [10], sizes = [1], strides = [1]} : vector<16xf32> to vector<1xf32>
        %squeeze3A_735 = vector.extract %slice3A_734[0] : f32 from vector<1xf32>
        %mul3A_736 = vector.broadcast %squeeze3A_735 : f32 to vector<16xf32>
        %mul3A_737 = arith.mulf %mul3A_733, %mul3A_736 : vector<16xf32>
        %add3A_738 = arith.addf %add3A_725, %mul3A_737 : vector<16xf32>
        %mul3A_739 = arith.constant 16 : i32
        %mul3A_740 = arith.muli %scan3A_548, %mul3A_739 : i32
        %add3A_741 = arith.constant 11 : i32
        %add3A_742 = arith.addi %mul3A_740, %add3A_741 : i32
        %get3A_743 = arith.index_cast %add3A_742 : i32 to index
        %get3A_744 = arith.constant 0 : index
        %get3A_745 = tpu.vector_load %arg19[%get3A_743, %get3A_744] {strides = array<i32>} : memref<1024x16xf32, #tpu.memory_space<vmem>>, vector<16xf32>,
        %mul3A_746 = arith.mulf %get3A_745, %get3A_745 : vector<16xf32>
        %slice3A_747 = vector.extract_strided_slice %select_n3A_597 {offsets = [11], sizes = [1], strides = [1]} : vector<16xf32> to vector<1xf32>
        %squeeze3A_748 = vector.extract %slice3A_747[0] : f32 from vector<1xf32>
        %mul3A_749 = vector.broadcast %squeeze3A_748 : f32 to vector<16xf32>
        %mul3A_750 = arith.mulf %mul3A_746, %mul3A_749 : vector<16xf32>
        %add3A_751 = arith.addf %add3A_738, %mul3A_750 : vector<16xf32>
        %mul3A_752 = arith.constant 16 : i32
        %mul3A_753 = arith.muli %scan3A_548, %mul3A_752 : i32
        %add3A_754 = arith.constant 12 : i32
        %add3A_755 = arith.addi %mul3A_753, %add3A_754 : i32
        %get3A_756 = arith.index_cast %add3A_755 : i32 to index
        %get3A_757 = arith.constant 0 : index
        %get3A_758 = tpu.vector_load %arg19[%get3A_756, %get3A_757] {strides = array<i32>} : memref<1024x16xf32, #tpu.memory_space<vmem>>, vector<16xf32>,
        %mul3A_759 = arith.mulf %get3A_758, %get3A_758 : vector<16xf32>
        %slice3A_760 = vector.extract_strided_slice %select_n3A_597 {offsets = [12], sizes = [1], strides = [1]} : vector<16xf32> to vector<1xf32>
        %squeeze3A_761 = vector.extract %slice3A_760[0] : f32 from vector<1xf32>
        %mul3A_762 = vector.broadcast %squeeze3A_761 : f32 to vector<16xf32>
        %mul3A_763 = arith.mulf %mul3A_759, %mul3A_762 : vector<16xf32>
        %add3A_764 = arith.addf %add3A_751, %mul3A_763 : vector<16xf32>
        %mul3A_765 = arith.constant 16 : i32
        %mul3A_766 = arith.muli %scan3A_548, %mul3A_765 : i32
        %add3A_767 = arith.constant 13 : i32
        %add3A_768 = arith.addi %mul3A_766, %add3A_767 : i32
        %get3A_769 = arith.index_cast %add3A_768 : i32 to index
        %get3A_770 = arith.constant 0 : index
        %get3A_771 = tpu.vector_load %arg19[%get3A_769, %get3A_770] {strides = array<i32>} : memref<1024x16xf32, #tpu.memory_space<vmem>>, vector<16xf32>,
        %mul3A_772 = arith.mulf %get3A_771, %get3A_771 : vector<16xf32>
        %slice3A_773 = vector.extract_strided_slice %select_n3A_597 {offsets = [13], sizes = [1], strides = [1]} : vector<16xf32> to vector<1xf32>
        %squeeze3A_774 = vector.extract %slice3A_773[0] : f32 from vector<1xf32>
        %mul3A_775 = vector.broadcast %squeeze3A_774 : f32 to vector<16xf32>
        %mul3A_776 = arith.mulf %mul3A_772, %mul3A_775 : vector<16xf32>
        %add3A_777 = arith.addf %add3A_764, %mul3A_776 : vector<16xf32>
        %mul3A_778 = arith.constant 16 : i32
        %mul3A_779 = arith.muli %scan3A_548, %mul3A_778 : i32
        %add3A_780 = arith.constant 14 : i32
        %add3A_781 = arith.addi %mul3A_779, %add3A_780 : i32
        %get3A_782 = arith.index_cast %add3A_781 : i32 to index
        %get3A_783 = arith.constant 0 : index
        %get3A_784 = tpu.vector_load %arg19[%get3A_782, %get3A_783] {strides = array<i32>} : memref<1024x16xf32, #tpu.memory_space<vmem>>, vector<16xf32>,
        %mul3A_785 = arith.mulf %get3A_784, %get3A_784 : vector<16xf32>
        %slice3A_786 = vector.extract_strided_slice %select_n3A_597 {offsets = [14], sizes = [1], strides = [1]} : vector<16xf32> to vector<1xf32>
        %squeeze3A_787 = vector.extract %slice3A_786[0] : f32 from vector<1xf32>
        %mul3A_788 = vector.broadcast %squeeze3A_787 : f32 to vector<16xf32>
        %mul3A_789 = arith.mulf %mul3A_785, %mul3A_788 : vector<16xf32>
        %add3A_790 = arith.addf %add3A_777, %mul3A_789 : vector<16xf32>
        %mul3A_791 = arith.constant 16 : i32
        %mul3A_792 = arith.muli %scan3A_548, %mul3A_791 : i32
        %add3A_793 = arith.constant 15 : i32
        %add3A_794 = arith.addi %mul3A_792, %add3A_793 : i32
        %get3A_795 = arith.index_cast %add3A_794 : i32 to index
        %get3A_796 = arith.constant 0 : index
        %get3A_797 = tpu.vector_load %arg19[%get3A_795, %get3A_796] {strides = array<i32>} : memref<1024x16xf32, #tpu.memory_space<vmem>>, vector<16xf32>,
        %mul3A_798 = arith.mulf %get3A_797, %get3A_797 : vector<16xf32>
        %slice3A_799 = vector.extract_strided_slice %select_n3A_597 {offsets = [15], sizes = [1], strides = [1]} : vector<16xf32> to vector<1xf32>
        %squeeze3A_800 = vector.extract %slice3A_799[0] : f32 from vector<1xf32>
        %mul3A_801 = vector.broadcast %squeeze3A_800 : f32 to vector<16xf32>
        %mul3A_802 = arith.mulf %mul3A_798, %mul3A_801 : vector<16xf32>
        %add3A_803 = arith.addf %add3A_790, %mul3A_802 : vector<16xf32>
        scf.yield %add3A_803 : vector<16xf32>
      }
      %scan3A_535 = arith.constant 64 : i32
      %reduce_sum3A = arith.constant true
      %reduce_sum3A_536 = vector.broadcast %reduce_sum3A : i1 to vector<16xi1>
      %reduce_sum3A_537 = tpu.scan <sum>, %scan3A_534 masked %reduce_sum3A_536 : vector<16xf32>, vector<16xi1> -> vector<16xf32>
      %reduce_sum3A_538 = vector.extract %reduce_sum3A_537[15] : f32 from vector<16xf32>
      %mul3A_539 = arith.constant 5.000000e-03 : f32
      %mul3A_540 = arith.mulf %mul3A_539, %reduce_sum3A_538 : f32
      %add3A_541 = arith.addf %scan3A_188, %mul3A_540 : f32
      %iota3A = tpu.iota {dimensions = array<i32: 0>} : vector<16xi32>
      %eq3A_542 = arith.constant 0 : i32
      %eq3A_543 = vector.broadcast %eq3A_542 : i32 to vector<16xi32>
      %eq3A_544 = arith.cmpi eq, %iota3A, %eq3A_543 : vector<16xi32>
      %jit3A = arith.constant 0.000000e+00 : f32
      %broadcast_in_dim3A_545 = vector.broadcast %add3A_541 : f32 to vector<16xf32>
      %broadcast_in_dim3A_546 = vector.broadcast %jit3A : f32 to vector<16xf32>
      %select_n3A = arith.select %eq3A_544, %broadcast_in_dim3A_545, %broadcast_in_dim3A_546 : vector<16xi1>, vector<16xf32>
      %swap3A = arith.constant 0 : index
      %swap3A_547 = tpu.vector_load %arg20[%swap3A] {strides = array<i32>} : memref<16xf32, #tpu.memory_space<vmem>>, vector<16xf32>,
      tpu.vector_store %arg20[%swap3A], %select_n3A {strides = array<i32>} : memref<16xf32, #tpu.memory_space<vmem>>, vector<16xf32>,
      "tpu.region"() ({
        %run_scoped3A_548 = tpu.sem_alloc : memref<!tpu.dma_semaphore, #tpu.memory_space<semaphore_mem>>
        %dma_start3A_549 = arith.constant 0 : i32
        %dma_start3A_550 = tpu.memref_slice %arg8[%add3A, %dma_start3A_549] : memref<32x16xf32, #tpu.memory_space<hbm>> -> memref<1x16xf32, #tpu.memory_space<hbm>>
        %dma_start3A_551 = tpu.memref_squeeze %dma_start3A_550 : memref<1x16xf32, #tpu.memory_space<hbm>> -> memref<16xf32, #tpu.memory_space<hbm>>
        %dma_start3A_552 = arith.constant 0 : i32
        %dma_start3A_553 = tpu.memref_slice %arg8[%add3A, %dma_start3A_552] : memref<32x16xf32, #tpu.memory_space<hbm>> -> memref<1x16xf32, #tpu.memory_space<hbm>>
        %dma_start3A_554 = tpu.memref_squeeze %dma_start3A_553 : memref<1x16xf32, #tpu.memory_space<hbm>> -> memref<16xf32, #tpu.memory_space<hbm>>
        tpu.enqueue_dma source(%arg20 : memref<16xf32, #tpu.memory_space<vmem>>) target(%dma_start3A_554 : memref<16xf32, #tpu.memory_space<hbm>>) target_semaphore(%run_scoped3A_548 : memref<!tpu.dma_semaphore, #tpu.memory_space<semaphore_mem>>)
        %dma_wait3A_555 = arith.constant 0 : i32
        %dma_wait3A_556 = tpu.memref_slice %arg8[%add3A, %dma_wait3A_555] : memref<32x16xf32, #tpu.memory_space<hbm>> -> memref<1x16xf32, #tpu.memory_space<hbm>>
        %dma_wait3A_557 = tpu.memref_squeeze %dma_wait3A_556 : memref<1x16xf32, #tpu.memory_space<hbm>> -> memref<16xf32, #tpu.memory_space<hbm>>
        %dma_wait3A_558 = arith.constant 0 : i32
        %dma_wait3A_559 = tpu.memref_slice %arg8[%add3A, %dma_wait3A_558] : memref<32x16xf32, #tpu.memory_space<hbm>> -> memref<1x16xf32, #tpu.memory_space<hbm>>
        %dma_wait3A_560 = tpu.memref_squeeze %dma_wait3A_559 : memref<1x16xf32, #tpu.memory_space<hbm>> -> memref<16xf32, #tpu.memory_space<hbm>>
        tpu.wait_dma2 semaphore(%run_scoped3A_548 : memref<!tpu.dma_semaphore, #tpu.memory_space<semaphore_mem>>) src(%arg20 : memref<16xf32, #tpu.memory_space<vmem>>) dst(%dma_wait3A_560 : memref<16xf32, #tpu.memory_space<hbm>>)
        tpu.yield
      }) : () -> ()
    } else {
    }
    return
  }
}

</mosaic_0001>

<sc_bundles>
// kernel: kernel.3.cloned.1.call-start
scs
__scs_entry_jumppad:
0x0: {  	(pc) =	sbr.rel $0x88, $3  }
0x1: {  	(tag) =	ssettag $0x0;
	lr =	simm.s32 $0x1  }
0x2: {  	[smem:$0x3F9C] =	sst lr;
	_ =	strace $0xD0000000  }
0x3: {  	_ = 	snop  }
0x4: {  	_ = 	snop  }
0x5: {  	_ = 	snop  }
0x6: {  	_ = 	snop  }
0x7: {  	_ = 	snop  }
__scs_overlays_trampoline_lowered:
0x8: {  	[smem:$0x3FAB] =	sst s0  }
0x9: {  	[smem:$0x3FAC] =	sst s1  }
0xa: {  	[smem:$0x3FAD] =	sst s2  }
0xb: {  	[smem:$0x3FAE] =	sst s3  }
0xc: {  	[smem:$0x3FAF] =	sst s4  }
0xd: {  	[smem:$0x3FB0] =	sst s5  }
0xe: {  	[smem:$0x3FB1] =	sst s6  }
0xf: {  	[smem:$0x3FB2] =	sst s7  }
0x10: {  	[smem:$0x3FB3] =	sst s8  }
0x11: {  	[smem:$0x3FB4] =	sst s9;
	s0 =	simm.s32 @!p0 $0x0  }
0x12: {  	s1 =	sld [smem:$0x3F9A];
	s0 =	simm.s32 @p0 $0x1  }
0x13: {  	[smem:$0x3FB5] =	sst s0;
	s0 =	simm.s32 @!p1 $0x0  }
0x14: {  	s2 =	sld [smem:$0x3F99];
	s0 =	simm.s32 @p1 $0x1  }
0x15: {  	[smem:$0x3FB6] =	sst s0;
	s0 =	simm.s32 @!p2 $0x0  }
0x16: {  	s3 =	sld [smem:$0x3FDB];
	s0 =	simm.s32 @p2 $0x1  }
0x17: {  	s4 =	simm.s32 $0x1BF5;
	[smem:$0x3FB8] =	sst s0  }
0x18: {  	s0 =	sld [smem:$0x3F9B];
	_ =	swait.ge [sflag:s4], $0x0  }
0x19: {  	s7 =	sld [smem:$0x3F9C]  }
0x1a: {  	s8 =	sadd.s32 $0xFFFFE003, lr  }
0x1b: {  	s9 =	sadd.s32 $0xFFFFFEF7, lr;
	s5 =	simm.s32 $0xFFFFFFFF;
	p2 =	slt.u32 s8, $0xFFFFF086  }
0x1c: {  	p1 =	slt.u32 s9, $0xF7A;
	s5 =	simm.s32 @!p2 $0x0  }
0x1d: {  	s5 =	simm.s32 @p1 $0x1;
	p0 =	seq.s32 s7, s2  }
0x1e: {  	s7 =	smul.u32 @!p0 $0xF7A, s2;
	p2 =	seq.s32 @!p0 s5, $0x0  }
0x1f: {  	s9 =	smul.u32 $0xF7A, s1;
	s8 =	simm.s32 @!p0 $0x1BF5;
	p2 =	por !p2, p0  }
0x20: {  	[sflag:s8] =	ssyncset.s32 @!p0 $0xFFFFF086;
	s6 =	sadd.s32 @!p0 s3, s7;
	s7 =	simm.s32 @!p0 $0x108  }
0x21: {  	s3 =	sadd.s32 s3, s9;
	s6 =	sadd.s32 @!p0 $0x88, s6;
	s7 =	simm.s32 @p2 $0x1082  }
0x22: {  	[simem:s7], [sflag:s8] =	dma.local @!p0 [hbm:s6], $0xF7A  }
0x23: {  	s9 =	sor.u32 $0xD0000000, s2;
	s6 =	simm.s32 $0x108;
	_ =	swait.ge @!p0 [sflag:s8], $0x0  }
0x24: {  	s3 =	sadd.s32 $0x88, s3;
	s6 =	simm.s32 @!p1 $0x1082;
	[sflag:s4] =	ssyncset.s32 $0xFFFFF086  }
0x25: {  	[simem:s6], [sflag:s4] =	dma.local [hbm:s3], $0xF7A  }
0x26: {  	[smem:$0x3F9C] =	sst s1;
	(tag) =	ssettag s2;
	_ =	strace s9  }
0x27: {  	s1 =	sld [smem:$0x3FAC]  }
0x28: {  	s2 =	sld [smem:$0x3FAD]  }
0x29: {  	s4 =	sld [smem:$0x3FAF]  }
0x2a: {  	p0 =	seq.s32 s5, $0x0;
	s5 =	sld [smem:$0x3FB0]  }
0x2b: {  	s6 =	sld [smem:$0x3FB1]  }
0x2c: {  	s7 =	sld [smem:$0x3FB2]  }
0x2d: {  	s3 =	simm.s32 $0x108;
	s8 =	sld [smem:$0x3FB3]  }
0x2e: {  	s3 =	simm.s32 @!p0 $0x1082;
	s9 =	sld [smem:$0x3FB4]  }
0x2f: {  	lr =	sadd.s32 s0, s3;
	s0 =	sld [smem:$0x3FAB]  }
0x30: {  	s3 =	sld [smem:$0x3FAE]  }
0x31: {  	[smem:$0x3FB7] =	sst s10  }
0x32: {  	s10 =	sld [smem:$0x3FB5];
	_ =	sdelay $0x3  }
0x33: {  	p0 =	seq.s32 s10, $0x1;
	s10 =	sld [smem:$0x3FB7];
	_ =	sdelay $0x3  }
0x34: {  	[smem:$0x3FB7] =	sst s10  }
0x35: {  	s10 =	sld [smem:$0x3FB6];
	_ =	sdelay $0x3  }
0x36: {  	p1 =	seq.s32 s10, $0x1;
	s10 =	sld [smem:$0x3FB7];
	_ =	sdelay $0x3  }
0x37: {  	[smem:$0x3FB7] =	sst s10  }
0x38: {  	s10 =	sld [smem:$0x3FB8]  }
0x39: {  	_ = 	snop;
	(pc) =	sbr.ind lr, $3  }
0x3a: {  	_ = 	snop  }
0x3b: {  	_ = 	snop  }
0x3c: {  	p2 =	seq.s32 s10, $0x1;
	s10 =	sld [smem:$0x3FB7]  }
0x3d: {  	_ =	shalt  }
0x3e: {  	_ =	shalt  }
0x3f: {  	_ =	shalt  }
0x40: {  	_ =	shalt  }
0x41: {  	_ =	shalt  }
0x42: {  	_ =	shalt  }
0x43: {  	_ =	shalt  }
0x44: {  	_ =	shalt  }
0x45: {  	_ =	shalt  }
0x46: {  	_ =	shalt  }
0x47: {  	_ =	shalt  }
0x48: {  	_ =	shalt  }
0x49: {  	_ =	shalt  }
0x4a: {  	_ =	shalt  }
0x4b: {  	_ =	shalt  }
0x4c: {  	_ =	shalt  }
0x4d: {  	_ =	shalt  }
0x4e: {  	_ =	shalt  }
0x4f: {  	_ =	shalt  }
0x50: {  	_ =	shalt  }
0x51: {  	_ =	shalt  }
0x52: {  	_ =	shalt  }
0x53: {  	_ =	shalt  }
0x54: {  	_ =	shalt  }
0x55: {  	_ =	shalt  }
0x56: {  	_ =	shalt  }
0x57: {  	_ =	shalt  }
0x58: {  	_ =	shalt  }
0x59: {  	_ =	shalt  }
0x5a: {  	_ =	shalt  }
0x5b: {  	_ =	shalt  }
0x5c: {  	_ =	shalt  }
0x5d: {  	_ =	shalt  }
0x5e: {  	_ =	shalt  }
0x5f: {  	_ =	shalt  }
0x60: {  	_ =	shalt  }
0x61: {  	_ =	shalt  }
0x62: {  	_ =	shalt  }
0x63: {  	_ =	shalt  }
0x64: {  	_ =	shalt  }
0x65: {  	_ =	shalt  }
0x66: {  	_ =	shalt  }
0x67: {  	_ =	shalt  }
0x68: {  	_ =	shalt  }
0x69: {  	_ =	shalt  }
0x6a: {  	_ =	shalt  }
0x6b: {  	_ =	shalt  }
0x6c: {  	_ =	shalt  }
0x6d: {  	_ =	shalt  }
0x6e: {  	_ =	shalt  }
0x6f: {  	_ =	shalt  }
0x70: {  	_ =	shalt  }
0x71: {  	_ =	shalt  }
0x72: {  	_ =	shalt  }
0x73: {  	_ =	shalt  }
0x74: {  	_ =	shalt  }
0x75: {  	_ =	shalt  }
0x76: {  	_ =	shalt  }
0x77: {  	_ =	shalt  }
0x78: {  	_ =	shalt  }
0x79: {  	_ =	shalt  }
0x7a: {  	_ =	shalt  }
0x7b: {  	_ =	shalt  }
0x7c: {  	_ =	shalt  }
0x7d: {  	_ =	shalt  }
0x7e: {  	_ =	shalt  }
0x7f: {  	_ =	shalt  }
0x80: {  	_ =	shalt  }
0x81: {  	_ =	shalt  }
0x82: {  	_ =	shalt  }
0x83: {  	_ =	shalt  }
0x84: {  	_ =	shalt  }
0x85: {  	_ =	shalt  }
0x86: {  	_ =	shalt  }
0x87: {  	_ =	shalt  }
.Lfunc_end0:
.L_simem_size_0:
called_computation_lowered:
.L_overlay_start_0:
0x88: {  	s2 =	sld [smem:$0x3FD9]  }
0x89: {  	s3 =	sld [smem:$0x3FFE];
	_ =	sdelay $0x1  }
0x8a: {  	s1 =	srdreg.scid  }
0x8b: {  	s0 =	sand.u32 $0x1, s1  }
0x8c: {  	s17 =	sshll.u32 s0, $0xA;
	s2 =	sadd.s32 s3, s2  }
0x8d: {  	s2 =	sadd.s32 s2, s17  }
0x8e: {  	[smem:$0x3FC3] =	sst s2  }
0x8f: {  	_ = 	snop  }
0x90: {  	s2 =	sld [smem:$0x3FC9]  }
0x91: {  	s18 =	sld [smem:$0x3FC8]  }
0x92: {  	s4 =	sld [smem:$0x3FC7];
	(tm) =	ssettm $0x1  }
0x93: {  	s5 =	sld [smem:$0x3FFB];
	_ =	sdelay $0x3  }
0x94: {  	_ =	strace s5  }
0x95: {  	s5 =	sld [smem:$0x3FFC];
	_ =	sdelay $0x3  }
0x96: {  	_ =	strace s5  }
0x97: {  	s5 =	sld [smem:$0x3FFD];
	_ =	sdelay $0x3  }
0x98: {  	_ =	strace s5  }
0x99: {  	_ =	strace $0x8FFFFFFF  }
0x9a: {  	s19 =	sld [smem:$0x3FDB];
	_ =	sdelay $0x1  }
0x9b: {  	s6 =	simm.s32 $_scs_section_size  }
0x9c: {  	s7 =	simm.s32 $_size__tile_overlayer_lowered;
	s8 =	simm.s32 $_tile_overlayer_lowered  }
0x9d: {  	s22 =	simm.s32 $0x1BFF;
	s21 =	sshll.u32 s8, $0x1;
	s5 =	sadd.s32 s6, s19  }
0x9e: {  	s9 =	simm.s32 $0x0;
	s20 =	sshll.u32 s7, $0x1;
	s7 =	sadd.s32 s21, s5  }
0x9f: {  	[timem:s9], [sflag:s22] =	dma.local [hbm:s7], s20  }
0xa0: {  	_ =	swait.ge [sflag:s22], s20  }
0xa1: {  	s6 =	ssub.s32 $0x0, s20;
	[sflag:s22] =	ssyncset.done $0x0  }
0xa2: {  	[sflag:s22] =	ssyncadd.s32 s6;
	_ =	sdelay $0x1  }
0xa3: {  	s23 =	simm.s32 $0x1B8B  }
0xa4: {  	_ =	swait.ge [sflag:s23], $0x1  }
0xa5: {  	[sflag:s23] =	ssyncset.done $0x0  }
0xa6: {  	s25 =	simm.s32 $0x1B8E;
	s24 =	sld [smem:$0x3FFE];
	[sflag:s23] =	ssyncadd.s32 $0xFFFFFFFF  }
0xa7: {  	s26 =	simm.s32 $execute0_lowered;
	[smem:$0x3FD2] =	sst s25  }
0xa8: {  	s7 =	sshll.u32 s26, $0x1;
	_ =	strace $0x80000046;
	[dreg:$0x1] =	wrdreg $0xFFFFFFFF  }
0xa9: {  	s28 =	simm.s32 $_size_execute0_lowered;
	s5 =	sadd.s32 s5, s7;
	[dreg:$0x0] =	wrdreg $0x0  }
0xaa: {  	s7 =	sshll.u32 s28, $0x1;
	[dreg:$0x2] =	wrdreg s5  }
0xab: {  	[dreg:$0x3] =	wrdreg s7  }
0xac: {  	[dreg:$0x4] =	wrdreg $0xC0  }
0xad: {  	_ =	task [dreg:s9], $0x5FFFF  }
0xae: {  	[dreg:$0x1] =	wrdreg $0xFFFFFFFF  }
0xaf: {  	[dreg:$0x0] =	wrdreg $0x60  }
0xb0: {  	[dreg:$0x2] =	wrdreg s2  }
0xb1: {  	[dreg:$0x3] =	wrdreg s18  }
0xb2: {  	[dreg:$0x4] =	wrdreg s4  }
0xb3: {  	[dreg:$0x5] =	wrdreg s24  }
0xb4: {  	[dreg:$0x6] =	wrdreg $0x9  }
0xb5: {  	_ =	task.clear_ibuf [dreg:s9], $0x7FFFF;
	_ =	strace $0x90000046  }
0xb6: {  	s29 =	simm.s32 $0x9;
	_ =	strace $0x80000048  }
0xb7: {  	_ =	swait.ge [sflag:s29], $0x1  }
0xb8: {  	[sflag:s29] =	ssyncadd.s32 $0xFFFFFFFF  }
0xb9: {  	_ =	strace $0x90000048  }
0xba: {  	_ =	sfence  }
0xbb: {  	s30 =	sld [smem:$0x0];
	_ =	sdelay $0x2  }
0xbc: {  	s31 =	sshll.u32 s1, $0xD;
	s1 =	sshrl.u32 s1, $0x2  }
0xbd: {  	s3 =	sand.u32 $0x4000, s31;
	s1 =	sadd.s32 s1, s30  }
0xbe: {  	s0 =	sor.u32 s3, s0;
	s1 =	sshll.u32 s1, $0x11  }
0xbf: {  	s0 =	sor.u32 s1, s0  }
0xc0: {  	s0 =	sadd.s32 $0x8F2B, s0  }
0xc1: {  	[sflag:s0] =	ssyncadd.remote.s32 $0x1  }
0xc2: {  	_ =	sfence.sel $0xFFFF  }
0xc3: {  	[dreg:$0x0] =	wrdreg $0xFFFFFFFF;
	(pc) =	sbr.abs _section_cstart, $3  }
0xc4: {  	[dreg:$0x1] =	wrdreg $0xFFFFFFFF  }
0xc5: {  	_ =	task.clear_ibuf [dreg:s9], $0x2FFFF;
	_ =	strace $0x9FFFFFFF  }
0xc6: {  	(tm) =	ssettm $0x7FFFFFFF  }
0xc7: {  	_ =	shalt  }
tec
execute0_lowered:
.L_overlay_start_1:
0x0: {  	(tag) =	ssettag $0x1  }
0x1: {  	s0 =	rddreg [dreg:$0x0]  }
0x2: {  	s1 =	srdreg.scid;
	s16 =	stileid.u32  }
0x3: {  	s2 =	rddreg [dreg:$0x1];
	s5 =	sand.u32 $0x1, s1;
	s6 =	sshll.u32 s16, $0x1  }
0x4: {  	s3 =	rddreg [dreg:$0x2];
	s6 =	sor.u32 s5, s6  }
0x5: {  	s4 =	rddreg [dreg:$0x3];
	s1 =	simm.s32 $0x0;
	s9 =	sshll.u32 s6, $0x6  }
0x6: {  	s7 =	ssub.s32 $0x2, s5;
	[smem:$0x7FF] =	sst s1;
	s10 =	sadd.s32 s0, s9  }
0x7: {  	s8 =	sshrl.u32 s7, $0x1;
	s3 =	sadd.s32 s3, s9;
	[dreg:$0x5] =	wrdreg s10  }
0x8: {  	s11 =	sor.u32 $0x10, s9;
	s10 =	sadd.s32 s2, s9;
	[dreg:$0xd] =	wrdreg s3  }
0x9: {  	s7 =	ssub.s32 s7, s8;
	s12 =	sadd.s32 s0, s11;
	[dreg:$0x6] =	wrdreg s10  }
0xa: {  	s13 =	sor.u32 $0x20, s9;
	s8 =	sadd.s32 s2, s11;
	[dreg:$0x7] =	wrdreg s12  }
0xb: {  	s15 =	sor.u32 $0x30, s9;
	s14 =	sadd.s32 s0, s13;
	[dreg:$0x8] =	wrdreg s8  }
0xc: {  	s17 =	sadd.s32 s0, s15;
	[dreg:$0x9] =	wrdreg s14  }
0xd: {  	s10 =	sadd.s32 s2, s13;
	[dreg:$0xb] =	wrdreg s17  }
0xe: {  	s8 =	sadd.s32 s2, s15;
	[dreg:$0xa] =	wrdreg s10;
	s10 =	sshll.u32 s16, $0x7  }
0xf: {  	s22 =	sadd.s32 $0x400, s4;
	[dreg:$0xc] =	wrdreg s8;
	s18 =	sadd.s32 s2, s10  }
0x10: {  	s3 =	sor.u32 $0x10, s10;
	s23 =	sadd.s32 s22, s10;
	[dreg:$0xe] =	wrdreg s18  }
0x11: {  	s8 =	sor.u32 $0x20, s10;
	s19 =	sadd.s32 s2, s3;
	[dreg:$0x16] =	wrdreg s23  }
0x12: {  	s9 =	sor.u32 $0x30, s10;
	s20 =	sadd.s32 s2, s8;
	[dreg:$0xf] =	wrdreg s19  }
0x13: {  	s11 =	sor.u32 $0x40, s10;
	s12 =	sadd.s32 s2, s9;
	[dreg:$0x10] =	wrdreg s20  }
0x14: {  	s21 =	sadd.s32 s2, s11;
	[dreg:$0x11] =	wrdreg s12  }
0x15: {  	s24 =	sadd.s32 s22, s3;
	[dreg:$0x12] =	wrdreg s21  }
0x16: {  	s25 =	sadd.s32 s22, s8;
	[dreg:$0x17] =	wrdreg s24  }
0x17: {  	s26 =	sadd.s32 s22, s9;
	[dreg:$0x18] =	wrdreg s25  }
0x18: {  	s30 =	sadd.s32 s22, s11;
	[dreg:$0x19] =	wrdreg s26  }
0x19: {  	s18 =	sadd.s32 s0, s10;
	[dreg:$0x1a] =	wrdreg s30  }
0x1a: {  	[dreg:$0x1e] =	wrdreg s18;
	s19 =	sadd.s32 s0, s3  }
0x1b: {  	s20 =	sadd.s32 s0, s8;
	[dreg:$0x1f] =	wrdreg s19  }
0x1c: {  	s12 =	sor.u32 $0x50, s10;
	s21 =	sadd.s32 s0, s9;
	[smem:$0x7F4] =	sst s20  }
0x1d: {  	s28 =	simm.s32 $0x2;
	s13 =	sadd.s32 s2, s12;
	[smem:$0x7F5] =	sst s21  }
0x1e: {  	s29 =	simm.s32 $0x0;
	s31 =	sadd.s32 s22, s12;
	[dreg:$0x13] =	wrdreg s13  }
0x1f: {  	s23 =	sadd.s32 s0, s12;
	s13 =	sor.u32 $0x60, s10;
	[dreg:$0x1b] =	wrdreg s31  }
0x20: {  	s14 =	sor.u32 $0x70, s10;
	[smem:$0x7F7] =	sst s23;
	s15 =	sadd.s32 s2, s13  }
0x21: {  	p0 =	seq.s32 s5, $0x0;
	s2 =	sadd.s32 s2, s14;
	[dreg:$0x14] =	wrdreg s15  }
0x22: {  	s25 =	sadd.s32 $0x3E000, s4;
	s17 =	sadd.s32 s22, s13;
	[dreg:$0x15] =	wrdreg s2  }
0x23: {  	s18 =	sadd.s32 $0x1F600, s4;
	s24 =	sadd.s32 s0, s13;
	[dreg:$0x1c] =	wrdreg s17  }
0x24: {  	s26 =	sshll.u32 s6, $0x1;
	s2 =	sadd.s32 s22, s14;
	[smem:$0x7F8] =	sst s24  }
0x25: {  	s30 =	smax.u32 s7, $0x1;
	s22 =	sadd.s32 s0, s11;
	[dreg:$0x1d] =	wrdreg s2  }
0x26: {  	s3 =	simm.s32 $0x1;
	s0 =	sadd.s32 s0, s14;
	[smem:$0x7F6] =	sst s22  }
.Ltmp0:
0x27: {  	s21 =	simm.s32 $0x4880;
	[smem:$0x7F9] =	sst s0;
	(pc) =	sbr.rel .LBB2_1-.Ltmp0, $4  }
0x28: {  	s12 =	simm.s32 $0x4900;
	_ =	strace $0x80000047;
	[smem:$0x7FA] =	sst s25  }
0x29: {  	s31 =	sshll.u32 s16, $0x2;
	s14 =	sadd.s32 $0x112AE00, s4;
	[smem:$0x7FB] =	sst s26  }
0x2a: {  	s13 =	simm.s32 $0x4980;
	s15 =	sadd.s32 $0xF42800, s4;
	[smem:$0x7FC] =	sst s30  }
0x2b: {  	v0 =	vimm.f32 $0.0e+00;
	vm0 =	vcmask $0x300;
	s17 =	sadd.s32 $0xC00, s4;
	s11 =	simm.s32 $0x80;
	[smem:$0x7FD] =	sst s31  }
.LBB2_6:
0x2c: {  	v5 =	vmul.f32 v5, v5  }
0x2d: {  	s0 =	sadd.s32 $0x100, s2;
	v8 =	vadd.f32 v8, v9;
	v7 =	vmul.f32 v7, v10;
	v38 =	vbroadcast v1, $0xD  }
0x2e: {  	v6 =	vmul.f32 v6, v6;
	v11 =	vld [tilespmem:s0+$0xFFFFFF80]  }
0x2f: {  	v40 =	vbroadcast v1, $0xE;
	v7 =	vadd.f32 v8, v7;
	v5 =	vmul.f32 v5, v38  }
0x30: {  	vm1 =	veq.s32 v3, v4;
	v2 =	vmul.f32 v2, v2;
	v1 =	vbroadcast v1, $0xF;
	v39 =	vld [tilespmem:s0+$0xFFFFFF90]  }
0x31: {  	v43 =	vsel vm1, $0x3F800000, v0;
	v42 =	vmul.f32 v6, v40;
	v41 =	vadd.f32 v7, v5  }
0x32: {  	v3 =	vld [tilespmem:s0+$0xFFFFFFA0];
	v45 =	vbroadcast v43, $0x0  }
0x33: {  	v46 =	vld [tilespmem:s0+$0xFFFFFFB0];
	v1 =	vmul.f32 v2, v1;
	v44 =	vmul.f32 v11, v11;
	v4 =	vadd.f32 v41, v42  }
0x34: {  	v48 =	vbroadcast v43, $0x1  }
0x35: {  	v49 =	vld [tilespmem:s0+$0xFFFFFFC0];
	v2 =	vmul.f32 v39, v39;
	v47 =	vmul.f32 v45, v44;
	v1 =	vadd.f32 v4, v1  }
0x36: {  	v50 =	vbroadcast v43, $0x2  }
0x37: {  	v51 =	vld [tilespmem:s0+$0xFFFFFFD0];
	v3 =	vmul.f32 v3, v3;
	v2 =	vmul.f32 v48, v2;
	v1 =	vadd.f32 v47, v1  }
0x38: {  	v52 =	vmul.f32 v46, v46  }
0x39: {  	v53 =	vld [tilespmem:s0+$0xFFFFFFE0];
	v1 =	vadd.f32 v1, v2;
	v2 =	vmul.f32 v3, v50;
	v3 =	vbroadcast v43, $0x3  }
0x3a: {  	v8 =	vmul.f32 v49, v49  }
0x3b: {  	v54 =	vld [tilespmem:s0+$0xFFFFFFF0];
	v1 =	vadd.f32 v1, v2;
	v2 =	vmul.f32 v52, v3;
	v3 =	vbroadcast v43, $0x4  }
0x3c: {  	v5 =	vmul.f32 v51, v51  }
0x3d: {  	v55 =	vld [tilespmem:s0+$0x0];
	v1 =	vadd.f32 v1, v2;
	v2 =	vmul.f32 v8, v3;
	v3 =	vbroadcast v43, $0x5  }
0x3e: {  	v4 =	vmul.f32 v53, v53  }
0x3f: {  	v56 =	vld [tilespmem:s0+$0x10];
	v1 =	vadd.f32 v1, v2;
	v2 =	vmul.f32 v5, v3;
	v3 =	vbroadcast v43, $0x6  }
0x40: {  	v7 =	vmul.f32 v54, v54  }
0x41: {  	v57 =	vld [tilespmem:s0+$0x20];
	v1 =	vadd.f32 v1, v2;
	v2 =	vmul.f32 v4, v3;
	v3 =	vbroadcast v43, $0x7  }
0x42: {  	v8 =	vmul.f32 v55, v55  }
0x43: {  	v58 =	vld [tilespmem:s0+$0x30];
	v1 =	vadd.f32 v1, v2;
	v2 =	vmul.f32 v7, v3;
	v3 =	vbroadcast v43, $0x8  }
0x44: {  	v5 =	vmul.f32 v56, v56  }
0x45: {  	v59 =	vld [tilespmem:s0+$0x40];
	v1 =	vadd.f32 v1, v2;
	v2 =	vmul.f32 v8, v3;
	v3 =	vbroadcast v43, $0x9  }
0x46: {  	v4 =	vmul.f32 v57, v57  }
0x47: {  	v60 =	vld [tilespmem:s0+$0x50];
	v1 =	vadd.f32 v1, v2;
	v2 =	vmul.f32 v5, v3;
	v3 =	vbroadcast v43, $0xA  }
0x48: {  	v7 =	vmul.f32 v58, v58  }
0x49: {  	v61 =	vld [tilespmem:s0+$0x60];
	v1 =	vadd.f32 v1, v2;
	v2 =	vmul.f32 v4, v3;
	v3 =	vbroadcast v43, $0xB  }
0x4a: {  	v8 =	vmul.f32 v59, v59  }
0x4b: {  	v62 =	vld [tilespmem:s0+$0x70];
	v1 =	vadd.f32 v1, v2;
	v2 =	vmul.f32 v7, v3;
	v3 =	vbroadcast v43, $0xC  }
0x4c: {  	v5 =	vmul.f32 v60, v60  }
0x4d: {  	v1 =	vadd.f32 v1, v2;
	v2 =	vmul.f32 v8, v3;
	v3 =	vbroadcast v43, $0xD  }
0x4e: {  	v4 =	vmul.f32 v61, v61  }
0x4f: {  	v1 =	vadd.f32 v1, v2;
	v2 =	vmul.f32 v5, v3;
	v3 =	vbroadcast v43, $0xE  }
0x50: {  	v63 =	vmul.f32 v62, v62  }
0x51: {  	v1 =	vadd.f32 v1, v2;
	v2 =	vmul.f32 v4, v3;
	v3 =	vbroadcast v43, $0xF;
	_ =	sdelay $0x1  }
0x52: {  	v1 =	vadd.f32 v1, v2;
	v2 =	vmul.f32 v63, v3;
	_ =	sdelay $0x1  }
0x53: {  	s0 =	sld [smem:$0x7FB];
	v1 =	vadd.f32 v1, v2  }
.LBB2_10:
0x54: {  	_ = 	snop  }
0x55: {  	(xrf2) =	vadd.scan.msk.f32 $0xffff, v1;
	_ =	sdelay $0x9  }
0x56: {  	v1, _, _ =	vpop (xrf2)  }
0x57: {  	(v2sf) =	vpush v1, $0xF;
	_ =	sdelay $0xe  }
0x58: {  	s2 =	spop (v2sf)  }
0x59: {  	s2 =	smul.f32 $4.999999890e-03, s2;
	_ =	sdelay $0x1  }
0x5a: {  	s2 =	sadd.f32 s2, s25  }
0x5b: {  	s26 =	sld [smem:$0x7FA]  }
0x5c: {  	v1 =	vmov s2  }
0x5d: {  	v1 =	vnsel vm0, $0x0, v1  }
0x5e: {  	s30 =	simm.s32 $0x9200;
	s0 =	sadd.s32 s26, s0;
	[tilespmem:$0x9200] =	vst v1  }
0x5f: {  	[hbm4b:s0+s1] =	stream.linear.scatter [tilespmem:s30], [sflag:$0x2], $0x10, $0x38;
	[tilespmem:$0x9210] =	vst v63  }
0x60: {  	_ =	swait.ge [sflag:s28], $0x10  }
0x61: {  	s31 =	sld [smem:$0x7FC];
	_ =	sdelay $0x1  }
0x62: {  	s29 =	sadd.s32 $0x1, s29  }
0x63: {  	p1 =	sne.s32 s29, s31  }
.Ltmp1:
0x64: {  	_ = 	snop;
	(pc) =	sbr.rel @!p1 .LBB2_11-.Ltmp1, $3  }
0x65: {  	_ =	sdelay $0x1  }
0x66: {  	[sflag:s28] =	ssyncset.done $0x0  }
0x67: {  	[sflag:s28] =	ssyncadd.s32 $0xFFFFFFF0  }
.LBB2_1:
0x68: {  	s0 =	rddreg [dreg:$0x5]  }
0x69: {  	[tilespmem:s1], [sflag:$0x2] =	stream.linear.gather [hbm4b:s0+s1], $0x80, $0x38;
	[tilespmem:$0x9210] =	vst v63  }
0x6a: {  	_ =	swait.ge [sflag:s28], $0x80  }
0x6b: {  	[sflag:s28] =	ssyncset.done $0x0  }
0x6c: {  	s4 =	simm.s32 $0x200;
	s6 =	rddreg [dreg:$0x6];
	[sflag:s28] =	ssyncadd.s32 $0xFFFFFF80  }
0x6d: {  	[tilespmem:s4], [sflag:$0x2] =	stream.linear.gather [hbm4b:s6+s1], $0x80, $0x38;
	[tilespmem:$0x9210] =	vst v63  }
0x6e: {  	_ =	swait.ge [sflag:s28], $0x80  }
0x6f: {  	[sflag:s28] =	ssyncset.done $0x0  }
0x70: {  	s7 =	rddreg [dreg:$0x7];
	[sflag:s28] =	ssyncadd.s32 $0xFFFFFF80  }
0x71: {  	[tilespmem:s11], [sflag:$0x2] =	stream.linear.gather [hbm4b:s7+s1], $0x80, $0x38;
	[tilespmem:$0x9210] =	vst v63  }
0x72: {  	_ =	swait.ge [sflag:s28], $0x80  }
0x73: {  	[sflag:s28] =	ssyncset.done $0x0  }
0x74: {  	s5 =	simm.s32 $0x280;
	s8 =	rddreg [dreg:$0x8];
	[sflag:s28] =	ssyncadd.s32 $0xFFFFFF80  }
0x75: {  	[tilespmem:s5], [sflag:$0x2] =	stream.linear.gather [hbm4b:s8+s1], $0x80, $0x38;
	[tilespmem:$0x9210] =	vst v63  }
0x76: {  	_ =	swait.ge [sflag:s28], $0x80  }
0x77: {  	[sflag:s28] =	ssyncset.done $0x0  }
0x78: {  	s6 =	simm.s32 $0x100;
	s9 =	rddreg [dreg:$0x9];
	[sflag:s28] =	ssyncadd.s32 $0xFFFFFF80  }
0x79: {  	[tilespmem:s6], [sflag:$0x2] =	stream.linear.gather [hbm4b:s9+s1], $0x80, $0x38;
	[tilespmem:$0x9210] =	vst v63  }
0x7a: {  	_ =	swait.ge [sflag:s28], $0x80  }
0x7b: {  	[sflag:s28] =	ssyncset.done $0x0  }
0x7c: {  	s7 =	simm.s32 $0x300;
	s10 =	rddreg [dreg:$0xa];
	[sflag:s28] =	ssyncadd.s32 $0xFFFFFF80  }
0x7d: {  	[tilespmem:s7], [sflag:$0x2] =	stream.linear.gather [hbm4b:s10+s1], $0x80, $0x38;
	[tilespmem:$0x9210] =	vst v63  }
0x7e: {  	_ =	swait.ge [sflag:s28], $0x80  }
0x7f: {  	[sflag:s28] =	ssyncset.done $0x0  }
0x80: {  	s8 =	simm.s32 $0x180;
	s16 =	rddreg [dreg:$0xb];
	[sflag:s28] =	ssyncadd.s32 $0xFFFFFF80  }
0x81: {  	[tilespmem:s8], [sflag:$0x2] =	stream.linear.gather [hbm4b:s16+s1], $0x80, $0x38;
	[tilespmem:$0x9210] =	vst v63  }
0x82: {  	_ =	swait.ge [sflag:s28], $0x80  }
0x83: {  	[sflag:s28] =	ssyncset.done $0x0  }
0x84: {  	s9 =	simm.s32 $0x380;
	s19 =	rddreg [dreg:$0xc];
	[sflag:s28] =	ssyncadd.s32 $0xFFFFFF80  }
0x85: {  	[tilespmem:s9], [sflag:$0x2] =	stream.linear.gather [hbm4b:s19+s1], $0x80, $0x38;
	[tilespmem:$0x9210] =	vst v63  }
0x86: {  	_ =	swait.ge [sflag:s28], $0x80  }
0x87: {  	[sflag:s28] =	ssyncset.done $0x0  }
0x88: {  	s2 =	simm.s32 $0x4400;
	s20 =	rddreg [dreg:$0xd];
	[sflag:s28] =	ssyncadd.s32 $0xFFFFFF80  }
0x89: {  	[tilespmem:s2], [sflag:$0x2] =	stream.linear.gather [hbm4b:s20+s1], $0x200, $0x38;
	[tilespmem:$0x9210] =	vst v63  }
0x8a: {  	_ =	swait.ge [sflag:s28], $0x200  }
0x8b: {  	[sflag:s28] =	ssyncset.done $0x0  }
0x8c: {  	s22 =	simm.s32 $0x400;
	[sflag:s28] =	ssyncadd.s32 $0xFFFFFE00  }
0x8d: {  	[tilespmem:s22], [sflag:$0x1] =	stream.indirect.gather [hbm4b:s14+s11], $0x10, s1, s11, $0xb8;
	[tilespmem:$0x9210] =	vst v63  }
0x8e: {  	s23 =	simm.s32 $0x2400  }
0x8f: {  	[tilespmem:s23], [sflag:$0x1] =	stream.indirect.gather [hbm4b:s15+s11], $0x10, s4, s11, $0xb8;
	[tilespmem:$0x9210] =	vst v63  }
0x90: {  	s24 =	simm.s32 $0xC00  }
0x91: {  	[tilespmem:s24], [sflag:$0x1] =	stream.indirect.gather [hbm4b:s14+s11], $0x10, s11, s11, $0xb8;
	[tilespmem:$0x9210] =	vst v63  }
0x92: {  	s25 =	simm.s32 $0x2C00  }
0x93: {  	[tilespmem:s25], [sflag:$0x1] =	stream.indirect.gather [hbm4b:s15+s11], $0x10, s5, s11, $0xb8;
	[tilespmem:$0x9210] =	vst v63  }
0x94: {  	s26 =	simm.s32 $0x1400  }
0x95: {  	[tilespmem:s26], [sflag:$0x1] =	stream.indirect.gather [hbm4b:s14+s11], $0x10, s6, s11, $0xb8;
	[tilespmem:$0x9210] =	vst v63  }
0x96: {  	s4 =	simm.s32 $0x3400  }
0x97: {  	[tilespmem:s4], [sflag:$0x1] =	stream.indirect.gather [hbm4b:s15+s11], $0x10, s7, s11, $0xb8;
	[tilespmem:$0x9210] =	vst v63  }
0x98: {  	s5 =	simm.s32 $0x1C00  }
0x99: {  	[tilespmem:s5], [sflag:$0x1] =	stream.indirect.gather [hbm4b:s14+s11], $0x10, s8, s11, $0xb8;
	[tilespmem:$0x9210] =	vst v63  }
0x9a: {  	s6 =	simm.s32 $0x3C00  }
0x9b: {  	[tilespmem:s6], [sflag:$0x1] =	stream.indirect.gather [hbm4b:s15+s11], $0x10, s9, s11, $0xb8;
	[tilespmem:$0x9210] =	vst v63  }
0x9c: {  	_ =	swait.ge [sflag:s3], $0x800  }
0x9d: {  	[sflag:s3] =	ssyncset.done $0x0  }
0x9e: {  	[sflag:s3] =	ssyncadd.s32 $0xFFFFF800  }
0x9f: {  	_ =	swait.ge [sflag:s3], $0x800  }
0xa0: {  	[sflag:s3] =	ssyncset.done $0x0  }
0xa1: {  	[sflag:s3] =	ssyncadd.s32 $0xFFFFF800  }
0xa2: {  	_ =	swait.ge [sflag:s3], $0x800  }
0xa3: {  	[sflag:s3] =	ssyncset.done $0x0  }
0xa4: {  	[sflag:s3] =	ssyncadd.s32 $0xFFFFF800  }
0xa5: {  	_ =	swait.ge [sflag:s3], $0x800  }
0xa6: {  	[sflag:s3] =	ssyncset.done $0x0  }
0xa7: {  	[sflag:s3] =	ssyncadd.s32 $0xFFFFF800  }
0xa8: {  	_ =	swait.ge [sflag:s3], $0x800  }
0xa9: {  	[sflag:s3] =	ssyncset.done $0x0  }
0xaa: {  	[sflag:s3] =	ssyncadd.s32 $0xFFFFF800  }
0xab: {  	_ =	swait.ge [sflag:s3], $0x800  }
0xac: {  	[sflag:s3] =	ssyncset.done $0x0  }
0xad: {  	[sflag:s3] =	ssyncadd.s32 $0xFFFFF800  }
0xae: {  	_ =	swait.ge [sflag:s3], $0x800  }
0xaf: {  	[sflag:s3] =	ssyncset.done $0x0  }
0xb0: {  	[sflag:s3] =	ssyncadd.s32 $0xFFFFF800  }
0xb1: {  	_ =	swait.ge [sflag:s3], $0x800  }
0xb2: {  	[sflag:s3] =	ssyncset.done $0x0  }
0xb3: {  	s7 =	simm.s32 $0x0;
	[sflag:s3] =	ssyncadd.s32 $0xFFFFF800  }
0xb4: {  	v1 =	vld [tilespmem:s7+$0x2440]  }
0xb5: {  	v2 =	vld [tilespmem:s7+$0x440]  }
0xb6: {  	v4 =	vld [tilespmem:s7+$0x410]  }
0xb7: {  	v5 =	vld [tilespmem:s7+$0x2410]  }
0xb8: {  	v6 =	vld [tilespmem:s7+$0x420]  }
0xb9: {  	v7 =	vld [tilespmem:s7+$0x2420]  }
0xba: {  	v3 =	vld [tilespmem:s7+$0x2430]  }
0xbb: {  	v8 =	vld [tilespmem:s7+$0x430];
	v1 =	vmul.f32 v1, v2;
	_ =	sdelay $0x1  }
0xbc: {  	(xrf2) =	vadd.scan.msk.f32 $0xffff, v1;
	v1 =	vmul.f32 v5, v4  }
0xbd: {  	v2 =	vmul.f32 v7, v6;
	v6 =	vld [tilespmem:s7+$0x2450]  }
0xbe: {  	v5 =	vld [tilespmem:s7+$0x480];
	(xrf2) =	vadd.scan.msk.f32 $0xffff, v1  }
0xbf: {  	v1 =	vmul.f32 v3, v8;
	v3 =	vld [tilespmem:s7+$0x2480]  }
0xc0: {  	v4 =	vld [tilespmem:s7+$0x450];
	(xrf2) =	vadd.scan.msk.f32 $0xffff, v2  }
0xc1: {  	(xrf2) =	vadd.scan.msk.f32 $0xffff, v1;
	_ =	sdelay $0x1  }
0xc2: {  	v2 =	vld [tilespmem:s2+$0x0]  }
0xc3: {  	v1 =	vld [tilespmem:s7+$0x400];
	v3 =	vmul.f32 v3, v5  }
0xc4: {  	v4 =	vmul.f32 v6, v4;
	v5 =	vld [tilespmem:s7+$0x2400]  }
0xc5: {  	v8, _, _ =	vpop (xrf2);
	(xrf2) =	vadd.scan.msk.f32 $0xffff, v3  }
0xc6: {  	v6 =	vld [tilespmem:s7+$0x2460];
	(v2sf) =	vpush v8, $0xF;
	(xrf2) =	vadd.scan.msk.f32 $0xffff, v4  }
0xc7: {  	v3 =	vld [tilespmem:s7+$0x460];
	v8, _, _ =	vpop (xrf2);
	(v2sf) =	vpush v2, $0x4  }
0xc8: {  	(v2sf) =	vpush v8, $0xF  }
0xc9: {  	v1 =	vmul.f32 v5, v1;
	v5, _, _ =	vpop (xrf2);
	(v2sf) =	vpush v2, $0x2  }
0xca: {  	v11, _, _ =	vpop (xrf2);
	(v2sf) =	vpush v2, $0x3  }
0xcb: {  	v9 =	vld [tilespmem:s7+$0x490];
	(xrf2) =	vadd.scan.msk.f32 $0xffff, v1;
	(v2sf) =	vpush v11, $0xF  }
0xcc: {  	v10 =	vld [tilespmem:s7+$0x24A0];
	v3 =	vmul.f32 v6, v3;
	(v2sf) =	vpush v5, $0xF  }
0xcd: {  	v12 =	vld [tilespmem:s7+$0x24C0];
	(v2sf) =	vpush v2, $0xB  }
0xce: {  	v15 =	vld [tilespmem:s7+$0x470];
	(v2sf) =	vpush v2, $0xA  }
0xcf: {  	v1 =	vld [tilespmem:s7+$0x2470];
	v14, _, _ =	vpop (xrf2);
	(v2sf) =	vpush v2, $0x5  }
0xd0: {  	v13 =	vld [tilespmem:s7+$0x4D0];
	(xrf2) =	vadd.scan.msk.f32 $0xffff, v3;
	(v2sf) =	vpush v2, $0x1;
	v3, _, _ =	vpop (xrf2)  }
0xd1: {  	v4 =	vld [tilespmem:s7+$0x2490];
	(v2sf) =	vpush v3, $0xF  }
0xd2: {  	v16 =	vld [tilespmem:s7+$0x24D0];
	(v2sf) =	vpush v2, $0x9  }
0xd3: {  	v17 =	vld [tilespmem:s7+$0x4E0];
	(v2sf) =	vpush v2, $0x7  }
0xd4: {  	v8 =	vld [tilespmem:s7+$0x4A0];
	v15 =	vmul.f32 v1, v15;
	(v2sf) =	vpush v2, $0x8  }
0xd5: {  	v7 =	vld [tilespmem:s7+$0x24E0];
	v3, _, _ =	vpop (xrf2);
	(v2sf) =	vpush v2, $0x0  }
0xd6: {  	v6 =	vld [tilespmem:s7+$0x4B0];
	(xrf2) =	vadd.scan.msk.f32 $0xffff, v15;
	s8 =	spop (v2sf);
	(v2sf) =	vpush v3, $0xF;
	v3 =	vmul.f32 v4, v9  }
0xd7: {  	v11 =	vld [tilespmem:s7+$0x24B0]  }
0xd8: {  	v5 =	vld [tilespmem:s7+$0x4C0];
	(xrf2) =	vadd.scan.msk.f32 $0xffff, v3  }
0xd9: {  	v18 =	vld [tilespmem:s7+$0x4F0];
	v8 =	vmul.f32 v10, v8  }
0xda: {  	s25 =	simm.s32 $0x100;
	v19 =	vld [tilespmem:s7+$0x24F0];
	s20 =	spop (v2sf)  }
0xdb: {  	v60 =	vld [tilespmem:s25+$0x420];
	v4, _, _ =	vpop (xrf2);
	s4 =	spop (v2sf);
	(v2sf) =	vpush v2, $0x6;
	(xrf2) =	vadd.scan.msk.f32 $0xffff, v8  }
0xdc: {  	v20 =	vld [tilespmem:s25+$0x2420];
	s23 =	spop (v2sf);
	(v2sf) =	vpush v4, $0xF;
	v4 =	vmul.f32 v11, v6;
	v6 =	vmul.f32 v7, v17  }
0xdd: {  	v21 =	vld [tilespmem:s25+$0x410];
	v5 =	vmul.f32 v12, v5  }
0xde: {  	v22 =	vld [tilespmem:s25+$0x2410];
	s9 =	spop (v2sf);
	(xrf2) =	vadd.scan.msk.f32 $0xffff, v4  }
0xdf: {  	v10 =	vld [tilespmem:s25+$0x440];
	s16 =	spop (v2sf);
	(v2sf) =	vpush v14, $0xF;
	(xrf2) =	vadd.scan.msk.f32 $0xffff, v5  }
0xe0: {  	v1 =	vld [tilespmem:s25+$0x24E0];
	s10 =	spop (v2sf);
	(xrf2) =	vadd.scan.msk.f32 $0xffff, v6;
	v6, _, _ =	vpop (xrf2)  }
0xe1: {  	v15 =	vld [tilespmem:s25+$0x460];
	s26 =	spop (v2sf);
	(v2sf) =	vpush v6, $0xF  }
0xe2: {  	v12 =	vld [tilespmem:s25+$0x430];
	s7 =	spop (v2sf);
	v7, _, _ =	vpop (xrf2)  }
0xe3: {  	v9 =	vld [tilespmem:s25+$0x2460];
	s19 =	spop (v2sf);
	(v2sf) =	vpush v7, $0xF  }
0xe4: {  	v3 =	vld [tilespmem:s25+$0x2490];
	s22 =	spop (v2sf)  }
0xe5: {  	v13 =	vmul.f32 v16, v13;
	s5 =	ssub.f32 s8, s20;
	v4 =	vld [tilespmem:s25+$0x2440];
	s20 =	spop (v2sf);
	v7, _, _ =	vpop (xrf2)  }
0xe6: {  	v8 =	vld [tilespmem:s25+$0x450];
	s24 =	ssub.f32 s16, s9;
	s16 =	spop (v2sf);
	(v2sf) =	vpush v7, $0xF  }
0xe7: {  	v14 =	vld [tilespmem:s25+$0x2450];
	s8 =	ssub.f32 s10, s23;
	s9 =	spop (v2sf);
	(xrf2) =	vadd.scan.msk.f32 $0xffff, v13  }
0xe8: {  	v61 =	vmul.f32 v19, v18;
	v5 =	vld [tilespmem:s25+$0x2430];
	s4 =	ssub.f32 s4, s22;
	s23 =	spop (v2sf)  }
0xe9: {  	v6 =	vld [tilespmem:s25+$0x400];
	s19 =	ssub.f32 s20, s19;
	s6 =	spop (v2sf);
	v11, _, _ =	vpop (xrf2)  }
0xea: {  	v4 =	vmul.f32 v4, v10;
	v10 =	vld [tilespmem:s25+$0x490];
	s22 =	smul.f32 s4, s4;
	(xrf2) =	vadd.scan.msk.f32 $0xffff, v61;
	s10 =	spop (v2sf);
	(v2sf) =	vpush v11, $0xF  }
0xeb: {  	v13 =	vld [tilespmem:s25+$0x2480];
	v62, _, _ =	vpop (xrf2);
	s4 =	ssub.f32 s10, s6;
	s20 =	spop (v2sf)  }
0xec: {  	s30 =	simm.f32 $0.0e+00;
	s0 =	smul.f32 s24, s24;
	v8 =	vmul.f32 v14, v8;
	v7 =	vld [tilespmem:s25+$0x2400];
	(v2sf) =	vpush v62, $0xF;
	s24 =	spop (v2sf)  }
0xed: {  	s31 =	simm.s32 $0x4410;
	v14 =	vmul.f32 v22, v21;
	v5 =	vmul.f32 v5, v12;
	(xrf2) =	vadd.scan.msk.f32 $0xffff, v4;
	v11 =	vld [tilespmem:s25+$0x480];
	v63, _, _ =	vpop (xrf2);
	(v2sf) =	vpush v2, $0xC;
	s6 =	smul.f32 s4, s4;
	s4 =	ssub.f32 s24, s20  }
0xee: {  	s2 =	simm.s32 $0x800;
	v12 =	vmul.f32 v20, v60;
	v4 =	vmul.f32 v9, v15;
	v9 =	vld [tilespmem:s25+$0x4A0];
	s24 =	smul.f32 s8, s8;
	s8 =	spop (v2sf);
	(v2sf) =	vpush v63, $0xF  }
.LBB2_2:
0xef: {  	s6 =	sadd.f32 s6, s30  }
0xf0: {  	v15 =	vld [tilespmem:s25+$0x24A0];
	(xrf2) =	vadd.scan.msk.f32 $0xffff, v14;
	s20 =	spop (v2sf);
	(v2sf) =	vpush v2, $0xF;
	s30 =	smov.u32 s2;
	s10 =	sadd.s32 $0x400, s2  }
0xf1: {  	p1 =	sne.s32 s2, $0x7C00;
	s4 =	smul.f32 s4, s4;
	s2 =	ssub.f32 s8, s23;
	v14 =	vld [tilespmem:s25+$0x4B0];
	v16, _, _ =	vpop (xrf2);
	(v2sf) =	vpush v2, $0xE  }
0xf2: {  	v11 =	vmul.f32 v13, v11;
	v13 =	vld [tilespmem:s25+$0x24B0];
	s6 =	sadd.f32 s22, s6;
	s8 =	spop (v2sf);
	(v2sf) =	vpush v16, $0xF  }
0xf3: {  	s19 =	smul.f32 s19, s19;
	s20 =	ssub.f32 s20, s9;
	v3 =	vmul.f32 v3, v10;
	v10 =	vld [tilespmem:s25+$0x4C0];
	(xrf2) =	vadd.scan.msk.f32 $0xffff, v12;
	(v2sf) =	vpush v2, $0xD  }
0xf4: {  	s9 =	smul.f32 s2, s2;
	v12 =	vld [tilespmem:s25+$0x24C0];
	s6 =	sadd.f32 s24, s6;
	v2, _, _ =	vpop (xrf2)  }
0xf5: {  	s2 =	ssub.f32 s8, s16;
	v9 =	vmul.f32 v15, v9;
	v15 =	vld [tilespmem:s25+$0x4D0];
	s8 =	spop (v2sf);
	(v2sf) =	vpush v2, $0xF  }
0xf6: {  	s5 =	smul.f32 s5, s5;
	v16 =	vld [tilespmem:s25+$0x24D0];
	(xrf2) =	vadd.scan.msk.f32 $0xffff, v5;
	s0 =	sadd.f32 s0, s6  }
0xf7: {  	s6 =	smul.f32 s20, s20;
	s7 =	ssub.f32 s8, s7;
	v13 =	vmul.f32 v13, v14;
	v14 =	vld [tilespmem:s25+$0x4E0];
	v17, _, _ =	vpop (xrf2)  }
0xf8: {  	s2 =	smul.f32 s2, s2;
	v2 =	vld [tilespmem:s31+$0x0];
	s0 =	sadd.f32 s5, s0  }
0xf9: {  	v6 =	vmul.f32 v7, v6;
	v7 =	vmul.f32 v12, v10;
	v10 =	vld [tilespmem:s25+$0x4F0];
	(xrf2) =	vadd.scan.msk.f32 $0xffff, v11;
	s5 =	spop (v2sf)  }
0xfa: {  	s7 =	smul.f32 s7, s7;
	v11 =	vld [tilespmem:s25+$0x2470];
	v12, _, _ =	vpop (xrf2);
	s0 =	sadd.f32 s19, s0  }
0xfb: {  	s5 =	ssub.f32 s5, s26;
	v18 =	vld [tilespmem:s25+$0x470];
	v5 =	vmul.f32 v16, v15;
	s8 =	spop (v2sf)  }
0xfc: {  	v14 =	vmul.f32 v1, v14;
	v1 =	vld [tilespmem:s25+$0x24F0];
	(v2sf) =	vpush v17, $0xF;
	(xrf2) =	vadd.scan.msk.f32 $0xffff, v8;
	s0 =	sadd.f32 s4, s0;
	s4 =	spop (v2sf)  }
0xfd: {  	s5 =	smul.f32 s5, s5;
	v8, _, _ =	vpop (xrf2);
	(v2sf) =	vpush v2, $0x4;
	s4 =	ssub.f32 s8, s4  }
0xfe: {  	(v2sf) =	vpush v12, $0xF;
	s0 =	sadd.f32 s6, s0;
	s6 =	spop (v2sf)  }
0xff: {  	(xrf2) =	vadd.scan.msk.f32 $0xffff, v6;
	(v2sf) =	vpush v2, $0x2;
	s4 =	smul.f32 s4, s4;
	s8 =	spop (v2sf)  }
0x100: {  	v6 =	vmul.f32 v11, v18;
	v11, _, _ =	vpop (xrf2);
	(v2sf) =	vpush v2, $0x3;
	s0 =	sadd.f32 s9, s0;
	s9 =	spop (v2sf)  }
0x101: {  	v10 =	vmul.f32 v1, v10;
	(v2sf) =	vpush v11, $0xF;
	s6 =	ssub.f32 s6, s9;
	s9 =	spop (v2sf)  }
0x102: {  	(v2sf) =	vpush v8, $0xF;
	(xrf2) =	vadd.scan.msk.f32 $0xffff, v4;
	s0 =	sadd.f32 s2, s0;
	s2 =	spop (v2sf)  }
0x103: {  	v4, _, _ =	vpop (xrf2);
	(v2sf) =	vpush v2, $0xB;
	s2 =	ssub.f32 s9, s2;
	s6 =	smul.f32 s6, s6  }
0x104: {  	(v2sf) =	vpush v2, $0xA;
	s0 =	sadd.f32 s7, s0;
	s7 =	spop (v2sf)  }
0x105: {  	(v2sf) =	vpush v2, $0x5;
	(xrf2) =	vadd.scan.msk.f32 $0xffff, v6;
	s7 =	ssub.f32 s7, s8  }
0x106: {  	(v2sf) =	vpush v2, $0x1;
	v1, _, _ =	vpop (xrf2);
	s0 =	sadd.f32 s5, s0  }
0x107: {  	(v2sf) =	vpush v1, $0xF  }
0x108: {  	s2 =	smul.f32 s2, s2;
	(xrf2) =	vadd.scan.msk.f32 $0xffff, v3;
	(v2sf) =	vpush v2, $0x9;
	s0 =	sadd.f32 s4, s0  }
0x109: {  	v3, _, _ =	vpop (xrf2);
	(v2sf) =	vpush v2, $0x7  }
0x10a: {  	(v2sf) =	vpush v2, $0x8;
	s0 =	sadd.f32 s2, s0  }
0x10b: {  	s25 =	sshra.s32 s30, $0x2;
	s4 =	smul.f32 s7, s7;
	(v2sf) =	vpush v2, $0x0;
	s2 =	spop (v2sf);
	(xrf2) =	vadd.scan.msk.f32 $0xffff, v9  }
0x10c: {  	v1 =	vld [tilespmem:s25+$0x24E0];
	(v2sf) =	vpush v3, $0xF;
	s5 =	spop (v2sf);
	v3, _, _ =	vpop (xrf2);
	s0 =	sadd.f32 s6, s0  }
0x10d: {  	v9 =	vld [tilespmem:s25+$0x2460];
	s5 =	ssub.f32 s2, s5;
	s2 =	spop (v2sf);
	(v2sf) =	vpush v2, $0x6  }
0x10e: {  	v15 =	vld [tilespmem:s25+$0x460];
	s6 =	spop (v2sf);
	(v2sf) =	vpush v3, $0xF;
	(xrf2) =	vadd.scan.msk.f32 $0xffff, v13;
	s30 =	sadd.f32 s4, s0  }
0x10f: {  	v3 =	vld [tilespmem:s25+$0x2490];
	s0 =	spop (v2sf);
	v6, _, _ =	vpop (xrf2)  }
0x110: {  	v8 =	vld [tilespmem:s25+$0x450];
	s4 =	spop (v2sf);
	(v2sf) =	vpush v4, $0xF  }
0x111: {  	v4 =	vld [tilespmem:s25+$0x2440];
	s0 =	ssub.f32 s4, s0;
	s4 =	spop (v2sf);
	(v2sf) =	vpush v6, $0xF;
	(xrf2) =	vadd.scan.msk.f32 $0xffff, v7  }
0x112: {  	v7 =	vld [tilespmem:s25+$0x440];
	s24 =	ssub.f32 s4, s6;
	v6, _, _ =	vpop (xrf2);
	s26 =	spop (v2sf)  }
0x113: {  	v11 =	vld [tilespmem:s25+$0x2430];
	(v2sf) =	vpush v6, $0xF;
	s7 =	spop (v2sf)  }
0x114: {  	v6 =	vld [tilespmem:s25+$0x430];
	s4 =	spop (v2sf);
	(xrf2) =	vadd.scan.msk.f32 $0xffff, v14  }
0x115: {  	v12 =	vld [tilespmem:s25+$0x2450];
	s6 =	spop (v2sf);
	v13, _, _ =	vpop (xrf2)  }
0x116: {  	v14 =	vld [tilespmem:s25+$0x420];
	s2 =	ssub.f32 s2, s6;
	s6 =	spop (v2sf);
	(v2sf) =	vpush v13, $0xF  }
0x117: {  	v13 =	vld [tilespmem:s25+$0x2420];
	s19 =	ssub.f32 s6, s4;
	s16 =	spop (v2sf);
	(xrf2) =	vadd.scan.msk.f32 $0xffff, v5  }
0x118: {  	s31 =	sadd.s32 $0x10, s31;
	v16 =	vld [tilespmem:s25+$0x410];
	s9 =	spop (v2sf);
	v17, _, _ =	vpop (xrf2)  }
0x119: {  	s22 =	smul.f32 s2, s2;
	v18 =	vld [tilespmem:s25+$0x2410];
	v5 =	vmul.f32 v11, v6;
	s23 =	spop (v2sf)  }
0x11a: {  	v4 =	vmul.f32 v4, v7;
	v6 =	vld [tilespmem:s25+$0x400];
	s2 =	spop (v2sf);
	(v2sf) =	vpush v17, $0xF;
	(xrf2) =	vadd.scan.msk.f32 $0xffff, v10  }
.Ltmp2:
0x11b: {  	v8 =	vmul.f32 v12, v8;
	v7 =	vld [tilespmem:s25+$0x2400];
	s4 =	spop (v2sf);
	v10, _, _ =	vpop (xrf2);
	(pc) =	sbr.rel @p1 .LBB2_2-.Ltmp2, $4  }
0x11c: {  	v12 =	vmul.f32 v13, v14;
	v11 =	vld [tilespmem:s25+$0x480];
	s2 =	ssub.f32 s4, s2;
	s4 =	spop (v2sf);
	(v2sf) =	vpush v10, $0xF  }
0x11d: {  	s0 =	smul.f32 s0, s0;
	v13 =	vld [tilespmem:s25+$0x2480];
	(xrf2) =	vadd.scan.msk.f32 $0xffff, v4;
	s8 =	spop (v2sf);
	(v2sf) =	vpush v2, $0xC  }
0x11e: {  	v4 =	vmul.f32 v9, v15;
	v14 =	vmul.f32 v18, v16;
	v10 =	vld [tilespmem:s25+$0x490];
	s6 =	smul.f32 s2, s2;
	s4 =	ssub.f32 s8, s4;
	v15, _, _ =	vpop (xrf2)  }
0x11f: {  	s24 =	smul.f32 s24, s24;
	s2 =	smov.u32 s10;
	v9 =	vld [tilespmem:s25+$0x4A0];
	s8 =	spop (v2sf);
	(v2sf) =	vpush v15, $0xF  }
0x120: {  	(xrf2) =	vadd.scan.msk.f32 $0xffff, v14;
	_ =	sdelay $0x1  }
0x121: {  	(xrf2) =	vadd.scan.msk.f32 $0xffff, v12  }
0x122: {  	(xrf2) =	vadd.scan.msk.f32 $0xffff, v5  }
0x123: {  	(v2sf) =	vpush v2, $0xF  }
0x124: {  	v50 =	vld [tilespmem:s31+$0x0];
	v49, _, _ =	vpop (xrf2);
	(v2sf) =	vpush v2, $0xE  }
0x125: {  	v11 =	vmul.f32 v13, v11;
	(v2sf) =	vpush v49, $0xF  }
0x126: {  	s2 =	sadd.f32 s6, s30;
	s20 =	spop (v2sf);
	(v2sf) =	vpush v2, $0xD;
	v2, _, _ =	vpop (xrf2)  }
0x127: {  	s10 =	smul.f32 s4, s4;
	s23 =	ssub.f32 s8, s23;
	(xrf2) =	vadd.scan.msk.f32 $0xffff, v11;
	(v2sf) =	vpush v2, $0xF;
	v2, _, _ =	vpop (xrf2)  }
0x128: {  	s2 =	sadd.f32 s22, s2;
	s30 =	spop (v2sf);
	(xrf2) =	vadd.scan.msk.f32 $0xffff, v8;
	(v2sf) =	vpush v2, $0xF  }
0x129: {  	s19 =	smul.f32 s19, s19;
	s6 =	ssub.f32 s20, s9;
	(v2sf) =	vpush v50, $0x4;
	v2, _, _ =	vpop (xrf2)  }
0x12a: {  	s9 =	smul.f32 s23, s23;
	s2 =	sadd.f32 s24, s2;
	(v2sf) =	vpush v2, $0xF  }
0x12b: {  	s31 =	ssub.f32 s30, s16;
	s22 =	spop (v2sf);
	v2 =	vmul.f32 v7, v6;
	v51, _, _ =	vpop (xrf2);
	(v2sf) =	vpush v50, $0x2  }
0x12c: {  	s23 =	smul.f32 s5, s5;
	s0 =	sadd.f32 s0, s2;
	v52, _, _ =	vpop (xrf2);
	(v2sf) =	vpush v50, $0x3  }
0x12d: {  	s24 =	smul.f32 s6, s6;
	s16 =	ssub.f32 s22, s7;
	(xrf2) =	vadd.scan.msk.f32 $0xffff, v2;
	(v2sf) =	vpush v52, $0xF  }
0x12e: {  	v53 =	vld [tilespmem:s25+$0x470];
	s7 =	smul.f32 s31, s31;
	s20 =	spop (v2sf);
	(v2sf) =	vpush v51, $0xF  }
0x12f: {  	s0 =	sadd.f32 s23, s0;
	s22 =	spop (v2sf);
	v2 =	vld [tilespmem:s25+$0x2470];
	(v2sf) =	vpush v50, $0xB  }
0x130: {  	s6 =	smul.f32 s16, s16;
	s30 =	spop (v2sf);
	(v2sf) =	vpush v50, $0xA  }
0x131: {  	s0 =	sadd.f32 s19, s0;
	s31 =	spop (v2sf);
	v54, _, _ =	vpop (xrf2);
	(v2sf) =	vpush v50, $0x5  }
0x132: {  	s2 =	ssub.f32 s20, s26;
	s4 =	spop (v2sf);
	v8, _, _ =	vpop (xrf2);
	(v2sf) =	vpush v50, $0x1  }
0x133: {  	s0 =	sadd.f32 s10, s0;
	(xrf2) =	vadd.scan.msk.f32 $0xffff, v4;
	s23 =	spop (v2sf);
	(v2sf) =	vpush v8, $0xF  }
0x134: {  	s2 =	smul.f32 s2, s2;
	s20 =	spop (v2sf);
	v2 =	vmul.f32 v2, v53;
	(v2sf) =	vpush v50, $0x9  }
0x135: {  	v55 =	vld [tilespmem:s25+$0x24A0];
	s0 =	sadd.f32 s24, s0;
	s24 =	spop (v2sf);
	(v2sf) =	vpush v50, $0x7  }
0x136: {  	v56 =	vld [tilespmem:s25+$0x4B0];
	s8 =	ssub.f32 s22, s30;
	s26 =	spop (v2sf);
	(xrf2) =	vadd.scan.msk.f32 $0xffff, v2;
	(v2sf) =	vpush v50, $0x8  }
0x137: {  	s0 =	sadd.f32 s9, s0;
	v2 =	vld [tilespmem:s25+$0x24B0];
	v57, _, _ =	vpop (xrf2);
	s22 =	spop (v2sf);
	(v2sf) =	vpush v50, $0x0  }
0x138: {  	v58 =	vld [tilespmem:s25+$0x4C0];
	v3 =	vmul.f32 v3, v10;
	s8 =	smul.f32 s8, s8;
	s30 =	spop (v2sf);
	(v2sf) =	vpush v57, $0xF  }
0x139: {  	v59 =	vld [tilespmem:s25+$0x24C0];
	s0 =	sadd.f32 s7, s0;
	s7 =	spop (v2sf)  }
0x13a: {  	s10 =	ssub.f32 s31, s23;
	(xrf2) =	vadd.scan.msk.f32 $0xffff, v3;
	v3 =	vmul.f32 v55, v9;
	s19 =	spop (v2sf)  }
0x13b: {  	v60 =	vld [tilespmem:s25+$0x4E0];
	s0 =	sadd.f32 s6, s0;
	s6 =	spop (v2sf)  }
0x13c: {  	v62 =	vld [tilespmem:s25+$0x24D0];
	s5 =	ssub.f32 s20, s24;
	(xrf2) =	vadd.scan.msk.f32 $0xffff, v3;
	v2 =	vmul.f32 v2, v56;
	s31 =	spop (v2sf)  }
0x13d: {  	s2 =	sadd.f32 s2, s0;
	v3 =	vld [tilespmem:s25+$0x4D0];
	v61, _, _ =	vpop (xrf2);
	(v2sf) =	vpush v50, $0x6;
	s23 =	spop (v2sf)  }
0x13e: {  	s10 =	smul.f32 s10, s10;
	v8 =	vmul.f32 v59, v58;
	(v2sf) =	vpush v61, $0xF;
	s0 =	spop (v2sf)  }
0x13f: {  	s8 =	sadd.f32 s8, s2;
	(xrf2) =	vadd.scan.msk.f32 $0xffff, v2;
	s2 =	spop (v2sf)  }
0x140: {  	v1 =	vmul.f32 v1, v60;
	s5 =	smul.f32 s5, s5;
	(xrf2) =	vadd.scan.msk.f32 $0xffff, v8;
	v2, _, _ =	vpop (xrf2);
	(v2sf) =	vpush v54, $0xF;
	s24 =	spop (v2sf)  }
0x141: {  	v63 =	vld [tilespmem:s25+$0x4F0];
	s4 =	ssub.f32 s26, s4;
	(v2sf) =	vpush v2, $0xF;
	s16 =	spop (v2sf)  }
0x142: {  	s5 =	sadd.f32 s5, s8;
	(xrf2) =	vadd.scan.msk.f32 $0xffff, v1;
	v1 =	vmul.f32 v62, v3;
	v2 =	vld [tilespmem:s25+$0x24F0];
	s26 =	spop (v2sf)  }
0x143: {  	s4 =	smul.f32 s4, s4;
	s25 =	spop (v2sf)  }
0x144: {  	s5 =	sadd.f32 s10, s5;
	v3, _, _ =	vpop (xrf2);
	s10 =	spop (v2sf)  }
0x145: {  	s9 =	ssub.f32 s22, s30;
	(xrf2) =	vadd.scan.msk.f32 $0xffff, v1;
	(v2sf) =	vpush v3, $0xF;
	s22 =	spop (v2sf)  }
0x146: {  	s4 =	sadd.f32 s4, s5;
	v1, _, _ =	vpop (xrf2);
	s30 =	spop (v2sf)  }
0x147: {  	s6 =	ssub.f32 s31, s6;
	v2 =	vmul.f32 v2, v63;
	(v2sf) =	vpush v1, $0xF;
	s31 =	spop (v2sf)  }
0x148: {  	s5 =	ssub.f32 s31, s30  }
0x149: {  	s7 =	ssub.f32 s7, s16;
	v1, _, _ =	vpop (xrf2);
	(xrf2) =	vadd.scan.msk.f32 $0xffff, v2  }
0x14a: {  	s23 =	ssub.f32 s23, s19;
	(v2sf) =	vpush v1, $0xF;
	v1, _, _ =	vpop (xrf2);
	s5 =	smul.f32 s5, s5  }
0x14b: {  	s8 =	ssub.f32 s26, s24;
	s7 =	smul.f32 s7, s7;
	(v2sf) =	vpush v1, $0xF  }
0x14c: {  	v1, _, _ =	vpop (xrf2);
	s26 =	spop (v2sf);
	(v2sf) =	vpush v50, $0xC;
	s4 =	sadd.f32 s5, s4  }
0x14d: {  	s16 =	smul.f32 s23, s23;
	s31 =	spop (v2sf);
	(v2sf) =	vpush v1, $0xF  }
0x14e: {  	s30 =	smul.f32 s6, s6;
	(v2sf) =	vpush v50, $0xF;
	s4 =	sadd.f32 s7, s4  }
0x14f: {  	v1, _, _ =	vpop (xrf2);
	s6 =	ssub.f32 s31, s26;
	s19 =	spop (v2sf);
	(v2sf) =	vpush v50, $0xE  }
0x150: {  	s20 =	spop (v2sf);
	(v2sf) =	vpush v1, $0xF;
	s4 =	sadd.f32 s16, s4  }
0x151: {  	s8 =	smul.f32 s8, s8;
	s7 =	ssub.f32 s19, s22;
	(v2sf) =	vpush v50, $0xD  }
0x152: {  	s22 =	smul.f32 s9, s9;
	s4 =	sadd.f32 s30, s4  }
0x153: {  	s6 =	smul.f32 s6, s6;
	s10 =	ssub.f32 s20, s10;
	v1, _, _ =	vpop (xrf2)  }
0x154: {  	s23 =	spop (v2sf);
	(v2sf) =	vpush v1, $0xF;
	s4 =	sadd.f32 s22, s4  }
0x155: {  	s24 =	smul.f32 s7, s7;
	s26 =	ssub.f32 s23, s25  }
0x156: {  	s30 =	spop (v2sf);
	s4 =	sadd.f32 s8, s4  }
0x157: {  	s31 =	smul.f32 s10, s10;
	s2 =	ssub.f32 s30, s2  }
0x158: {  	s7 =	smul.f32 s26, s26;
	s4 =	sadd.f32 s6, s4  }
0x159: {  	s9 =	spop (v2sf);
	s2 =	smul.f32 s2, s2  }
0x15a: {  	s10 =	spop (v2sf);
	s4 =	sadd.f32 s31, s4  }
0x15b: {  	s0 =	ssub.f32 s9, s0;
	s16 =	spop (v2sf)  }
0x15c: {  	s19 =	spop (v2sf);
	s4 =	sadd.f32 s24, s4  }
0x15d: {  	s0 =	smul.f32 s0, s0;
	s20 =	spop (v2sf)  }
0x15e: {  	s22 =	spop (v2sf);
	s4 =	sadd.f32 s7, s4  }
0x15f: {  	s6 =	ssub.f32 s10, s16;
	s23 =	spop (v2sf)  }
0x160: {  	s24 =	spop (v2sf);
	s2 =	sadd.f32 s2, s4  }
0x161: {  	s25 =	ssub.f32 s23, s24  }
0x162: {  	s6 =	smul.f32 s6, s6;
	s0 =	sadd.f32 s0, s2  }
0x163: {  	s26 =	ssub.f32 s19, s22;
	s30 =	spop (v2sf)  }
0x164: {  	s4 =	smul.f32 s25, s25;
	s0 =	sadd.f32 s6, s0  }
0x165: {  	s5 =	ssub.f32 s30, s20;
	s2 =	smul.f32 s26, s26  }
.Ltmp3:
0x166: {  	s0 =	sadd.f32 s4, s0;
	(pc) =	sbr.rel @!p0 .LBB2_4-.Ltmp3, $4  }
0x167: {  	_ = 	snop  }
0x168: {  	s31 =	smul.f32 s5, s5;
	s0 =	sadd.f32 s2, s0  }
0x169: {  	_ = 	snop  }
0x16a: {  	s25 =	sadd.f32 s31, s0;
	s0 =	simm.s32 $0x0  }
0x16b: {  	s2 =	rddreg [dreg:$0x1e];
	s4 =	simm.s32 $0x4600  }
0x16c: {  	[tilespmem:s4], [sflag:$0x2] =	stream.linear.gather [hbm4b:s2+s0], $0x80, $0x38;
	[tilespmem:$0x9210] =	vst v63  }
0x16d: {  	_ =	swait.ge [sflag:s28], $0x80  }
0x16e: {  	[sflag:s28] =	ssyncset.done $0x0  }
0x16f: {  	s5 =	simm.s32 $0x4A00;
	s9 =	rddreg [dreg:$0x16];
	[sflag:s28] =	ssyncadd.s32 $0xFFFFFF80  }
0x170: {  	[tilespmem:s5], [sflag:$0x2] =	stream.linear.gather [hbm4b:s9+s0], $0x80, $0x38;
	[tilespmem:$0x9210] =	vst v63  }
0x171: {  	_ =	swait.ge [sflag:s28], $0x80  }
0x172: {  	[sflag:s28] =	ssyncset.done $0x0  }
0x173: {  	s6 =	simm.s32 $0x4680;
	s10 =	rddreg [dreg:$0x1f];
	[sflag:s28] =	ssyncadd.s32 $0xFFFFFF80  }
0x174: {  	[tilespmem:s6], [sflag:$0x2] =	stream.linear.gather [hbm4b:s10+s0], $0x80, $0x38;
	[tilespmem:$0x9210] =	vst v63  }
0x175: {  	_ =	swait.ge [sflag:s28], $0x80  }
0x176: {  	[sflag:s28] =	ssyncset.done $0x0  }
0x177: {  	s7 =	simm.s32 $0x4A80;
	s16 =	rddreg [dreg:$0x17];
	[sflag:s28] =	ssyncadd.s32 $0xFFFFFF80  }
0x178: {  	[tilespmem:s7], [sflag:$0x2] =	stream.linear.gather [hbm4b:s16+s0], $0x80, $0x38;
	[tilespmem:$0x9210] =	vst v63  }
0x179: {  	_ =	swait.ge [sflag:s28], $0x80  }
0x17a: {  	s19 =	sld [smem:$0x7F4]  }
0x17b: {  	[sflag:s28] =	ssyncset.done $0x0  }
0x17c: {  	s8 =	simm.s32 $0x4700;
	[sflag:s28] =	ssyncadd.s32 $0xFFFFFF80  }
0x17d: {  	[tilespmem:s8], [sflag:$0x2] =	stream.linear.gather [hbm4b:s19+s0], $0x80, $0x38;
	[tilespmem:$0x9210] =	vst v63  }
0x17e: {  	_ =	swait.ge [sflag:s28], $0x80  }
0x17f: {  	[sflag:s28] =	ssyncset.done $0x0  }
0x180: {  	s9 =	simm.s32 $0x4B00;
	s20 =	rddreg [dreg:$0x18];
	[sflag:s28] =	ssyncadd.s32 $0xFFFFFF80  }
0x181: {  	[tilespmem:s9], [sflag:$0x2] =	stream.linear.gather [hbm4b:s20+s0], $0x80, $0x38;
	[tilespmem:$0x9210] =	vst v63  }
0x182: {  	_ =	swait.ge [sflag:s28], $0x80  }
0x183: {  	s22 =	sld [smem:$0x7F5]  }
0x184: {  	[sflag:s28] =	ssyncset.done $0x0  }
0x185: {  	s10 =	simm.s32 $0x4780;
	[sflag:s28] =	ssyncadd.s32 $0xFFFFFF80  }
0x186: {  	[tilespmem:s10], [sflag:$0x2] =	stream.linear.gather [hbm4b:s22+s0], $0x80, $0x38;
	[tilespmem:$0x9210] =	vst v63  }
0x187: {  	_ =	swait.ge [sflag:s28], $0x80  }
0x188: {  	[sflag:s28] =	ssyncset.done $0x0  }
0x189: {  	s16 =	simm.s32 $0x4B80;
	s23 =	rddreg [dreg:$0x19];
	[sflag:s28] =	ssyncadd.s32 $0xFFFFFF80  }
0x18a: {  	[tilespmem:s16], [sflag:$0x2] =	stream.linear.gather [hbm4b:s23+s0], $0x80, $0x38;
	[tilespmem:$0x9210] =	vst v63  }
0x18b: {  	_ =	swait.ge [sflag:s28], $0x80  }
0x18c: {  	s24 =	sld [smem:$0x7F6]  }
0x18d: {  	[sflag:s28] =	ssyncset.done $0x0  }
0x18e: {  	s19 =	simm.s32 $0x4800;
	[sflag:s28] =	ssyncadd.s32 $0xFFFFFF80  }
0x18f: {  	[tilespmem:s19], [sflag:$0x2] =	stream.linear.gather [hbm4b:s24+s0], $0x80, $0x38;
	[tilespmem:$0x9210] =	vst v63  }
0x190: {  	_ =	swait.ge [sflag:s28], $0x80  }
0x191: {  	[sflag:s28] =	ssyncset.done $0x0  }
0x192: {  	s20 =	simm.s32 $0x4C00;
	s26 =	rddreg [dreg:$0x1a];
	[sflag:s28] =	ssyncadd.s32 $0xFFFFFF80  }
0x193: {  	[tilespmem:s20], [sflag:$0x2] =	stream.linear.gather [hbm4b:s26+s0], $0x80, $0x38;
	[tilespmem:$0x9210] =	vst v63  }
0x194: {  	_ =	swait.ge [sflag:s28], $0x80  }
0x195: {  	s30 =	sld [smem:$0x7F7]  }
0x196: {  	[sflag:s28] =	ssyncset.done $0x0  }
0x197: {  	[sflag:s28] =	ssyncadd.s32 $0xFFFFFF80  }
0x198: {  	[tilespmem:s21], [sflag:$0x2] =	stream.linear.gather [hbm4b:s30+s0], $0x80, $0x38;
	[tilespmem:$0x9210] =	vst v63  }
0x199: {  	_ =	swait.ge [sflag:s28], $0x80  }
0x19a: {  	[sflag:s28] =	ssyncset.done $0x0  }
0x19b: {  	s22 =	simm.s32 $0x4C80;
	s31 =	rddreg [dreg:$0x1b];
	[sflag:s28] =	ssyncadd.s32 $0xFFFFFF80  }
0x19c: {  	[tilespmem:s22], [sflag:$0x2] =	stream.linear.gather [hbm4b:s31+s0], $0x80, $0x38;
	[tilespmem:$0x9210] =	vst v63  }
0x19d: {  	_ =	swait.ge [sflag:s28], $0x80  }
0x19e: {  	s23 =	sld [smem:$0x7F8]  }
0x19f: {  	[sflag:s28] =	ssyncset.done $0x0  }
0x1a0: {  	[sflag:s28] =	ssyncadd.s32 $0xFFFFFF80  }
0x1a1: {  	[tilespmem:s12], [sflag:$0x2] =	stream.linear.gather [hbm4b:s23+s0], $0x80, $0x38;
	[tilespmem:$0x9210] =	vst v63  }
0x1a2: {  	_ =	swait.ge [sflag:s28], $0x80  }
0x1a3: {  	[sflag:s28] =	ssyncset.done $0x0  }
0x1a4: {  	s23 =	simm.s32 $0x4D00;
	s24 =	rddreg [dreg:$0x1c];
	[sflag:s28] =	ssyncadd.s32 $0xFFFFFF80  }
0x1a5: {  	[tilespmem:s23], [sflag:$0x2] =	stream.linear.gather [hbm4b:s24+s0], $0x80, $0x38;
	[tilespmem:$0x9210] =	vst v63  }
0x1a6: {  	_ =	swait.ge [sflag:s28], $0x80  }
0x1a7: {  	s26 =	sld [smem:$0x7F9]  }
0x1a8: {  	[sflag:s28] =	ssyncset.done $0x0  }
0x1a9: {  	[sflag:s28] =	ssyncadd.s32 $0xFFFFFF80  }
0x1aa: {  	[tilespmem:s13], [sflag:$0x2] =	stream.linear.gather [hbm4b:s26+s0], $0x80, $0x38;
	[tilespmem:$0x9210] =	vst v63  }
0x1ab: {  	_ =	swait.ge [sflag:s28], $0x80  }
0x1ac: {  	[sflag:s28] =	ssyncset.done $0x0  }
0x1ad: {  	s24 =	simm.s32 $0x4D80;
	s30 =	rddreg [dreg:$0x1d];
	[sflag:s28] =	ssyncadd.s32 $0xFFFFFF80  }
0x1ae: {  	[tilespmem:s24], [sflag:$0x2] =	stream.linear.gather [hbm4b:s30+s0], $0x80, $0x38;
	[tilespmem:$0x9210] =	vst v63  }
0x1af: {  	_ =	swait.ge [sflag:s28], $0x80  }
0x1b0: {  	[sflag:s28] =	ssyncset.done $0x0  }
0x1b1: {  	[sflag:s28] =	ssyncadd.s32 $0xFFFFFF80  }
0x1b2: {  	[hbm4b:s17+s11] =	stream.indirect.scatter [tilespmem:s5], [sflag:$0x1], $0x1, s4, s11, $0xb8;
	[tilespmem:$0x9210] =	vst v63  }
0x1b3: {  	_ = 	snop  }
0x1b4: {  	[hbm4b:s17+s11] =	stream.indirect.scatter [tilespmem:s7], [sflag:$0x1], $0x1, s6, s11, $0xb8;
	[tilespmem:$0x9210] =	vst v63  }
0x1b5: {  	_ = 	snop  }
0x1b6: {  	[hbm4b:s17+s11] =	stream.indirect.scatter [tilespmem:s9], [sflag:$0x1], $0x1, s8, s11, $0xb8;
	[tilespmem:$0x9210] =	vst v63  }
0x1b7: {  	_ = 	snop  }
0x1b8: {  	[hbm4b:s17+s11] =	stream.indirect.scatter [tilespmem:s16], [sflag:$0x1], $0x1, s10, s11, $0xb8;
	[tilespmem:$0x9210] =	vst v63  }
0x1b9: {  	_ = 	snop  }
0x1ba: {  	[hbm4b:s17+s11] =	stream.indirect.scatter [tilespmem:s20], [sflag:$0x1], $0x1, s19, s11, $0xb8;
	[tilespmem:$0x9210] =	vst v63  }
0x1bb: {  	_ = 	snop  }
0x1bc: {  	[hbm4b:s17+s11] =	stream.indirect.scatter [tilespmem:s22], [sflag:$0x1], $0x1, s21, s11, $0xb8;
	[tilespmem:$0x9210] =	vst v63  }
0x1bd: {  	_ = 	snop  }
0x1be: {  	[hbm4b:s17+s11] =	stream.indirect.scatter [tilespmem:s23], [sflag:$0x1], $0x1, s12, s11, $0xb8;
	[tilespmem:$0x9210] =	vst v63  }
0x1bf: {  	_ = 	snop  }
0x1c0: {  	[hbm4b:s17+s11] =	stream.indirect.scatter [tilespmem:s24], [sflag:$0x1], $0x1, s13, s11, $0xb8;
	[tilespmem:$0x9210] =	vst v63  }
0x1c1: {  	_ =	swait.ge [sflag:s3], $0x80  }
0x1c2: {  	[sflag:s3] =	ssyncset.done $0x0  }
0x1c3: {  	[sflag:s3] =	ssyncadd.s32 $0xFFFFFF80  }
0x1c4: {  	_ =	swait.ge [sflag:s3], $0x80  }
0x1c5: {  	[sflag:s3] =	ssyncset.done $0x0  }
0x1c6: {  	[sflag:s3] =	ssyncadd.s32 $0xFFFFFF80  }
0x1c7: {  	_ =	swait.ge [sflag:s3], $0x80  }
0x1c8: {  	[sflag:s3] =	ssyncset.done $0x0  }
0x1c9: {  	[sflag:s3] =	ssyncadd.s32 $0xFFFFFF80  }
0x1ca: {  	_ =	swait.ge [sflag:s3], $0x80  }
0x1cb: {  	[sflag:s3] =	ssyncset.done $0x0  }
0x1cc: {  	[sflag:s3] =	ssyncadd.s32 $0xFFFFFF80  }
0x1cd: {  	_ =	swait.ge [sflag:s3], $0x80  }
0x1ce: {  	[sflag:s3] =	ssyncset.done $0x0  }
0x1cf: {  	[sflag:s3] =	ssyncadd.s32 $0xFFFFFF80  }
0x1d0: {  	_ =	swait.ge [sflag:s3], $0x80  }
0x1d1: {  	[sflag:s3] =	ssyncset.done $0x0  }
0x1d2: {  	[sflag:s3] =	ssyncadd.s32 $0xFFFFFF80  }
0x1d3: {  	_ =	swait.ge [sflag:s3], $0x80  }
0x1d4: {  	[sflag:s3] =	ssyncset.done $0x0  }
0x1d5: {  	[sflag:s3] =	ssyncadd.s32 $0xFFFFFF80  }
0x1d6: {  	_ =	swait.ge [sflag:s3], $0x80  }
0x1d7: {  	[sflag:s3] =	ssyncset.done $0x0  }
0x1d8: {  	[sflag:s3] =	ssyncadd.s32 $0xFFFFFF80  }
0x1d9: {  	s31 =	simm.s32 $0x4E00;
	[bflag:$0x0] =	sbarrier.arrive $0xFFFF  }
0x1da: {  	[tilespmem:s31], [sflag:$0x1] =	stream.indirect.gather [hbm4b:s17+s11], $0x1, s4, s11, $0xb8;
	[tilespmem:$0x9210] =	vst v63  }
0x1db: {  	s2 =	simm.s32 $0x5200  }
0x1dc: {  	[tilespmem:s2], [sflag:$0x1] =	stream.indirect.gather [hbm4b:s14+s11], $0x10, s4, s11, $0xb8;
	[tilespmem:$0x9210] =	vst v63  }
0x1dd: {  	s4 =	simm.s32 $0x4E80  }
0x1de: {  	[tilespmem:s4], [sflag:$0x1] =	stream.indirect.gather [hbm4b:s17+s11], $0x1, s6, s11, $0xb8;
	[tilespmem:$0x9210] =	vst v63  }
0x1df: {  	s5 =	simm.s32 $0x5A00  }
0x1e0: {  	[tilespmem:s5], [sflag:$0x1] =	stream.indirect.gather [hbm4b:s14+s11], $0x10, s6, s11, $0xb8;
	[tilespmem:$0x9210] =	vst v63  }
0x1e1: {  	s6 =	simm.s32 $0x4F00  }
0x1e2: {  	[tilespmem:s6], [sflag:$0x1] =	stream.indirect.gather [hbm4b:s17+s11], $0x1, s8, s11, $0xb8;
	[tilespmem:$0x9210] =	vst v63  }
0x1e3: {  	s7 =	simm.s32 $0x6200  }
0x1e4: {  	[tilespmem:s7], [sflag:$0x1] =	stream.indirect.gather [hbm4b:s14+s11], $0x10, s8, s11, $0xb8;
	[tilespmem:$0x9210] =	vst v63  }
0x1e5: {  	s8 =	simm.s32 $0x4F80  }
0x1e6: {  	[tilespmem:s8], [sflag:$0x1] =	stream.indirect.gather [hbm4b:s17+s11], $0x1, s10, s11, $0xb8;
	[tilespmem:$0x9210] =	vst v63  }
0x1e7: {  	s9 =	simm.s32 $0x6A00  }
0x1e8: {  	[tilespmem:s9], [sflag:$0x1] =	stream.indirect.gather [hbm4b:s14+s11], $0x10, s10, s11, $0xb8;
	[tilespmem:$0x9210] =	vst v63  }
0x1e9: {  	s10 =	simm.s32 $0x5000  }
0x1ea: {  	[tilespmem:s10], [sflag:$0x1] =	stream.indirect.gather [hbm4b:s17+s11], $0x1, s19, s11, $0xb8;
	[tilespmem:$0x9210] =	vst v63  }
0x1eb: {  	s16 =	simm.s32 $0x7200  }
0x1ec: {  	[tilespmem:s16], [sflag:$0x1] =	stream.indirect.gather [hbm4b:s14+s11], $0x10, s19, s11, $0xb8;
	[tilespmem:$0x9210] =	vst v63  }
0x1ed: {  	s19 =	simm.s32 $0x5080  }
0x1ee: {  	[tilespmem:s19], [sflag:$0x1] =	stream.indirect.gather [hbm4b:s17+s11], $0x1, s21, s11, $0xb8;
	[tilespmem:$0x9210] =	vst v63  }
0x1ef: {  	s20 =	simm.s32 $0x7A00  }
0x1f0: {  	[tilespmem:s20], [sflag:$0x1] =	stream.indirect.gather [hbm4b:s14+s11], $0x10, s21, s11, $0xb8;
	[tilespmem:$0x9210] =	vst v63  }
0x1f1: {  	s22 =	simm.s32 $0x5100  }
0x1f2: {  	[tilespmem:s22], [sflag:$0x1] =	stream.indirect.gather [hbm4b:s17+s11], $0x1, s12, s11, $0xb8;
	[tilespmem:$0x9210] =	vst v63  }
0x1f3: {  	s23 =	simm.s32 $0x8200  }
0x1f4: {  	[tilespmem:s23], [sflag:$0x1] =	stream.indirect.gather [hbm4b:s14+s11], $0x10, s12, s11, $0xb8;
	[tilespmem:$0x9210] =	vst v63  }
0x1f5: {  	s24 =	simm.s32 $0x5180  }
0x1f6: {  	[tilespmem:s24], [sflag:$0x1] =	stream.indirect.gather [hbm4b:s17+s11], $0x1, s13, s11, $0xb8;
	[tilespmem:$0x9210] =	vst v63  }
0x1f7: {  	s26 =	simm.s32 $0x8A00  }
0x1f8: {  	[tilespmem:s26], [sflag:$0x1] =	stream.indirect.gather [hbm4b:s14+s11], $0x10, s13, s11, $0xb8;
	[tilespmem:$0x9210] =	vst v63  }
0x1f9: {  	_ =	swait.ge [sflag:s3], $0x80  }
0x1fa: {  	[sflag:s3] =	ssyncset.done $0x0  }
0x1fb: {  	[sflag:s3] =	ssyncadd.s32 $0xFFFFFF80  }
0x1fc: {  	_ =	swait.ge [sflag:s3], $0x800  }
0x1fd: {  	[sflag:s3] =	ssyncset.done $0x0  }
0x1fe: {  	[sflag:s3] =	ssyncadd.s32 $0xFFFFF800  }
0x1ff: {  	_ =	swait.ge [sflag:s3], $0x80  }
0x200: {  	[sflag:s3] =	ssyncset.done $0x0  }
0x201: {  	[sflag:s3] =	ssyncadd.s32 $0xFFFFFF80  }
0x202: {  	_ =	swait.ge [sflag:s3], $0x800  }
0x203: {  	[sflag:s3] =	ssyncset.done $0x0  }
0x204: {  	[sflag:s3] =	ssyncadd.s32 $0xFFFFF800  }
0x205: {  	_ =	swait.ge [sflag:s3], $0x80  }
0x206: {  	[sflag:s3] =	ssyncset.done $0x0  }
0x207: {  	[sflag:s3] =	ssyncadd.s32 $0xFFFFFF80  }
0x208: {  	_ =	swait.ge [sflag:s3], $0x800  }
0x209: {  	[sflag:s3] =	ssyncset.done $0x0  }
0x20a: {  	[sflag:s3] =	ssyncadd.s32 $0xFFFFF800  }
0x20b: {  	_ =	swait.ge [sflag:s3], $0x80  }
0x20c: {  	[sflag:s3] =	ssyncset.done $0x0  }
0x20d: {  	[sflag:s3] =	ssyncadd.s32 $0xFFFFFF80  }
0x20e: {  	_ =	swait.ge [sflag:s3], $0x800  }
0x20f: {  	[sflag:s3] =	ssyncset.done $0x0  }
0x210: {  	[sflag:s3] =	ssyncadd.s32 $0xFFFFF800  }
0x211: {  	_ =	swait.ge [sflag:s3], $0x80  }
0x212: {  	[sflag:s3] =	ssyncset.done $0x0  }
0x213: {  	[sflag:s3] =	ssyncadd.s32 $0xFFFFFF80  }
0x214: {  	_ =	swait.ge [sflag:s3], $0x800  }
0x215: {  	[sflag:s3] =	ssyncset.done $0x0  }
0x216: {  	[sflag:s3] =	ssyncadd.s32 $0xFFFFF800  }
0x217: {  	_ =	swait.ge [sflag:s3], $0x80  }
0x218: {  	[sflag:s3] =	ssyncset.done $0x0  }
0x219: {  	[sflag:s3] =	ssyncadd.s32 $0xFFFFFF80  }
0x21a: {  	_ =	swait.ge [sflag:s3], $0x800  }
0x21b: {  	[sflag:s3] =	ssyncset.done $0x0  }
0x21c: {  	[sflag:s3] =	ssyncadd.s32 $0xFFFFF800  }
0x21d: {  	_ =	swait.ge [sflag:s3], $0x80  }
0x21e: {  	[sflag:s3] =	ssyncset.done $0x0  }
0x21f: {  	[sflag:s3] =	ssyncadd.s32 $0xFFFFFF80  }
0x220: {  	_ =	swait.ge [sflag:s3], $0x800  }
0x221: {  	[sflag:s3] =	ssyncset.done $0x0  }
0x222: {  	[sflag:s3] =	ssyncadd.s32 $0xFFFFF800  }
0x223: {  	_ =	swait.ge [sflag:s3], $0x80  }
0x224: {  	[sflag:s3] =	ssyncset.done $0x0  }
0x225: {  	[sflag:s3] =	ssyncadd.s32 $0xFFFFFF80  }
0x226: {  	_ =	swait.ge [sflag:s3], $0x800  }
0x227: {  	[sflag:s3] =	ssyncset.done $0x0  }
0x228: {  	s30 =	simm.s32 $0x0;
	[sflag:s3] =	ssyncadd.s32 $0xFFFFF800  }
0x229: {  	v1 =	vld [tilespmem:s30+$0x4E00]  }
0x22a: {  	v2 =	vld [tilespmem:s30+$0x4A00]  }
0x22b: {  	s2 =	simm.s32 $0x5280  }
0x22c: {  	v3 =	vld [tilespmem:s2+$0xFFFFFF80]  }
0x22d: {  	v4 =	vld [tilespmem:s2+$0xFFFFFF90];
	_ =	sdelay $0x1  }
0x22e: {  	vm1 =	veq.s32 v1, v2;
	v2 =	vld [tilespmem:s2+$0xFFFFFFA0]  }
0x22f: {  	v1 =	vsel vm1, $0x3F800000, v0  }
0x230: {  	v6 =	vld [tilespmem:s2+$0xFFFFFFB0];
	v3 =	vmul.f32 v3, v3;
	v5 =	vbroadcast v1, $0x0  }
0x231: {  	v4 =	vmul.f32 v4, v4  }
0x232: {  	v7 =	vld [tilespmem:s2+$0xFFFFFFC0];
	v3 =	vmul.f32 v5, v3;
	v5 =	vbroadcast v1, $0x1  }
0x233: {  	v8 =	vimm.f32 $0.0e+00;
	v2 =	vmul.f32 v2, v2  }
0x234: {  	v3 =	vadd.f32 v3, v8;
	v4 =	vmul.f32 v5, v4;
	v5 =	vbroadcast v1, $0x2;
	v8 =	vld [tilespmem:s2+$0xFFFFFFD0]  }
0x235: {  	v6 =	vmul.f32 v6, v6  }
0x236: {  	v3 =	vadd.f32 v3, v4;
	v2 =	vmul.f32 v2, v5;
	v4 =	vbroadcast v1, $0x3;
	v5 =	vld [tilespmem:s2+$0xFFFFFFE0]  }
0x237: {  	v7 =	vmul.f32 v7, v7  }
0x238: {  	v2 =	vadd.f32 v3, v2;
	v3 =	vmul.f32 v6, v4;
	v4 =	vbroadcast v1, $0x4;
	v6 =	vld [tilespmem:s2+$0xFFFFFFF0]  }
0x239: {  	v8 =	vmul.f32 v8, v8  }
0x23a: {  	v2 =	vadd.f32 v2, v3;
	v3 =	vmul.f32 v7, v4;
	v4 =	vbroadcast v1, $0x5;
	v7 =	vld [tilespmem:s2+$0x0]  }
0x23b: {  	v5 =	vmul.f32 v5, v5  }
0x23c: {  	v2 =	vadd.f32 v2, v3;
	v3 =	vmul.f32 v8, v4;
	v4 =	vbroadcast v1, $0x6;
	v8 =	vld [tilespmem:s2+$0x10]  }
0x23d: {  	v6 =	vmul.f32 v6, v6  }
0x23e: {  	v2 =	vadd.f32 v2, v3;
	v3 =	vmul.f32 v5, v4;
	v4 =	vbroadcast v1, $0x7;
	v5 =	vld [tilespmem:s2+$0x20]  }
0x23f: {  	v7 =	vmul.f32 v7, v7  }
0x240: {  	v2 =	vadd.f32 v2, v3;
	v3 =	vmul.f32 v6, v4;
	v4 =	vbroadcast v1, $0x8;
	v6 =	vld [tilespmem:s2+$0x30]  }
0x241: {  	v8 =	vmul.f32 v8, v8  }
0x242: {  	v2 =	vadd.f32 v2, v3;
	v3 =	vmul.f32 v7, v4;
	v4 =	vbroadcast v1, $0x9;
	v7 =	vld [tilespmem:s2+$0x40]  }
0x243: {  	v9 =	vmul.f32 v5, v5  }
0x244: {  	v5 =	vld [tilespmem:s2+$0x50];
	v3 =	vadd.f32 v2, v3;
	v4 =	vmul.f32 v8, v4;
	v8 =	vbroadcast v1, $0xA  }
0x245: {  	v2 =	vld [tilespmem:s2+$0x70];
	v10 =	vmul.f32 v6, v6  }
0x246: {  	s31 =	simm.s32 $0x10;
	v6 =	vld [tilespmem:s2+$0x60];
	v11 =	vadd.f32 v3, v4;
	v8 =	vmul.f32 v9, v8;
	v9 =	vbroadcast v1, $0xB  }
0x247: {  	v3 =	vld [tilespmem:s31+$0x4E00];
	v7 =	vmul.f32 v7, v7  }
0x248: {  	s5 =	simm.s32 $0x80;
	v4 =	vld [tilespmem:s31+$0x4A00];
	v8 =	vadd.f32 v11, v8;
	v9 =	vmul.f32 v10, v9;
	v10 =	vbroadcast v1, $0xC  }
.LBB2_8:
0x249: {  	p1 =	seq.s32 s5, $0xFC0;
	v5 =	vmul.f32 v5, v5;
	s2 =	sadd.s32 $0x100, s2  }
0x24a: {  	v11 =	vld [tilespmem:s2+$0xFFFFFF80];
	v8 =	vadd.f32 v8, v9;
	v7 =	vmul.f32 v7, v10;
	v9 =	vbroadcast v1, $0xD  }
0x24b: {  	v6 =	vmul.f32 v6, v6  }
0x24c: {  	v10 =	vld [tilespmem:s2+$0xFFFFFF90];
	v7 =	vadd.f32 v8, v7;
	v5 =	vmul.f32 v5, v9;
	v8 =	vbroadcast v1, $0xE  }
0x24d: {  	v2 =	vmul.f32 v2, v2;
	vm1 =	veq.s32 v3, v4  }
0x24e: {  	v3 =	vld [tilespmem:s2+$0xFFFFFFA0];
	v4 =	vadd.f32 v7, v5;
	v5 =	vmul.f32 v6, v8;
	v6 =	vbroadcast v1, $0xF  }
0x24f: {  	v1 =	vsel vm1, $0x3F800000, v0;
	v7 =	vmul.f32 v11, v11  }
0x250: {  	v8 =	vbroadcast v1, $0x0;
	v9 =	vld [tilespmem:s2+$0xFFFFFFB0];
	v4 =	vadd.f32 v4, v5;
	v2 =	vmul.f32 v2, v6  }
0x251: {  	v5 =	vmul.f32 v10, v10  }
0x252: {  	v6 =	vmul.f32 v8, v7;
	v7 =	vbroadcast v1, $0x1;
	v8 =	vld [tilespmem:s2+$0xFFFFFFC0];
	v2 =	vadd.f32 v4, v2  }
0x253: {  	v3 =	vmul.f32 v3, v3  }
0x254: {  	v4 =	vmul.f32 v7, v5;
	v5 =	vbroadcast v1, $0x2;
	v2 =	vadd.f32 v6, v2;
	v6 =	vld [tilespmem:s2+$0xFFFFFFD0]  }
0x255: {  	v7 =	vmul.f32 v9, v9  }
0x256: {  	v3 =	vmul.f32 v3, v5;
	v2 =	vadd.f32 v2, v4;
	v4 =	vbroadcast v1, $0x3;
	v5 =	vld [tilespmem:s2+$0xFFFFFFE0]  }
0x257: {  	v8 =	vmul.f32 v8, v8  }
0x258: {  	v2 =	vadd.f32 v2, v3;
	v3 =	vmul.f32 v7, v4;
	v4 =	vbroadcast v1, $0x4;
	v7 =	vld [tilespmem:s2+$0xFFFFFFF0]  }
0x259: {  	v6 =	vmul.f32 v6, v6  }
0x25a: {  	v2 =	vadd.f32 v2, v3;
	v3 =	vmul.f32 v8, v4;
	v4 =	vbroadcast v1, $0x5;
	v8 =	vld [tilespmem:s2+$0x0]  }
0x25b: {  	v5 =	vmul.f32 v5, v5  }
0x25c: {  	v2 =	vadd.f32 v2, v3;
	v3 =	vmul.f32 v6, v4;
	v4 =	vbroadcast v1, $0x6;
	v6 =	vld [tilespmem:s2+$0x10]  }
0x25d: {  	v7 =	vmul.f32 v7, v7  }
0x25e: {  	v2 =	vadd.f32 v2, v3;
	v3 =	vmul.f32 v5, v4;
	v4 =	vbroadcast v1, $0x7;
	v5 =	vld [tilespmem:s2+$0x20]  }
0x25f: {  	v8 =	vmul.f32 v8, v8  }
0x260: {  	v2 =	vadd.f32 v2, v3;
	v3 =	vmul.f32 v7, v4;
	v4 =	vbroadcast v1, $0x8;
	v7 =	vld [tilespmem:s2+$0x30]  }
0x261: {  	v6 =	vmul.f32 v6, v6  }
0x262: {  	v2 =	vadd.f32 v2, v3;
	v3 =	vmul.f32 v8, v4;
	v4 =	vbroadcast v1, $0x9;
	v8 =	vld [tilespmem:s2+$0x40]  }
0x263: {  	v9 =	vmul.f32 v5, v5  }
.Ltmp4:
0x264: {  	v3 =	vadd.f32 v2, v3;
	v4 =	vmul.f32 v6, v4;
	v6 =	vbroadcast v1, $0xA;
	v5 =	vld [tilespmem:s2+$0x50];
	(pc) =	sbr.rel @!p1 .LBB2_8-.Ltmp4, $4  }
0x265: {  	v10 =	vmul.f32 v7, v7;
	v2 =	vld [tilespmem:s2+$0x70]  }
0x266: {  	s0 =	sshra.s32 s5, $0x2;
	v12 =	vbroadcast v1, $0xB;
	v11 =	vadd.f32 v3, v4;
	v9 =	vmul.f32 v9, v6;
	v6 =	vld [tilespmem:s2+$0x60]  }
0x267: {  	v3 =	vld [tilespmem:s0+$0x4E00];
	v7 =	vmul.f32 v8, v8  }
0x268: {  	s5 =	sadd.s32 $0x40, s5;
	v4 =	vld [tilespmem:s0+$0x4A00];
	v8 =	vadd.f32 v11, v9;
	v9 =	vmul.f32 v10, v12;
	v10 =	vbroadcast v1, $0xC  }
0x269: {  	v5 =	vmul.f32 v5, v5  }
0x26a: {  	s0 =	sadd.s32 $0x100, s2;
	v38 =	vbroadcast v1, $0xD;
	v8 =	vadd.f32 v8, v9;
	v7 =	vmul.f32 v7, v10  }
0x26b: {  	v40 =	vbroadcast v1, $0xE;
	v11 =	vld [tilespmem:s0+$0xFFFFFF80]  }
0x26c: {  	v39 =	vld [tilespmem:s0+$0xFFFFFF90];
	v6 =	vmul.f32 v6, v6;
	v5 =	vmul.f32 v5, v38;
	v7 =	vadd.f32 v8, v7  }
0x26d: {  	v1 =	vbroadcast v1, $0xF;
	v2 =	vmul.f32 v2, v2  }
0x26e: {  	vm1 =	veq.s32 v3, v4;
	v42 =	vmul.f32 v6, v40;
	v41 =	vadd.f32 v7, v5  }
0x26f: {  	v1 =	vmul.f32 v2, v1;
	v3 =	vld [tilespmem:s0+$0xFFFFFFA0];
	v43 =	vsel vm1, $0x3F800000, v0  }
0x270: {  	v46 =	vld [tilespmem:s0+$0xFFFFFFB0];
	v44 =	vmul.f32 v11, v11;
	v45 =	vbroadcast v43, $0x0;
	v4 =	vadd.f32 v41, v42  }
0x271: {  	v2 =	vmul.f32 v39, v39  }
0x272: {  	v49 =	vld [tilespmem:s0+$0xFFFFFFC0];
	v48 =	vbroadcast v43, $0x1;
	v47 =	vmul.f32 v45, v44;
	v1 =	vadd.f32 v4, v1  }
0x273: {  	v50 =	vbroadcast v43, $0x2  }
0x274: {  	v51 =	vld [tilespmem:s0+$0xFFFFFFD0];
	v2 =	vmul.f32 v48, v2;
	v3 =	vmul.f32 v3, v3;
	v1 =	vadd.f32 v47, v1  }
0x275: {  	v52 =	vmul.f32 v46, v46  }
0x276: {  	v53 =	vld [tilespmem:s0+$0xFFFFFFE0];
	v1 =	vadd.f32 v1, v2;
	v2 =	vmul.f32 v3, v50;
	v3 =	vbroadcast v43, $0x3  }
0x277: {  	v8 =	vmul.f32 v49, v49  }
0x278: {  	v54 =	vld [tilespmem:s0+$0xFFFFFFF0];
	v1 =	vadd.f32 v1, v2;
	v2 =	vmul.f32 v52, v3;
	v3 =	vbroadcast v43, $0x4  }
0x279: {  	v5 =	vmul.f32 v51, v51  }
0x27a: {  	v55 =	vld [tilespmem:s0+$0x0];
	v1 =	vadd.f32 v1, v2;
	v2 =	vmul.f32 v8, v3;
	v3 =	vbroadcast v43, $0x5  }
0x27b: {  	v4 =	vmul.f32 v53, v53  }
0x27c: {  	v56 =	vld [tilespmem:s0+$0x10];
	v1 =	vadd.f32 v1, v2;
	v2 =	vmul.f32 v5, v3;
	v3 =	vbroadcast v43, $0x6  }
0x27d: {  	v7 =	vmul.f32 v54, v54  }
0x27e: {  	v57 =	vld [tilespmem:s0+$0x20];
	v1 =	vadd.f32 v1, v2;
	v2 =	vmul.f32 v4, v3;
	v3 =	vbroadcast v43, $0x7  }
0x27f: {  	v8 =	vmul.f32 v55, v55  }
0x280: {  	v58 =	vld [tilespmem:s0+$0x30];
	v1 =	vadd.f32 v1, v2;
	v2 =	vmul.f32 v7, v3;
	v3 =	vbroadcast v43, $0x8  }
0x281: {  	v5 =	vmul.f32 v56, v56  }
0x282: {  	v59 =	vld [tilespmem:s0+$0x40];
	v1 =	vadd.f32 v1, v2;
	v2 =	vmul.f32 v8, v3;
	v3 =	vbroadcast v43, $0x9  }
0x283: {  	v4 =	vmul.f32 v57, v57  }
0x284: {  	v60 =	vld [tilespmem:s0+$0x50];
	v1 =	vadd.f32 v1, v2;
	v2 =	vmul.f32 v5, v3;
	v3 =	vbroadcast v43, $0xA  }
0x285: {  	v7 =	vmul.f32 v58, v58  }
0x286: {  	v61 =	vld [tilespmem:s0+$0x60];
	v1 =	vadd.f32 v1, v2;
	v2 =	vmul.f32 v4, v3;
	v3 =	vbroadcast v43, $0xB  }
0x287: {  	v8 =	vmul.f32 v59, v59  }
0x288: {  	v62 =	vld [tilespmem:s0+$0x70];
	v1 =	vadd.f32 v1, v2;
	v2 =	vmul.f32 v7, v3;
	v3 =	vbroadcast v43, $0xC  }
0x289: {  	v5 =	vmul.f32 v60, v60  }
0x28a: {  	v1 =	vadd.f32 v1, v2;
	v2 =	vmul.f32 v8, v3;
	v3 =	vbroadcast v43, $0xD  }
0x28b: {  	v4 =	vmul.f32 v61, v61  }
0x28c: {  	v1 =	vadd.f32 v1, v2;
	v2 =	vmul.f32 v5, v3;
	v3 =	vbroadcast v43, $0xE  }
0x28d: {  	v63 =	vmul.f32 v62, v62  }
.Ltmp5:
0x28e: {  	v1 =	vadd.f32 v1, v2;
	v2 =	vmul.f32 v4, v3;
	v3 =	vbroadcast v43, $0xF;
	(pc) =	sbr.rel .LBB2_10-.Ltmp5, $3  }
0x28f: {  	_ = 	snop  }
0x290: {  	v1 =	vadd.f32 v1, v2;
	v2 =	vmul.f32 v63, v3;
	_ =	sdelay $0x1  }
0x291: {  	s0 =	sld [smem:$0x7FD];
	v1 =	vadd.f32 v1, v2  }
.LBB2_4:
0x292: {  	s2 =	rddreg [dreg:$0xe];
	s4 =	simm.s32 $0x4600  }
0x293: {  	[tilespmem:s4], [sflag:$0x2] =	stream.linear.gather [hbm4b:s2+s0], $0x80, $0x38;
	[tilespmem:$0x9210] =	vst v63  }
0x294: {  	_ =	swait.ge [sflag:s28], $0x80  }
0x295: {  	[sflag:s28] =	ssyncset.done $0x0  }
0x296: {  	s5 =	simm.s32 $0x4A00;
	s9 =	rddreg [dreg:$0x16];
	[sflag:s28] =	ssyncadd.s32 $0xFFFFFF80  }
0x297: {  	[tilespmem:s5], [sflag:$0x2] =	stream.linear.gather [hbm4b:s9+s0], $0x80, $0x38;
	[tilespmem:$0x9210] =	vst v63  }
0x298: {  	_ =	swait.ge [sflag:s28], $0x80  }
0x299: {  	[sflag:s28] =	ssyncset.done $0x0  }
0x29a: {  	s6 =	simm.s32 $0x4680;
	s10 =	rddreg [dreg:$0xf];
	[sflag:s28] =	ssyncadd.s32 $0xFFFFFF80  }
0x29b: {  	[tilespmem:s6], [sflag:$0x2] =	stream.linear.gather [hbm4b:s10+s0], $0x80, $0x38;
	[tilespmem:$0x9210] =	vst v63  }
0x29c: {  	_ =	swait.ge [sflag:s28], $0x80  }
0x29d: {  	[sflag:s28] =	ssyncset.done $0x0  }
0x29e: {  	s7 =	simm.s32 $0x4A80;
	s16 =	rddreg [dreg:$0x17];
	[sflag:s28] =	ssyncadd.s32 $0xFFFFFF80  }
0x29f: {  	[tilespmem:s7], [sflag:$0x2] =	stream.linear.gather [hbm4b:s16+s0], $0x80, $0x38;
	[tilespmem:$0x9210] =	vst v63  }
0x2a0: {  	_ =	swait.ge [sflag:s28], $0x80  }
0x2a1: {  	[sflag:s28] =	ssyncset.done $0x0  }
0x2a2: {  	s8 =	simm.s32 $0x4700;
	s19 =	rddreg [dreg:$0x10];
	[sflag:s28] =	ssyncadd.s32 $0xFFFFFF80  }
0x2a3: {  	[tilespmem:s8], [sflag:$0x2] =	stream.linear.gather [hbm4b:s19+s0], $0x80, $0x38;
	[tilespmem:$0x9210] =	vst v63  }
0x2a4: {  	_ =	swait.ge [sflag:s28], $0x80  }
0x2a5: {  	[sflag:s28] =	ssyncset.done $0x0  }
0x2a6: {  	s9 =	simm.s32 $0x4B00;
	s20 =	rddreg [dreg:$0x18];
	[sflag:s28] =	ssyncadd.s32 $0xFFFFFF80  }
0x2a7: {  	[tilespmem:s9], [sflag:$0x2] =	stream.linear.gather [hbm4b:s20+s0], $0x80, $0x38;
	[tilespmem:$0x9210] =	vst v63  }
0x2a8: {  	_ =	swait.ge [sflag:s28], $0x80  }
0x2a9: {  	[sflag:s28] =	ssyncset.done $0x0  }
0x2aa: {  	s10 =	simm.s32 $0x4780;
	s22 =	rddreg [dreg:$0x11];
	[sflag:s28] =	ssyncadd.s32 $0xFFFFFF80  }
0x2ab: {  	[tilespmem:s10], [sflag:$0x2] =	stream.linear.gather [hbm4b:s22+s0], $0x80, $0x38;
	[tilespmem:$0x9210] =	vst v63  }
0x2ac: {  	_ =	swait.ge [sflag:s28], $0x80  }
0x2ad: {  	[sflag:s28] =	ssyncset.done $0x0  }
0x2ae: {  	s16 =	simm.s32 $0x4B80;
	s23 =	rddreg [dreg:$0x19];
	[sflag:s28] =	ssyncadd.s32 $0xFFFFFF80  }
0x2af: {  	[tilespmem:s16], [sflag:$0x2] =	stream.linear.gather [hbm4b:s23+s0], $0x80, $0x38;
	[tilespmem:$0x9210] =	vst v63  }
0x2b0: {  	_ =	swait.ge [sflag:s28], $0x80  }
0x2b1: {  	[sflag:s28] =	ssyncset.done $0x0  }
0x2b2: {  	s19 =	simm.s32 $0x4800;
	s24 =	rddreg [dreg:$0x12];
	[sflag:s28] =	ssyncadd.s32 $0xFFFFFF80  }
0x2b3: {  	[tilespmem:s19], [sflag:$0x2] =	stream.linear.gather [hbm4b:s24+s0], $0x80, $0x38;
	[tilespmem:$0x9210] =	vst v63  }
0x2b4: {  	_ =	swait.ge [sflag:s28], $0x80  }
0x2b5: {  	[sflag:s28] =	ssyncset.done $0x0  }
0x2b6: {  	s20 =	simm.s32 $0x4C00;
	s26 =	rddreg [dreg:$0x1a];
	[sflag:s28] =	ssyncadd.s32 $0xFFFFFF80  }
0x2b7: {  	[tilespmem:s20], [sflag:$0x2] =	stream.linear.gather [hbm4b:s26+s0], $0x80, $0x38;
	[tilespmem:$0x9210] =	vst v63  }
0x2b8: {  	_ =	swait.ge [sflag:s28], $0x80  }
0x2b9: {  	[sflag:s28] =	ssyncset.done $0x0  }
0x2ba: {  	s30 =	rddreg [dreg:$0x13];
	[sflag:s28] =	ssyncadd.s32 $0xFFFFFF80  }
0x2bb: {  	[tilespmem:s21], [sflag:$0x2] =	stream.linear.gather [hbm4b:s30+s0], $0x80, $0x38;
	[tilespmem:$0x9210] =	vst v63  }
0x2bc: {  	_ =	swait.ge [sflag:s28], $0x80  }
0x2bd: {  	[sflag:s28] =	ssyncset.done $0x0  }
0x2be: {  	s22 =	simm.s32 $0x4C80;
	s31 =	rddreg [dreg:$0x1b];
	[sflag:s28] =	ssyncadd.s32 $0xFFFFFF80  }
0x2bf: {  	[tilespmem:s22], [sflag:$0x2] =	stream.linear.gather [hbm4b:s31+s0], $0x80, $0x38;
	[tilespmem:$0x9210] =	vst v63  }
0x2c0: {  	_ =	swait.ge [sflag:s28], $0x80  }
0x2c1: {  	[sflag:s28] =	ssyncset.done $0x0  }
0x2c2: {  	s23 =	rddreg [dreg:$0x14];
	[sflag:s28] =	ssyncadd.s32 $0xFFFFFF80  }
0x2c3: {  	[tilespmem:s12], [sflag:$0x2] =	stream.linear.gather [hbm4b:s23+s0], $0x80, $0x38;
	[tilespmem:$0x9210] =	vst v63  }
0x2c4: {  	_ =	swait.ge [sflag:s28], $0x80  }
0x2c5: {  	[sflag:s28] =	ssyncset.done $0x0  }
0x2c6: {  	s23 =	simm.s32 $0x4D00;
	s24 =	rddreg [dreg:$0x1c];
	[sflag:s28] =	ssyncadd.s32 $0xFFFFFF80  }
0x2c7: {  	[tilespmem:s23], [sflag:$0x2] =	stream.linear.gather [hbm4b:s24+s0], $0x80, $0x38;
	[tilespmem:$0x9210] =	vst v63  }
0x2c8: {  	_ =	swait.ge [sflag:s28], $0x80  }
0x2c9: {  	[sflag:s28] =	ssyncset.done $0x0  }
0x2ca: {  	s26 =	rddreg [dreg:$0x15];
	[sflag:s28] =	ssyncadd.s32 $0xFFFFFF80  }
0x2cb: {  	[tilespmem:s13], [sflag:$0x2] =	stream.linear.gather [hbm4b:s26+s0], $0x80, $0x38;
	[tilespmem:$0x9210] =	vst v63  }
0x2cc: {  	_ =	swait.ge [sflag:s28], $0x80  }
0x2cd: {  	[sflag:s28] =	ssyncset.done $0x0  }
0x2ce: {  	s24 =	simm.s32 $0x4D80;
	s30 =	rddreg [dreg:$0x1d];
	[sflag:s28] =	ssyncadd.s32 $0xFFFFFF80  }
0x2cf: {  	[tilespmem:s24], [sflag:$0x2] =	stream.linear.gather [hbm4b:s30+s0], $0x80, $0x38;
	[tilespmem:$0x9210] =	vst v63  }
0x2d0: {  	_ =	swait.ge [sflag:s28], $0x80  }
0x2d1: {  	[sflag:s28] =	ssyncset.done $0x0  }
0x2d2: {  	[sflag:s28] =	ssyncadd.s32 $0xFFFFFF80  }
0x2d3: {  	[hbm4b:s18+s11] =	stream.indirect.scatter [tilespmem:s5], [sflag:$0x1], $0x1, s4, s11, $0xb8;
	[tilespmem:$0x9210] =	vst v63  }
0x2d4: {  	_ = 	snop  }
0x2d5: {  	[hbm4b:s18+s11] =	stream.indirect.scatter [tilespmem:s7], [sflag:$0x1], $0x1, s6, s11, $0xb8;
	[tilespmem:$0x9210] =	vst v63  }
0x2d6: {  	_ = 	snop  }
0x2d7: {  	[hbm4b:s18+s11] =	stream.indirect.scatter [tilespmem:s9], [sflag:$0x1], $0x1, s8, s11, $0xb8;
	[tilespmem:$0x9210] =	vst v63  }
0x2d8: {  	_ = 	snop  }
0x2d9: {  	[hbm4b:s18+s11] =	stream.indirect.scatter [tilespmem:s16], [sflag:$0x1], $0x1, s10, s11, $0xb8;
	[tilespmem:$0x9210] =	vst v63  }
0x2da: {  	_ = 	snop  }
0x2db: {  	[hbm4b:s18+s11] =	stream.indirect.scatter [tilespmem:s20], [sflag:$0x1], $0x1, s19, s11, $0xb8;
	[tilespmem:$0x9210] =	vst v63  }
0x2dc: {  	_ = 	snop  }
0x2dd: {  	[hbm4b:s18+s11] =	stream.indirect.scatter [tilespmem:s22], [sflag:$0x1], $0x1, s21, s11, $0xb8;
	[tilespmem:$0x9210] =	vst v63  }
0x2de: {  	_ = 	snop  }
0x2df: {  	[hbm4b:s18+s11] =	stream.indirect.scatter [tilespmem:s23], [sflag:$0x1], $0x1, s12, s11, $0xb8;
	[tilespmem:$0x9210] =	vst v63  }
0x2e0: {  	_ = 	snop  }
0x2e1: {  	[hbm4b:s18+s11] =	stream.indirect.scatter [tilespmem:s24], [sflag:$0x1], $0x1, s13, s11, $0xb8;
	[tilespmem:$0x9210] =	vst v63  }
0x2e2: {  	_ =	swait.ge [sflag:s3], $0x80  }
0x2e3: {  	[sflag:s3] =	ssyncset.done $0x0  }
0x2e4: {  	[sflag:s3] =	ssyncadd.s32 $0xFFFFFF80  }
0x2e5: {  	_ =	swait.ge [sflag:s3], $0x80  }
0x2e6: {  	[sflag:s3] =	ssyncset.done $0x0  }
0x2e7: {  	[sflag:s3] =	ssyncadd.s32 $0xFFFFFF80  }
0x2e8: {  	_ =	swait.ge [sflag:s3], $0x80  }
0x2e9: {  	[sflag:s3] =	ssyncset.done $0x0  }
0x2ea: {  	[sflag:s3] =	ssyncadd.s32 $0xFFFFFF80  }
0x2eb: {  	_ =	swait.ge [sflag:s3], $0x80  }
0x2ec: {  	[sflag:s3] =	ssyncset.done $0x0  }
0x2ed: {  	[sflag:s3] =	ssyncadd.s32 $0xFFFFFF80  }
0x2ee: {  	_ =	swait.ge [sflag:s3], $0x80  }
0x2ef: {  	[sflag:s3] =	ssyncset.done $0x0  }
0x2f0: {  	[sflag:s3] =	ssyncadd.s32 $0xFFFFFF80  }
0x2f1: {  	_ =	swait.ge [sflag:s3], $0x80  }
0x2f2: {  	[sflag:s3] =	ssyncset.done $0x0  }
0x2f3: {  	[sflag:s3] =	ssyncadd.s32 $0xFFFFFF80  }
0x2f4: {  	_ =	swait.ge [sflag:s3], $0x80  }
0x2f5: {  	[sflag:s3] =	ssyncset.done $0x0  }
0x2f6: {  	[sflag:s3] =	ssyncadd.s32 $0xFFFFFF80  }
0x2f7: {  	_ =	swait.ge [sflag:s3], $0x80  }
0x2f8: {  	[sflag:s3] =	ssyncset.done $0x0  }
0x2f9: {  	[sflag:s3] =	ssyncadd.s32 $0xFFFFFF80  }
0x2fa: {  	s31 =	simm.s32 $0x4E00;
	[bflag:$0x0] =	sbarrier.arrive $0xFFFF  }
0x2fb: {  	[tilespmem:s31], [sflag:$0x1] =	stream.indirect.gather [hbm4b:s18+s11], $0x1, s4, s11, $0xb8;
	[tilespmem:$0x9210] =	vst v63  }
0x2fc: {  	s2 =	simm.s32 $0x5200  }
0x2fd: {  	[tilespmem:s2], [sflag:$0x1] =	stream.indirect.gather [hbm4b:s15+s11], $0x10, s4, s11, $0xb8;
	[tilespmem:$0x9210] =	vst v63  }
0x2fe: {  	s4 =	simm.s32 $0x4E80  }
0x2ff: {  	[tilespmem:s4], [sflag:$0x1] =	stream.indirect.gather [hbm4b:s18+s11], $0x1, s6, s11, $0xb8;
	[tilespmem:$0x9210] =	vst v63  }
0x300: {  	s5 =	simm.s32 $0x5A00  }
0x301: {  	[tilespmem:s5], [sflag:$0x1] =	stream.indirect.gather [hbm4b:s15+s11], $0x10, s6, s11, $0xb8;
	[tilespmem:$0x9210] =	vst v63  }
0x302: {  	s6 =	simm.s32 $0x4F00  }
0x303: {  	[tilespmem:s6], [sflag:$0x1] =	stream.indirect.gather [hbm4b:s18+s11], $0x1, s8, s11, $0xb8;
	[tilespmem:$0x9210] =	vst v63  }
0x304: {  	s7 =	simm.s32 $0x6200  }
0x305: {  	[tilespmem:s7], [sflag:$0x1] =	stream.indirect.gather [hbm4b:s15+s11], $0x10, s8, s11, $0xb8;
	[tilespmem:$0x9210] =	vst v63  }
0x306: {  	s8 =	simm.s32 $0x4F80  }
0x307: {  	[tilespmem:s8], [sflag:$0x1] =	stream.indirect.gather [hbm4b:s18+s11], $0x1, s10, s11, $0xb8;
	[tilespmem:$0x9210] =	vst v63  }
0x308: {  	s9 =	simm.s32 $0x6A00  }
0x309: {  	[tilespmem:s9], [sflag:$0x1] =	stream.indirect.gather [hbm4b:s15+s11], $0x10, s10, s11, $0xb8;
	[tilespmem:$0x9210] =	vst v63  }
0x30a: {  	s10 =	simm.s32 $0x5000  }
0x30b: {  	[tilespmem:s10], [sflag:$0x1] =	stream.indirect.gather [hbm4b:s18+s11], $0x1, s19, s11, $0xb8;
	[tilespmem:$0x9210] =	vst v63  }
0x30c: {  	s16 =	simm.s32 $0x7200  }
0x30d: {  	[tilespmem:s16], [sflag:$0x1] =	stream.indirect.gather [hbm4b:s15+s11], $0x10, s19, s11, $0xb8;
	[tilespmem:$0x9210] =	vst v63  }
0x30e: {  	s19 =	simm.s32 $0x5080  }
0x30f: {  	[tilespmem:s19], [sflag:$0x1] =	stream.indirect.gather [hbm4b:s18+s11], $0x1, s21, s11, $0xb8;
	[tilespmem:$0x9210] =	vst v63  }
0x310: {  	s20 =	simm.s32 $0x7A00  }
0x311: {  	[tilespmem:s20], [sflag:$0x1] =	stream.indirect.gather [hbm4b:s15+s11], $0x10, s21, s11, $0xb8;
	[tilespmem:$0x9210] =	vst v63  }
0x312: {  	s22 =	simm.s32 $0x5100  }
0x313: {  	[tilespmem:s22], [sflag:$0x1] =	stream.indirect.gather [hbm4b:s18+s11], $0x1, s12, s11, $0xb8;
	[tilespmem:$0x9210] =	vst v63  }
0x314: {  	s23 =	simm.s32 $0x8200  }
0x315: {  	[tilespmem:s23], [sflag:$0x1] =	stream.indirect.gather [hbm4b:s15+s11], $0x10, s12, s11, $0xb8;
	[tilespmem:$0x9210] =	vst v63  }
0x316: {  	s24 =	simm.s32 $0x5180  }
0x317: {  	[tilespmem:s24], [sflag:$0x1] =	stream.indirect.gather [hbm4b:s18+s11], $0x1, s13, s11, $0xb8;
	[tilespmem:$0x9210] =	vst v63  }
0x318: {  	s26 =	simm.s32 $0x8A00  }
0x319: {  	[tilespmem:s26], [sflag:$0x1] =	stream.indirect.gather [hbm4b:s15+s11], $0x10, s13, s11, $0xb8;
	[tilespmem:$0x9210] =	vst v63  }
0x31a: {  	_ =	swait.ge [sflag:s3], $0x80  }
0x31b: {  	[sflag:s3] =	ssyncset.done $0x0  }
0x31c: {  	[sflag:s3] =	ssyncadd.s32 $0xFFFFFF80  }
0x31d: {  	_ =	swait.ge [sflag:s3], $0x800  }
0x31e: {  	[sflag:s3] =	ssyncset.done $0x0  }
0x31f: {  	[sflag:s3] =	ssyncadd.s32 $0xFFFFF800  }
0x320: {  	_ =	swait.ge [sflag:s3], $0x80  }
0x321: {  	[sflag:s3] =	ssyncset.done $0x0  }
0x322: {  	[sflag:s3] =	ssyncadd.s32 $0xFFFFFF80  }
0x323: {  	_ =	swait.ge [sflag:s3], $0x800  }
0x324: {  	[sflag:s3] =	ssyncset.done $0x0  }
0x325: {  	[sflag:s3] =	ssyncadd.s32 $0xFFFFF800  }
0x326: {  	_ =	swait.ge [sflag:s3], $0x80  }
0x327: {  	[sflag:s3] =	ssyncset.done $0x0  }
0x328: {  	[sflag:s3] =	ssyncadd.s32 $0xFFFFFF80  }
0x329: {  	_ =	swait.ge [sflag:s3], $0x800  }
0x32a: {  	[sflag:s3] =	ssyncset.done $0x0  }
0x32b: {  	[sflag:s3] =	ssyncadd.s32 $0xFFFFF800  }
0x32c: {  	_ =	swait.ge [sflag:s3], $0x80  }
0x32d: {  	[sflag:s3] =	ssyncset.done $0x0  }
0x32e: {  	[sflag:s3] =	ssyncadd.s32 $0xFFFFFF80  }
0x32f: {  	_ =	swait.ge [sflag:s3], $0x800  }
0x330: {  	[sflag:s3] =	ssyncset.done $0x0  }
0x331: {  	[sflag:s3] =	ssyncadd.s32 $0xFFFFF800  }
0x332: {  	_ =	swait.ge [sflag:s3], $0x80  }
0x333: {  	[sflag:s3] =	ssyncset.done $0x0  }
0x334: {  	[sflag:s3] =	ssyncadd.s32 $0xFFFFFF80  }
0x335: {  	_ =	swait.ge [sflag:s3], $0x800  }
0x336: {  	[sflag:s3] =	ssyncset.done $0x0  }
0x337: {  	[sflag:s3] =	ssyncadd.s32 $0xFFFFF800  }
0x338: {  	_ =	swait.ge [sflag:s3], $0x80  }
0x339: {  	[sflag:s3] =	ssyncset.done $0x0  }
0x33a: {  	[sflag:s3] =	ssyncadd.s32 $0xFFFFFF80  }
0x33b: {  	_ =	swait.ge [sflag:s3], $0x800  }
0x33c: {  	[sflag:s3] =	ssyncset.done $0x0  }
0x33d: {  	[sflag:s3] =	ssyncadd.s32 $0xFFFFF800  }
0x33e: {  	_ =	swait.ge [sflag:s3], $0x80  }
0x33f: {  	[sflag:s3] =	ssyncset.done $0x0  }
0x340: {  	[sflag:s3] =	ssyncadd.s32 $0xFFFFFF80  }
0x341: {  	_ =	swait.ge [sflag:s3], $0x800  }
0x342: {  	[sflag:s3] =	ssyncset.done $0x0  }
0x343: {  	[sflag:s3] =	ssyncadd.s32 $0xFFFFF800  }
0x344: {  	_ =	swait.ge [sflag:s3], $0x80  }
0x345: {  	[sflag:s3] =	ssyncset.done $0x0  }
0x346: {  	[sflag:s3] =	ssyncadd.s32 $0xFFFFFF80  }
0x347: {  	_ =	swait.ge [sflag:s3], $0x800  }
0x348: {  	[sflag:s3] =	ssyncset.done $0x0  }
0x349: {  	s30 =	simm.s32 $0x0;
	[sflag:s3] =	ssyncadd.s32 $0xFFFFF800  }
0x34a: {  	v1 =	vld [tilespmem:s30+$0x4E00]  }
0x34b: {  	v3 =	vld [tilespmem:s30+$0x4A00]  }
0x34c: {  	s2 =	simm.s32 $0x5280  }
0x34d: {  	v4 =	vld [tilespmem:s2+$0xFFFFFF80]  }
0x34e: {  	v5 =	vld [tilespmem:s2+$0xFFFFFF90];
	_ =	sdelay $0x1  }
0x34f: {  	vm1 =	veq.s32 v1, v3;
	v3 =	vld [tilespmem:s2+$0xFFFFFFA0]  }
0x350: {  	v1 =	vsel vm1, $0x3F800000, v0  }
0x351: {  	v7 =	vld [tilespmem:s2+$0xFFFFFFB0];
	v4 =	vmul.f32 v4, v4;
	v6 =	vbroadcast v1, $0x0  }
0x352: {  	v5 =	vmul.f32 v5, v5  }
0x353: {  	v8 =	vld [tilespmem:s2+$0xFFFFFFC0];
	v4 =	vmul.f32 v6, v4;
	v6 =	vbroadcast v1, $0x1  }
0x354: {  	v2 =	vimm.f32 $0.0e+00;
	v3 =	vmul.f32 v3, v3  }
0x355: {  	v2 =	vadd.f32 v4, v2;
	v4 =	vmul.f32 v6, v5;
	v5 =	vbroadcast v1, $0x2;
	v6 =	vld [tilespmem:s2+$0xFFFFFFD0]  }
0x356: {  	v7 =	vmul.f32 v7, v7  }
0x357: {  	v2 =	vadd.f32 v2, v4;
	v3 =	vmul.f32 v3, v5;
	v4 =	vbroadcast v1, $0x3;
	v5 =	vld [tilespmem:s2+$0xFFFFFFE0]  }
0x358: {  	v8 =	vmul.f32 v8, v8  }
0x359: {  	v2 =	vadd.f32 v2, v3;
	v3 =	vmul.f32 v7, v4;
	v4 =	vbroadcast v1, $0x4;
	v7 =	vld [tilespmem:s2+$0xFFFFFFF0]  }
0x35a: {  	v6 =	vmul.f32 v6, v6  }
0x35b: {  	v2 =	vadd.f32 v2, v3;
	v3 =	vmul.f32 v8, v4;
	v4 =	vbroadcast v1, $0x5;
	v8 =	vld [tilespmem:s2+$0x0]  }
0x35c: {  	v5 =	vmul.f32 v5, v5  }
0x35d: {  	v2 =	vadd.f32 v2, v3;
	v3 =	vmul.f32 v6, v4;
	v4 =	vbroadcast v1, $0x6;
	v6 =	vld [tilespmem:s2+$0x10]  }
0x35e: {  	v7 =	vmul.f32 v7, v7  }
0x35f: {  	v2 =	vadd.f32 v2, v3;
	v3 =	vmul.f32 v5, v4;
	v4 =	vbroadcast v1, $0x7;
	v5 =	vld [tilespmem:s2+$0x20]  }
0x360: {  	v8 =	vmul.f32 v8, v8  }
0x361: {  	v2 =	vadd.f32 v2, v3;
	v3 =	vmul.f32 v7, v4;
	v4 =	vbroadcast v1, $0x8  }
0x362: {  	v7 =	vld [tilespmem:s2+$0x30];
	v6 =	vmul.f32 v6, v6  }
0x363: {  	v2 =	vadd.f32 v2, v3;
	v3 =	vmul.f32 v8, v4;
	v4 =	vbroadcast v1, $0x9;
	v8 =	vld [tilespmem:s2+$0x40]  }
0x364: {  	v9 =	vmul.f32 v5, v5  }
0x365: {  	v5 =	vld [tilespmem:s2+$0x50];
	v3 =	vadd.f32 v2, v3;
	v4 =	vmul.f32 v6, v4;
	v6 =	vbroadcast v1, $0xA  }
0x366: {  	v12 =	vbroadcast v1, $0xB;
	v2 =	vld [tilespmem:s2+$0x70]  }
0x367: {  	s31 =	simm.s32 $0x10;
	v10 =	vmul.f32 v7, v7;
	v11 =	vadd.f32 v3, v4;
	v9 =	vmul.f32 v9, v6;
	v6 =	vld [tilespmem:s2+$0x60]  }
0x368: {  	v3 =	vld [tilespmem:s31+$0x4E00];
	v7 =	vmul.f32 v8, v8  }
0x369: {  	s5 =	simm.s32 $0x80;
	v4 =	vld [tilespmem:s31+$0x4A00];
	v8 =	vadd.f32 v11, v9;
	v9 =	vmul.f32 v10, v12;
	v10 =	vbroadcast v1, $0xC  }
.LBB2_5:
0x36a: {  	p1 =	sne.s32 s5, $0xFC0;
	v5 =	vmul.f32 v5, v5;
	s2 =	sadd.s32 $0x100, s2  }
0x36b: {  	v8 =	vadd.f32 v8, v9;
	v7 =	vmul.f32 v7, v10;
	v9 =	vbroadcast v1, $0xD;
	v11 =	vld [tilespmem:s2+$0xFFFFFF80]  }
0x36c: {  	v6 =	vmul.f32 v6, v6  }
0x36d: {  	v7 =	vadd.f32 v8, v7;
	v5 =	vmul.f32 v5, v9;
	v8 =	vbroadcast v1, $0xE;
	v10 =	vld [tilespmem:s2+$0xFFFFFF90]  }
0x36e: {  	vm1 =	veq.s32 v3, v4;
	v2 =	vmul.f32 v2, v2  }
0x36f: {  	v4 =	vadd.f32 v7, v5;
	v5 =	vmul.f32 v6, v8;
	v6 =	vbroadcast v1, $0xF;
	v3 =	vld [tilespmem:s2+$0xFFFFFFA0]  }
0x370: {  	v1 =	vsel vm1, $0x3F800000, v0;
	v7 =	vmul.f32 v11, v11  }
0x371: {  	v8 =	vbroadcast v1, $0x0;
	v4 =	vadd.f32 v4, v5;
	v2 =	vmul.f32 v2, v6;
	v9 =	vld [tilespmem:s2+$0xFFFFFFB0]  }
0x372: {  	v5 =	vmul.f32 v10, v10  }
0x373: {  	v6 =	vmul.f32 v8, v7;
	v7 =	vbroadcast v1, $0x1;
	v2 =	vadd.f32 v4, v2;
	v8 =	vld [tilespmem:s2+$0xFFFFFFC0]  }
0x374: {  	v3 =	vmul.f32 v3, v3  }
0x375: {  	v2 =	vadd.f32 v6, v2;
	v4 =	vmul.f32 v7, v5;
	v5 =	vbroadcast v1, $0x2;
	v6 =	vld [tilespmem:s2+$0xFFFFFFD0]  }
0x376: {  	v7 =	vmul.f32 v9, v9  }
0x377: {  	v2 =	vadd.f32 v2, v4;
	v3 =	vmul.f32 v3, v5;
	v4 =	vbroadcast v1, $0x3;
	v5 =	vld [tilespmem:s2+$0xFFFFFFE0]  }
0x378: {  	v8 =	vmul.f32 v8, v8  }
0x379: {  	v2 =	vadd.f32 v2, v3;
	v3 =	vmul.f32 v7, v4;
	v4 =	vbroadcast v1, $0x4;
	v7 =	vld [tilespmem:s2+$0xFFFFFFF0]  }
0x37a: {  	v6 =	vmul.f32 v6, v6  }
0x37b: {  	v2 =	vadd.f32 v2, v3;
	v3 =	vmul.f32 v8, v4;
	v4 =	vbroadcast v1, $0x5;
	v8 =	vld [tilespmem:s2+$0x0]  }
0x37c: {  	v5 =	vmul.f32 v5, v5  }
0x37d: {  	v2 =	vadd.f32 v2, v3;
	v3 =	vmul.f32 v6, v4;
	v4 =	vbroadcast v1, $0x6;
	v6 =	vld [tilespmem:s2+$0x10]  }
0x37e: {  	v7 =	vmul.f32 v7, v7  }
0x37f: {  	v2 =	vadd.f32 v2, v3;
	v3 =	vmul.f32 v5, v4;
	v4 =	vbroadcast v1, $0x7;
	v5 =	vld [tilespmem:s2+$0x20]  }
0x380: {  	v8 =	vmul.f32 v8, v8  }
0x381: {  	v2 =	vadd.f32 v2, v3;
	v3 =	vmul.f32 v7, v4;
	v4 =	vbroadcast v1, $0x8;
	v7 =	vld [tilespmem:s2+$0x30]  }
0x382: {  	v6 =	vmul.f32 v6, v6  }
0x383: {  	v2 =	vadd.f32 v2, v3;
	v3 =	vmul.f32 v8, v4;
	v4 =	vbroadcast v1, $0x9;
	v8 =	vld [tilespmem:s2+$0x40]  }
0x384: {  	v9 =	vmul.f32 v5, v5  }
.Ltmp6:
0x385: {  	v3 =	vadd.f32 v2, v3;
	v4 =	vmul.f32 v6, v4;
	v6 =	vbroadcast v1, $0xA;
	v5 =	vld [tilespmem:s2+$0x50];
	(pc) =	sbr.rel @p1 .LBB2_5-.Ltmp6, $4  }
0x386: {  	v10 =	vmul.f32 v7, v7;
	v2 =	vld [tilespmem:s2+$0x70]  }
0x387: {  	s0 =	sshra.s32 s5, $0x2;
	v12 =	vbroadcast v1, $0xB;
	v11 =	vadd.f32 v3, v4;
	v9 =	vmul.f32 v9, v6;
	v6 =	vld [tilespmem:s2+$0x60]  }
0x388: {  	v3 =	vld [tilespmem:s0+$0x4E00];
	v7 =	vmul.f32 v8, v8  }
0x389: {  	s5 =	sadd.s32 $0x40, s5;
	v8 =	vadd.f32 v11, v9;
	v9 =	vmul.f32 v10, v12;
	v10 =	vbroadcast v1, $0xC;
	v4 =	vld [tilespmem:s0+$0x4A00]  }
.Ltmp7:
0x38a: {  	_ = 	snop;
	(pc) =	sbr.rel .LBB2_6-.Ltmp7, $1  }
0x38b: {  	_ =	sdelay $0x3  }
.LBB2_11:
0x38c: {  	_ =	sfence.sel $0x180000  }
0x38d: {  	[bflag:$0x0] =	sbarrier.arrive $0xFFFF  }
0x38e: {  	_ =	strace $0x90000047  }
0x38f: {  	s0 =	stileid.u32;
	[bflag:$0x2] =	sbarrier.arrive $0xFFFF  }
0x390: {  	p0 =	sne.s32 s0, $0x0;
	s0 =	rddreg [dreg:$0x4]  }
0x391: {  	s0 =	sadd.s32 @!p0 $0x100000, s0  }
0x392: {  	[sflag:s0] =	ssyncadd.tile.s32 @!p0 $0x1;
	_ =	shalt  }
.Lfunc_end2:
_tile_overlayer_lowered:
.L_overlay_start_2:
0x393: {  	(tag) =	ssettag $0x2  }
0x394: {  	s0 =	rddreg [dreg:$0x0];
	s2 =	stileid.u32  }
0x395: {  	s1 =	rddreg [dreg:$0x1];
	p0 =	sne.s32 s2, $0x0  }
0x396: {  	s3 =	rddreg [dreg:$0x2];
	[bflag:$0x3] =	sbarrier.arrive $0xFFFF;
	s2 =	simm.s32 @!p0 $0x1C02  }
0x397: {  	[timem:s3], [sflag:s2] =	dma.local @!p0 [hbm:s0], s1  }
0x398: {  	s0 =	simm.s32 @!p0 $0x2  }
0x399: {  	_ =	swait.ge @!p0 [sflag:s0], s1  }
0x39a: {  	s1 =	ssub.s32 @!p0 $0x0, s1;
	[sflag:s0] =	ssyncset.done @!p0 $0x0  }
0x39b: {  	[sflag:s0] =	ssyncadd.s32 @!p0 s1  }
0x39c: {  	[bflag:$0x3] =	sbarrier.arrive $0xFFFF  }
0x39d: {  	_ =	shalt  }

</sc_bundles>
